<compile_context>
chip_gen: v7x
topology: tpu7x:2x2x1
jax: 0.10.2.dev20260603
libtpu: 0.0.44.dev20260713+nightly
codegen_flags: <defaults>
</compile_context>

<pallas_src>
import jax
import jax.numpy as jnp
from jax import lax
from jax.experimental import pallas as pl
from jax.experimental.pallas import tpu as pltpu, tpu_sc as plsc

N = 10000
D = 128
H = 16
C = 40
E = 320000

NC = 2
NS = 16
L = 16
NW = NC * NS

NPAD = 10240
RPT = NPAD // NS
CHUNK = 125
NCHUNK = 80

BR = 1024
NBLK = NPAD // BR


def _sc_mesh():
    return plsc.VectorSubcoreMesh(core_axis_name="c", subcore_axis_name="s")


def _deg_call(edges, zrow):
    def body(e_hbm, z_hbm, dout0_hbm, dout1_hbm, din0_hbm, din1_hbm,
             sidx, didx, ones_v, sem, acc_out, acc_in):
        cid = lax.axis_index("c")
        sid = lax.axis_index("s")
        w = cid * NS + sid
        sl = pl.ds(sid * RPT, RPT)
        pltpu.sync_copy(z_hbm, acc_out.at[sl])
        pltpu.sync_copy(z_hbm, acc_in.at[sl])
        pltpu.sync_copy(e_hbm.at[0, w], sidx)
        pltpu.sync_copy(e_hbm.at[1, w], didx)
        for i in range(CHUNK // L + 1):
            o = min(i * L, CHUNK - L)
            ones_v[pl.ds(o, L)] = jnp.ones((L,), jnp.float32)
        plsc.subcore_barrier()

        DK = 4

        def fire(g):
            for b in range(DK):
                c = g * DK + b
                pltpu.async_copy(ones_v, acc_out.at[sidx.at[c]], sem, add=True)
                pltpu.async_copy(ones_v, acc_in.at[didx.at[c]], sem, add=True)

        def drain(g):
            for b in range(DK):
                c = g * DK + b
                pltpu.make_async_copy(ones_v, acc_out.at[sidx.at[c]],
                                      sem).wait()
                pltpu.make_async_copy(ones_v, acc_in.at[didx.at[c]],
                                      sem).wait()

        def step(g, carry):
            fire(g)

            @pl.when(g > 0)
            def _():
                drain(g - 1)
            return carry

        lax.fori_loop(0, NCHUNK // DK, step, 0)
        drain(NCHUNK // DK - 1)
        plsc.subcore_barrier()

        @pl.when(cid == 0)
        def _():
            pltpu.sync_copy(acc_out.at[sl], dout0_hbm.at[sl])
            pltpu.sync_copy(acc_in.at[sl], din0_hbm.at[sl])

        @pl.when(cid == 1)
        def _():
            pltpu.sync_copy(acc_out.at[sl], dout1_hbm.at[sl])
            pltpu.sync_copy(acc_in.at[sl], din1_hbm.at[sl])

    f = pl.kernel(
        body,
        out_type=[jax.ShapeDtypeStruct((NPAD,), jnp.float32)] * 4,
        mesh=_sc_mesh(),
        compiler_params=pltpu.CompilerParams(use_tc_tiling_on_sc=False),
        scratch_types=[
            pltpu.VMEM((NCHUNK, CHUNK), jnp.int32),
            pltpu.VMEM((NCHUNK, CHUNK), jnp.int32),
            pltpu.VMEM((CHUNK,), jnp.float32),
            pltpu.SemaphoreType.DMA,
            pltpu.VMEM_SHARED((NPAD,), jnp.float32),
            pltpu.VMEM_SHARED((NPAD,), jnp.float32),
        ],
    )
    return f(edges, zrow)


def _edge_call(h, edges, zrows, F):
    KINF = 8
    NG = NCHUNK // KINF
    STAGE = F == H

    def body(h_hbm, e_hbm, z_hbm, part0_hbm, part1_hbm,
             sidx, didx, rows, semg, sems, acc, h_sp):
        cid = lax.axis_index("c")
        sid = lax.axis_index("s")
        w = cid * NS + sid
        sl = pl.ds(sid * RPT, RPT)
        pltpu.sync_copy(z_hbm, acc.at[sl])
        if STAGE:
            pltpu.sync_copy(h_hbm.at[sl], h_sp.at[sl])
        pltpu.sync_copy(e_hbm.at[0, w], sidx)
        pltpu.sync_copy(e_hbm.at[1, w], didx)
        plsc.subcore_barrier()

        h_tab = h_sp if STAGE else h_hbm

        def fire_gathers(g, pg):
            for b in range(KINF):
                pltpu.async_copy(
                    h_tab.at[sidx.at[g * KINF + b]], rows.at[pg, b], semg)

        def drain_gathers(g, pg):
            for b in range(KINF):
                pltpu.make_async_copy(
                    h_tab.at[sidx.at[g * KINF + b]], rows.at[pg, b],
                    semg).wait()

        def fire_scatters(g, pg):
            for b in range(KINF):
                pltpu.async_copy(
                    rows.at[pg, b], acc.at[didx.at[g * KINF + b]], sems,
                    add=True)

        def drain_scatters(g, pg):
            for b in range(KINF):
                pltpu.make_async_copy(
                    rows.at[pg, b], acc.at[didx.at[g * KINF + b]],
                    sems).wait()

        fire_gathers(0, 0)
        drain_gathers(0, 0)

        def step(g, carry):
            pg = lax.rem(g, 2)

            @pl.when(g > 0)
            def _():
                drain_scatters(g, 1 - pg)

            fire_scatters(g, pg)

            @pl.when(g < NG - 1)
            def _():
                fire_gathers(g + 1, 1 - pg)
                drain_gathers(g + 1, 1 - pg)

            return carry

        lax.fori_loop(0, NG, step, 0)
        drain_scatters(NG - 1, lax.rem(NG - 1, 2))
        plsc.subcore_barrier()

        @pl.when(cid == 0)
        def _():
            pltpu.sync_copy(acc.at[sl], part0_hbm.at[sl])

        @pl.when(cid == 1)
        def _():
            pltpu.sync_copy(acc.at[sl], part1_hbm.at[sl])

    f = pl.kernel(
        body,
        out_type=[jax.ShapeDtypeStruct((NPAD, F), jnp.float32)] * 2,
        mesh=_sc_mesh(),
        compiler_params=pltpu.CompilerParams(use_tc_tiling_on_sc=False),
        scratch_types=[
            pltpu.VMEM((NCHUNK, CHUNK), jnp.int32),
            pltpu.VMEM((NCHUNK, CHUNK), jnp.int32),
            pltpu.VMEM((2, KINF, CHUNK, F), jnp.float32),
            pltpu.SemaphoreType.DMA,
            pltpu.SemaphoreType.DMA,
            pltpu.VMEM_SHARED((NPAD, F), jnp.float32),
            pltpu.VMEM_SHARED((NPAD, F) if F == H else (8, F), jnp.float32),
        ],
    )
    return f(h, edges, zrows)


def _norms_call(do0, do1, di0, di1):
    def body(do0_ref, do1_ref, di0_ref, di1_ref, ns_ref, nd_ref):
        dsum_o = do0_ref[...] + do1_ref[...]
        dsum_i = di0_ref[...] + di1_ref[...]
        ns_ref[...] = jnp.where(
            dsum_o > 0, lax.rsqrt(jnp.maximum(dsum_o, 1.0)), 0.0)
        nd_ref[...] = jnp.where(
            dsum_i > 0, lax.rsqrt(jnp.maximum(dsum_i, 1.0)), 0.0)

    return pl.pallas_call(
        body,
        out_shape=[
            jax.ShapeDtypeStruct((NPAD,), jnp.float32),
            jax.ShapeDtypeStruct((NPAD,), jnp.float32),
        ],
    )(do0, do1, di0, di1)


def _tc1_call(features, W1, ns):
    def body(f_ref, w_ref, ns_ref, h1_ref):
        nsv = ns_ref[...].reshape(BR, 1)
        m = jnp.dot(f_ref[...], w_ref[...], preferred_element_type=jnp.float32)
        h1_ref[...] = m * nsv

    return pl.pallas_call(
        body,
        grid=(NBLK,),
        in_specs=[
            pl.BlockSpec((BR, D), lambda i: (i, 0)),
            pl.BlockSpec((D, H), lambda i: (0, 0)),
            pl.BlockSpec((BR,), lambda i: (i,)),
        ],
        out_specs=pl.BlockSpec((BR, H), lambda i: (i, 0)),
        out_shape=jax.ShapeDtypeStruct((NPAD, H), jnp.float32),
    )(features, W1, ns)


def _tc2_call(p0, p1, nd, ns, b1r, W2):
    def body(p0_ref, p1_ref, nd_ref, ns_ref, b1_ref, w2_ref, h2_ref):
        pf = p0_ref[...] + p1_ref[...]
        parts = [pf[:, a * H:(a + 1) * H] for a in range(128 // H)]
        agg = jnp.stack(parts, axis=1).reshape(BR, H)
        ndv = nd_ref[...].reshape(BR, 1)
        nsv = ns_ref[...].reshape(BR, 1)
        x = jnp.maximum(agg * ndv + b1_ref[...], 0.0)
        h2 = jnp.dot(x, w2_ref[...], preferred_element_type=jnp.float32)
        h2_ref[...] = h2 * nsv

    return pl.pallas_call(
        body,
        grid=(NBLK,),
        in_specs=[
            pl.BlockSpec((BR * H // 128, 128), lambda i: (i, 0)),
            pl.BlockSpec((BR * H // 128, 128), lambda i: (i, 0)),
            pl.BlockSpec((BR,), lambda i: (i,)),
            pl.BlockSpec((BR,), lambda i: (i,)),
            pl.BlockSpec((1, H), lambda i: (0, 0)),
            pl.BlockSpec((H, C), lambda i: (0, 0)),
        ],
        out_specs=pl.BlockSpec((BR, C), lambda i: (i, 0)),
        out_shape=jax.ShapeDtypeStruct((NPAD, C), jnp.float32),
    )(p0, p1, nd, ns, b1r, W2)


def _tc3_call(q0, q1, ndrep, b2p):
    def body(q0_ref, q1_ref, ndr_ref, b2_ref, o_ref):
        o_ref[...] = (q0_ref[...] + q1_ref[...]) * ndr_ref[...] + b2_ref[...]

    rows = BR * C // 128
    return pl.pallas_call(
        body,
        grid=(NBLK,),
        in_specs=[
            pl.BlockSpec((rows, 128), lambda i: (i, 0)),
            pl.BlockSpec((rows, 128), lambda i: (i, 0)),
            pl.BlockSpec((rows, 128), lambda i: (i, 0)),
            pl.BlockSpec((rows, 128), lambda i: (0, 0)),
        ],
        out_specs=pl.BlockSpec((rows, 128), lambda i: (i, 0)),
        out_shape=jax.ShapeDtypeStruct((N * C // 128, 128), jnp.float32),
    )(q0, q1, ndrep, b2p)


def kernel(features, edge_index, W1, b1, W2, b2):
    edges = edge_index.reshape(2, NW, NCHUNK, CHUNK)

    do0, do1, di0, di1 = _deg_call(edges, jnp.zeros((RPT,), jnp.float32))
    ns, nd = _norms_call(do0, do1, di0, di1)
    h1 = _tc1_call(features, W1, ns)
    p0, p1 = _edge_call(h1, edges, jnp.zeros((RPT, H), jnp.float32), H)
    h2 = _tc2_call(p0.reshape(NPAD * H // 128, 128),
                   p1.reshape(NPAD * H // 128, 128),
                   nd, ns, b1.reshape(1, H), W2)
    q0, q1 = _edge_call(h2, edges, jnp.zeros((RPT, C), jnp.float32), C)
    ndrep = jnp.repeat(nd, C).reshape(NPAD * C // 128, 128)
    b2p = jnp.tile(b2, BR).reshape(BR * C // 128, 128)
    outp = _tc3_call(q0.reshape(NPAD * C // 128, 128),
                     q1.reshape(NPAD * C // 128, 128),
                     ndrep, b2p)
    return outp.reshape(N, C)

# --- scband reference (transcript-rebuilt; emitter-appended) ---
"""Pipeline reference for scband-gcn-net-30202210026007 (READ-ONLY COPY).

The authoritative reference and input builder live on the scoring server;
editing this copy changes nothing except your own understanding.
"""

import jax, jax.numpy as jnp
import numpy as np

N = 10000
E = 320000
D = 128
H = 16
C = 40


def setup_inputs(seed: int = 0) -> dict:
    key = jax.random.key(seed)
    k1, k2, k3, k4, k5, k6 = jax.random.split(key, 6)
    features = jax.random.normal(k1, (N, D), dtype=jnp.float32)
    edge_index = jax.random.randint(k2, (2, E), 0, N).astype(jnp.int32)
    # Learned parameters (GraphConv(128->16) and GraphConv(16->40), glorot-ish scale)
    W1 = jax.random.normal(k3, (D, H), dtype=jnp.float32) * (1.0 / np.sqrt(D))
    b1 = jnp.zeros((H,), dtype=jnp.float32)
    W2 = jax.random.normal(k4, (H, C), dtype=jnp.float32) * (1.0 / np.sqrt(H))
    b2 = jnp.zeros((C,), dtype=jnp.float32)
    return {"features": features, "edge_index": edge_index, "W1": W1, "b1": b1, "W2": W2, "b2": b2}


def reference(features, edge_index, W1, b1, W2, b2):
    # DGL-style GraphConv with norm='both':
    #   h = D_in^{-1/2} * A^T * (D_out^{-1/2} * X W) + b
    src = edge_index[0]
    dst = edge_index[1]
    deg_out = jnp.bincount(src, length=N).astype(jnp.float32)
    deg_in = jnp.bincount(dst, length=N).astype(jnp.float32)
    norm_src = jnp.where(deg_out > 0, jax.lax.rsqrt(jnp.maximum(deg_out, 1.0)), 0.0)
    norm_dst = jnp.where(deg_in > 0, jax.lax.rsqrt(jnp.maximum(deg_in, 1.0)), 0.0)

    def gconv(x, W, b):
        h = x @ W  # weight applied first (in_feats > out_feats fast path; math identical)
        h = h * norm_src[:, None]
        msg = jnp.take(h, src, axis=0)  # gather per-edge source features
        agg = jax.ops.segment_sum(msg, dst, num_segments=N)  # scatter-add to dst
        return agg * norm_dst[:, None] + b

    x = jax.nn.relu(gconv(features, W1, b1))  # layer0 activation=relu (outer relu is idempotent)
    x = gconv(x, W2, b2)
    return x

if __name__ == "__main__":
    import jax
    _d = setup_inputs()
    print(jax.jit(kernel)(*tuple(_d.values())))

</pallas_src>

<mosaic_0001>
#map = affine_map<(d0, d1) -> (0, 0, 0, 0)>
#map1 = affine_map<(d0, d1) -> (0)>
module attributes {stable_mosaic.version = 14 : i64} {
  func.func @body(%arg0: i32, %arg1: i32, %arg2: memref<2x32x80x125xi32, #tpu.memory_space<hbm>>, %arg3: memref<640xf32, #tpu.memory_space<hbm>>, %arg4: memref<10240xf32, #tpu.memory_space<hbm>>, %arg5: memref<10240xf32, #tpu.memory_space<hbm>>, %arg6: memref<10240xf32, #tpu.memory_space<hbm>>, %arg7: memref<10240xf32, #tpu.memory_space<hbm>>, %arg8: memref<80x125xi32, #tpu.memory_space<vmem>>, %arg9: memref<80x125xi32, #tpu.memory_space<vmem>>, %arg10: memref<125xf32, #tpu.memory_space<vmem>>, %arg11: memref<!tpu.dma_semaphore, #tpu.memory_space<semaphore_mem>>, %arg12: memref<10240xf32, #tpu.memory_space<vmem_shared>>, %arg13: memref<10240xf32, #tpu.memory_space<vmem_shared>>) attributes {dimension_semantics = [#tpu.dimension_semantics<core_parallel>, #tpu.dimension_semantics<subcore_parallel>], iteration_bounds = array<i64: 2, 16>, scalar_prefetch = 0 : i64, scratch_operands = 6 : i64, tpu.core_type = #tpu.core_type<sc_vector_subcore>, window_params = [{transform_indices = #map}, {transform_indices = #map1}, {transform_indices = #map1}, {transform_indices = #map1}, {transform_indices = #map1}, {transform_indices = #map1}]} {
    %mul3A = arith.constant 16 : i32
    %mul3A_0 = arith.muli %arg0, %mul3A : i32
    %add3A = arith.addi %mul3A_0, %arg1 : i32
    %mul3A_1 = arith.constant 640 : i32
    %mul3A_2 = arith.muli %arg1, %mul3A_1 : i32
    "tpu.region"() ({
      %run_scoped3A_110 = tpu.sem_alloc : memref<!tpu.dma_semaphore, #tpu.memory_space<semaphore_mem>>
      %dma_start3A = tpu.memref_slice %arg12[%mul3A_2] : memref<10240xf32, #tpu.memory_space<vmem_shared>> -> memref<640xf32, #tpu.memory_space<vmem_shared>>
      tpu.enqueue_dma source(%arg3 : memref<640xf32, #tpu.memory_space<hbm>>) target(%dma_start3A : memref<640xf32, #tpu.memory_space<vmem_shared>>) target_semaphore(%run_scoped3A_110 : memref<!tpu.dma_semaphore, #tpu.memory_space<semaphore_mem>>)
      %dma_wait3A_111 = tpu.memref_slice %arg12[%mul3A_2] : memref<10240xf32, #tpu.memory_space<vmem_shared>> -> memref<640xf32, #tpu.memory_space<vmem_shared>>
      tpu.wait_dma2 semaphore(%run_scoped3A_110 : memref<!tpu.dma_semaphore, #tpu.memory_space<semaphore_mem>>) src(%arg3 : memref<640xf32, #tpu.memory_space<hbm>>) dst(%dma_wait3A_111 : memref<640xf32, #tpu.memory_space<vmem_shared>>)
      tpu.yield
    }) : () -> ()
    "tpu.region"() ({
      %run_scoped3A_110 = tpu.sem_alloc : memref<!tpu.dma_semaphore, #tpu.memory_space<semaphore_mem>>
      %dma_start3A = tpu.memref_slice %arg13[%mul3A_2] : memref<10240xf32, #tpu.memory_space<vmem_shared>> -> memref<640xf32, #tpu.memory_space<vmem_shared>>
      tpu.enqueue_dma source(%arg3 : memref<640xf32, #tpu.memory_space<hbm>>) target(%dma_start3A : memref<640xf32, #tpu.memory_space<vmem_shared>>) target_semaphore(%run_scoped3A_110 : memref<!tpu.dma_semaphore, #tpu.memory_space<semaphore_mem>>)
      %dma_wait3A_111 = tpu.memref_slice %arg13[%mul3A_2] : memref<10240xf32, #tpu.memory_space<vmem_shared>> -> memref<640xf32, #tpu.memory_space<vmem_shared>>
      tpu.wait_dma2 semaphore(%run_scoped3A_110 : memref<!tpu.dma_semaphore, #tpu.memory_space<semaphore_mem>>) src(%arg3 : memref<640xf32, #tpu.memory_space<hbm>>) dst(%dma_wait3A_111 : memref<640xf32, #tpu.memory_space<vmem_shared>>)
      tpu.yield
    }) : () -> ()
    %run_scoped3A = arith.constant 0 : i32
    "tpu.region"() ({
      %run_scoped3A_110 = tpu.sem_alloc : memref<!tpu.dma_semaphore, #tpu.memory_space<semaphore_mem>>
      %dma_start3A = arith.constant 0 : i32
      %dma_start3A_111 = arith.constant 0 : i32
      %dma_start3A_112 = tpu.memref_slice %arg2[%run_scoped3A, %add3A, %dma_start3A, %dma_start3A_111] : memref<2x32x80x125xi32, #tpu.memory_space<hbm>> -> memref<1x1x80x125xi32, #tpu.memory_space<hbm>>
      %dma_start3A_113 = tpu.memref_squeeze %dma_start3A_112 : memref<1x1x80x125xi32, #tpu.memory_space<hbm>> -> memref<80x125xi32, #tpu.memory_space<hbm>>
      %dma_start3A_114 = arith.constant 0 : i32
      %dma_start3A_115 = arith.constant 0 : i32
      %dma_start3A_116 = tpu.memref_slice %arg2[%run_scoped3A, %add3A, %dma_start3A_114, %dma_start3A_115] : memref<2x32x80x125xi32, #tpu.memory_space<hbm>> -> memref<1x1x80x125xi32, #tpu.memory_space<hbm>>
      %dma_start3A_117 = tpu.memref_squeeze %dma_start3A_116 : memref<1x1x80x125xi32, #tpu.memory_space<hbm>> -> memref<80x125xi32, #tpu.memory_space<hbm>>
      tpu.enqueue_dma source(%dma_start3A_117 : memref<80x125xi32, #tpu.memory_space<hbm>>) target(%arg8 : memref<80x125xi32, #tpu.memory_space<vmem>>) target_semaphore(%run_scoped3A_110 : memref<!tpu.dma_semaphore, #tpu.memory_space<semaphore_mem>>)
      %dma_wait3A_118 = arith.constant 0 : i32
      %dma_wait3A_119 = arith.constant 0 : i32
      %dma_wait3A_120 = tpu.memref_slice %arg2[%run_scoped3A, %add3A, %dma_wait3A_118, %dma_wait3A_119] : memref<2x32x80x125xi32, #tpu.memory_space<hbm>> -> memref<1x1x80x125xi32, #tpu.memory_space<hbm>>
      %dma_wait3A_121 = tpu.memref_squeeze %dma_wait3A_120 : memref<1x1x80x125xi32, #tpu.memory_space<hbm>> -> memref<80x125xi32, #tpu.memory_space<hbm>>
      %dma_wait3A_122 = arith.constant 0 : i32
      %dma_wait3A_123 = arith.constant 0 : i32
      %dma_wait3A_124 = tpu.memref_slice %arg2[%run_scoped3A, %add3A, %dma_wait3A_122, %dma_wait3A_123] : memref<2x32x80x125xi32, #tpu.memory_space<hbm>> -> memref<1x1x80x125xi32, #tpu.memory_space<hbm>>
      %dma_wait3A_125 = tpu.memref_squeeze %dma_wait3A_124 : memref<1x1x80x125xi32, #tpu.memory_space<hbm>> -> memref<80x125xi32, #tpu.memory_space<hbm>>
      tpu.wait_dma2 semaphore(%run_scoped3A_110 : memref<!tpu.dma_semaphore, #tpu.memory_space<semaphore_mem>>) src(%dma_wait3A_125 : memref<80x125xi32, #tpu.memory_space<hbm>>) dst(%arg8 : memref<80x125xi32, #tpu.memory_space<vmem>>)
      tpu.yield
    }) : () -> ()
    %run_scoped3A_3 = arith.constant 1 : i32
    "tpu.region"() ({
      %run_scoped3A_110 = tpu.sem_alloc : memref<!tpu.dma_semaphore, #tpu.memory_space<semaphore_mem>>
      %dma_start3A = arith.constant 0 : i32
      %dma_start3A_111 = arith.constant 0 : i32
      %dma_start3A_112 = tpu.memref_slice %arg2[%run_scoped3A_3, %add3A, %dma_start3A, %dma_start3A_111] : memref<2x32x80x125xi32, #tpu.memory_space<hbm>> -> memref<1x1x80x125xi32, #tpu.memory_space<hbm>>
      %dma_start3A_113 = tpu.memref_squeeze %dma_start3A_112 : memref<1x1x80x125xi32, #tpu.memory_space<hbm>> -> memref<80x125xi32, #tpu.memory_space<hbm>>
      %dma_start3A_114 = arith.constant 0 : i32
      %dma_start3A_115 = arith.constant 0 : i32
      %dma_start3A_116 = tpu.memref_slice %arg2[%run_scoped3A_3, %add3A, %dma_start3A_114, %dma_start3A_115] : memref<2x32x80x125xi32, #tpu.memory_space<hbm>> -> memref<1x1x80x125xi32, #tpu.memory_space<hbm>>
      %dma_start3A_117 = tpu.memref_squeeze %dma_start3A_116 : memref<1x1x80x125xi32, #tpu.memory_space<hbm>> -> memref<80x125xi32, #tpu.memory_space<hbm>>
      tpu.enqueue_dma source(%dma_start3A_117 : memref<80x125xi32, #tpu.memory_space<hbm>>) target(%arg9 : memref<80x125xi32, #tpu.memory_space<vmem>>) target_semaphore(%run_scoped3A_110 : memref<!tpu.dma_semaphore, #tpu.memory_space<semaphore_mem>>)
      %dma_wait3A_118 = arith.constant 0 : i32
      %dma_wait3A_119 = arith.constant 0 : i32
      %dma_wait3A_120 = tpu.memref_slice %arg2[%run_scoped3A_3, %add3A, %dma_wait3A_118, %dma_wait3A_119] : memref<2x32x80x125xi32, #tpu.memory_space<hbm>> -> memref<1x1x80x125xi32, #tpu.memory_space<hbm>>
      %dma_wait3A_121 = tpu.memref_squeeze %dma_wait3A_120 : memref<1x1x80x125xi32, #tpu.memory_space<hbm>> -> memref<80x125xi32, #tpu.memory_space<hbm>>
      %dma_wait3A_122 = arith.constant 0 : i32
      %dma_wait3A_123 = arith.constant 0 : i32
      %dma_wait3A_124 = tpu.memref_slice %arg2[%run_scoped3A_3, %add3A, %dma_wait3A_122, %dma_wait3A_123] : memref<2x32x80x125xi32, #tpu.memory_space<hbm>> -> memref<1x1x80x125xi32, #tpu.memory_space<hbm>>
      %dma_wait3A_125 = tpu.memref_squeeze %dma_wait3A_124 : memref<1x1x80x125xi32, #tpu.memory_space<hbm>> -> memref<80x125xi32, #tpu.memory_space<hbm>>
      tpu.wait_dma2 semaphore(%run_scoped3A_110 : memref<!tpu.dma_semaphore, #tpu.memory_space<semaphore_mem>>) src(%dma_wait3A_125 : memref<80x125xi32, #tpu.memory_space<hbm>>) dst(%arg9 : memref<80x125xi32, #tpu.memory_space<vmem>>)
      tpu.yield
    }) : () -> ()
    %broadcast_in_dim3A = arith.constant 1.000000e+00 : f32
    %broadcast_in_dim3A_4 = vector.broadcast %broadcast_in_dim3A : f32 to vector<16xf32>
    %swap3A = arith.constant 0 : index
    %swap3A_5 = tpu.vector_load %arg10[%swap3A] {strides = array<i32>} : memref<125xf32, #tpu.memory_space<vmem>>, vector<16xf32>,
    %swap3A_6 = vector.shape_cast %swap3A_5 : vector<16xf32> to vector<16xf32>
    %swap3A_7 = vector.shape_cast %broadcast_in_dim3A_4 : vector<16xf32> to vector<16xf32>
    tpu.vector_store %arg10[%swap3A], %swap3A_7 {strides = array<i32>} : memref<125xf32, #tpu.memory_space<vmem>>, vector<16xf32>,
    %broadcast_in_dim3A_8 = arith.constant 1.000000e+00 : f32
    %broadcast_in_dim3A_9 = vector.broadcast %broadcast_in_dim3A_8 : f32 to vector<16xf32>
    %swap3A_10 = arith.constant 16 : index
    %swap3A_11 = tpu.vector_load %arg10[%swap3A_10] {strides = array<i32>} : memref<125xf32, #tpu.memory_space<vmem>>, vector<16xf32>,
    %swap3A_12 = vector.shape_cast %swap3A_11 : vector<16xf32> to vector<16xf32>
    %swap3A_13 = vector.shape_cast %broadcast_in_dim3A_9 : vector<16xf32> to vector<16xf32>
    tpu.vector_store %arg10[%swap3A_10], %swap3A_13 {strides = array<i32>} : memref<125xf32, #tpu.memory_space<vmem>>, vector<16xf32>,
    %broadcast_in_dim3A_14 = arith.constant 1.000000e+00 : f32
    %broadcast_in_dim3A_15 = vector.broadcast %broadcast_in_dim3A_14 : f32 to vector<16xf32>
    %swap3A_16 = arith.constant 32 : index
    %swap3A_17 = tpu.vector_load %arg10[%swap3A_16] {strides = array<i32>} : memref<125xf32, #tpu.memory_space<vmem>>, vector<16xf32>,
    %swap3A_18 = vector.shape_cast %swap3A_17 : vector<16xf32> to vector<16xf32>
    %swap3A_19 = vector.shape_cast %broadcast_in_dim3A_15 : vector<16xf32> to vector<16xf32>
    tpu.vector_store %arg10[%swap3A_16], %swap3A_19 {strides = array<i32>} : memref<125xf32, #tpu.memory_space<vmem>>, vector<16xf32>,
    %broadcast_in_dim3A_20 = arith.constant 1.000000e+00 : f32
    %broadcast_in_dim3A_21 = vector.broadcast %broadcast_in_dim3A_20 : f32 to vector<16xf32>
    %swap3A_22 = arith.constant 48 : index
    %swap3A_23 = tpu.vector_load %arg10[%swap3A_22] {strides = array<i32>} : memref<125xf32, #tpu.memory_space<vmem>>, vector<16xf32>,
    %swap3A_24 = vector.shape_cast %swap3A_23 : vector<16xf32> to vector<16xf32>
    %swap3A_25 = vector.shape_cast %broadcast_in_dim3A_21 : vector<16xf32> to vector<16xf32>
    tpu.vector_store %arg10[%swap3A_22], %swap3A_25 {strides = array<i32>} : memref<125xf32, #tpu.memory_space<vmem>>, vector<16xf32>,
    %broadcast_in_dim3A_26 = arith.constant 1.000000e+00 : f32
    %broadcast_in_dim3A_27 = vector.broadcast %broadcast_in_dim3A_26 : f32 to vector<16xf32>
    %swap3A_28 = arith.constant 64 : index
    %swap3A_29 = tpu.vector_load %arg10[%swap3A_28] {strides = array<i32>} : memref<125xf32, #tpu.memory_space<vmem>>, vector<16xf32>,
    %swap3A_30 = vector.shape_cast %swap3A_29 : vector<16xf32> to vector<16xf32>
    %swap3A_31 = vector.shape_cast %broadcast_in_dim3A_27 : vector<16xf32> to vector<16xf32>
    tpu.vector_store %arg10[%swap3A_28], %swap3A_31 {strides = array<i32>} : memref<125xf32, #tpu.memory_space<vmem>>, vector<16xf32>,
    %broadcast_in_dim3A_32 = arith.constant 1.000000e+00 : f32
    %broadcast_in_dim3A_33 = vector.broadcast %broadcast_in_dim3A_32 : f32 to vector<16xf32>
    %swap3A_34 = arith.constant 80 : index
    %swap3A_35 = tpu.vector_load %arg10[%swap3A_34] {strides = array<i32>} : memref<125xf32, #tpu.memory_space<vmem>>, vector<16xf32>,
    %swap3A_36 = vector.shape_cast %swap3A_35 : vector<16xf32> to vector<16xf32>
    %swap3A_37 = vector.shape_cast %broadcast_in_dim3A_33 : vector<16xf32> to vector<16xf32>
    tpu.vector_store %arg10[%swap3A_34], %swap3A_37 {strides = array<i32>} : memref<125xf32, #tpu.memory_space<vmem>>, vector<16xf32>,
    %broadcast_in_dim3A_38 = arith.constant 1.000000e+00 : f32
    %broadcast_in_dim3A_39 = vector.broadcast %broadcast_in_dim3A_38 : f32 to vector<16xf32>
    %swap3A_40 = arith.constant 96 : index
    %swap3A_41 = tpu.vector_load %arg10[%swap3A_40] {strides = array<i32>} : memref<125xf32, #tpu.memory_space<vmem>>, vector<16xf32>,
    %swap3A_42 = vector.shape_cast %swap3A_41 : vector<16xf32> to vector<16xf32>
    %swap3A_43 = vector.shape_cast %broadcast_in_dim3A_39 : vector<16xf32> to vector<16xf32>
    tpu.vector_store %arg10[%swap3A_40], %swap3A_43 {strides = array<i32>} : memref<125xf32, #tpu.memory_space<vmem>>, vector<16xf32>,
    %broadcast_in_dim3A_44 = arith.constant 1.000000e+00 : f32
    %broadcast_in_dim3A_45 = vector.broadcast %broadcast_in_dim3A_44 : f32 to vector<16xf32>
    %swap3A_46 = arith.constant 109 : index
    %swap3A_47 = tpu.vector_load %arg10[%swap3A_46] {strides = array<i32>} : memref<125xf32, #tpu.memory_space<vmem>>, vector<16xf32>,
    %swap3A_48 = vector.shape_cast %swap3A_47 : vector<16xf32> to vector<16xf32>
    %swap3A_49 = vector.shape_cast %broadcast_in_dim3A_45 : vector<16xf32> to vector<16xf32>
    tpu.vector_store %arg10[%swap3A_46], %swap3A_49 {strides = array<i32>} : memref<125xf32, #tpu.memory_space<vmem>>, vector<16xf32>,
    %barrier3A = arith.constant 0 : index
    tpu.barrier barrier_id(%barrier3A)
    %scan3A = arith.constant 0 : i32
    %scan3A_50 = arith.constant 0 : i32
    %scan3A_51 = arith.constant 20 : i32
    %scan3A_52 = arith.addi %scan3A_50, %scan3A_51 : i32
    %scan3A_53 = arith.constant 1 : i32
    scf.for %scan3A_110 = %scan3A_50 to %scan3A_52 step %scan3A_53  : i32 {
      %mul3A_111 = arith.constant 4 : i32
      %mul3A_112 = arith.muli %scan3A_110, %mul3A_111 : i32
      %add3A_113 = arith.constant 0 : i32
      %add3A_114 = arith.addi %mul3A_112, %add3A_113 : i32
      %dma_start3A = arith.constant 0 : i32
      %dma_start3A_115 = tpu.memref_slice %arg8[%add3A_114, %dma_start3A] : memref<80x125xi32, #tpu.memory_space<vmem>> -> memref<1x125xi32, #tpu.memory_space<vmem>>
      %dma_start3A_116 = tpu.memref_squeeze %dma_start3A_115 : memref<1x125xi32, #tpu.memory_space<vmem>> -> memref<125xi32, #tpu.memory_space<vmem>>
      %dma_start3A_117 = arith.constant 0 : i32
      %dma_start3A_118 = tpu.memref_slice %arg12[%dma_start3A_117] : memref<10240xf32, #tpu.memory_space<vmem_shared>> -> memref<10240xf32, #tpu.memory_space<vmem_shared>>
      tpu.enqueue_indirect_dma source(%arg10 : memref<125xf32, #tpu.memory_space<vmem>>) target(%dma_start3A_118 : memref<10240xf32, #tpu.memory_space<vmem_shared>>) offsets(%dma_start3A_116 : memref<125xi32, #tpu.memory_space<vmem>>) semaphore(%arg11 : memref<!tpu.dma_semaphore, #tpu.memory_space<semaphore_mem>>) {add = true}
      %dma_start3A_119 = arith.constant 0 : i32
      %dma_start3A_120 = tpu.memref_slice %arg9[%add3A_114, %dma_start3A_119] : memref<80x125xi32, #tpu.memory_space<vmem>> -> memref<1x125xi32, #tpu.memory_space<vmem>>
      %dma_start3A_121 = tpu.memref_squeeze %dma_start3A_120 : memref<1x125xi32, #tpu.memory_space<vmem>> -> memref<125xi32, #tpu.memory_space<vmem>>
      %dma_start3A_122 = arith.constant 0 : i32
      %dma_start3A_123 = tpu.memref_slice %arg13[%dma_start3A_122] : memref<10240xf32, #tpu.memory_space<vmem_shared>> -> memref<10240xf32, #tpu.memory_space<vmem_shared>>
      tpu.enqueue_indirect_dma source(%arg10 : memref<125xf32, #tpu.memory_space<vmem>>) target(%dma_start3A_123 : memref<10240xf32, #tpu.memory_space<vmem_shared>>) offsets(%dma_start3A_121 : memref<125xi32, #tpu.memory_space<vmem>>) semaphore(%arg11 : memref<!tpu.dma_semaphore, #tpu.memory_space<semaphore_mem>>) {add = true}
      %mul3A_124 = arith.constant 4 : i32
      %mul3A_125 = arith.muli %scan3A_110, %mul3A_124 : i32
      %add3A_126 = arith.constant 1 : i32
      %add3A_127 = arith.addi %mul3A_125, %add3A_126 : i32
      %dma_start3A_128 = arith.constant 0 : i32
      %dma_start3A_129 = tpu.memref_slice %arg8[%add3A_127, %dma_start3A_128] : memref<80x125xi32, #tpu.memory_space<vmem>> -> memref<1x125xi32, #tpu.memory_space<vmem>>
      %dma_start3A_130 = tpu.memref_squeeze %dma_start3A_129 : memref<1x125xi32, #tpu.memory_space<vmem>> -> memref<125xi32, #tpu.memory_space<vmem>>
      %dma_start3A_131 = arith.constant 0 : i32
      %dma_start3A_132 = tpu.memref_slice %arg12[%dma_start3A_131] : memref<10240xf32, #tpu.memory_space<vmem_shared>> -> memref<10240xf32, #tpu.memory_space<vmem_shared>>
      tpu.enqueue_indirect_dma source(%arg10 : memref<125xf32, #tpu.memory_space<vmem>>) target(%dma_start3A_132 : memref<10240xf32, #tpu.memory_space<vmem_shared>>) offsets(%dma_start3A_130 : memref<125xi32, #tpu.memory_space<vmem>>) semaphore(%arg11 : memref<!tpu.dma_semaphore, #tpu.memory_space<semaphore_mem>>) {add = true}
      %dma_start3A_133 = arith.constant 0 : i32
      %dma_start3A_134 = tpu.memref_slice %arg9[%add3A_127, %dma_start3A_133] : memref<80x125xi32, #tpu.memory_space<vmem>> -> memref<1x125xi32, #tpu.memory_space<vmem>>
      %dma_start3A_135 = tpu.memref_squeeze %dma_start3A_134 : memref<1x125xi32, #tpu.memory_space<vmem>> -> memref<125xi32, #tpu.memory_space<vmem>>
      %dma_start3A_136 = arith.constant 0 : i32
      %dma_start3A_137 = tpu.memref_slice %arg13[%dma_start3A_136] : memref<10240xf32, #tpu.memory_space<vmem_shared>> -> memref<10240xf32, #tpu.memory_space<vmem_shared>>
      tpu.enqueue_indirect_dma source(%arg10 : memref<125xf32, #tpu.memory_space<vmem>>) target(%dma_start3A_137 : memref<10240xf32, #tpu.memory_space<vmem_shared>>) offsets(%dma_start3A_135 : memref<125xi32, #tpu.memory_space<vmem>>) semaphore(%arg11 : memref<!tpu.dma_semaphore, #tpu.memory_space<semaphore_mem>>) {add = true}
      %mul3A_138 = arith.constant 4 : i32
      %mul3A_139 = arith.muli %scan3A_110, %mul3A_138 : i32
      %add3A_140 = arith.constant 2 : i32
      %add3A_141 = arith.addi %mul3A_139, %add3A_140 : i32
      %dma_start3A_142 = arith.constant 0 : i32
      %dma_start3A_143 = tpu.memref_slice %arg8[%add3A_141, %dma_start3A_142] : memref<80x125xi32, #tpu.memory_space<vmem>> -> memref<1x125xi32, #tpu.memory_space<vmem>>
      %dma_start3A_144 = tpu.memref_squeeze %dma_start3A_143 : memref<1x125xi32, #tpu.memory_space<vmem>> -> memref<125xi32, #tpu.memory_space<vmem>>
      %dma_start3A_145 = arith.constant 0 : i32
      %dma_start3A_146 = tpu.memref_slice %arg12[%dma_start3A_145] : memref<10240xf32, #tpu.memory_space<vmem_shared>> -> memref<10240xf32, #tpu.memory_space<vmem_shared>>
      tpu.enqueue_indirect_dma source(%arg10 : memref<125xf32, #tpu.memory_space<vmem>>) target(%dma_start3A_146 : memref<10240xf32, #tpu.memory_space<vmem_shared>>) offsets(%dma_start3A_144 : memref<125xi32, #tpu.memory_space<vmem>>) semaphore(%arg11 : memref<!tpu.dma_semaphore, #tpu.memory_space<semaphore_mem>>) {add = true}
      %dma_start3A_147 = arith.constant 0 : i32
      %dma_start3A_148 = tpu.memref_slice %arg9[%add3A_141, %dma_start3A_147] : memref<80x125xi32, #tpu.memory_space<vmem>> -> memref<1x125xi32, #tpu.memory_space<vmem>>
      %dma_start3A_149 = tpu.memref_squeeze %dma_start3A_148 : memref<1x125xi32, #tpu.memory_space<vmem>> -> memref<125xi32, #tpu.memory_space<vmem>>
      %dma_start3A_150 = arith.constant 0 : i32
      %dma_start3A_151 = tpu.memref_slice %arg13[%dma_start3A_150] : memref<10240xf32, #tpu.memory_space<vmem_shared>> -> memref<10240xf32, #tpu.memory_space<vmem_shared>>
      tpu.enqueue_indirect_dma source(%arg10 : memref<125xf32, #tpu.memory_space<vmem>>) target(%dma_start3A_151 : memref<10240xf32, #tpu.memory_space<vmem_shared>>) offsets(%dma_start3A_149 : memref<125xi32, #tpu.memory_space<vmem>>) semaphore(%arg11 : memref<!tpu.dma_semaphore, #tpu.memory_space<semaphore_mem>>) {add = true}
      %mul3A_152 = arith.constant 4 : i32
      %mul3A_153 = arith.muli %scan3A_110, %mul3A_152 : i32
      %add3A_154 = arith.constant 3 : i32
      %add3A_155 = arith.addi %mul3A_153, %add3A_154 : i32
      %dma_start3A_156 = arith.constant 0 : i32
      %dma_start3A_157 = tpu.memref_slice %arg8[%add3A_155, %dma_start3A_156] : memref<80x125xi32, #tpu.memory_space<vmem>> -> memref<1x125xi32, #tpu.memory_space<vmem>>
      %dma_start3A_158 = tpu.memref_squeeze %dma_start3A_157 : memref<1x125xi32, #tpu.memory_space<vmem>> -> memref<125xi32, #tpu.memory_space<vmem>>
      %dma_start3A_159 = arith.constant 0 : i32
      %dma_start3A_160 = tpu.memref_slice %arg12[%dma_start3A_159] : memref<10240xf32, #tpu.memory_space<vmem_shared>> -> memref<10240xf32, #tpu.memory_space<vmem_shared>>
      tpu.enqueue_indirect_dma source(%arg10 : memref<125xf32, #tpu.memory_space<vmem>>) target(%dma_start3A_160 : memref<10240xf32, #tpu.memory_space<vmem_shared>>) offsets(%dma_start3A_158 : memref<125xi32, #tpu.memory_space<vmem>>) semaphore(%arg11 : memref<!tpu.dma_semaphore, #tpu.memory_space<semaphore_mem>>) {add = true}
      %dma_start3A_161 = arith.constant 0 : i32
      %dma_start3A_162 = tpu.memref_slice %arg9[%add3A_155, %dma_start3A_161] : memref<80x125xi32, #tpu.memory_space<vmem>> -> memref<1x125xi32, #tpu.memory_space<vmem>>
      %dma_start3A_163 = tpu.memref_squeeze %dma_start3A_162 : memref<1x125xi32, #tpu.memory_space<vmem>> -> memref<125xi32, #tpu.memory_space<vmem>>
      %dma_start3A_164 = arith.constant 0 : i32
      %dma_start3A_165 = tpu.memref_slice %arg13[%dma_start3A_164] : memref<10240xf32, #tpu.memory_space<vmem_shared>> -> memref<10240xf32, #tpu.memory_space<vmem_shared>>
      tpu.enqueue_indirect_dma source(%arg10 : memref<125xf32, #tpu.memory_space<vmem>>) target(%dma_start3A_165 : memref<10240xf32, #tpu.memory_space<vmem_shared>>) offsets(%dma_start3A_163 : memref<125xi32, #tpu.memory_space<vmem>>) semaphore(%arg11 : memref<!tpu.dma_semaphore, #tpu.memory_space<semaphore_mem>>) {add = true}
      %gt3A = arith.constant 0 : i32
      %gt3A_166 = arith.cmpi sgt, %scan3A_110, %gt3A : i32
      %convert_element_type3A_167 = arith.extui %gt3A_166 : i1 to i32
      %cond3A_168 = arith.constant 0 : i32
      %cond3A_169 = arith.cmpi ne, %convert_element_type3A_167, %cond3A_168 : i32
      scf.if %cond3A_169 {
        %sub3A = arith.constant 1 : i32
        %sub3A_170 = arith.subi %scan3A_110, %sub3A : i32
        %mul3A_171 = arith.constant 4 : i32
        %mul3A_172 = arith.muli %sub3A_170, %mul3A_171 : i32
        %add3A_173 = arith.constant 0 : i32
        %add3A_174 = arith.addi %mul3A_172, %add3A_173 : i32
        %dma_wait3A_175 = arith.constant 0 : i32
        %dma_wait3A_176 = tpu.memref_slice %arg8[%add3A_174, %dma_wait3A_175] : memref<80x125xi32, #tpu.memory_space<vmem>> -> memref<1x125xi32, #tpu.memory_space<vmem>>
        %dma_wait3A_177 = tpu.memref_squeeze %dma_wait3A_176 : memref<1x125xi32, #tpu.memory_space<vmem>> -> memref<125xi32, #tpu.memory_space<vmem>>
        %dma_wait3A_178 = arith.constant 0 : i32
        %dma_wait3A_179 = tpu.memref_slice %arg12[%dma_wait3A_178] : memref<10240xf32, #tpu.memory_space<vmem_shared>> -> memref<10240xf32, #tpu.memory_space<vmem_shared>>
        tpu.wait_indirect_dma semaphore(%arg11 : memref<!tpu.dma_semaphore, #tpu.memory_space<semaphore_mem>>) src(%arg10 : memref<125xf32, #tpu.memory_space<vmem>>) dst(%dma_wait3A_179 : memref<10240xf32, #tpu.memory_space<vmem_shared>>)
        %dma_wait3A_180 = arith.constant 0 : i32
        %dma_wait3A_181 = tpu.memref_slice %arg9[%add3A_174, %dma_wait3A_180] : memref<80x125xi32, #tpu.memory_space<vmem>> -> memref<1x125xi32, #tpu.memory_space<vmem>>
        %dma_wait3A_182 = tpu.memref_squeeze %dma_wait3A_181 : memref<1x125xi32, #tpu.memory_space<vmem>> -> memref<125xi32, #tpu.memory_space<vmem>>
        %dma_wait3A_183 = arith.constant 0 : i32
        %dma_wait3A_184 = tpu.memref_slice %arg13[%dma_wait3A_183] : memref<10240xf32, #tpu.memory_space<vmem_shared>> -> memref<10240xf32, #tpu.memory_space<vmem_shared>>
        tpu.wait_indirect_dma semaphore(%arg11 : memref<!tpu.dma_semaphore, #tpu.memory_space<semaphore_mem>>) src(%arg10 : memref<125xf32, #tpu.memory_space<vmem>>) dst(%dma_wait3A_184 : memref<10240xf32, #tpu.memory_space<vmem_shared>>)
        %mul3A_185 = arith.constant 4 : i32
        %mul3A_186 = arith.muli %sub3A_170, %mul3A_185 : i32
        %add3A_187 = arith.constant 1 : i32
        %add3A_188 = arith.addi %mul3A_186, %add3A_187 : i32
        %dma_wait3A_189 = arith.constant 0 : i32
        %dma_wait3A_190 = tpu.memref_slice %arg8[%add3A_188, %dma_wait3A_189] : memref<80x125xi32, #tpu.memory_space<vmem>> -> memref<1x125xi32, #tpu.memory_space<vmem>>
        %dma_wait3A_191 = tpu.memref_squeeze %dma_wait3A_190 : memref<1x125xi32, #tpu.memory_space<vmem>> -> memref<125xi32, #tpu.memory_space<vmem>>
        %dma_wait3A_192 = arith.constant 0 : i32
        %dma_wait3A_193 = tpu.memref_slice %arg12[%dma_wait3A_192] : memref<10240xf32, #tpu.memory_space<vmem_shared>> -> memref<10240xf32, #tpu.memory_space<vmem_shared>>
        tpu.wait_indirect_dma semaphore(%arg11 : memref<!tpu.dma_semaphore, #tpu.memory_space<semaphore_mem>>) src(%arg10 : memref<125xf32, #tpu.memory_space<vmem>>) dst(%dma_wait3A_193 : memref<10240xf32, #tpu.memory_space<vmem_shared>>)
        %dma_wait3A_194 = arith.constant 0 : i32
        %dma_wait3A_195 = tpu.memref_slice %arg9[%add3A_188, %dma_wait3A_194] : memref<80x125xi32, #tpu.memory_space<vmem>> -> memref<1x125xi32, #tpu.memory_space<vmem>>
        %dma_wait3A_196 = tpu.memref_squeeze %dma_wait3A_195 : memref<1x125xi32, #tpu.memory_space<vmem>> -> memref<125xi32, #tpu.memory_space<vmem>>
        %dma_wait3A_197 = arith.constant 0 : i32
        %dma_wait3A_198 = tpu.memref_slice %arg13[%dma_wait3A_197] : memref<10240xf32, #tpu.memory_space<vmem_shared>> -> memref<10240xf32, #tpu.memory_space<vmem_shared>>
        tpu.wait_indirect_dma semaphore(%arg11 : memref<!tpu.dma_semaphore, #tpu.memory_space<semaphore_mem>>) src(%arg10 : memref<125xf32, #tpu.memory_space<vmem>>) dst(%dma_wait3A_198 : memref<10240xf32, #tpu.memory_space<vmem_shared>>)
        %mul3A_199 = arith.constant 4 : i32
        %mul3A_200 = arith.muli %sub3A_170, %mul3A_199 : i32
        %add3A_201 = arith.constant 2 : i32
        %add3A_202 = arith.addi %mul3A_200, %add3A_201 : i32
        %dma_wait3A_203 = arith.constant 0 : i32
        %dma_wait3A_204 = tpu.memref_slice %arg8[%add3A_202, %dma_wait3A_203] : memref<80x125xi32, #tpu.memory_space<vmem>> -> memref<1x125xi32, #tpu.memory_space<vmem>>
        %dma_wait3A_205 = tpu.memref_squeeze %dma_wait3A_204 : memref<1x125xi32, #tpu.memory_space<vmem>> -> memref<125xi32, #tpu.memory_space<vmem>>
        %dma_wait3A_206 = arith.constant 0 : i32
        %dma_wait3A_207 = tpu.memref_slice %arg12[%dma_wait3A_206] : memref<10240xf32, #tpu.memory_space<vmem_shared>> -> memref<10240xf32, #tpu.memory_space<vmem_shared>>
        tpu.wait_indirect_dma semaphore(%arg11 : memref<!tpu.dma_semaphore, #tpu.memory_space<semaphore_mem>>) src(%arg10 : memref<125xf32, #tpu.memory_space<vmem>>) dst(%dma_wait3A_207 : memref<10240xf32, #tpu.memory_space<vmem_shared>>)
        %dma_wait3A_208 = arith.constant 0 : i32
        %dma_wait3A_209 = tpu.memref_slice %arg9[%add3A_202, %dma_wait3A_208] : memref<80x125xi32, #tpu.memory_space<vmem>> -> memref<1x125xi32, #tpu.memory_space<vmem>>
        %dma_wait3A_210 = tpu.memref_squeeze %dma_wait3A_209 : memref<1x125xi32, #tpu.memory_space<vmem>> -> memref<125xi32, #tpu.memory_space<vmem>>
        %dma_wait3A_211 = arith.constant 0 : i32
        %dma_wait3A_212 = tpu.memref_slice %arg13[%dma_wait3A_211] : memref<10240xf32, #tpu.memory_space<vmem_shared>> -> memref<10240xf32, #tpu.memory_space<vmem_shared>>
        tpu.wait_indirect_dma semaphore(%arg11 : memref<!tpu.dma_semaphore, #tpu.memory_space<semaphore_mem>>) src(%arg10 : memref<125xf32, #tpu.memory_space<vmem>>) dst(%dma_wait3A_212 : memref<10240xf32, #tpu.memory_space<vmem_shared>>)
        %mul3A_213 = arith.constant 4 : i32
        %mul3A_214 = arith.muli %sub3A_170, %mul3A_213 : i32
        %add3A_215 = arith.constant 3 : i32
        %add3A_216 = arith.addi %mul3A_214, %add3A_215 : i32
        %dma_wait3A_217 = arith.constant 0 : i32
        %dma_wait3A_218 = tpu.memref_slice %arg8[%add3A_216, %dma_wait3A_217] : memref<80x125xi32, #tpu.memory_space<vmem>> -> memref<1x125xi32, #tpu.memory_space<vmem>>
        %dma_wait3A_219 = tpu.memref_squeeze %dma_wait3A_218 : memref<1x125xi32, #tpu.memory_space<vmem>> -> memref<125xi32, #tpu.memory_space<vmem>>
        %dma_wait3A_220 = arith.constant 0 : i32
        %dma_wait3A_221 = tpu.memref_slice %arg12[%dma_wait3A_220] : memref<10240xf32, #tpu.memory_space<vmem_shared>> -> memref<10240xf32, #tpu.memory_space<vmem_shared>>
        tpu.wait_indirect_dma semaphore(%arg11 : memref<!tpu.dma_semaphore, #tpu.memory_space<semaphore_mem>>) src(%arg10 : memref<125xf32, #tpu.memory_space<vmem>>) dst(%dma_wait3A_221 : memref<10240xf32, #tpu.memory_space<vmem_shared>>)
        %dma_wait3A_222 = arith.constant 0 : i32
        %dma_wait3A_223 = tpu.memref_slice %arg9[%add3A_216, %dma_wait3A_222] : memref<80x125xi32, #tpu.memory_space<vmem>> -> memref<1x125xi32, #tpu.memory_space<vmem>>
        %dma_wait3A_224 = tpu.memref_squeeze %dma_wait3A_223 : memref<1x125xi32, #tpu.memory_space<vmem>> -> memref<125xi32, #tpu.memory_space<vmem>>
        %dma_wait3A_225 = arith.constant 0 : i32
        %dma_wait3A_226 = tpu.memref_slice %arg13[%dma_wait3A_225] : memref<10240xf32, #tpu.memory_space<vmem_shared>> -> memref<10240xf32, #tpu.memory_space<vmem_shared>>
        tpu.wait_indirect_dma semaphore(%arg11 : memref<!tpu.dma_semaphore, #tpu.memory_space<semaphore_mem>>) src(%arg10 : memref<125xf32, #tpu.memory_space<vmem>>) dst(%dma_wait3A_226 : memref<10240xf32, #tpu.memory_space<vmem_shared>>)
      } else {
      }
    }
    %scan3A_54 = arith.constant 20 : i32
    %dma_wait3A = arith.constant 76 : i32
    %dma_wait3A_55 = arith.constant 0 : i32
    %dma_wait3A_56 = tpu.memref_slice %arg8[%dma_wait3A, %dma_wait3A_55] : memref<80x125xi32, #tpu.memory_space<vmem>> -> memref<1x125xi32, #tpu.memory_space<vmem>>
    %dma_wait3A_57 = tpu.memref_squeeze %dma_wait3A_56 : memref<1x125xi32, #tpu.memory_space<vmem>> -> memref<125xi32, #tpu.memory_space<vmem>>
    %dma_wait3A_58 = arith.constant 0 : i32
    %dma_wait3A_59 = tpu.memref_slice %arg12[%dma_wait3A_58] : memref<10240xf32, #tpu.memory_space<vmem_shared>> -> memref<10240xf32, #tpu.memory_space<vmem_shared>>
    tpu.wait_indirect_dma semaphore(%arg11 : memref<!tpu.dma_semaphore, #tpu.memory_space<semaphore_mem>>) src(%arg10 : memref<125xf32, #tpu.memory_space<vmem>>) dst(%dma_wait3A_59 : memref<10240xf32, #tpu.memory_space<vmem_shared>>)
    %dma_wait3A_60 = arith.constant 76 : i32
    %dma_wait3A_61 = arith.constant 0 : i32
    %dma_wait3A_62 = tpu.memref_slice %arg9[%dma_wait3A_60, %dma_wait3A_61] : memref<80x125xi32, #tpu.memory_space<vmem>> -> memref<1x125xi32, #tpu.memory_space<vmem>>
    %dma_wait3A_63 = tpu.memref_squeeze %dma_wait3A_62 : memref<1x125xi32, #tpu.memory_space<vmem>> -> memref<125xi32, #tpu.memory_space<vmem>>
    %dma_wait3A_64 = arith.constant 0 : i32
    %dma_wait3A_65 = tpu.memref_slice %arg13[%dma_wait3A_64] : memref<10240xf32, #tpu.memory_space<vmem_shared>> -> memref<10240xf32, #tpu.memory_space<vmem_shared>>
    tpu.wait_indirect_dma semaphore(%arg11 : memref<!tpu.dma_semaphore, #tpu.memory_space<semaphore_mem>>) src(%arg10 : memref<125xf32, #tpu.memory_space<vmem>>) dst(%dma_wait3A_65 : memref<10240xf32, #tpu.memory_space<vmem_shared>>)
    %dma_wait3A_66 = arith.constant 77 : i32
    %dma_wait3A_67 = arith.constant 0 : i32
    %dma_wait3A_68 = tpu.memref_slice %arg8[%dma_wait3A_66, %dma_wait3A_67] : memref<80x125xi32, #tpu.memory_space<vmem>> -> memref<1x125xi32, #tpu.memory_space<vmem>>
    %dma_wait3A_69 = tpu.memref_squeeze %dma_wait3A_68 : memref<1x125xi32, #tpu.memory_space<vmem>> -> memref<125xi32, #tpu.memory_space<vmem>>
    %dma_wait3A_70 = arith.constant 0 : i32
    %dma_wait3A_71 = tpu.memref_slice %arg12[%dma_wait3A_70] : memref<10240xf32, #tpu.memory_space<vmem_shared>> -> memref<10240xf32, #tpu.memory_space<vmem_shared>>
    tpu.wait_indirect_dma semaphore(%arg11 : memref<!tpu.dma_semaphore, #tpu.memory_space<semaphore_mem>>) src(%arg10 : memref<125xf32, #tpu.memory_space<vmem>>) dst(%dma_wait3A_71 : memref<10240xf32, #tpu.memory_space<vmem_shared>>)
    %dma_wait3A_72 = arith.constant 77 : i32
    %dma_wait3A_73 = arith.constant 0 : i32
    %dma_wait3A_74 = tpu.memref_slice %arg9[%dma_wait3A_72, %dma_wait3A_73] : memref<80x125xi32, #tpu.memory_space<vmem>> -> memref<1x125xi32, #tpu.memory_space<vmem>>
    %dma_wait3A_75 = tpu.memref_squeeze %dma_wait3A_74 : memref<1x125xi32, #tpu.memory_space<vmem>> -> memref<125xi32, #tpu.memory_space<vmem>>
    %dma_wait3A_76 = arith.constant 0 : i32
    %dma_wait3A_77 = tpu.memref_slice %arg13[%dma_wait3A_76] : memref<10240xf32, #tpu.memory_space<vmem_shared>> -> memref<10240xf32, #tpu.memory_space<vmem_shared>>
    tpu.wait_indirect_dma semaphore(%arg11 : memref<!tpu.dma_semaphore, #tpu.memory_space<semaphore_mem>>) src(%arg10 : memref<125xf32, #tpu.memory_space<vmem>>) dst(%dma_wait3A_77 : memref<10240xf32, #tpu.memory_space<vmem_shared>>)
    %dma_wait3A_78 = arith.constant 78 : i32
    %dma_wait3A_79 = arith.constant 0 : i32
    %dma_wait3A_80 = tpu.memref_slice %arg8[%dma_wait3A_78, %dma_wait3A_79] : memref<80x125xi32, #tpu.memory_space<vmem>> -> memref<1x125xi32, #tpu.memory_space<vmem>>
    %dma_wait3A_81 = tpu.memref_squeeze %dma_wait3A_80 : memref<1x125xi32, #tpu.memory_space<vmem>> -> memref<125xi32, #tpu.memory_space<vmem>>
    %dma_wait3A_82 = arith.constant 0 : i32
    %dma_wait3A_83 = tpu.memref_slice %arg12[%dma_wait3A_82] : memref<10240xf32, #tpu.memory_space<vmem_shared>> -> memref<10240xf32, #tpu.memory_space<vmem_shared>>
    tpu.wait_indirect_dma semaphore(%arg11 : memref<!tpu.dma_semaphore, #tpu.memory_space<semaphore_mem>>) src(%arg10 : memref<125xf32, #tpu.memory_space<vmem>>) dst(%dma_wait3A_83 : memref<10240xf32, #tpu.memory_space<vmem_shared>>)
    %dma_wait3A_84 = arith.constant 78 : i32
    %dma_wait3A_85 = arith.constant 0 : i32
    %dma_wait3A_86 = tpu.memref_slice %arg9[%dma_wait3A_84, %dma_wait3A_85] : memref<80x125xi32, #tpu.memory_space<vmem>> -> memref<1x125xi32, #tpu.memory_space<vmem>>
    %dma_wait3A_87 = tpu.memref_squeeze %dma_wait3A_86 : memref<1x125xi32, #tpu.memory_space<vmem>> -> memref<125xi32, #tpu.memory_space<vmem>>
    %dma_wait3A_88 = arith.constant 0 : i32
    %dma_wait3A_89 = tpu.memref_slice %arg13[%dma_wait3A_88] : memref<10240xf32, #tpu.memory_space<vmem_shared>> -> memref<10240xf32, #tpu.memory_space<vmem_shared>>
    tpu.wait_indirect_dma semaphore(%arg11 : memref<!tpu.dma_semaphore, #tpu.memory_space<semaphore_mem>>) src(%arg10 : memref<125xf32, #tpu.memory_space<vmem>>) dst(%dma_wait3A_89 : memref<10240xf32, #tpu.memory_space<vmem_shared>>)
    %dma_wait3A_90 = arith.constant 79 : i32
    %dma_wait3A_91 = arith.constant 0 : i32
    %dma_wait3A_92 = tpu.memref_slice %arg8[%dma_wait3A_90, %dma_wait3A_91] : memref<80x125xi32, #tpu.memory_space<vmem>> -> memref<1x125xi32, #tpu.memory_space<vmem>>
    %dma_wait3A_93 = tpu.memref_squeeze %dma_wait3A_92 : memref<1x125xi32, #tpu.memory_space<vmem>> -> memref<125xi32, #tpu.memory_space<vmem>>
    %dma_wait3A_94 = arith.constant 0 : i32
    %dma_wait3A_95 = tpu.memref_slice %arg12[%dma_wait3A_94] : memref<10240xf32, #tpu.memory_space<vmem_shared>> -> memref<10240xf32, #tpu.memory_space<vmem_shared>>
    tpu.wait_indirect_dma semaphore(%arg11 : memref<!tpu.dma_semaphore, #tpu.memory_space<semaphore_mem>>) src(%arg10 : memref<125xf32, #tpu.memory_space<vmem>>) dst(%dma_wait3A_95 : memref<10240xf32, #tpu.memory_space<vmem_shared>>)
    %dma_wait3A_96 = arith.constant 79 : i32
    %dma_wait3A_97 = arith.constant 0 : i32
    %dma_wait3A_98 = tpu.memref_slice %arg9[%dma_wait3A_96, %dma_wait3A_97] : memref<80x125xi32, #tpu.memory_space<vmem>> -> memref<1x125xi32, #tpu.memory_space<vmem>>
    %dma_wait3A_99 = tpu.memref_squeeze %dma_wait3A_98 : memref<1x125xi32, #tpu.memory_space<vmem>> -> memref<125xi32, #tpu.memory_space<vmem>>
    %dma_wait3A_100 = arith.constant 0 : i32
    %dma_wait3A_101 = tpu.memref_slice %arg13[%dma_wait3A_100] : memref<10240xf32, #tpu.memory_space<vmem_shared>> -> memref<10240xf32, #tpu.memory_space<vmem_shared>>
    tpu.wait_indirect_dma semaphore(%arg11 : memref<!tpu.dma_semaphore, #tpu.memory_space<semaphore_mem>>) src(%arg10 : memref<125xf32, #tpu.memory_space<vmem>>) dst(%dma_wait3A_101 : memref<10240xf32, #tpu.memory_space<vmem_shared>>)
    %barrier3A_102 = arith.constant 0 : index
    tpu.barrier barrier_id(%barrier3A_102)
    %eq3A = arith.constant 0 : i32
    %eq3A_103 = arith.cmpi eq, %arg0, %eq3A : i32
    %convert_element_type3A = arith.extui %eq3A_103 : i1 to i32
    %cond3A = arith.constant 0 : i32
    %cond3A_104 = arith.cmpi ne, %convert_element_type3A, %cond3A : i32
    scf.if %cond3A_104 {
      "tpu.region"() ({
        %run_scoped3A_110 = tpu.sem_alloc : memref<!tpu.dma_semaphore, #tpu.memory_space<semaphore_mem>>
        %dma_start3A = tpu.memref_slice %arg4[%mul3A_2] : memref<10240xf32, #tpu.memory_space<hbm>> -> memref<640xf32, #tpu.memory_space<hbm>>
        %dma_start3A_111 = tpu.memref_slice %arg12[%mul3A_2] : memref<10240xf32, #tpu.memory_space<vmem_shared>> -> memref<640xf32, #tpu.memory_space<vmem_shared>>
        tpu.enqueue_dma source(%dma_start3A_111 : memref<640xf32, #tpu.memory_space<vmem_shared>>) target(%dma_start3A : memref<640xf32, #tpu.memory_space<hbm>>) target_semaphore(%run_scoped3A_110 : memref<!tpu.dma_semaphore, #tpu.memory_space<semaphore_mem>>)
        %dma_wait3A_112 = tpu.memref_slice %arg4[%mul3A_2] : memref<10240xf32, #tpu.memory_space<hbm>> -> memref<640xf32, #tpu.memory_space<hbm>>
        %dma_wait3A_113 = tpu.memref_slice %arg12[%mul3A_2] : memref<10240xf32, #tpu.memory_space<vmem_shared>> -> memref<640xf32, #tpu.memory_space<vmem_shared>>
        tpu.wait_dma2 semaphore(%run_scoped3A_110 : memref<!tpu.dma_semaphore, #tpu.memory_space<semaphore_mem>>) src(%dma_wait3A_113 : memref<640xf32, #tpu.memory_space<vmem_shared>>) dst(%dma_wait3A_112 : memref<640xf32, #tpu.memory_space<hbm>>)
        tpu.yield
      }) : () -> ()
      "tpu.region"() ({
        %run_scoped3A_110 = tpu.sem_alloc : memref<!tpu.dma_semaphore, #tpu.memory_space<semaphore_mem>>
        %dma_start3A = tpu.memref_slice %arg6[%mul3A_2] : memref<10240xf32, #tpu.memory_space<hbm>> -> memref<640xf32, #tpu.memory_space<hbm>>
        %dma_start3A_111 = tpu.memref_slice %arg13[%mul3A_2] : memref<10240xf32, #tpu.memory_space<vmem_shared>> -> memref<640xf32, #tpu.memory_space<vmem_shared>>
        tpu.enqueue_dma source(%dma_start3A_111 : memref<640xf32, #tpu.memory_space<vmem_shared>>) target(%dma_start3A : memref<640xf32, #tpu.memory_space<hbm>>) target_semaphore(%run_scoped3A_110 : memref<!tpu.dma_semaphore, #tpu.memory_space<semaphore_mem>>)
        %dma_wait3A_112 = tpu.memref_slice %arg6[%mul3A_2] : memref<10240xf32, #tpu.memory_space<hbm>> -> memref<640xf32, #tpu.memory_space<hbm>>
        %dma_wait3A_113 = tpu.memref_slice %arg13[%mul3A_2] : memref<10240xf32, #tpu.memory_space<vmem_shared>> -> memref<640xf32, #tpu.memory_space<vmem_shared>>
        tpu.wait_dma2 semaphore(%run_scoped3A_110 : memref<!tpu.dma_semaphore, #tpu.memory_space<semaphore_mem>>) src(%dma_wait3A_113 : memref<640xf32, #tpu.memory_space<vmem_shared>>) dst(%dma_wait3A_112 : memref<640xf32, #tpu.memory_space<hbm>>)
        tpu.yield
      }) : () -> ()
    } else {
    }
    %eq3A_105 = arith.constant 1 : i32
    %eq3A_106 = arith.cmpi eq, %arg0, %eq3A_105 : i32
    %convert_element_type3A_107 = arith.extui %eq3A_106 : i1 to i32
    %cond3A_108 = arith.constant 0 : i32
    %cond3A_109 = arith.cmpi ne, %convert_element_type3A_107, %cond3A_108 : i32
    scf.if %cond3A_109 {
      "tpu.region"() ({
        %run_scoped3A_110 = tpu.sem_alloc : memref<!tpu.dma_semaphore, #tpu.memory_space<semaphore_mem>>
        %dma_start3A = tpu.memref_slice %arg5[%mul3A_2] : memref<10240xf32, #tpu.memory_space<hbm>> -> memref<640xf32, #tpu.memory_space<hbm>>
        %dma_start3A_111 = tpu.memref_slice %arg12[%mul3A_2] : memref<10240xf32, #tpu.memory_space<vmem_shared>> -> memref<640xf32, #tpu.memory_space<vmem_shared>>
        tpu.enqueue_dma source(%dma_start3A_111 : memref<640xf32, #tpu.memory_space<vmem_shared>>) target(%dma_start3A : memref<640xf32, #tpu.memory_space<hbm>>) target_semaphore(%run_scoped3A_110 : memref<!tpu.dma_semaphore, #tpu.memory_space<semaphore_mem>>)
        %dma_wait3A_112 = tpu.memref_slice %arg5[%mul3A_2] : memref<10240xf32, #tpu.memory_space<hbm>> -> memref<640xf32, #tpu.memory_space<hbm>>
        %dma_wait3A_113 = tpu.memref_slice %arg12[%mul3A_2] : memref<10240xf32, #tpu.memory_space<vmem_shared>> -> memref<640xf32, #tpu.memory_space<vmem_shared>>
        tpu.wait_dma2 semaphore(%run_scoped3A_110 : memref<!tpu.dma_semaphore, #tpu.memory_space<semaphore_mem>>) src(%dma_wait3A_113 : memref<640xf32, #tpu.memory_space<vmem_shared>>) dst(%dma_wait3A_112 : memref<640xf32, #tpu.memory_space<hbm>>)
        tpu.yield
      }) : () -> ()
      "tpu.region"() ({
        %run_scoped3A_110 = tpu.sem_alloc : memref<!tpu.dma_semaphore, #tpu.memory_space<semaphore_mem>>
        %dma_start3A = tpu.memref_slice %arg7[%mul3A_2] : memref<10240xf32, #tpu.memory_space<hbm>> -> memref<640xf32, #tpu.memory_space<hbm>>
        %dma_start3A_111 = tpu.memref_slice %arg13[%mul3A_2] : memref<10240xf32, #tpu.memory_space<vmem_shared>> -> memref<640xf32, #tpu.memory_space<vmem_shared>>
        tpu.enqueue_dma source(%dma_start3A_111 : memref<640xf32, #tpu.memory_space<vmem_shared>>) target(%dma_start3A : memref<640xf32, #tpu.memory_space<hbm>>) target_semaphore(%run_scoped3A_110 : memref<!tpu.dma_semaphore, #tpu.memory_space<semaphore_mem>>)
        %dma_wait3A_112 = tpu.memref_slice %arg7[%mul3A_2] : memref<10240xf32, #tpu.memory_space<hbm>> -> memref<640xf32, #tpu.memory_space<hbm>>
        %dma_wait3A_113 = tpu.memref_slice %arg13[%mul3A_2] : memref<10240xf32, #tpu.memory_space<vmem_shared>> -> memref<640xf32, #tpu.memory_space<vmem_shared>>
        tpu.wait_dma2 semaphore(%run_scoped3A_110 : memref<!tpu.dma_semaphore, #tpu.memory_space<semaphore_mem>>) src(%dma_wait3A_113 : memref<640xf32, #tpu.memory_space<vmem_shared>>) dst(%dma_wait3A_112 : memref<640xf32, #tpu.memory_space<hbm>>)
        tpu.yield
      }) : () -> ()
    } else {
    }
    return
  }
}

#map = affine_map<(d0, d1) -> (0, 0)>
#map1 = affine_map<(d0, d1) -> (0, 0, 0, 0)>
module attributes {stable_mosaic.version = 14 : i64} {
  func.func @body(%arg0: i32, %arg1: i32, %arg2: memref<10240x40xf32, #tpu.memory_space<hbm>>, %arg3: memref<2x32x80x125xi32, #tpu.memory_space<hbm>>, %arg4: memref<640x40xf32, #tpu.memory_space<hbm>>, %arg5: memref<10240x40xf32, #tpu.memory_space<hbm>>, %arg6: memref<10240x40xf32, #tpu.memory_space<hbm>>, %arg7: memref<80x125xi32, #tpu.memory_space<vmem>>, %arg8: memref<80x125xi32, #tpu.memory_space<vmem>>, %arg9: memref<2x8x125x40xf32, #tpu.memory_space<vmem>>, %arg10: memref<!tpu.dma_semaphore, #tpu.memory_space<semaphore_mem>>, %arg11: memref<!tpu.dma_semaphore, #tpu.memory_space<semaphore_mem>>, %arg12: memref<10240x40xf32, #tpu.memory_space<vmem_shared>>, %arg13: memref<8x40xf32, #tpu.memory_space<vmem_shared>>) attributes {dimension_semantics = [#tpu.dimension_semantics<core_parallel>, #tpu.dimension_semantics<subcore_parallel>], iteration_bounds = array<i64: 2, 16>, scalar_prefetch = 0 : i64, scratch_operands = 7 : i64, tpu.core_type = #tpu.core_type<sc_vector_subcore>, window_params = [{transform_indices = #map}, {transform_indices = #map1}, {transform_indices = #map}, {transform_indices = #map}, {transform_indices = #map}]} {
    %mul3A = arith.constant 16 : i32
    %mul3A_0 = arith.muli %arg0, %mul3A : i32
    %add3A = arith.addi %mul3A_0, %arg1 : i32
    %mul3A_1 = arith.constant 640 : i32
    %mul3A_2 = arith.muli %arg1, %mul3A_1 : i32
    "tpu.region"() ({
      %run_scoped3A_321 = tpu.sem_alloc : memref<!tpu.dma_semaphore, #tpu.memory_space<semaphore_mem>>
      %dma_start3A_322 = arith.constant 0 : i32
      %dma_start3A_323 = tpu.memref_slice %arg12[%mul3A_2, %dma_start3A_322] : memref<10240x40xf32, #tpu.memory_space<vmem_shared>> -> memref<640x40xf32, #tpu.memory_space<vmem_shared>>
      tpu.enqueue_dma source(%arg4 : memref<640x40xf32, #tpu.memory_space<hbm>>) target(%dma_start3A_323 : memref<640x40xf32, #tpu.memory_space<vmem_shared>>) target_semaphore(%run_scoped3A_321 : memref<!tpu.dma_semaphore, #tpu.memory_space<semaphore_mem>>)
      %dma_wait3A_324 = arith.constant 0 : i32
      %dma_wait3A_325 = tpu.memref_slice %arg12[%mul3A_2, %dma_wait3A_324] : memref<10240x40xf32, #tpu.memory_space<vmem_shared>> -> memref<640x40xf32, #tpu.memory_space<vmem_shared>>
      tpu.wait_dma2 semaphore(%run_scoped3A_321 : memref<!tpu.dma_semaphore, #tpu.memory_space<semaphore_mem>>) src(%arg4 : memref<640x40xf32, #tpu.memory_space<hbm>>) dst(%dma_wait3A_325 : memref<640x40xf32, #tpu.memory_space<vmem_shared>>)
      tpu.yield
    }) : () -> ()
    %run_scoped3A = arith.constant 0 : i32
    "tpu.region"() ({
      %run_scoped3A_321 = tpu.sem_alloc : memref<!tpu.dma_semaphore, #tpu.memory_space<semaphore_mem>>
      %dma_start3A_322 = arith.constant 0 : i32
      %dma_start3A_323 = arith.constant 0 : i32
      %dma_start3A_324 = tpu.memref_slice %arg3[%run_scoped3A, %add3A, %dma_start3A_322, %dma_start3A_323] : memref<2x32x80x125xi32, #tpu.memory_space<hbm>> -> memref<1x1x80x125xi32, #tpu.memory_space<hbm>>
      %dma_start3A_325 = tpu.memref_squeeze %dma_start3A_324 : memref<1x1x80x125xi32, #tpu.memory_space<hbm>> -> memref<80x125xi32, #tpu.memory_space<hbm>>
      %dma_start3A_326 = arith.constant 0 : i32
      %dma_start3A_327 = arith.constant 0 : i32
      %dma_start3A_328 = tpu.memref_slice %arg3[%run_scoped3A, %add3A, %dma_start3A_326, %dma_start3A_327] : memref<2x32x80x125xi32, #tpu.memory_space<hbm>> -> memref<1x1x80x125xi32, #tpu.memory_space<hbm>>
      %dma_start3A_329 = tpu.memref_squeeze %dma_start3A_328 : memref<1x1x80x125xi32, #tpu.memory_space<hbm>> -> memref<80x125xi32, #tpu.memory_space<hbm>>
      tpu.enqueue_dma source(%dma_start3A_329 : memref<80x125xi32, #tpu.memory_space<hbm>>) target(%arg7 : memref<80x125xi32, #tpu.memory_space<vmem>>) target_semaphore(%run_scoped3A_321 : memref<!tpu.dma_semaphore, #tpu.memory_space<semaphore_mem>>)
      %dma_wait3A_330 = arith.constant 0 : i32
      %dma_wait3A_331 = arith.constant 0 : i32
      %dma_wait3A_332 = tpu.memref_slice %arg3[%run_scoped3A, %add3A, %dma_wait3A_330, %dma_wait3A_331] : memref<2x32x80x125xi32, #tpu.memory_space<hbm>> -> memref<1x1x80x125xi32, #tpu.memory_space<hbm>>
      %dma_wait3A_333 = tpu.memref_squeeze %dma_wait3A_332 : memref<1x1x80x125xi32, #tpu.memory_space<hbm>> -> memref<80x125xi32, #tpu.memory_space<hbm>>
      %dma_wait3A_334 = arith.constant 0 : i32
      %dma_wait3A_335 = arith.constant 0 : i32
      %dma_wait3A_336 = tpu.memref_slice %arg3[%run_scoped3A, %add3A, %dma_wait3A_334, %dma_wait3A_335] : memref<2x32x80x125xi32, #tpu.memory_space<hbm>> -> memref<1x1x80x125xi32, #tpu.memory_space<hbm>>
      %dma_wait3A_337 = tpu.memref_squeeze %dma_wait3A_336 : memref<1x1x80x125xi32, #tpu.memory_space<hbm>> -> memref<80x125xi32, #tpu.memory_space<hbm>>
      tpu.wait_dma2 semaphore(%run_scoped3A_321 : memref<!tpu.dma_semaphore, #tpu.memory_space<semaphore_mem>>) src(%dma_wait3A_337 : memref<80x125xi32, #tpu.memory_space<hbm>>) dst(%arg7 : memref<80x125xi32, #tpu.memory_space<vmem>>)
      tpu.yield
    }) : () -> ()
    %run_scoped3A_3 = arith.constant 1 : i32
    "tpu.region"() ({
      %run_scoped3A_321 = tpu.sem_alloc : memref<!tpu.dma_semaphore, #tpu.memory_space<semaphore_mem>>
      %dma_start3A_322 = arith.constant 0 : i32
      %dma_start3A_323 = arith.constant 0 : i32
      %dma_start3A_324 = tpu.memref_slice %arg3[%run_scoped3A_3, %add3A, %dma_start3A_322, %dma_start3A_323] : memref<2x32x80x125xi32, #tpu.memory_space<hbm>> -> memref<1x1x80x125xi32, #tpu.memory_space<hbm>>
      %dma_start3A_325 = tpu.memref_squeeze %dma_start3A_324 : memref<1x1x80x125xi32, #tpu.memory_space<hbm>> -> memref<80x125xi32, #tpu.memory_space<hbm>>
      %dma_start3A_326 = arith.constant 0 : i32
      %dma_start3A_327 = arith.constant 0 : i32
      %dma_start3A_328 = tpu.memref_slice %arg3[%run_scoped3A_3, %add3A, %dma_start3A_326, %dma_start3A_327] : memref<2x32x80x125xi32, #tpu.memory_space<hbm>> -> memref<1x1x80x125xi32, #tpu.memory_space<hbm>>
      %dma_start3A_329 = tpu.memref_squeeze %dma_start3A_328 : memref<1x1x80x125xi32, #tpu.memory_space<hbm>> -> memref<80x125xi32, #tpu.memory_space<hbm>>
      tpu.enqueue_dma source(%dma_start3A_329 : memref<80x125xi32, #tpu.memory_space<hbm>>) target(%arg8 : memref<80x125xi32, #tpu.memory_space<vmem>>) target_semaphore(%run_scoped3A_321 : memref<!tpu.dma_semaphore, #tpu.memory_space<semaphore_mem>>)
      %dma_wait3A_330 = arith.constant 0 : i32
      %dma_wait3A_331 = arith.constant 0 : i32
      %dma_wait3A_332 = tpu.memref_slice %arg3[%run_scoped3A_3, %add3A, %dma_wait3A_330, %dma_wait3A_331] : memref<2x32x80x125xi32, #tpu.memory_space<hbm>> -> memref<1x1x80x125xi32, #tpu.memory_space<hbm>>
      %dma_wait3A_333 = tpu.memref_squeeze %dma_wait3A_332 : memref<1x1x80x125xi32, #tpu.memory_space<hbm>> -> memref<80x125xi32, #tpu.memory_space<hbm>>
      %dma_wait3A_334 = arith.constant 0 : i32
      %dma_wait3A_335 = arith.constant 0 : i32
      %dma_wait3A_336 = tpu.memref_slice %arg3[%run_scoped3A_3, %add3A, %dma_wait3A_334, %dma_wait3A_335] : memref<2x32x80x125xi32, #tpu.memory_space<hbm>> -> memref<1x1x80x125xi32, #tpu.memory_space<hbm>>
      %dma_wait3A_337 = tpu.memref_squeeze %dma_wait3A_336 : memref<1x1x80x125xi32, #tpu.memory_space<hbm>> -> memref<80x125xi32, #tpu.memory_space<hbm>>
      tpu.wait_dma2 semaphore(%run_scoped3A_321 : memref<!tpu.dma_semaphore, #tpu.memory_space<semaphore_mem>>) src(%dma_wait3A_337 : memref<80x125xi32, #tpu.memory_space<hbm>>) dst(%arg8 : memref<80x125xi32, #tpu.memory_space<vmem>>)
      tpu.yield
    }) : () -> ()
    %barrier3A = arith.constant 0 : index
    tpu.barrier barrier_id(%barrier3A)
    %dma_start3A = arith.constant 0 : i32
    %dma_start3A_4 = arith.constant 0 : i32
    %dma_start3A_5 = arith.constant 0 : i32
    %dma_start3A_6 = arith.constant 0 : i32
    %dma_start3A_7 = arith.constant 0 : i32
    %dma_start3A_8 = tpu.memref_slice %arg9[%dma_start3A_4, %dma_start3A_5, %dma_start3A_6, %dma_start3A_7] : memref<2x8x125x40xf32, #tpu.memory_space<vmem>> -> memref<1x1x125x40xf32, #tpu.memory_space<vmem>>
    %dma_start3A_9 = tpu.memref_squeeze %dma_start3A_8 : memref<1x1x125x40xf32, #tpu.memory_space<vmem>> -> memref<125x40xf32, #tpu.memory_space<vmem>>
    %dma_start3A_10 = arith.constant 0 : i32
    %dma_start3A_11 = tpu.memref_slice %arg7[%dma_start3A, %dma_start3A_10] : memref<80x125xi32, #tpu.memory_space<vmem>> -> memref<1x125xi32, #tpu.memory_space<vmem>>
    %dma_start3A_12 = tpu.memref_squeeze %dma_start3A_11 : memref<1x125xi32, #tpu.memory_space<vmem>> -> memref<125xi32, #tpu.memory_space<vmem>>
    %dma_start3A_13 = arith.constant 0 : i32
    %dma_start3A_14 = arith.constant 0 : i32
    %dma_start3A_15 = tpu.memref_slice %arg2[%dma_start3A_13, %dma_start3A_14] : memref<10240x40xf32, #tpu.memory_space<hbm>> -> memref<10240x40xf32, #tpu.memory_space<hbm>>
    tpu.enqueue_indirect_dma source(%dma_start3A_15 : memref<10240x40xf32, #tpu.memory_space<hbm>>) target(%dma_start3A_9 : memref<125x40xf32, #tpu.memory_space<vmem>>) offsets(%dma_start3A_12 : memref<125xi32, #tpu.memory_space<vmem>>) semaphore(%arg10 : memref<!tpu.dma_semaphore, #tpu.memory_space<semaphore_mem>>)
    %dma_start3A_16 = arith.constant 1 : i32
    %dma_start3A_17 = arith.constant 0 : i32
    %dma_start3A_18 = arith.constant 1 : i32
    %dma_start3A_19 = arith.constant 0 : i32
    %dma_start3A_20 = arith.constant 0 : i32
    %dma_start3A_21 = tpu.memref_slice %arg9[%dma_start3A_17, %dma_start3A_18, %dma_start3A_19, %dma_start3A_20] : memref<2x8x125x40xf32, #tpu.memory_space<vmem>> -> memref<1x1x125x40xf32, #tpu.memory_space<vmem>>
    %dma_start3A_22 = tpu.memref_squeeze %dma_start3A_21 : memref<1x1x125x40xf32, #tpu.memory_space<vmem>> -> memref<125x40xf32, #tpu.memory_space<vmem>>
    %dma_start3A_23 = arith.constant 0 : i32
    %dma_start3A_24 = tpu.memref_slice %arg7[%dma_start3A_16, %dma_start3A_23] : memref<80x125xi32, #tpu.memory_space<vmem>> -> memref<1x125xi32, #tpu.memory_space<vmem>>
    %dma_start3A_25 = tpu.memref_squeeze %dma_start3A_24 : memref<1x125xi32, #tpu.memory_space<vmem>> -> memref<125xi32, #tpu.memory_space<vmem>>
    %dma_start3A_26 = arith.constant 0 : i32
    %dma_start3A_27 = arith.constant 0 : i32
    %dma_start3A_28 = tpu.memref_slice %arg2[%dma_start3A_26, %dma_start3A_27] : memref<10240x40xf32, #tpu.memory_space<hbm>> -> memref<10240x40xf32, #tpu.memory_space<hbm>>
    tpu.enqueue_indirect_dma source(%dma_start3A_28 : memref<10240x40xf32, #tpu.memory_space<hbm>>) target(%dma_start3A_22 : memref<125x40xf32, #tpu.memory_space<vmem>>) offsets(%dma_start3A_25 : memref<125xi32, #tpu.memory_space<vmem>>) semaphore(%arg10 : memref<!tpu.dma_semaphore, #tpu.memory_space<semaphore_mem>>)
    %dma_start3A_29 = arith.constant 2 : i32
    %dma_start3A_30 = arith.constant 0 : i32
    %dma_start3A_31 = arith.constant 2 : i32
    %dma_start3A_32 = arith.constant 0 : i32
    %dma_start3A_33 = arith.constant 0 : i32
    %dma_start3A_34 = tpu.memref_slice %arg9[%dma_start3A_30, %dma_start3A_31, %dma_start3A_32, %dma_start3A_33] : memref<2x8x125x40xf32, #tpu.memory_space<vmem>> -> memref<1x1x125x40xf32, #tpu.memory_space<vmem>>
    %dma_start3A_35 = tpu.memref_squeeze %dma_start3A_34 : memref<1x1x125x40xf32, #tpu.memory_space<vmem>> -> memref<125x40xf32, #tpu.memory_space<vmem>>
    %dma_start3A_36 = arith.constant 0 : i32
    %dma_start3A_37 = tpu.memref_slice %arg7[%dma_start3A_29, %dma_start3A_36] : memref<80x125xi32, #tpu.memory_space<vmem>> -> memref<1x125xi32, #tpu.memory_space<vmem>>
    %dma_start3A_38 = tpu.memref_squeeze %dma_start3A_37 : memref<1x125xi32, #tpu.memory_space<vmem>> -> memref<125xi32, #tpu.memory_space<vmem>>
    %dma_start3A_39 = arith.constant 0 : i32
    %dma_start3A_40 = arith.constant 0 : i32
    %dma_start3A_41 = tpu.memref_slice %arg2[%dma_start3A_39, %dma_start3A_40] : memref<10240x40xf32, #tpu.memory_space<hbm>> -> memref<10240x40xf32, #tpu.memory_space<hbm>>
    tpu.enqueue_indirect_dma source(%dma_start3A_41 : memref<10240x40xf32, #tpu.memory_space<hbm>>) target(%dma_start3A_35 : memref<125x40xf32, #tpu.memory_space<vmem>>) offsets(%dma_start3A_38 : memref<125xi32, #tpu.memory_space<vmem>>) semaphore(%arg10 : memref<!tpu.dma_semaphore, #tpu.memory_space<semaphore_mem>>)
    %dma_start3A_42 = arith.constant 3 : i32
    %dma_start3A_43 = arith.constant 0 : i32
    %dma_start3A_44 = arith.constant 3 : i32
    %dma_start3A_45 = arith.constant 0 : i32
    %dma_start3A_46 = arith.constant 0 : i32
    %dma_start3A_47 = tpu.memref_slice %arg9[%dma_start3A_43, %dma_start3A_44, %dma_start3A_45, %dma_start3A_46] : memref<2x8x125x40xf32, #tpu.memory_space<vmem>> -> memref<1x1x125x40xf32, #tpu.memory_space<vmem>>
    %dma_start3A_48 = tpu.memref_squeeze %dma_start3A_47 : memref<1x1x125x40xf32, #tpu.memory_space<vmem>> -> memref<125x40xf32, #tpu.memory_space<vmem>>
    %dma_start3A_49 = arith.constant 0 : i32
    %dma_start3A_50 = tpu.memref_slice %arg7[%dma_start3A_42, %dma_start3A_49] : memref<80x125xi32, #tpu.memory_space<vmem>> -> memref<1x125xi32, #tpu.memory_space<vmem>>
    %dma_start3A_51 = tpu.memref_squeeze %dma_start3A_50 : memref<1x125xi32, #tpu.memory_space<vmem>> -> memref<125xi32, #tpu.memory_space<vmem>>
    %dma_start3A_52 = arith.constant 0 : i32
    %dma_start3A_53 = arith.constant 0 : i32
    %dma_start3A_54 = tpu.memref_slice %arg2[%dma_start3A_52, %dma_start3A_53] : memref<10240x40xf32, #tpu.memory_space<hbm>> -> memref<10240x40xf32, #tpu.memory_space<hbm>>
    tpu.enqueue_indirect_dma source(%dma_start3A_54 : memref<10240x40xf32, #tpu.memory_space<hbm>>) target(%dma_start3A_48 : memref<125x40xf32, #tpu.memory_space<vmem>>) offsets(%dma_start3A_51 : memref<125xi32, #tpu.memory_space<vmem>>) semaphore(%arg10 : memref<!tpu.dma_semaphore, #tpu.memory_space<semaphore_mem>>)
    %dma_start3A_55 = arith.constant 4 : i32
    %dma_start3A_56 = arith.constant 0 : i32
    %dma_start3A_57 = arith.constant 4 : i32
    %dma_start3A_58 = arith.constant 0 : i32
    %dma_start3A_59 = arith.constant 0 : i32
    %dma_start3A_60 = tpu.memref_slice %arg9[%dma_start3A_56, %dma_start3A_57, %dma_start3A_58, %dma_start3A_59] : memref<2x8x125x40xf32, #tpu.memory_space<vmem>> -> memref<1x1x125x40xf32, #tpu.memory_space<vmem>>
    %dma_start3A_61 = tpu.memref_squeeze %dma_start3A_60 : memref<1x1x125x40xf32, #tpu.memory_space<vmem>> -> memref<125x40xf32, #tpu.memory_space<vmem>>
    %dma_start3A_62 = arith.constant 0 : i32
    %dma_start3A_63 = tpu.memref_slice %arg7[%dma_start3A_55, %dma_start3A_62] : memref<80x125xi32, #tpu.memory_space<vmem>> -> memref<1x125xi32, #tpu.memory_space<vmem>>
    %dma_start3A_64 = tpu.memref_squeeze %dma_start3A_63 : memref<1x125xi32, #tpu.memory_space<vmem>> -> memref<125xi32, #tpu.memory_space<vmem>>
    %dma_start3A_65 = arith.constant 0 : i32
    %dma_start3A_66 = arith.constant 0 : i32
    %dma_start3A_67 = tpu.memref_slice %arg2[%dma_start3A_65, %dma_start3A_66] : memref<10240x40xf32, #tpu.memory_space<hbm>> -> memref<10240x40xf32, #tpu.memory_space<hbm>>
    tpu.enqueue_indirect_dma source(%dma_start3A_67 : memref<10240x40xf32, #tpu.memory_space<hbm>>) target(%dma_start3A_61 : memref<125x40xf32, #tpu.memory_space<vmem>>) offsets(%dma_start3A_64 : memref<125xi32, #tpu.memory_space<vmem>>) semaphore(%arg10 : memref<!tpu.dma_semaphore, #tpu.memory_space<semaphore_mem>>)
    %dma_start3A_68 = arith.constant 5 : i32
    %dma_start3A_69 = arith.constant 0 : i32
    %dma_start3A_70 = arith.constant 5 : i32
    %dma_start3A_71 = arith.constant 0 : i32
    %dma_start3A_72 = arith.constant 0 : i32
    %dma_start3A_73 = tpu.memref_slice %arg9[%dma_start3A_69, %dma_start3A_70, %dma_start3A_71, %dma_start3A_72] : memref<2x8x125x40xf32, #tpu.memory_space<vmem>> -> memref<1x1x125x40xf32, #tpu.memory_space<vmem>>
    %dma_start3A_74 = tpu.memref_squeeze %dma_start3A_73 : memref<1x1x125x40xf32, #tpu.memory_space<vmem>> -> memref<125x40xf32, #tpu.memory_space<vmem>>
    %dma_start3A_75 = arith.constant 0 : i32
    %dma_start3A_76 = tpu.memref_slice %arg7[%dma_start3A_68, %dma_start3A_75] : memref<80x125xi32, #tpu.memory_space<vmem>> -> memref<1x125xi32, #tpu.memory_space<vmem>>
    %dma_start3A_77 = tpu.memref_squeeze %dma_start3A_76 : memref<1x125xi32, #tpu.memory_space<vmem>> -> memref<125xi32, #tpu.memory_space<vmem>>
    %dma_start3A_78 = arith.constant 0 : i32
    %dma_start3A_79 = arith.constant 0 : i32
    %dma_start3A_80 = tpu.memref_slice %arg2[%dma_start3A_78, %dma_start3A_79] : memref<10240x40xf32, #tpu.memory_space<hbm>> -> memref<10240x40xf32, #tpu.memory_space<hbm>>
    tpu.enqueue_indirect_dma source(%dma_start3A_80 : memref<10240x40xf32, #tpu.memory_space<hbm>>) target(%dma_start3A_74 : memref<125x40xf32, #tpu.memory_space<vmem>>) offsets(%dma_start3A_77 : memref<125xi32, #tpu.memory_space<vmem>>) semaphore(%arg10 : memref<!tpu.dma_semaphore, #tpu.memory_space<semaphore_mem>>)
    %dma_start3A_81 = arith.constant 6 : i32
    %dma_start3A_82 = arith.constant 0 : i32
    %dma_start3A_83 = arith.constant 6 : i32
    %dma_start3A_84 = arith.constant 0 : i32
    %dma_start3A_85 = arith.constant 0 : i32
    %dma_start3A_86 = tpu.memref_slice %arg9[%dma_start3A_82, %dma_start3A_83, %dma_start3A_84, %dma_start3A_85] : memref<2x8x125x40xf32, #tpu.memory_space<vmem>> -> memref<1x1x125x40xf32, #tpu.memory_space<vmem>>
    %dma_start3A_87 = tpu.memref_squeeze %dma_start3A_86 : memref<1x1x125x40xf32, #tpu.memory_space<vmem>> -> memref<125x40xf32, #tpu.memory_space<vmem>>
    %dma_start3A_88 = arith.constant 0 : i32
    %dma_start3A_89 = tpu.memref_slice %arg7[%dma_start3A_81, %dma_start3A_88] : memref<80x125xi32, #tpu.memory_space<vmem>> -> memref<1x125xi32, #tpu.memory_space<vmem>>
    %dma_start3A_90 = tpu.memref_squeeze %dma_start3A_89 : memref<1x125xi32, #tpu.memory_space<vmem>> -> memref<125xi32, #tpu.memory_space<vmem>>
    %dma_start3A_91 = arith.constant 0 : i32
    %dma_start3A_92 = arith.constant 0 : i32
    %dma_start3A_93 = tpu.memref_slice %arg2[%dma_start3A_91, %dma_start3A_92] : memref<10240x40xf32, #tpu.memory_space<hbm>> -> memref<10240x40xf32, #tpu.memory_space<hbm>>
    tpu.enqueue_indirect_dma source(%dma_start3A_93 : memref<10240x40xf32, #tpu.memory_space<hbm>>) target(%dma_start3A_87 : memref<125x40xf32, #tpu.memory_space<vmem>>) offsets(%dma_start3A_90 : memref<125xi32, #tpu.memory_space<vmem>>) semaphore(%arg10 : memref<!tpu.dma_semaphore, #tpu.memory_space<semaphore_mem>>)
    %dma_start3A_94 = arith.constant 7 : i32
    %dma_start3A_95 = arith.constant 0 : i32
    %dma_start3A_96 = arith.constant 7 : i32
    %dma_start3A_97 = arith.constant 0 : i32
    %dma_start3A_98 = arith.constant 0 : i32
    %dma_start3A_99 = tpu.memref_slice %arg9[%dma_start3A_95, %dma_start3A_96, %dma_start3A_97, %dma_start3A_98] : memref<2x8x125x40xf32, #tpu.memory_space<vmem>> -> memref<1x1x125x40xf32, #tpu.memory_space<vmem>>
    %dma_start3A_100 = tpu.memref_squeeze %dma_start3A_99 : memref<1x1x125x40xf32, #tpu.memory_space<vmem>> -> memref<125x40xf32, #tpu.memory_space<vmem>>
    %dma_start3A_101 = arith.constant 0 : i32
    %dma_start3A_102 = tpu.memref_slice %arg7[%dma_start3A_94, %dma_start3A_101] : memref<80x125xi32, #tpu.memory_space<vmem>> -> memref<1x125xi32, #tpu.memory_space<vmem>>
    %dma_start3A_103 = tpu.memref_squeeze %dma_start3A_102 : memref<1x125xi32, #tpu.memory_space<vmem>> -> memref<125xi32, #tpu.memory_space<vmem>>
    %dma_start3A_104 = arith.constant 0 : i32
    %dma_start3A_105 = arith.constant 0 : i32
    %dma_start3A_106 = tpu.memref_slice %arg2[%dma_start3A_104, %dma_start3A_105] : memref<10240x40xf32, #tpu.memory_space<hbm>> -> memref<10240x40xf32, #tpu.memory_space<hbm>>
    tpu.enqueue_indirect_dma source(%dma_start3A_106 : memref<10240x40xf32, #tpu.memory_space<hbm>>) target(%dma_start3A_100 : memref<125x40xf32, #tpu.memory_space<vmem>>) offsets(%dma_start3A_103 : memref<125xi32, #tpu.memory_space<vmem>>) semaphore(%arg10 : memref<!tpu.dma_semaphore, #tpu.memory_space<semaphore_mem>>)
    %dma_wait3A = arith.constant 0 : i32
    %dma_wait3A_107 = arith.constant 0 : i32
    %dma_wait3A_108 = arith.constant 0 : i32
    %dma_wait3A_109 = arith.constant 0 : i32
    %dma_wait3A_110 = arith.constant 0 : i32
    %dma_wait3A_111 = tpu.memref_slice %arg9[%dma_wait3A_107, %dma_wait3A_108, %dma_wait3A_109, %dma_wait3A_110] : memref<2x8x125x40xf32, #tpu.memory_space<vmem>> -> memref<1x1x125x40xf32, #tpu.memory_space<vmem>>
    %dma_wait3A_112 = tpu.memref_squeeze %dma_wait3A_111 : memref<1x1x125x40xf32, #tpu.memory_space<vmem>> -> memref<125x40xf32, #tpu.memory_space<vmem>>
    %dma_wait3A_113 = arith.constant 0 : i32
    %dma_wait3A_114 = tpu.memref_slice %arg7[%dma_wait3A, %dma_wait3A_113] : memref<80x125xi32, #tpu.memory_space<vmem>> -> memref<1x125xi32, #tpu.memory_space<vmem>>
    %dma_wait3A_115 = tpu.memref_squeeze %dma_wait3A_114 : memref<1x125xi32, #tpu.memory_space<vmem>> -> memref<125xi32, #tpu.memory_space<vmem>>
    %dma_wait3A_116 = arith.constant 0 : i32
    %dma_wait3A_117 = arith.constant 0 : i32
    %dma_wait3A_118 = tpu.memref_slice %arg2[%dma_wait3A_116, %dma_wait3A_117] : memref<10240x40xf32, #tpu.memory_space<hbm>> -> memref<10240x40xf32, #tpu.memory_space<hbm>>
    tpu.wait_indirect_dma semaphore(%arg10 : memref<!tpu.dma_semaphore, #tpu.memory_space<semaphore_mem>>) src(%dma_wait3A_118 : memref<10240x40xf32, #tpu.memory_space<hbm>>) dst(%dma_wait3A_112 : memref<125x40xf32, #tpu.memory_space<vmem>>)
    %dma_wait3A_119 = arith.constant 1 : i32
    %dma_wait3A_120 = arith.constant 0 : i32
    %dma_wait3A_121 = arith.constant 1 : i32
    %dma_wait3A_122 = arith.constant 0 : i32
    %dma_wait3A_123 = arith.constant 0 : i32
    %dma_wait3A_124 = tpu.memref_slice %arg9[%dma_wait3A_120, %dma_wait3A_121, %dma_wait3A_122, %dma_wait3A_123] : memref<2x8x125x40xf32, #tpu.memory_space<vmem>> -> memref<1x1x125x40xf32, #tpu.memory_space<vmem>>
    %dma_wait3A_125 = tpu.memref_squeeze %dma_wait3A_124 : memref<1x1x125x40xf32, #tpu.memory_space<vmem>> -> memref<125x40xf32, #tpu.memory_space<vmem>>
    %dma_wait3A_126 = arith.constant 0 : i32
    %dma_wait3A_127 = tpu.memref_slice %arg7[%dma_wait3A_119, %dma_wait3A_126] : memref<80x125xi32, #tpu.memory_space<vmem>> -> memref<1x125xi32, #tpu.memory_space<vmem>>
    %dma_wait3A_128 = tpu.memref_squeeze %dma_wait3A_127 : memref<1x125xi32, #tpu.memory_space<vmem>> -> memref<125xi32, #tpu.memory_space<vmem>>
    %dma_wait3A_129 = arith.constant 0 : i32
    %dma_wait3A_130 = arith.constant 0 : i32
    %dma_wait3A_131 = tpu.memref_slice %arg2[%dma_wait3A_129, %dma_wait3A_130] : memref<10240x40xf32, #tpu.memory_space<hbm>> -> memref<10240x40xf32, #tpu.memory_space<hbm>>
    tpu.wait_indirect_dma semaphore(%arg10 : memref<!tpu.dma_semaphore, #tpu.memory_space<semaphore_mem>>) src(%dma_wait3A_131 : memref<10240x40xf32, #tpu.memory_space<hbm>>) dst(%dma_wait3A_125 : memref<125x40xf32, #tpu.memory_space<vmem>>)
    %dma_wait3A_132 = arith.constant 2 : i32
    %dma_wait3A_133 = arith.constant 0 : i32
    %dma_wait3A_134 = arith.constant 2 : i32
    %dma_wait3A_135 = arith.constant 0 : i32
    %dma_wait3A_136 = arith.constant 0 : i32
    %dma_wait3A_137 = tpu.memref_slice %arg9[%dma_wait3A_133, %dma_wait3A_134, %dma_wait3A_135, %dma_wait3A_136] : memref<2x8x125x40xf32, #tpu.memory_space<vmem>> -> memref<1x1x125x40xf32, #tpu.memory_space<vmem>>
    %dma_wait3A_138 = tpu.memref_squeeze %dma_wait3A_137 : memref<1x1x125x40xf32, #tpu.memory_space<vmem>> -> memref<125x40xf32, #tpu.memory_space<vmem>>
    %dma_wait3A_139 = arith.constant 0 : i32
    %dma_wait3A_140 = tpu.memref_slice %arg7[%dma_wait3A_132, %dma_wait3A_139] : memref<80x125xi32, #tpu.memory_space<vmem>> -> memref<1x125xi32, #tpu.memory_space<vmem>>
    %dma_wait3A_141 = tpu.memref_squeeze %dma_wait3A_140 : memref<1x125xi32, #tpu.memory_space<vmem>> -> memref<125xi32, #tpu.memory_space<vmem>>
    %dma_wait3A_142 = arith.constant 0 : i32
    %dma_wait3A_143 = arith.constant 0 : i32
    %dma_wait3A_144 = tpu.memref_slice %arg2[%dma_wait3A_142, %dma_wait3A_143] : memref<10240x40xf32, #tpu.memory_space<hbm>> -> memref<10240x40xf32, #tpu.memory_space<hbm>>
    tpu.wait_indirect_dma semaphore(%arg10 : memref<!tpu.dma_semaphore, #tpu.memory_space<semaphore_mem>>) src(%dma_wait3A_144 : memref<10240x40xf32, #tpu.memory_space<hbm>>) dst(%dma_wait3A_138 : memref<125x40xf32, #tpu.memory_space<vmem>>)
    %dma_wait3A_145 = arith.constant 3 : i32
    %dma_wait3A_146 = arith.constant 0 : i32
    %dma_wait3A_147 = arith.constant 3 : i32
    %dma_wait3A_148 = arith.constant 0 : i32
    %dma_wait3A_149 = arith.constant 0 : i32
    %dma_wait3A_150 = tpu.memref_slice %arg9[%dma_wait3A_146, %dma_wait3A_147, %dma_wait3A_148, %dma_wait3A_149] : memref<2x8x125x40xf32, #tpu.memory_space<vmem>> -> memref<1x1x125x40xf32, #tpu.memory_space<vmem>>
    %dma_wait3A_151 = tpu.memref_squeeze %dma_wait3A_150 : memref<1x1x125x40xf32, #tpu.memory_space<vmem>> -> memref<125x40xf32, #tpu.memory_space<vmem>>
    %dma_wait3A_152 = arith.constant 0 : i32
    %dma_wait3A_153 = tpu.memref_slice %arg7[%dma_wait3A_145, %dma_wait3A_152] : memref<80x125xi32, #tpu.memory_space<vmem>> -> memref<1x125xi32, #tpu.memory_space<vmem>>
    %dma_wait3A_154 = tpu.memref_squeeze %dma_wait3A_153 : memref<1x125xi32, #tpu.memory_space<vmem>> -> memref<125xi32, #tpu.memory_space<vmem>>
    %dma_wait3A_155 = arith.constant 0 : i32
    %dma_wait3A_156 = arith.constant 0 : i32
    %dma_wait3A_157 = tpu.memref_slice %arg2[%dma_wait3A_155, %dma_wait3A_156] : memref<10240x40xf32, #tpu.memory_space<hbm>> -> memref<10240x40xf32, #tpu.memory_space<hbm>>
    tpu.wait_indirect_dma semaphore(%arg10 : memref<!tpu.dma_semaphore, #tpu.memory_space<semaphore_mem>>) src(%dma_wait3A_157 : memref<10240x40xf32, #tpu.memory_space<hbm>>) dst(%dma_wait3A_151 : memref<125x40xf32, #tpu.memory_space<vmem>>)
    %dma_wait3A_158 = arith.constant 4 : i32
    %dma_wait3A_159 = arith.constant 0 : i32
    %dma_wait3A_160 = arith.constant 4 : i32
    %dma_wait3A_161 = arith.constant 0 : i32
    %dma_wait3A_162 = arith.constant 0 : i32
    %dma_wait3A_163 = tpu.memref_slice %arg9[%dma_wait3A_159, %dma_wait3A_160, %dma_wait3A_161, %dma_wait3A_162] : memref<2x8x125x40xf32, #tpu.memory_space<vmem>> -> memref<1x1x125x40xf32, #tpu.memory_space<vmem>>
    %dma_wait3A_164 = tpu.memref_squeeze %dma_wait3A_163 : memref<1x1x125x40xf32, #tpu.memory_space<vmem>> -> memref<125x40xf32, #tpu.memory_space<vmem>>
    %dma_wait3A_165 = arith.constant 0 : i32
    %dma_wait3A_166 = tpu.memref_slice %arg7[%dma_wait3A_158, %dma_wait3A_165] : memref<80x125xi32, #tpu.memory_space<vmem>> -> memref<1x125xi32, #tpu.memory_space<vmem>>
    %dma_wait3A_167 = tpu.memref_squeeze %dma_wait3A_166 : memref<1x125xi32, #tpu.memory_space<vmem>> -> memref<125xi32, #tpu.memory_space<vmem>>
    %dma_wait3A_168 = arith.constant 0 : i32
    %dma_wait3A_169 = arith.constant 0 : i32
    %dma_wait3A_170 = tpu.memref_slice %arg2[%dma_wait3A_168, %dma_wait3A_169] : memref<10240x40xf32, #tpu.memory_space<hbm>> -> memref<10240x40xf32, #tpu.memory_space<hbm>>
    tpu.wait_indirect_dma semaphore(%arg10 : memref<!tpu.dma_semaphore, #tpu.memory_space<semaphore_mem>>) src(%dma_wait3A_170 : memref<10240x40xf32, #tpu.memory_space<hbm>>) dst(%dma_wait3A_164 : memref<125x40xf32, #tpu.memory_space<vmem>>)
    %dma_wait3A_171 = arith.constant 5 : i32
    %dma_wait3A_172 = arith.constant 0 : i32
    %dma_wait3A_173 = arith.constant 5 : i32
    %dma_wait3A_174 = arith.constant 0 : i32
    %dma_wait3A_175 = arith.constant 0 : i32
    %dma_wait3A_176 = tpu.memref_slice %arg9[%dma_wait3A_172, %dma_wait3A_173, %dma_wait3A_174, %dma_wait3A_175] : memref<2x8x125x40xf32, #tpu.memory_space<vmem>> -> memref<1x1x125x40xf32, #tpu.memory_space<vmem>>
    %dma_wait3A_177 = tpu.memref_squeeze %dma_wait3A_176 : memref<1x1x125x40xf32, #tpu.memory_space<vmem>> -> memref<125x40xf32, #tpu.memory_space<vmem>>
    %dma_wait3A_178 = arith.constant 0 : i32
    %dma_wait3A_179 = tpu.memref_slice %arg7[%dma_wait3A_171, %dma_wait3A_178] : memref<80x125xi32, #tpu.memory_space<vmem>> -> memref<1x125xi32, #tpu.memory_space<vmem>>
    %dma_wait3A_180 = tpu.memref_squeeze %dma_wait3A_179 : memref<1x125xi32, #tpu.memory_space<vmem>> -> memref<125xi32, #tpu.memory_space<vmem>>
    %dma_wait3A_181 = arith.constant 0 : i32
    %dma_wait3A_182 = arith.constant 0 : i32
    %dma_wait3A_183 = tpu.memref_slice %arg2[%dma_wait3A_181, %dma_wait3A_182] : memref<10240x40xf32, #tpu.memory_space<hbm>> -> memref<10240x40xf32, #tpu.memory_space<hbm>>
    tpu.wait_indirect_dma semaphore(%arg10 : memref<!tpu.dma_semaphore, #tpu.memory_space<semaphore_mem>>) src(%dma_wait3A_183 : memref<10240x40xf32, #tpu.memory_space<hbm>>) dst(%dma_wait3A_177 : memref<125x40xf32, #tpu.memory_space<vmem>>)
    %dma_wait3A_184 = arith.constant 6 : i32
    %dma_wait3A_185 = arith.constant 0 : i32
    %dma_wait3A_186 = arith.constant 6 : i32
    %dma_wait3A_187 = arith.constant 0 : i32
    %dma_wait3A_188 = arith.constant 0 : i32
    %dma_wait3A_189 = tpu.memref_slice %arg9[%dma_wait3A_185, %dma_wait3A_186, %dma_wait3A_187, %dma_wait3A_188] : memref<2x8x125x40xf32, #tpu.memory_space<vmem>> -> memref<1x1x125x40xf32, #tpu.memory_space<vmem>>
    %dma_wait3A_190 = tpu.memref_squeeze %dma_wait3A_189 : memref<1x1x125x40xf32, #tpu.memory_space<vmem>> -> memref<125x40xf32, #tpu.memory_space<vmem>>
    %dma_wait3A_191 = arith.constant 0 : i32
    %dma_wait3A_192 = tpu.memref_slice %arg7[%dma_wait3A_184, %dma_wait3A_191] : memref<80x125xi32, #tpu.memory_space<vmem>> -> memref<1x125xi32, #tpu.memory_space<vmem>>
    %dma_wait3A_193 = tpu.memref_squeeze %dma_wait3A_192 : memref<1x125xi32, #tpu.memory_space<vmem>> -> memref<125xi32, #tpu.memory_space<vmem>>
    %dma_wait3A_194 = arith.constant 0 : i32
    %dma_wait3A_195 = arith.constant 0 : i32
    %dma_wait3A_196 = tpu.memref_slice %arg2[%dma_wait3A_194, %dma_wait3A_195] : memref<10240x40xf32, #tpu.memory_space<hbm>> -> memref<10240x40xf32, #tpu.memory_space<hbm>>
    tpu.wait_indirect_dma semaphore(%arg10 : memref<!tpu.dma_semaphore, #tpu.memory_space<semaphore_mem>>) src(%dma_wait3A_196 : memref<10240x40xf32, #tpu.memory_space<hbm>>) dst(%dma_wait3A_190 : memref<125x40xf32, #tpu.memory_space<vmem>>)
    %dma_wait3A_197 = arith.constant 7 : i32
    %dma_wait3A_198 = arith.constant 0 : i32
    %dma_wait3A_199 = arith.constant 7 : i32
    %dma_wait3A_200 = arith.constant 0 : i32
    %dma_wait3A_201 = arith.constant 0 : i32
    %dma_wait3A_202 = tpu.memref_slice %arg9[%dma_wait3A_198, %dma_wait3A_199, %dma_wait3A_200, %dma_wait3A_201] : memref<2x8x125x40xf32, #tpu.memory_space<vmem>> -> memref<1x1x125x40xf32, #tpu.memory_space<vmem>>
    %dma_wait3A_203 = tpu.memref_squeeze %dma_wait3A_202 : memref<1x1x125x40xf32, #tpu.memory_space<vmem>> -> memref<125x40xf32, #tpu.memory_space<vmem>>
    %dma_wait3A_204 = arith.constant 0 : i32
    %dma_wait3A_205 = tpu.memref_slice %arg7[%dma_wait3A_197, %dma_wait3A_204] : memref<80x125xi32, #tpu.memory_space<vmem>> -> memref<1x125xi32, #tpu.memory_space<vmem>>
    %dma_wait3A_206 = tpu.memref_squeeze %dma_wait3A_205 : memref<1x125xi32, #tpu.memory_space<vmem>> -> memref<125xi32, #tpu.memory_space<vmem>>
    %dma_wait3A_207 = arith.constant 0 : i32
    %dma_wait3A_208 = arith.constant 0 : i32
    %dma_wait3A_209 = tpu.memref_slice %arg2[%dma_wait3A_207, %dma_wait3A_208] : memref<10240x40xf32, #tpu.memory_space<hbm>> -> memref<10240x40xf32, #tpu.memory_space<hbm>>
    tpu.wait_indirect_dma semaphore(%arg10 : memref<!tpu.dma_semaphore, #tpu.memory_space<semaphore_mem>>) src(%dma_wait3A_209 : memref<10240x40xf32, #tpu.memory_space<hbm>>) dst(%dma_wait3A_203 : memref<125x40xf32, #tpu.memory_space<vmem>>)
    %scan3A = arith.constant 0 : i32
    %scan3A_210 = arith.constant 0 : i32
    %scan3A_211 = arith.constant 10 : i32
    %scan3A_212 = arith.addi %scan3A_210, %scan3A_211 : i32
    %scan3A_213 = arith.constant 1 : i32
    scf.for %scan3A_321 = %scan3A_210 to %scan3A_212 step %scan3A_213  : i32 {
      %rem3A_322 = arith.constant 2 : i32
      %rem3A_323 = arith.remsi %scan3A_321, %rem3A_322 : i32
      %gt3A = arith.constant 0 : i32
      %gt3A_324 = arith.cmpi sgt, %scan3A_321, %gt3A : i32
      %convert_element_type3A_325 = arith.extui %gt3A_324 : i1 to i32
      %cond3A_326 = arith.constant 0 : i32
      %cond3A_327 = arith.cmpi ne, %convert_element_type3A_325, %cond3A_326 : i32
      scf.if %cond3A_327 {
        %sub3A = arith.constant 1 : i32
        %sub3A_452 = arith.subi %sub3A, %rem3A_323 : i32
        %mul3A_453 = arith.constant 8 : i32
        %mul3A_454 = arith.muli %scan3A_321, %mul3A_453 : i32
        %add3A_455 = arith.constant 0 : i32
        %add3A_456 = arith.addi %mul3A_454, %add3A_455 : i32
        %dma_wait3A_457 = arith.constant 0 : i32
        %dma_wait3A_458 = arith.constant 0 : i32
        %dma_wait3A_459 = arith.constant 0 : i32
        %dma_wait3A_460 = tpu.memref_slice %arg9[%sub3A_452, %dma_wait3A_457, %dma_wait3A_458, %dma_wait3A_459] : memref<2x8x125x40xf32, #tpu.memory_space<vmem>> -> memref<1x1x125x40xf32, #tpu.memory_space<vmem>>
        %dma_wait3A_461 = tpu.memref_squeeze %dma_wait3A_460 : memref<1x1x125x40xf32, #tpu.memory_space<vmem>> -> memref<125x40xf32, #tpu.memory_space<vmem>>
        %dma_wait3A_462 = arith.constant 0 : i32
        %dma_wait3A_463 = tpu.memref_slice %arg8[%add3A_456, %dma_wait3A_462] : memref<80x125xi32, #tpu.memory_space<vmem>> -> memref<1x125xi32, #tpu.memory_space<vmem>>
        %dma_wait3A_464 = tpu.memref_squeeze %dma_wait3A_463 : memref<1x125xi32, #tpu.memory_space<vmem>> -> memref<125xi32, #tpu.memory_space<vmem>>
        %dma_wait3A_465 = arith.constant 0 : i32
        %dma_wait3A_466 = arith.constant 0 : i32
        %dma_wait3A_467 = tpu.memref_slice %arg12[%dma_wait3A_465, %dma_wait3A_466] : memref<10240x40xf32, #tpu.memory_space<vmem_shared>> -> memref<10240x40xf32, #tpu.memory_space<vmem_shared>>
        tpu.wait_indirect_dma semaphore(%arg11 : memref<!tpu.dma_semaphore, #tpu.memory_space<semaphore_mem>>) src(%dma_wait3A_461 : memref<125x40xf32, #tpu.memory_space<vmem>>) dst(%dma_wait3A_467 : memref<10240x40xf32, #tpu.memory_space<vmem_shared>>)
        %mul3A_468 = arith.constant 8 : i32
        %mul3A_469 = arith.muli %scan3A_321, %mul3A_468 : i32
        %add3A_470 = arith.constant 1 : i32
        %add3A_471 = arith.addi %mul3A_469, %add3A_470 : i32
        %dma_wait3A_472 = arith.constant 1 : i32
        %dma_wait3A_473 = arith.constant 0 : i32
        %dma_wait3A_474 = arith.constant 0 : i32
        %dma_wait3A_475 = tpu.memref_slice %arg9[%sub3A_452, %dma_wait3A_472, %dma_wait3A_473, %dma_wait3A_474] : memref<2x8x125x40xf32, #tpu.memory_space<vmem>> -> memref<1x1x125x40xf32, #tpu.memory_space<vmem>>
        %dma_wait3A_476 = tpu.memref_squeeze %dma_wait3A_475 : memref<1x1x125x40xf32, #tpu.memory_space<vmem>> -> memref<125x40xf32, #tpu.memory_space<vmem>>
        %dma_wait3A_477 = arith.constant 0 : i32
        %dma_wait3A_478 = tpu.memref_slice %arg8[%add3A_471, %dma_wait3A_477] : memref<80x125xi32, #tpu.memory_space<vmem>> -> memref<1x125xi32, #tpu.memory_space<vmem>>
        %dma_wait3A_479 = tpu.memref_squeeze %dma_wait3A_478 : memref<1x125xi32, #tpu.memory_space<vmem>> -> memref<125xi32, #tpu.memory_space<vmem>>
        %dma_wait3A_480 = arith.constant 0 : i32
        %dma_wait3A_481 = arith.constant 0 : i32
        %dma_wait3A_482 = tpu.memref_slice %arg12[%dma_wait3A_480, %dma_wait3A_481] : memref<10240x40xf32, #tpu.memory_space<vmem_shared>> -> memref<10240x40xf32, #tpu.memory_space<vmem_shared>>
        tpu.wait_indirect_dma semaphore(%arg11 : memref<!tpu.dma_semaphore, #tpu.memory_space<semaphore_mem>>) src(%dma_wait3A_476 : memref<125x40xf32, #tpu.memory_space<vmem>>) dst(%dma_wait3A_482 : memref<10240x40xf32, #tpu.memory_space<vmem_shared>>)
        %mul3A_483 = arith.constant 8 : i32
        %mul3A_484 = arith.muli %scan3A_321, %mul3A_483 : i32
        %add3A_485 = arith.constant 2 : i32
        %add3A_486 = arith.addi %mul3A_484, %add3A_485 : i32
        %dma_wait3A_487 = arith.constant 2 : i32
        %dma_wait3A_488 = arith.constant 0 : i32
        %dma_wait3A_489 = arith.constant 0 : i32
        %dma_wait3A_490 = tpu.memref_slice %arg9[%sub3A_452, %dma_wait3A_487, %dma_wait3A_488, %dma_wait3A_489] : memref<2x8x125x40xf32, #tpu.memory_space<vmem>> -> memref<1x1x125x40xf32, #tpu.memory_space<vmem>>
        %dma_wait3A_491 = tpu.memref_squeeze %dma_wait3A_490 : memref<1x1x125x40xf32, #tpu.memory_space<vmem>> -> memref<125x40xf32, #tpu.memory_space<vmem>>
        %dma_wait3A_492 = arith.constant 0 : i32
        %dma_wait3A_493 = tpu.memref_slice %arg8[%add3A_486, %dma_wait3A_492] : memref<80x125xi32, #tpu.memory_space<vmem>> -> memref<1x125xi32, #tpu.memory_space<vmem>>
        %dma_wait3A_494 = tpu.memref_squeeze %dma_wait3A_493 : memref<1x125xi32, #tpu.memory_space<vmem>> -> memref<125xi32, #tpu.memory_space<vmem>>
        %dma_wait3A_495 = arith.constant 0 : i32
        %dma_wait3A_496 = arith.constant 0 : i32
        %dma_wait3A_497 = tpu.memref_slice %arg12[%dma_wait3A_495, %dma_wait3A_496] : memref<10240x40xf32, #tpu.memory_space<vmem_shared>> -> memref<10240x40xf32, #tpu.memory_space<vmem_shared>>
        tpu.wait_indirect_dma semaphore(%arg11 : memref<!tpu.dma_semaphore, #tpu.memory_space<semaphore_mem>>) src(%dma_wait3A_491 : memref<125x40xf32, #tpu.memory_space<vmem>>) dst(%dma_wait3A_497 : memref<10240x40xf32, #tpu.memory_space<vmem_shared>>)
        %mul3A_498 = arith.constant 8 : i32
        %mul3A_499 = arith.muli %scan3A_321, %mul3A_498 : i32
        %add3A_500 = arith.constant 3 : i32
        %add3A_501 = arith.addi %mul3A_499, %add3A_500 : i32
        %dma_wait3A_502 = arith.constant 3 : i32
        %dma_wait3A_503 = arith.constant 0 : i32
        %dma_wait3A_504 = arith.constant 0 : i32
        %dma_wait3A_505 = tpu.memref_slice %arg9[%sub3A_452, %dma_wait3A_502, %dma_wait3A_503, %dma_wait3A_504] : memref<2x8x125x40xf32, #tpu.memory_space<vmem>> -> memref<1x1x125x40xf32, #tpu.memory_space<vmem>>
        %dma_wait3A_506 = tpu.memref_squeeze %dma_wait3A_505 : memref<1x1x125x40xf32, #tpu.memory_space<vmem>> -> memref<125x40xf32, #tpu.memory_space<vmem>>
        %dma_wait3A_507 = arith.constant 0 : i32
        %dma_wait3A_508 = tpu.memref_slice %arg8[%add3A_501, %dma_wait3A_507] : memref<80x125xi32, #tpu.memory_space<vmem>> -> memref<1x125xi32, #tpu.memory_space<vmem>>
        %dma_wait3A_509 = tpu.memref_squeeze %dma_wait3A_508 : memref<1x125xi32, #tpu.memory_space<vmem>> -> memref<125xi32, #tpu.memory_space<vmem>>
        %dma_wait3A_510 = arith.constant 0 : i32
        %dma_wait3A_511 = arith.constant 0 : i32
        %dma_wait3A_512 = tpu.memref_slice %arg12[%dma_wait3A_510, %dma_wait3A_511] : memref<10240x40xf32, #tpu.memory_space<vmem_shared>> -> memref<10240x40xf32, #tpu.memory_space<vmem_shared>>
        tpu.wait_indirect_dma semaphore(%arg11 : memref<!tpu.dma_semaphore, #tpu.memory_space<semaphore_mem>>) src(%dma_wait3A_506 : memref<125x40xf32, #tpu.memory_space<vmem>>) dst(%dma_wait3A_512 : memref<10240x40xf32, #tpu.memory_space<vmem_shared>>)
        %mul3A_513 = arith.constant 8 : i32
        %mul3A_514 = arith.muli %scan3A_321, %mul3A_513 : i32
        %add3A_515 = arith.constant 4 : i32
        %add3A_516 = arith.addi %mul3A_514, %add3A_515 : i32
        %dma_wait3A_517 = arith.constant 4 : i32
        %dma_wait3A_518 = arith.constant 0 : i32
        %dma_wait3A_519 = arith.constant 0 : i32
        %dma_wait3A_520 = tpu.memref_slice %arg9[%sub3A_452, %dma_wait3A_517, %dma_wait3A_518, %dma_wait3A_519] : memref<2x8x125x40xf32, #tpu.memory_space<vmem>> -> memref<1x1x125x40xf32, #tpu.memory_space<vmem>>
        %dma_wait3A_521 = tpu.memref_squeeze %dma_wait3A_520 : memref<1x1x125x40xf32, #tpu.memory_space<vmem>> -> memref<125x40xf32, #tpu.memory_space<vmem>>
        %dma_wait3A_522 = arith.constant 0 : i32
        %dma_wait3A_523 = tpu.memref_slice %arg8[%add3A_516, %dma_wait3A_522] : memref<80x125xi32, #tpu.memory_space<vmem>> -> memref<1x125xi32, #tpu.memory_space<vmem>>
        %dma_wait3A_524 = tpu.memref_squeeze %dma_wait3A_523 : memref<1x125xi32, #tpu.memory_space<vmem>> -> memref<125xi32, #tpu.memory_space<vmem>>
        %dma_wait3A_525 = arith.constant 0 : i32
        %dma_wait3A_526 = arith.constant 0 : i32
        %dma_wait3A_527 = tpu.memref_slice %arg12[%dma_wait3A_525, %dma_wait3A_526] : memref<10240x40xf32, #tpu.memory_space<vmem_shared>> -> memref<10240x40xf32, #tpu.memory_space<vmem_shared>>
        tpu.wait_indirect_dma semaphore(%arg11 : memref<!tpu.dma_semaphore, #tpu.memory_space<semaphore_mem>>) src(%dma_wait3A_521 : memref<125x40xf32, #tpu.memory_space<vmem>>) dst(%dma_wait3A_527 : memref<10240x40xf32, #tpu.memory_space<vmem_shared>>)
        %mul3A_528 = arith.constant 8 : i32
        %mul3A_529 = arith.muli %scan3A_321, %mul3A_528 : i32
        %add3A_530 = arith.constant 5 : i32
        %add3A_531 = arith.addi %mul3A_529, %add3A_530 : i32
        %dma_wait3A_532 = arith.constant 5 : i32
        %dma_wait3A_533 = arith.constant 0 : i32
        %dma_wait3A_534 = arith.constant 0 : i32
        %dma_wait3A_535 = tpu.memref_slice %arg9[%sub3A_452, %dma_wait3A_532, %dma_wait3A_533, %dma_wait3A_534] : memref<2x8x125x40xf32, #tpu.memory_space<vmem>> -> memref<1x1x125x40xf32, #tpu.memory_space<vmem>>
        %dma_wait3A_536 = tpu.memref_squeeze %dma_wait3A_535 : memref<1x1x125x40xf32, #tpu.memory_space<vmem>> -> memref<125x40xf32, #tpu.memory_space<vmem>>
        %dma_wait3A_537 = arith.constant 0 : i32
        %dma_wait3A_538 = tpu.memref_slice %arg8[%add3A_531, %dma_wait3A_537] : memref<80x125xi32, #tpu.memory_space<vmem>> -> memref<1x125xi32, #tpu.memory_space<vmem>>
        %dma_wait3A_539 = tpu.memref_squeeze %dma_wait3A_538 : memref<1x125xi32, #tpu.memory_space<vmem>> -> memref<125xi32, #tpu.memory_space<vmem>>
        %dma_wait3A_540 = arith.constant 0 : i32
        %dma_wait3A_541 = arith.constant 0 : i32
        %dma_wait3A_542 = tpu.memref_slice %arg12[%dma_wait3A_540, %dma_wait3A_541] : memref<10240x40xf32, #tpu.memory_space<vmem_shared>> -> memref<10240x40xf32, #tpu.memory_space<vmem_shared>>
        tpu.wait_indirect_dma semaphore(%arg11 : memref<!tpu.dma_semaphore, #tpu.memory_space<semaphore_mem>>) src(%dma_wait3A_536 : memref<125x40xf32, #tpu.memory_space<vmem>>) dst(%dma_wait3A_542 : memref<10240x40xf32, #tpu.memory_space<vmem_shared>>)
        %mul3A_543 = arith.constant 8 : i32
        %mul3A_544 = arith.muli %scan3A_321, %mul3A_543 : i32
        %add3A_545 = arith.constant 6 : i32
        %add3A_546 = arith.addi %mul3A_544, %add3A_545 : i32
        %dma_wait3A_547 = arith.constant 6 : i32
        %dma_wait3A_548 = arith.constant 0 : i32
        %dma_wait3A_549 = arith.constant 0 : i32
        %dma_wait3A_550 = tpu.memref_slice %arg9[%sub3A_452, %dma_wait3A_547, %dma_wait3A_548, %dma_wait3A_549] : memref<2x8x125x40xf32, #tpu.memory_space<vmem>> -> memref<1x1x125x40xf32, #tpu.memory_space<vmem>>
        %dma_wait3A_551 = tpu.memref_squeeze %dma_wait3A_550 : memref<1x1x125x40xf32, #tpu.memory_space<vmem>> -> memref<125x40xf32, #tpu.memory_space<vmem>>
        %dma_wait3A_552 = arith.constant 0 : i32
        %dma_wait3A_553 = tpu.memref_slice %arg8[%add3A_546, %dma_wait3A_552] : memref<80x125xi32, #tpu.memory_space<vmem>> -> memref<1x125xi32, #tpu.memory_space<vmem>>
        %dma_wait3A_554 = tpu.memref_squeeze %dma_wait3A_553 : memref<1x125xi32, #tpu.memory_space<vmem>> -> memref<125xi32, #tpu.memory_space<vmem>>
        %dma_wait3A_555 = arith.constant 0 : i32
        %dma_wait3A_556 = arith.constant 0 : i32
        %dma_wait3A_557 = tpu.memref_slice %arg12[%dma_wait3A_555, %dma_wait3A_556] : memref<10240x40xf32, #tpu.memory_space<vmem_shared>> -> memref<10240x40xf32, #tpu.memory_space<vmem_shared>>
        tpu.wait_indirect_dma semaphore(%arg11 : memref<!tpu.dma_semaphore, #tpu.memory_space<semaphore_mem>>) src(%dma_wait3A_551 : memref<125x40xf32, #tpu.memory_space<vmem>>) dst(%dma_wait3A_557 : memref<10240x40xf32, #tpu.memory_space<vmem_shared>>)
        %mul3A_558 = arith.constant 8 : i32
        %mul3A_559 = arith.muli %scan3A_321, %mul3A_558 : i32
        %add3A_560 = arith.constant 7 : i32
        %add3A_561 = arith.addi %mul3A_559, %add3A_560 : i32
        %dma_wait3A_562 = arith.constant 7 : i32
        %dma_wait3A_563 = arith.constant 0 : i32
        %dma_wait3A_564 = arith.constant 0 : i32
        %dma_wait3A_565 = tpu.memref_slice %arg9[%sub3A_452, %dma_wait3A_562, %dma_wait3A_563, %dma_wait3A_564] : memref<2x8x125x40xf32, #tpu.memory_space<vmem>> -> memref<1x1x125x40xf32, #tpu.memory_space<vmem>>
        %dma_wait3A_566 = tpu.memref_squeeze %dma_wait3A_565 : memref<1x1x125x40xf32, #tpu.memory_space<vmem>> -> memref<125x40xf32, #tpu.memory_space<vmem>>
        %dma_wait3A_567 = arith.constant 0 : i32
        %dma_wait3A_568 = tpu.memref_slice %arg8[%add3A_561, %dma_wait3A_567] : memref<80x125xi32, #tpu.memory_space<vmem>> -> memref<1x125xi32, #tpu.memory_space<vmem>>
        %dma_wait3A_569 = tpu.memref_squeeze %dma_wait3A_568 : memref<1x125xi32, #tpu.memory_space<vmem>> -> memref<125xi32, #tpu.memory_space<vmem>>
        %dma_wait3A_570 = arith.constant 0 : i32
        %dma_wait3A_571 = arith.constant 0 : i32
        %dma_wait3A_572 = tpu.memref_slice %arg12[%dma_wait3A_570, %dma_wait3A_571] : memref<10240x40xf32, #tpu.memory_space<vmem_shared>> -> memref<10240x40xf32, #tpu.memory_space<vmem_shared>>
        tpu.wait_indirect_dma semaphore(%arg11 : memref<!tpu.dma_semaphore, #tpu.memory_space<semaphore_mem>>) src(%dma_wait3A_566 : memref<125x40xf32, #tpu.memory_space<vmem>>) dst(%dma_wait3A_572 : memref<10240x40xf32, #tpu.memory_space<vmem_shared>>)
      } else {
      }
      %mul3A_328 = arith.constant 8 : i32
      %mul3A_329 = arith.muli %scan3A_321, %mul3A_328 : i32
      %add3A_330 = arith.constant 0 : i32
      %add3A_331 = arith.addi %mul3A_329, %add3A_330 : i32
      %dma_start3A_332 = arith.constant 0 : i32
      %dma_start3A_333 = arith.constant 0 : i32
      %dma_start3A_334 = arith.constant 0 : i32
      %dma_start3A_335 = tpu.memref_slice %arg9[%rem3A_323, %dma_start3A_332, %dma_start3A_333, %dma_start3A_334] : memref<2x8x125x40xf32, #tpu.memory_space<vmem>> -> memref<1x1x125x40xf32, #tpu.memory_space<vmem>>
      %dma_start3A_336 = tpu.memref_squeeze %dma_start3A_335 : memref<1x1x125x40xf32, #tpu.memory_space<vmem>> -> memref<125x40xf32, #tpu.memory_space<vmem>>
      %dma_start3A_337 = arith.constant 0 : i32
      %dma_start3A_338 = tpu.memref_slice %arg8[%add3A_331, %dma_start3A_337] : memref<80x125xi32, #tpu.memory_space<vmem>> -> memref<1x125xi32, #tpu.memory_space<vmem>>
      %dma_start3A_339 = tpu.memref_squeeze %dma_start3A_338 : memref<1x125xi32, #tpu.memory_space<vmem>> -> memref<125xi32, #tpu.memory_space<vmem>>
      %dma_start3A_340 = arith.constant 0 : i32
      %dma_start3A_341 = arith.constant 0 : i32
      %dma_start3A_342 = tpu.memref_slice %arg12[%dma_start3A_340, %dma_start3A_341] : memref<10240x40xf32, #tpu.memory_space<vmem_shared>> -> memref<10240x40xf32, #tpu.memory_space<vmem_shared>>
      tpu.enqueue_indirect_dma source(%dma_start3A_336 : memref<125x40xf32, #tpu.memory_space<vmem>>) target(%dma_start3A_342 : memref<10240x40xf32, #tpu.memory_space<vmem_shared>>) offsets(%dma_start3A_339 : memref<125xi32, #tpu.memory_space<vmem>>) semaphore(%arg11 : memref<!tpu.dma_semaphore, #tpu.memory_space<semaphore_mem>>) {add = true}
      %mul3A_343 = arith.constant 8 : i32
      %mul3A_344 = arith.muli %scan3A_321, %mul3A_343 : i32
      %add3A_345 = arith.constant 1 : i32
      %add3A_346 = arith.addi %mul3A_344, %add3A_345 : i32
      %dma_start3A_347 = arith.constant 1 : i32
      %dma_start3A_348 = arith.constant 0 : i32
      %dma_start3A_349 = arith.constant 0 : i32
      %dma_start3A_350 = tpu.memref_slice %arg9[%rem3A_323, %dma_start3A_347, %dma_start3A_348, %dma_start3A_349] : memref<2x8x125x40xf32, #tpu.memory_space<vmem>> -> memref<1x1x125x40xf32, #tpu.memory_space<vmem>>
      %dma_start3A_351 = tpu.memref_squeeze %dma_start3A_350 : memref<1x1x125x40xf32, #tpu.memory_space<vmem>> -> memref<125x40xf32, #tpu.memory_space<vmem>>
      %dma_start3A_352 = arith.constant 0 : i32
      %dma_start3A_353 = tpu.memref_slice %arg8[%add3A_346, %dma_start3A_352] : memref<80x125xi32, #tpu.memory_space<vmem>> -> memref<1x125xi32, #tpu.memory_space<vmem>>
      %dma_start3A_354 = tpu.memref_squeeze %dma_start3A_353 : memref<1x125xi32, #tpu.memory_space<vmem>> -> memref<125xi32, #tpu.memory_space<vmem>>
      %dma_start3A_355 = arith.constant 0 : i32
      %dma_start3A_356 = arith.constant 0 : i32
      %dma_start3A_357 = tpu.memref_slice %arg12[%dma_start3A_355, %dma_start3A_356] : memref<10240x40xf32, #tpu.memory_space<vmem_shared>> -> memref<10240x40xf32, #tpu.memory_space<vmem_shared>>
      tpu.enqueue_indirect_dma source(%dma_start3A_351 : memref<125x40xf32, #tpu.memory_space<vmem>>) target(%dma_start3A_357 : memref<10240x40xf32, #tpu.memory_space<vmem_shared>>) offsets(%dma_start3A_354 : memref<125xi32, #tpu.memory_space<vmem>>) semaphore(%arg11 : memref<!tpu.dma_semaphore, #tpu.memory_space<semaphore_mem>>) {add = true}
      %mul3A_358 = arith.constant 8 : i32
      %mul3A_359 = arith.muli %scan3A_321, %mul3A_358 : i32
      %add3A_360 = arith.constant 2 : i32
      %add3A_361 = arith.addi %mul3A_359, %add3A_360 : i32
      %dma_start3A_362 = arith.constant 2 : i32
      %dma_start3A_363 = arith.constant 0 : i32
      %dma_start3A_364 = arith.constant 0 : i32
      %dma_start3A_365 = tpu.memref_slice %arg9[%rem3A_323, %dma_start3A_362, %dma_start3A_363, %dma_start3A_364] : memref<2x8x125x40xf32, #tpu.memory_space<vmem>> -> memref<1x1x125x40xf32, #tpu.memory_space<vmem>>
      %dma_start3A_366 = tpu.memref_squeeze %dma_start3A_365 : memref<1x1x125x40xf32, #tpu.memory_space<vmem>> -> memref<125x40xf32, #tpu.memory_space<vmem>>
      %dma_start3A_367 = arith.constant 0 : i32
      %dma_start3A_368 = tpu.memref_slice %arg8[%add3A_361, %dma_start3A_367] : memref<80x125xi32, #tpu.memory_space<vmem>> -> memref<1x125xi32, #tpu.memory_space<vmem>>
      %dma_start3A_369 = tpu.memref_squeeze %dma_start3A_368 : memref<1x125xi32, #tpu.memory_space<vmem>> -> memref<125xi32, #tpu.memory_space<vmem>>
      %dma_start3A_370 = arith.constant 0 : i32
      %dma_start3A_371 = arith.constant 0 : i32
      %dma_start3A_372 = tpu.memref_slice %arg12[%dma_start3A_370, %dma_start3A_371] : memref<10240x40xf32, #tpu.memory_space<vmem_shared>> -> memref<10240x40xf32, #tpu.memory_space<vmem_shared>>
      tpu.enqueue_indirect_dma source(%dma_start3A_366 : memref<125x40xf32, #tpu.memory_space<vmem>>) target(%dma_start3A_372 : memref<10240x40xf32, #tpu.memory_space<vmem_shared>>) offsets(%dma_start3A_369 : memref<125xi32, #tpu.memory_space<vmem>>) semaphore(%arg11 : memref<!tpu.dma_semaphore, #tpu.memory_space<semaphore_mem>>) {add = true}
      %mul3A_373 = arith.constant 8 : i32
      %mul3A_374 = arith.muli %scan3A_321, %mul3A_373 : i32
      %add3A_375 = arith.constant 3 : i32
      %add3A_376 = arith.addi %mul3A_374, %add3A_375 : i32
      %dma_start3A_377 = arith.constant 3 : i32
      %dma_start3A_378 = arith.constant 0 : i32
      %dma_start3A_379 = arith.constant 0 : i32
      %dma_start3A_380 = tpu.memref_slice %arg9[%rem3A_323, %dma_start3A_377, %dma_start3A_378, %dma_start3A_379] : memref<2x8x125x40xf32, #tpu.memory_space<vmem>> -> memref<1x1x125x40xf32, #tpu.memory_space<vmem>>
      %dma_start3A_381 = tpu.memref_squeeze %dma_start3A_380 : memref<1x1x125x40xf32, #tpu.memory_space<vmem>> -> memref<125x40xf32, #tpu.memory_space<vmem>>
      %dma_start3A_382 = arith.constant 0 : i32
      %dma_start3A_383 = tpu.memref_slice %arg8[%add3A_376, %dma_start3A_382] : memref<80x125xi32, #tpu.memory_space<vmem>> -> memref<1x125xi32, #tpu.memory_space<vmem>>
      %dma_start3A_384 = tpu.memref_squeeze %dma_start3A_383 : memref<1x125xi32, #tpu.memory_space<vmem>> -> memref<125xi32, #tpu.memory_space<vmem>>
      %dma_start3A_385 = arith.constant 0 : i32
      %dma_start3A_386 = arith.constant 0 : i32
      %dma_start3A_387 = tpu.memref_slice %arg12[%dma_start3A_385, %dma_start3A_386] : memref<10240x40xf32, #tpu.memory_space<vmem_shared>> -> memref<10240x40xf32, #tpu.memory_space<vmem_shared>>
      tpu.enqueue_indirect_dma source(%dma_start3A_381 : memref<125x40xf32, #tpu.memory_space<vmem>>) target(%dma_start3A_387 : memref<10240x40xf32, #tpu.memory_space<vmem_shared>>) offsets(%dma_start3A_384 : memref<125xi32, #tpu.memory_space<vmem>>) semaphore(%arg11 : memref<!tpu.dma_semaphore, #tpu.memory_space<semaphore_mem>>) {add = true}
      %mul3A_388 = arith.constant 8 : i32
      %mul3A_389 = arith.muli %scan3A_321, %mul3A_388 : i32
      %add3A_390 = arith.constant 4 : i32
      %add3A_391 = arith.addi %mul3A_389, %add3A_390 : i32
      %dma_start3A_392 = arith.constant 4 : i32
      %dma_start3A_393 = arith.constant 0 : i32
      %dma_start3A_394 = arith.constant 0 : i32
      %dma_start3A_395 = tpu.memref_slice %arg9[%rem3A_323, %dma_start3A_392, %dma_start3A_393, %dma_start3A_394] : memref<2x8x125x40xf32, #tpu.memory_space<vmem>> -> memref<1x1x125x40xf32, #tpu.memory_space<vmem>>
      %dma_start3A_396 = tpu.memref_squeeze %dma_start3A_395 : memref<1x1x125x40xf32, #tpu.memory_space<vmem>> -> memref<125x40xf32, #tpu.memory_space<vmem>>
      %dma_start3A_397 = arith.constant 0 : i32
      %dma_start3A_398 = tpu.memref_slice %arg8[%add3A_391, %dma_start3A_397] : memref<80x125xi32, #tpu.memory_space<vmem>> -> memref<1x125xi32, #tpu.memory_space<vmem>>
      %dma_start3A_399 = tpu.memref_squeeze %dma_start3A_398 : memref<1x125xi32, #tpu.memory_space<vmem>> -> memref<125xi32, #tpu.memory_space<vmem>>
      %dma_start3A_400 = arith.constant 0 : i32
      %dma_start3A_401 = arith.constant 0 : i32
      %dma_start3A_402 = tpu.memref_slice %arg12[%dma_start3A_400, %dma_start3A_401] : memref<10240x40xf32, #tpu.memory_space<vmem_shared>> -> memref<10240x40xf32, #tpu.memory_space<vmem_shared>>
      tpu.enqueue_indirect_dma source(%dma_start3A_396 : memref<125x40xf32, #tpu.memory_space<vmem>>) target(%dma_start3A_402 : memref<10240x40xf32, #tpu.memory_space<vmem_shared>>) offsets(%dma_start3A_399 : memref<125xi32, #tpu.memory_space<vmem>>) semaphore(%arg11 : memref<!tpu.dma_semaphore, #tpu.memory_space<semaphore_mem>>) {add = true}
      %mul3A_403 = arith.constant 8 : i32
      %mul3A_404 = arith.muli %scan3A_321, %mul3A_403 : i32
      %add3A_405 = arith.constant 5 : i32
      %add3A_406 = arith.addi %mul3A_404, %add3A_405 : i32
      %dma_start3A_407 = arith.constant 5 : i32
      %dma_start3A_408 = arith.constant 0 : i32
      %dma_start3A_409 = arith.constant 0 : i32
      %dma_start3A_410 = tpu.memref_slice %arg9[%rem3A_323, %dma_start3A_407, %dma_start3A_408, %dma_start3A_409] : memref<2x8x125x40xf32, #tpu.memory_space<vmem>> -> memref<1x1x125x40xf32, #tpu.memory_space<vmem>>
      %dma_start3A_411 = tpu.memref_squeeze %dma_start3A_410 : memref<1x1x125x40xf32, #tpu.memory_space<vmem>> -> memref<125x40xf32, #tpu.memory_space<vmem>>
      %dma_start3A_412 = arith.constant 0 : i32
      %dma_start3A_413 = tpu.memref_slice %arg8[%add3A_406, %dma_start3A_412] : memref<80x125xi32, #tpu.memory_space<vmem>> -> memref<1x125xi32, #tpu.memory_space<vmem>>
      %dma_start3A_414 = tpu.memref_squeeze %dma_start3A_413 : memref<1x125xi32, #tpu.memory_space<vmem>> -> memref<125xi32, #tpu.memory_space<vmem>>
      %dma_start3A_415 = arith.constant 0 : i32
      %dma_start3A_416 = arith.constant 0 : i32
      %dma_start3A_417 = tpu.memref_slice %arg12[%dma_start3A_415, %dma_start3A_416] : memref<10240x40xf32, #tpu.memory_space<vmem_shared>> -> memref<10240x40xf32, #tpu.memory_space<vmem_shared>>
      tpu.enqueue_indirect_dma source(%dma_start3A_411 : memref<125x40xf32, #tpu.memory_space<vmem>>) target(%dma_start3A_417 : memref<10240x40xf32, #tpu.memory_space<vmem_shared>>) offsets(%dma_start3A_414 : memref<125xi32, #tpu.memory_space<vmem>>) semaphore(%arg11 : memref<!tpu.dma_semaphore, #tpu.memory_space<semaphore_mem>>) {add = true}
      %mul3A_418 = arith.constant 8 : i32
      %mul3A_419 = arith.muli %scan3A_321, %mul3A_418 : i32
      %add3A_420 = arith.constant 6 : i32
      %add3A_421 = arith.addi %mul3A_419, %add3A_420 : i32
      %dma_start3A_422 = arith.constant 6 : i32
      %dma_start3A_423 = arith.constant 0 : i32
      %dma_start3A_424 = arith.constant 0 : i32
      %dma_start3A_425 = tpu.memref_slice %arg9[%rem3A_323, %dma_start3A_422, %dma_start3A_423, %dma_start3A_424] : memref<2x8x125x40xf32, #tpu.memory_space<vmem>> -> memref<1x1x125x40xf32, #tpu.memory_space<vmem>>
      %dma_start3A_426 = tpu.memref_squeeze %dma_start3A_425 : memref<1x1x125x40xf32, #tpu.memory_space<vmem>> -> memref<125x40xf32, #tpu.memory_space<vmem>>
      %dma_start3A_427 = arith.constant 0 : i32
      %dma_start3A_428 = tpu.memref_slice %arg8[%add3A_421, %dma_start3A_427] : memref<80x125xi32, #tpu.memory_space<vmem>> -> memref<1x125xi32, #tpu.memory_space<vmem>>
      %dma_start3A_429 = tpu.memref_squeeze %dma_start3A_428 : memref<1x125xi32, #tpu.memory_space<vmem>> -> memref<125xi32, #tpu.memory_space<vmem>>
      %dma_start3A_430 = arith.constant 0 : i32
      %dma_start3A_431 = arith.constant 0 : i32
      %dma_start3A_432 = tpu.memref_slice %arg12[%dma_start3A_430, %dma_start3A_431] : memref<10240x40xf32, #tpu.memory_space<vmem_shared>> -> memref<10240x40xf32, #tpu.memory_space<vmem_shared>>
      tpu.enqueue_indirect_dma source(%dma_start3A_426 : memref<125x40xf32, #tpu.memory_space<vmem>>) target(%dma_start3A_432 : memref<10240x40xf32, #tpu.memory_space<vmem_shared>>) offsets(%dma_start3A_429 : memref<125xi32, #tpu.memory_space<vmem>>) semaphore(%arg11 : memref<!tpu.dma_semaphore, #tpu.memory_space<semaphore_mem>>) {add = true}
      %mul3A_433 = arith.constant 8 : i32
      %mul3A_434 = arith.muli %scan3A_321, %mul3A_433 : i32
      %add3A_435 = arith.constant 7 : i32
      %add3A_436 = arith.addi %mul3A_434, %add3A_435 : i32
      %dma_start3A_437 = arith.constant 7 : i32
      %dma_start3A_438 = arith.constant 0 : i32
      %dma_start3A_439 = arith.constant 0 : i32
      %dma_start3A_440 = tpu.memref_slice %arg9[%rem3A_323, %dma_start3A_437, %dma_start3A_438, %dma_start3A_439] : memref<2x8x125x40xf32, #tpu.memory_space<vmem>> -> memref<1x1x125x40xf32, #tpu.memory_space<vmem>>
      %dma_start3A_441 = tpu.memref_squeeze %dma_start3A_440 : memref<1x1x125x40xf32, #tpu.memory_space<vmem>> -> memref<125x40xf32, #tpu.memory_space<vmem>>
      %dma_start3A_442 = arith.constant 0 : i32
      %dma_start3A_443 = tpu.memref_slice %arg8[%add3A_436, %dma_start3A_442] : memref<80x125xi32, #tpu.memory_space<vmem>> -> memref<1x125xi32, #tpu.memory_space<vmem>>
      %dma_start3A_444 = tpu.memref_squeeze %dma_start3A_443 : memref<1x125xi32, #tpu.memory_space<vmem>> -> memref<125xi32, #tpu.memory_space<vmem>>
      %dma_start3A_445 = arith.constant 0 : i32
      %dma_start3A_446 = arith.constant 0 : i32
      %dma_start3A_447 = tpu.memref_slice %arg12[%dma_start3A_445, %dma_start3A_446] : memref<10240x40xf32, #tpu.memory_space<vmem_shared>> -> memref<10240x40xf32, #tpu.memory_space<vmem_shared>>
      tpu.enqueue_indirect_dma source(%dma_start3A_441 : memref<125x40xf32, #tpu.memory_space<vmem>>) target(%dma_start3A_447 : memref<10240x40xf32, #tpu.memory_space<vmem_shared>>) offsets(%dma_start3A_444 : memref<125xi32, #tpu.memory_space<vmem>>) semaphore(%arg11 : memref<!tpu.dma_semaphore, #tpu.memory_space<semaphore_mem>>) {add = true}
      %lt3A = arith.constant 9 : i32
      %lt3A_448 = arith.cmpi slt, %scan3A_321, %lt3A : i32
      %convert_element_type3A_449 = arith.extui %lt3A_448 : i1 to i32
      %cond3A_450 = arith.constant 0 : i32
      %cond3A_451 = arith.cmpi ne, %convert_element_type3A_449, %cond3A_450 : i32
      scf.if %cond3A_451 {
        %add3A_452 = arith.constant 1 : i32
        %add3A_453 = arith.addi %scan3A_321, %add3A_452 : i32
        %sub3A = arith.constant 1 : i32
        %sub3A_454 = arith.subi %sub3A, %rem3A_323 : i32
        %mul3A_455 = arith.constant 8 : i32
        %mul3A_456 = arith.muli %add3A_453, %mul3A_455 : i32
        %add3A_457 = arith.constant 0 : i32
        %add3A_458 = arith.addi %mul3A_456, %add3A_457 : i32
        %dma_start3A_459 = arith.constant 0 : i32
        %dma_start3A_460 = arith.constant 0 : i32
        %dma_start3A_461 = arith.constant 0 : i32
        %dma_start3A_462 = tpu.memref_slice %arg9[%sub3A_454, %dma_start3A_459, %dma_start3A_460, %dma_start3A_461] : memref<2x8x125x40xf32, #tpu.memory_space<vmem>> -> memref<1x1x125x40xf32, #tpu.memory_space<vmem>>
        %dma_start3A_463 = tpu.memref_squeeze %dma_start3A_462 : memref<1x1x125x40xf32, #tpu.memory_space<vmem>> -> memref<125x40xf32, #tpu.memory_space<vmem>>
        %dma_start3A_464 = arith.constant 0 : i32
        %dma_start3A_465 = tpu.memref_slice %arg7[%add3A_458, %dma_start3A_464] : memref<80x125xi32, #tpu.memory_space<vmem>> -> memref<1x125xi32, #tpu.memory_space<vmem>>
        %dma_start3A_466 = tpu.memref_squeeze %dma_start3A_465 : memref<1x125xi32, #tpu.memory_space<vmem>> -> memref<125xi32, #tpu.memory_space<vmem>>
        %dma_start3A_467 = arith.constant 0 : i32
        %dma_start3A_468 = arith.constant 0 : i32
        %dma_start3A_469 = tpu.memref_slice %arg2[%dma_start3A_467, %dma_start3A_468] : memref<10240x40xf32, #tpu.memory_space<hbm>> -> memref<10240x40xf32, #tpu.memory_space<hbm>>
        tpu.enqueue_indirect_dma source(%dma_start3A_469 : memref<10240x40xf32, #tpu.memory_space<hbm>>) target(%dma_start3A_463 : memref<125x40xf32, #tpu.memory_space<vmem>>) offsets(%dma_start3A_466 : memref<125xi32, #tpu.memory_space<vmem>>) semaphore(%arg10 : memref<!tpu.dma_semaphore, #tpu.memory_space<semaphore_mem>>)
        %mul3A_470 = arith.constant 8 : i32
        %mul3A_471 = arith.muli %add3A_453, %mul3A_470 : i32
        %add3A_472 = arith.constant 1 : i32
        %add3A_473 = arith.addi %mul3A_471, %add3A_472 : i32
        %dma_start3A_474 = arith.constant 1 : i32
        %dma_start3A_475 = arith.constant 0 : i32
        %dma_start3A_476 = arith.constant 0 : i32
        %dma_start3A_477 = tpu.memref_slice %arg9[%sub3A_454, %dma_start3A_474, %dma_start3A_475, %dma_start3A_476] : memref<2x8x125x40xf32, #tpu.memory_space<vmem>> -> memref<1x1x125x40xf32, #tpu.memory_space<vmem>>
        %dma_start3A_478 = tpu.memref_squeeze %dma_start3A_477 : memref<1x1x125x40xf32, #tpu.memory_space<vmem>> -> memref<125x40xf32, #tpu.memory_space<vmem>>
        %dma_start3A_479 = arith.constant 0 : i32
        %dma_start3A_480 = tpu.memref_slice %arg7[%add3A_473, %dma_start3A_479] : memref<80x125xi32, #tpu.memory_space<vmem>> -> memref<1x125xi32, #tpu.memory_space<vmem>>
        %dma_start3A_481 = tpu.memref_squeeze %dma_start3A_480 : memref<1x125xi32, #tpu.memory_space<vmem>> -> memref<125xi32, #tpu.memory_space<vmem>>
        %dma_start3A_482 = arith.constant 0 : i32
        %dma_start3A_483 = arith.constant 0 : i32
        %dma_start3A_484 = tpu.memref_slice %arg2[%dma_start3A_482, %dma_start3A_483] : memref<10240x40xf32, #tpu.memory_space<hbm>> -> memref<10240x40xf32, #tpu.memory_space<hbm>>
        tpu.enqueue_indirect_dma source(%dma_start3A_484 : memref<10240x40xf32, #tpu.memory_space<hbm>>) target(%dma_start3A_478 : memref<125x40xf32, #tpu.memory_space<vmem>>) offsets(%dma_start3A_481 : memref<125xi32, #tpu.memory_space<vmem>>) semaphore(%arg10 : memref<!tpu.dma_semaphore, #tpu.memory_space<semaphore_mem>>)
        %mul3A_485 = arith.constant 8 : i32
        %mul3A_486 = arith.muli %add3A_453, %mul3A_485 : i32
        %add3A_487 = arith.constant 2 : i32
        %add3A_488 = arith.addi %mul3A_486, %add3A_487 : i32
        %dma_start3A_489 = arith.constant 2 : i32
        %dma_start3A_490 = arith.constant 0 : i32
        %dma_start3A_491 = arith.constant 0 : i32
        %dma_start3A_492 = tpu.memref_slice %arg9[%sub3A_454, %dma_start3A_489, %dma_start3A_490, %dma_start3A_491] : memref<2x8x125x40xf32, #tpu.memory_space<vmem>> -> memref<1x1x125x40xf32, #tpu.memory_space<vmem>>
        %dma_start3A_493 = tpu.memref_squeeze %dma_start3A_492 : memref<1x1x125x40xf32, #tpu.memory_space<vmem>> -> memref<125x40xf32, #tpu.memory_space<vmem>>
        %dma_start3A_494 = arith.constant 0 : i32
        %dma_start3A_495 = tpu.memref_slice %arg7[%add3A_488, %dma_start3A_494] : memref<80x125xi32, #tpu.memory_space<vmem>> -> memref<1x125xi32, #tpu.memory_space<vmem>>
        %dma_start3A_496 = tpu.memref_squeeze %dma_start3A_495 : memref<1x125xi32, #tpu.memory_space<vmem>> -> memref<125xi32, #tpu.memory_space<vmem>>
        %dma_start3A_497 = arith.constant 0 : i32
        %dma_start3A_498 = arith.constant 0 : i32
        %dma_start3A_499 = tpu.memref_slice %arg2[%dma_start3A_497, %dma_start3A_498] : memref<10240x40xf32, #tpu.memory_space<hbm>> -> memref<10240x40xf32, #tpu.memory_space<hbm>>
        tpu.enqueue_indirect_dma source(%dma_start3A_499 : memref<10240x40xf32, #tpu.memory_space<hbm>>) target(%dma_start3A_493 : memref<125x40xf32, #tpu.memory_space<vmem>>) offsets(%dma_start3A_496 : memref<125xi32, #tpu.memory_space<vmem>>) semaphore(%arg10 : memref<!tpu.dma_semaphore, #tpu.memory_space<semaphore_mem>>)
        %mul3A_500 = arith.constant 8 : i32
        %mul3A_501 = arith.muli %add3A_453, %mul3A_500 : i32
        %add3A_502 = arith.constant 3 : i32
        %add3A_503 = arith.addi %mul3A_501, %add3A_502 : i32
        %dma_start3A_504 = arith.constant 3 : i32
        %dma_start3A_505 = arith.constant 0 : i32
        %dma_start3A_506 = arith.constant 0 : i32
        %dma_start3A_507 = tpu.memref_slice %arg9[%sub3A_454, %dma_start3A_504, %dma_start3A_505, %dma_start3A_506] : memref<2x8x125x40xf32, #tpu.memory_space<vmem>> -> memref<1x1x125x40xf32, #tpu.memory_space<vmem>>
        %dma_start3A_508 = tpu.memref_squeeze %dma_start3A_507 : memref<1x1x125x40xf32, #tpu.memory_space<vmem>> -> memref<125x40xf32, #tpu.memory_space<vmem>>
        %dma_start3A_509 = arith.constant 0 : i32
        %dma_start3A_510 = tpu.memref_slice %arg7[%add3A_503, %dma_start3A_509] : memref<80x125xi32, #tpu.memory_space<vmem>> -> memref<1x125xi32, #tpu.memory_space<vmem>>
        %dma_start3A_511 = tpu.memref_squeeze %dma_start3A_510 : memref<1x125xi32, #tpu.memory_space<vmem>> -> memref<125xi32, #tpu.memory_space<vmem>>
        %dma_start3A_512 = arith.constant 0 : i32
        %dma_start3A_513 = arith.constant 0 : i32
        %dma_start3A_514 = tpu.memref_slice %arg2[%dma_start3A_512, %dma_start3A_513] : memref<10240x40xf32, #tpu.memory_space<hbm>> -> memref<10240x40xf32, #tpu.memory_space<hbm>>
        tpu.enqueue_indirect_dma source(%dma_start3A_514 : memref<10240x40xf32, #tpu.memory_space<hbm>>) target(%dma_start3A_508 : memref<125x40xf32, #tpu.memory_space<vmem>>) offsets(%dma_start3A_511 : memref<125xi32, #tpu.memory_space<vmem>>) semaphore(%arg10 : memref<!tpu.dma_semaphore, #tpu.memory_space<semaphore_mem>>)
        %mul3A_515 = arith.constant 8 : i32
        %mul3A_516 = arith.muli %add3A_453, %mul3A_515 : i32
        %add3A_517 = arith.constant 4 : i32
        %add3A_518 = arith.addi %mul3A_516, %add3A_517 : i32
        %dma_start3A_519 = arith.constant 4 : i32
        %dma_start3A_520 = arith.constant 0 : i32
        %dma_start3A_521 = arith.constant 0 : i32
        %dma_start3A_522 = tpu.memref_slice %arg9[%sub3A_454, %dma_start3A_519, %dma_start3A_520, %dma_start3A_521] : memref<2x8x125x40xf32, #tpu.memory_space<vmem>> -> memref<1x1x125x40xf32, #tpu.memory_space<vmem>>
        %dma_start3A_523 = tpu.memref_squeeze %dma_start3A_522 : memref<1x1x125x40xf32, #tpu.memory_space<vmem>> -> memref<125x40xf32, #tpu.memory_space<vmem>>
        %dma_start3A_524 = arith.constant 0 : i32
        %dma_start3A_525 = tpu.memref_slice %arg7[%add3A_518, %dma_start3A_524] : memref<80x125xi32, #tpu.memory_space<vmem>> -> memref<1x125xi32, #tpu.memory_space<vmem>>
        %dma_start3A_526 = tpu.memref_squeeze %dma_start3A_525 : memref<1x125xi32, #tpu.memory_space<vmem>> -> memref<125xi32, #tpu.memory_space<vmem>>
        %dma_start3A_527 = arith.constant 0 : i32
        %dma_start3A_528 = arith.constant 0 : i32
        %dma_start3A_529 = tpu.memref_slice %arg2[%dma_start3A_527, %dma_start3A_528] : memref<10240x40xf32, #tpu.memory_space<hbm>> -> memref<10240x40xf32, #tpu.memory_space<hbm>>
        tpu.enqueue_indirect_dma source(%dma_start3A_529 : memref<10240x40xf32, #tpu.memory_space<hbm>>) target(%dma_start3A_523 : memref<125x40xf32, #tpu.memory_space<vmem>>) offsets(%dma_start3A_526 : memref<125xi32, #tpu.memory_space<vmem>>) semaphore(%arg10 : memref<!tpu.dma_semaphore, #tpu.memory_space<semaphore_mem>>)
        %mul3A_530 = arith.constant 8 : i32
        %mul3A_531 = arith.muli %add3A_453, %mul3A_530 : i32
        %add3A_532 = arith.constant 5 : i32
        %add3A_533 = arith.addi %mul3A_531, %add3A_532 : i32
        %dma_start3A_534 = arith.constant 5 : i32
        %dma_start3A_535 = arith.constant 0 : i32
        %dma_start3A_536 = arith.constant 0 : i32
        %dma_start3A_537 = tpu.memref_slice %arg9[%sub3A_454, %dma_start3A_534, %dma_start3A_535, %dma_start3A_536] : memref<2x8x125x40xf32, #tpu.memory_space<vmem>> -> memref<1x1x125x40xf32, #tpu.memory_space<vmem>>
        %dma_start3A_538 = tpu.memref_squeeze %dma_start3A_537 : memref<1x1x125x40xf32, #tpu.memory_space<vmem>> -> memref<125x40xf32, #tpu.memory_space<vmem>>
        %dma_start3A_539 = arith.constant 0 : i32
        %dma_start3A_540 = tpu.memref_slice %arg7[%add3A_533, %dma_start3A_539] : memref<80x125xi32, #tpu.memory_space<vmem>> -> memref<1x125xi32, #tpu.memory_space<vmem>>
        %dma_start3A_541 = tpu.memref_squeeze %dma_start3A_540 : memref<1x125xi32, #tpu.memory_space<vmem>> -> memref<125xi32, #tpu.memory_space<vmem>>
        %dma_start3A_542 = arith.constant 0 : i32
        %dma_start3A_543 = arith.constant 0 : i32
        %dma_start3A_544 = tpu.memref_slice %arg2[%dma_start3A_542, %dma_start3A_543] : memref<10240x40xf32, #tpu.memory_space<hbm>> -> memref<10240x40xf32, #tpu.memory_space<hbm>>
        tpu.enqueue_indirect_dma source(%dma_start3A_544 : memref<10240x40xf32, #tpu.memory_space<hbm>>) target(%dma_start3A_538 : memref<125x40xf32, #tpu.memory_space<vmem>>) offsets(%dma_start3A_541 : memref<125xi32, #tpu.memory_space<vmem>>) semaphore(%arg10 : memref<!tpu.dma_semaphore, #tpu.memory_space<semaphore_mem>>)
        %mul3A_545 = arith.constant 8 : i32
        %mul3A_546 = arith.muli %add3A_453, %mul3A_545 : i32
        %add3A_547 = arith.constant 6 : i32
        %add3A_548 = arith.addi %mul3A_546, %add3A_547 : i32
        %dma_start3A_549 = arith.constant 6 : i32
        %dma_start3A_550 = arith.constant 0 : i32
        %dma_start3A_551 = arith.constant 0 : i32
        %dma_start3A_552 = tpu.memref_slice %arg9[%sub3A_454, %dma_start3A_549, %dma_start3A_550, %dma_start3A_551] : memref<2x8x125x40xf32, #tpu.memory_space<vmem>> -> memref<1x1x125x40xf32, #tpu.memory_space<vmem>>
        %dma_start3A_553 = tpu.memref_squeeze %dma_start3A_552 : memref<1x1x125x40xf32, #tpu.memory_space<vmem>> -> memref<125x40xf32, #tpu.memory_space<vmem>>
        %dma_start3A_554 = arith.constant 0 : i32
        %dma_start3A_555 = tpu.memref_slice %arg7[%add3A_548, %dma_start3A_554] : memref<80x125xi32, #tpu.memory_space<vmem>> -> memref<1x125xi32, #tpu.memory_space<vmem>>
        %dma_start3A_556 = tpu.memref_squeeze %dma_start3A_555 : memref<1x125xi32, #tpu.memory_space<vmem>> -> memref<125xi32, #tpu.memory_space<vmem>>
        %dma_start3A_557 = arith.constant 0 : i32
        %dma_start3A_558 = arith.constant 0 : i32
        %dma_start3A_559 = tpu.memref_slice %arg2[%dma_start3A_557, %dma_start3A_558] : memref<10240x40xf32, #tpu.memory_space<hbm>> -> memref<10240x40xf32, #tpu.memory_space<hbm>>
        tpu.enqueue_indirect_dma source(%dma_start3A_559 : memref<10240x40xf32, #tpu.memory_space<hbm>>) target(%dma_start3A_553 : memref<125x40xf32, #tpu.memory_space<vmem>>) offsets(%dma_start3A_556 : memref<125xi32, #tpu.memory_space<vmem>>) semaphore(%arg10 : memref<!tpu.dma_semaphore, #tpu.memory_space<semaphore_mem>>)
        %mul3A_560 = arith.constant 8 : i32
        %mul3A_561 = arith.muli %add3A_453, %mul3A_560 : i32
        %add3A_562 = arith.constant 7 : i32
        %add3A_563 = arith.addi %mul3A_561, %add3A_562 : i32
        %dma_start3A_564 = arith.constant 7 : i32
        %dma_start3A_565 = arith.constant 0 : i32
        %dma_start3A_566 = arith.constant 0 : i32
        %dma_start3A_567 = tpu.memref_slice %arg9[%sub3A_454, %dma_start3A_564, %dma_start3A_565, %dma_start3A_566] : memref<2x8x125x40xf32, #tpu.memory_space<vmem>> -> memref<1x1x125x40xf32, #tpu.memory_space<vmem>>
        %dma_start3A_568 = tpu.memref_squeeze %dma_start3A_567 : memref<1x1x125x40xf32, #tpu.memory_space<vmem>> -> memref<125x40xf32, #tpu.memory_space<vmem>>
        %dma_start3A_569 = arith.constant 0 : i32
        %dma_start3A_570 = tpu.memref_slice %arg7[%add3A_563, %dma_start3A_569] : memref<80x125xi32, #tpu.memory_space<vmem>> -> memref<1x125xi32, #tpu.memory_space<vmem>>
        %dma_start3A_571 = tpu.memref_squeeze %dma_start3A_570 : memref<1x125xi32, #tpu.memory_space<vmem>> -> memref<125xi32, #tpu.memory_space<vmem>>
        %dma_start3A_572 = arith.constant 0 : i32
        %dma_start3A_573 = arith.constant 0 : i32
        %dma_start3A_574 = tpu.memref_slice %arg2[%dma_start3A_572, %dma_start3A_573] : memref<10240x40xf32, #tpu.memory_space<hbm>> -> memref<10240x40xf32, #tpu.memory_space<hbm>>
        tpu.enqueue_indirect_dma source(%dma_start3A_574 : memref<10240x40xf32, #tpu.memory_space<hbm>>) target(%dma_start3A_568 : memref<125x40xf32, #tpu.memory_space<vmem>>) offsets(%dma_start3A_571 : memref<125xi32, #tpu.memory_space<vmem>>) semaphore(%arg10 : memref<!tpu.dma_semaphore, #tpu.memory_space<semaphore_mem>>)
        %add3A_575 = arith.constant 1 : i32
        %add3A_576 = arith.addi %scan3A_321, %add3A_575 : i32
        %sub3A_577 = arith.constant 1 : i32
        %sub3A_578 = arith.subi %sub3A_577, %rem3A_323 : i32
        %mul3A_579 = arith.constant 8 : i32
        %mul3A_580 = arith.muli %add3A_576, %mul3A_579 : i32
        %add3A_581 = arith.constant 0 : i32
        %add3A_582 = arith.addi %mul3A_580, %add3A_581 : i32
        %dma_wait3A_583 = arith.constant 0 : i32
        %dma_wait3A_584 = arith.constant 0 : i32
        %dma_wait3A_585 = arith.constant 0 : i32
        %dma_wait3A_586 = tpu.memref_slice %arg9[%sub3A_578, %dma_wait3A_583, %dma_wait3A_584, %dma_wait3A_585] : memref<2x8x125x40xf32, #tpu.memory_space<vmem>> -> memref<1x1x125x40xf32, #tpu.memory_space<vmem>>
        %dma_wait3A_587 = tpu.memref_squeeze %dma_wait3A_586 : memref<1x1x125x40xf32, #tpu.memory_space<vmem>> -> memref<125x40xf32, #tpu.memory_space<vmem>>
        %dma_wait3A_588 = arith.constant 0 : i32
        %dma_wait3A_589 = tpu.memref_slice %arg7[%add3A_582, %dma_wait3A_588] : memref<80x125xi32, #tpu.memory_space<vmem>> -> memref<1x125xi32, #tpu.memory_space<vmem>>
        %dma_wait3A_590 = tpu.memref_squeeze %dma_wait3A_589 : memref<1x125xi32, #tpu.memory_space<vmem>> -> memref<125xi32, #tpu.memory_space<vmem>>
        %dma_wait3A_591 = arith.constant 0 : i32
        %dma_wait3A_592 = arith.constant 0 : i32
        %dma_wait3A_593 = tpu.memref_slice %arg2[%dma_wait3A_591, %dma_wait3A_592] : memref<10240x40xf32, #tpu.memory_space<hbm>> -> memref<10240x40xf32, #tpu.memory_space<hbm>>
        tpu.wait_indirect_dma semaphore(%arg10 : memref<!tpu.dma_semaphore, #tpu.memory_space<semaphore_mem>>) src(%dma_wait3A_593 : memref<10240x40xf32, #tpu.memory_space<hbm>>) dst(%dma_wait3A_587 : memref<125x40xf32, #tpu.memory_space<vmem>>)
        %mul3A_594 = arith.constant 8 : i32
        %mul3A_595 = arith.muli %add3A_576, %mul3A_594 : i32
        %add3A_596 = arith.constant 1 : i32
        %add3A_597 = arith.addi %mul3A_595, %add3A_596 : i32
        %dma_wait3A_598 = arith.constant 1 : i32
        %dma_wait3A_599 = arith.constant 0 : i32
        %dma_wait3A_600 = arith.constant 0 : i32
        %dma_wait3A_601 = tpu.memref_slice %arg9[%sub3A_578, %dma_wait3A_598, %dma_wait3A_599, %dma_wait3A_600] : memref<2x8x125x40xf32, #tpu.memory_space<vmem>> -> memref<1x1x125x40xf32, #tpu.memory_space<vmem>>
        %dma_wait3A_602 = tpu.memref_squeeze %dma_wait3A_601 : memref<1x1x125x40xf32, #tpu.memory_space<vmem>> -> memref<125x40xf32, #tpu.memory_space<vmem>>
        %dma_wait3A_603 = arith.constant 0 : i32
        %dma_wait3A_604 = tpu.memref_slice %arg7[%add3A_597, %dma_wait3A_603] : memref<80x125xi32, #tpu.memory_space<vmem>> -> memref<1x125xi32, #tpu.memory_space<vmem>>
        %dma_wait3A_605 = tpu.memref_squeeze %dma_wait3A_604 : memref<1x125xi32, #tpu.memory_space<vmem>> -> memref<125xi32, #tpu.memory_space<vmem>>
        %dma_wait3A_606 = arith.constant 0 : i32
        %dma_wait3A_607 = arith.constant 0 : i32
        %dma_wait3A_608 = tpu.memref_slice %arg2[%dma_wait3A_606, %dma_wait3A_607] : memref<10240x40xf32, #tpu.memory_space<hbm>> -> memref<10240x40xf32, #tpu.memory_space<hbm>>
        tpu.wait_indirect_dma semaphore(%arg10 : memref<!tpu.dma_semaphore, #tpu.memory_space<semaphore_mem>>) src(%dma_wait3A_608 : memref<10240x40xf32, #tpu.memory_space<hbm>>) dst(%dma_wait3A_602 : memref<125x40xf32, #tpu.memory_space<vmem>>)
        %mul3A_609 = arith.constant 8 : i32
        %mul3A_610 = arith.muli %add3A_576, %mul3A_609 : i32
        %add3A_611 = arith.constant 2 : i32
        %add3A_612 = arith.addi %mul3A_610, %add3A_611 : i32
        %dma_wait3A_613 = arith.constant 2 : i32
        %dma_wait3A_614 = arith.constant 0 : i32
        %dma_wait3A_615 = arith.constant 0 : i32
        %dma_wait3A_616 = tpu.memref_slice %arg9[%sub3A_578, %dma_wait3A_613, %dma_wait3A_614, %dma_wait3A_615] : memref<2x8x125x40xf32, #tpu.memory_space<vmem>> -> memref<1x1x125x40xf32, #tpu.memory_space<vmem>>
        %dma_wait3A_617 = tpu.memref_squeeze %dma_wait3A_616 : memref<1x1x125x40xf32, #tpu.memory_space<vmem>> -> memref<125x40xf32, #tpu.memory_space<vmem>>
        %dma_wait3A_618 = arith.constant 0 : i32
        %dma_wait3A_619 = tpu.memref_slice %arg7[%add3A_612, %dma_wait3A_618] : memref<80x125xi32, #tpu.memory_space<vmem>> -> memref<1x125xi32, #tpu.memory_space<vmem>>
        %dma_wait3A_620 = tpu.memref_squeeze %dma_wait3A_619 : memref<1x125xi32, #tpu.memory_space<vmem>> -> memref<125xi32, #tpu.memory_space<vmem>>
        %dma_wait3A_621 = arith.constant 0 : i32
        %dma_wait3A_622 = arith.constant 0 : i32
        %dma_wait3A_623 = tpu.memref_slice %arg2[%dma_wait3A_621, %dma_wait3A_622] : memref<10240x40xf32, #tpu.memory_space<hbm>> -> memref<10240x40xf32, #tpu.memory_space<hbm>>
        tpu.wait_indirect_dma semaphore(%arg10 : memref<!tpu.dma_semaphore, #tpu.memory_space<semaphore_mem>>) src(%dma_wait3A_623 : memref<10240x40xf32, #tpu.memory_space<hbm>>) dst(%dma_wait3A_617 : memref<125x40xf32, #tpu.memory_space<vmem>>)
        %mul3A_624 = arith.constant 8 : i32
        %mul3A_625 = arith.muli %add3A_576, %mul3A_624 : i32
        %add3A_626 = arith.constant 3 : i32
        %add3A_627 = arith.addi %mul3A_625, %add3A_626 : i32
        %dma_wait3A_628 = arith.constant 3 : i32
        %dma_wait3A_629 = arith.constant 0 : i32
        %dma_wait3A_630 = arith.constant 0 : i32
        %dma_wait3A_631 = tpu.memref_slice %arg9[%sub3A_578, %dma_wait3A_628, %dma_wait3A_629, %dma_wait3A_630] : memref<2x8x125x40xf32, #tpu.memory_space<vmem>> -> memref<1x1x125x40xf32, #tpu.memory_space<vmem>>
        %dma_wait3A_632 = tpu.memref_squeeze %dma_wait3A_631 : memref<1x1x125x40xf32, #tpu.memory_space<vmem>> -> memref<125x40xf32, #tpu.memory_space<vmem>>
        %dma_wait3A_633 = arith.constant 0 : i32
        %dma_wait3A_634 = tpu.memref_slice %arg7[%add3A_627, %dma_wait3A_633] : memref<80x125xi32, #tpu.memory_space<vmem>> -> memref<1x125xi32, #tpu.memory_space<vmem>>
        %dma_wait3A_635 = tpu.memref_squeeze %dma_wait3A_634 : memref<1x125xi32, #tpu.memory_space<vmem>> -> memref<125xi32, #tpu.memory_space<vmem>>
        %dma_wait3A_636 = arith.constant 0 : i32
        %dma_wait3A_637 = arith.constant 0 : i32
        %dma_wait3A_638 = tpu.memref_slice %arg2[%dma_wait3A_636, %dma_wait3A_637] : memref<10240x40xf32, #tpu.memory_space<hbm>> -> memref<10240x40xf32, #tpu.memory_space<hbm>>
        tpu.wait_indirect_dma semaphore(%arg10 : memref<!tpu.dma_semaphore, #tpu.memory_space<semaphore_mem>>) src(%dma_wait3A_638 : memref<10240x40xf32, #tpu.memory_space<hbm>>) dst(%dma_wait3A_632 : memref<125x40xf32, #tpu.memory_space<vmem>>)
        %mul3A_639 = arith.constant 8 : i32
        %mul3A_640 = arith.muli %add3A_576, %mul3A_639 : i32
        %add3A_641 = arith.constant 4 : i32
        %add3A_642 = arith.addi %mul3A_640, %add3A_641 : i32
        %dma_wait3A_643 = arith.constant 4 : i32
        %dma_wait3A_644 = arith.constant 0 : i32
        %dma_wait3A_645 = arith.constant 0 : i32
        %dma_wait3A_646 = tpu.memref_slice %arg9[%sub3A_578, %dma_wait3A_643, %dma_wait3A_644, %dma_wait3A_645] : memref<2x8x125x40xf32, #tpu.memory_space<vmem>> -> memref<1x1x125x40xf32, #tpu.memory_space<vmem>>
        %dma_wait3A_647 = tpu.memref_squeeze %dma_wait3A_646 : memref<1x1x125x40xf32, #tpu.memory_space<vmem>> -> memref<125x40xf32, #tpu.memory_space<vmem>>
        %dma_wait3A_648 = arith.constant 0 : i32
        %dma_wait3A_649 = tpu.memref_slice %arg7[%add3A_642, %dma_wait3A_648] : memref<80x125xi32, #tpu.memory_space<vmem>> -> memref<1x125xi32, #tpu.memory_space<vmem>>
        %dma_wait3A_650 = tpu.memref_squeeze %dma_wait3A_649 : memref<1x125xi32, #tpu.memory_space<vmem>> -> memref<125xi32, #tpu.memory_space<vmem>>
        %dma_wait3A_651 = arith.constant 0 : i32
        %dma_wait3A_652 = arith.constant 0 : i32
        %dma_wait3A_653 = tpu.memref_slice %arg2[%dma_wait3A_651, %dma_wait3A_652] : memref<10240x40xf32, #tpu.memory_space<hbm>> -> memref<10240x40xf32, #tpu.memory_space<hbm>>
        tpu.wait_indirect_dma semaphore(%arg10 : memref<!tpu.dma_semaphore, #tpu.memory_space<semaphore_mem>>) src(%dma_wait3A_653 : memref<10240x40xf32, #tpu.memory_space<hbm>>) dst(%dma_wait3A_647 : memref<125x40xf32, #tpu.memory_space<vmem>>)
        %mul3A_654 = arith.constant 8 : i32
        %mul3A_655 = arith.muli %add3A_576, %mul3A_654 : i32
        %add3A_656 = arith.constant 5 : i32
        %add3A_657 = arith.addi %mul3A_655, %add3A_656 : i32
        %dma_wait3A_658 = arith.constant 5 : i32
        %dma_wait3A_659 = arith.constant 0 : i32
        %dma_wait3A_660 = arith.constant 0 : i32
        %dma_wait3A_661 = tpu.memref_slice %arg9[%sub3A_578, %dma_wait3A_658, %dma_wait3A_659, %dma_wait3A_660] : memref<2x8x125x40xf32, #tpu.memory_space<vmem>> -> memref<1x1x125x40xf32, #tpu.memory_space<vmem>>
        %dma_wait3A_662 = tpu.memref_squeeze %dma_wait3A_661 : memref<1x1x125x40xf32, #tpu.memory_space<vmem>> -> memref<125x40xf32, #tpu.memory_space<vmem>>
        %dma_wait3A_663 = arith.constant 0 : i32
        %dma_wait3A_664 = tpu.memref_slice %arg7[%add3A_657, %dma_wait3A_663] : memref<80x125xi32, #tpu.memory_space<vmem>> -> memref<1x125xi32, #tpu.memory_space<vmem>>
        %dma_wait3A_665 = tpu.memref_squeeze %dma_wait3A_664 : memref<1x125xi32, #tpu.memory_space<vmem>> -> memref<125xi32, #tpu.memory_space<vmem>>
        %dma_wait3A_666 = arith.constant 0 : i32
        %dma_wait3A_667 = arith.constant 0 : i32
        %dma_wait3A_668 = tpu.memref_slice %arg2[%dma_wait3A_666, %dma_wait3A_667] : memref<10240x40xf32, #tpu.memory_space<hbm>> -> memref<10240x40xf32, #tpu.memory_space<hbm>>
        tpu.wait_indirect_dma semaphore(%arg10 : memref<!tpu.dma_semaphore, #tpu.memory_space<semaphore_mem>>) src(%dma_wait3A_668 : memref<10240x40xf32, #tpu.memory_space<hbm>>) dst(%dma_wait3A_662 : memref<125x40xf32, #tpu.memory_space<vmem>>)
        %mul3A_669 = arith.constant 8 : i32
        %mul3A_670 = arith.muli %add3A_576, %mul3A_669 : i32
        %add3A_671 = arith.constant 6 : i32
        %add3A_672 = arith.addi %mul3A_670, %add3A_671 : i32
        %dma_wait3A_673 = arith.constant 6 : i32
        %dma_wait3A_674 = arith.constant 0 : i32
        %dma_wait3A_675 = arith.constant 0 : i32
        %dma_wait3A_676 = tpu.memref_slice %arg9[%sub3A_578, %dma_wait3A_673, %dma_wait3A_674, %dma_wait3A_675] : memref<2x8x125x40xf32, #tpu.memory_space<vmem>> -> memref<1x1x125x40xf32, #tpu.memory_space<vmem>>
        %dma_wait3A_677 = tpu.memref_squeeze %dma_wait3A_676 : memref<1x1x125x40xf32, #tpu.memory_space<vmem>> -> memref<125x40xf32, #tpu.memory_space<vmem>>
        %dma_wait3A_678 = arith.constant 0 : i32
        %dma_wait3A_679 = tpu.memref_slice %arg7[%add3A_672, %dma_wait3A_678] : memref<80x125xi32, #tpu.memory_space<vmem>> -> memref<1x125xi32, #tpu.memory_space<vmem>>
        %dma_wait3A_680 = tpu.memref_squeeze %dma_wait3A_679 : memref<1x125xi32, #tpu.memory_space<vmem>> -> memref<125xi32, #tpu.memory_space<vmem>>
        %dma_wait3A_681 = arith.constant 0 : i32
        %dma_wait3A_682 = arith.constant 0 : i32
        %dma_wait3A_683 = tpu.memref_slice %arg2[%dma_wait3A_681, %dma_wait3A_682] : memref<10240x40xf32, #tpu.memory_space<hbm>> -> memref<10240x40xf32, #tpu.memory_space<hbm>>
        tpu.wait_indirect_dma semaphore(%arg10 : memref<!tpu.dma_semaphore, #tpu.memory_space<semaphore_mem>>) src(%dma_wait3A_683 : memref<10240x40xf32, #tpu.memory_space<hbm>>) dst(%dma_wait3A_677 : memref<125x40xf32, #tpu.memory_space<vmem>>)
        %mul3A_684 = arith.constant 8 : i32
        %mul3A_685 = arith.muli %add3A_576, %mul3A_684 : i32
        %add3A_686 = arith.constant 7 : i32
        %add3A_687 = arith.addi %mul3A_685, %add3A_686 : i32
        %dma_wait3A_688 = arith.constant 7 : i32
        %dma_wait3A_689 = arith.constant 0 : i32
        %dma_wait3A_690 = arith.constant 0 : i32
        %dma_wait3A_691 = tpu.memref_slice %arg9[%sub3A_578, %dma_wait3A_688, %dma_wait3A_689, %dma_wait3A_690] : memref<2x8x125x40xf32, #tpu.memory_space<vmem>> -> memref<1x1x125x40xf32, #tpu.memory_space<vmem>>
        %dma_wait3A_692 = tpu.memref_squeeze %dma_wait3A_691 : memref<1x1x125x40xf32, #tpu.memory_space<vmem>> -> memref<125x40xf32, #tpu.memory_space<vmem>>
        %dma_wait3A_693 = arith.constant 0 : i32
        %dma_wait3A_694 = tpu.memref_slice %arg7[%add3A_687, %dma_wait3A_693] : memref<80x125xi32, #tpu.memory_space<vmem>> -> memref<1x125xi32, #tpu.memory_space<vmem>>
        %dma_wait3A_695 = tpu.memref_squeeze %dma_wait3A_694 : memref<1x125xi32, #tpu.memory_space<vmem>> -> memref<125xi32, #tpu.memory_space<vmem>>
        %dma_wait3A_696 = arith.constant 0 : i32
        %dma_wait3A_697 = arith.constant 0 : i32
        %dma_wait3A_698 = tpu.memref_slice %arg2[%dma_wait3A_696, %dma_wait3A_697] : memref<10240x40xf32, #tpu.memory_space<hbm>> -> memref<10240x40xf32, #tpu.memory_space<hbm>>
        tpu.wait_indirect_dma semaphore(%arg10 : memref<!tpu.dma_semaphore, #tpu.memory_space<semaphore_mem>>) src(%dma_wait3A_698 : memref<10240x40xf32, #tpu.memory_space<hbm>>) dst(%dma_wait3A_692 : memref<125x40xf32, #tpu.memory_space<vmem>>)
      } else {
      }
    }
    %scan3A_214 = arith.constant 10 : i32
    %rem3A = arith.constant 9 : i32
    %rem3A_215 = arith.constant 2 : i32
    %rem3A_216 = arith.remsi %rem3A, %rem3A_215 : i32
    %dma_wait3A_217 = arith.constant 0 : i32
    %dma_wait3A_218 = arith.constant 72 : i32
    %dma_wait3A_219 = arith.constant 0 : i32
    %dma_wait3A_220 = arith.constant 0 : i32
    %dma_wait3A_221 = tpu.memref_slice %arg9[%rem3A_216, %dma_wait3A_217, %dma_wait3A_219, %dma_wait3A_220] : memref<2x8x125x40xf32, #tpu.memory_space<vmem>> -> memref<1x1x125x40xf32, #tpu.memory_space<vmem>>
    %dma_wait3A_222 = tpu.memref_squeeze %dma_wait3A_221 : memref<1x1x125x40xf32, #tpu.memory_space<vmem>> -> memref<125x40xf32, #tpu.memory_space<vmem>>
    %dma_wait3A_223 = arith.constant 0 : i32
    %dma_wait3A_224 = tpu.memref_slice %arg8[%dma_wait3A_218, %dma_wait3A_223] : memref<80x125xi32, #tpu.memory_space<vmem>> -> memref<1x125xi32, #tpu.memory_space<vmem>>
    %dma_wait3A_225 = tpu.memref_squeeze %dma_wait3A_224 : memref<1x125xi32, #tpu.memory_space<vmem>> -> memref<125xi32, #tpu.memory_space<vmem>>
    %dma_wait3A_226 = arith.constant 0 : i32
    %dma_wait3A_227 = arith.constant 0 : i32
    %dma_wait3A_228 = tpu.memref_slice %arg12[%dma_wait3A_226, %dma_wait3A_227] : memref<10240x40xf32, #tpu.memory_space<vmem_shared>> -> memref<10240x40xf32, #tpu.memory_space<vmem_shared>>
    tpu.wait_indirect_dma semaphore(%arg11 : memref<!tpu.dma_semaphore, #tpu.memory_space<semaphore_mem>>) src(%dma_wait3A_222 : memref<125x40xf32, #tpu.memory_space<vmem>>) dst(%dma_wait3A_228 : memref<10240x40xf32, #tpu.memory_space<vmem_shared>>)
    %dma_wait3A_229 = arith.constant 1 : i32
    %dma_wait3A_230 = arith.constant 73 : i32
    %dma_wait3A_231 = arith.constant 0 : i32
    %dma_wait3A_232 = arith.constant 0 : i32
    %dma_wait3A_233 = tpu.memref_slice %arg9[%rem3A_216, %dma_wait3A_229, %dma_wait3A_231, %dma_wait3A_232] : memref<2x8x125x40xf32, #tpu.memory_space<vmem>> -> memref<1x1x125x40xf32, #tpu.memory_space<vmem>>
    %dma_wait3A_234 = tpu.memref_squeeze %dma_wait3A_233 : memref<1x1x125x40xf32, #tpu.memory_space<vmem>> -> memref<125x40xf32, #tpu.memory_space<vmem>>
    %dma_wait3A_235 = arith.constant 0 : i32
    %dma_wait3A_236 = tpu.memref_slice %arg8[%dma_wait3A_230, %dma_wait3A_235] : memref<80x125xi32, #tpu.memory_space<vmem>> -> memref<1x125xi32, #tpu.memory_space<vmem>>
    %dma_wait3A_237 = tpu.memref_squeeze %dma_wait3A_236 : memref<1x125xi32, #tpu.memory_space<vmem>> -> memref<125xi32, #tpu.memory_space<vmem>>
    %dma_wait3A_238 = arith.constant 0 : i32
    %dma_wait3A_239 = arith.constant 0 : i32
    %dma_wait3A_240 = tpu.memref_slice %arg12[%dma_wait3A_238, %dma_wait3A_239] : memref<10240x40xf32, #tpu.memory_space<vmem_shared>> -> memref<10240x40xf32, #tpu.memory_space<vmem_shared>>
    tpu.wait_indirect_dma semaphore(%arg11 : memref<!tpu.dma_semaphore, #tpu.memory_space<semaphore_mem>>) src(%dma_wait3A_234 : memref<125x40xf32, #tpu.memory_space<vmem>>) dst(%dma_wait3A_240 : memref<10240x40xf32, #tpu.memory_space<vmem_shared>>)
    %dma_wait3A_241 = arith.constant 2 : i32
    %dma_wait3A_242 = arith.constant 74 : i32
    %dma_wait3A_243 = arith.constant 0 : i32
    %dma_wait3A_244 = arith.constant 0 : i32
    %dma_wait3A_245 = tpu.memref_slice %arg9[%rem3A_216, %dma_wait3A_241, %dma_wait3A_243, %dma_wait3A_244] : memref<2x8x125x40xf32, #tpu.memory_space<vmem>> -> memref<1x1x125x40xf32, #tpu.memory_space<vmem>>
    %dma_wait3A_246 = tpu.memref_squeeze %dma_wait3A_245 : memref<1x1x125x40xf32, #tpu.memory_space<vmem>> -> memref<125x40xf32, #tpu.memory_space<vmem>>
    %dma_wait3A_247 = arith.constant 0 : i32
    %dma_wait3A_248 = tpu.memref_slice %arg8[%dma_wait3A_242, %dma_wait3A_247] : memref<80x125xi32, #tpu.memory_space<vmem>> -> memref<1x125xi32, #tpu.memory_space<vmem>>
    %dma_wait3A_249 = tpu.memref_squeeze %dma_wait3A_248 : memref<1x125xi32, #tpu.memory_space<vmem>> -> memref<125xi32, #tpu.memory_space<vmem>>
    %dma_wait3A_250 = arith.constant 0 : i32
    %dma_wait3A_251 = arith.constant 0 : i32
    %dma_wait3A_252 = tpu.memref_slice %arg12[%dma_wait3A_250, %dma_wait3A_251] : memref<10240x40xf32, #tpu.memory_space<vmem_shared>> -> memref<10240x40xf32, #tpu.memory_space<vmem_shared>>
    tpu.wait_indirect_dma semaphore(%arg11 : memref<!tpu.dma_semaphore, #tpu.memory_space<semaphore_mem>>) src(%dma_wait3A_246 : memref<125x40xf32, #tpu.memory_space<vmem>>) dst(%dma_wait3A_252 : memref<10240x40xf32, #tpu.memory_space<vmem_shared>>)
    %dma_wait3A_253 = arith.constant 3 : i32
    %dma_wait3A_254 = arith.constant 75 : i32
    %dma_wait3A_255 = arith.constant 0 : i32
    %dma_wait3A_256 = arith.constant 0 : i32
    %dma_wait3A_257 = tpu.memref_slice %arg9[%rem3A_216, %dma_wait3A_253, %dma_wait3A_255, %dma_wait3A_256] : memref<2x8x125x40xf32, #tpu.memory_space<vmem>> -> memref<1x1x125x40xf32, #tpu.memory_space<vmem>>
    %dma_wait3A_258 = tpu.memref_squeeze %dma_wait3A_257 : memref<1x1x125x40xf32, #tpu.memory_space<vmem>> -> memref<125x40xf32, #tpu.memory_space<vmem>>
    %dma_wait3A_259 = arith.constant 0 : i32
    %dma_wait3A_260 = tpu.memref_slice %arg8[%dma_wait3A_254, %dma_wait3A_259] : memref<80x125xi32, #tpu.memory_space<vmem>> -> memref<1x125xi32, #tpu.memory_space<vmem>>
    %dma_wait3A_261 = tpu.memref_squeeze %dma_wait3A_260 : memref<1x125xi32, #tpu.memory_space<vmem>> -> memref<125xi32, #tpu.memory_space<vmem>>
    %dma_wait3A_262 = arith.constant 0 : i32
    %dma_wait3A_263 = arith.constant 0 : i32
    %dma_wait3A_264 = tpu.memref_slice %arg12[%dma_wait3A_262, %dma_wait3A_263] : memref<10240x40xf32, #tpu.memory_space<vmem_shared>> -> memref<10240x40xf32, #tpu.memory_space<vmem_shared>>
    tpu.wait_indirect_dma semaphore(%arg11 : memref<!tpu.dma_semaphore, #tpu.memory_space<semaphore_mem>>) src(%dma_wait3A_258 : memref<125x40xf32, #tpu.memory_space<vmem>>) dst(%dma_wait3A_264 : memref<10240x40xf32, #tpu.memory_space<vmem_shared>>)
    %dma_wait3A_265 = arith.constant 4 : i32
    %dma_wait3A_266 = arith.constant 76 : i32
    %dma_wait3A_267 = arith.constant 0 : i32
    %dma_wait3A_268 = arith.constant 0 : i32
    %dma_wait3A_269 = tpu.memref_slice %arg9[%rem3A_216, %dma_wait3A_265, %dma_wait3A_267, %dma_wait3A_268] : memref<2x8x125x40xf32, #tpu.memory_space<vmem>> -> memref<1x1x125x40xf32, #tpu.memory_space<vmem>>
    %dma_wait3A_270 = tpu.memref_squeeze %dma_wait3A_269 : memref<1x1x125x40xf32, #tpu.memory_space<vmem>> -> memref<125x40xf32, #tpu.memory_space<vmem>>
    %dma_wait3A_271 = arith.constant 0 : i32
    %dma_wait3A_272 = tpu.memref_slice %arg8[%dma_wait3A_266, %dma_wait3A_271] : memref<80x125xi32, #tpu.memory_space<vmem>> -> memref<1x125xi32, #tpu.memory_space<vmem>>
    %dma_wait3A_273 = tpu.memref_squeeze %dma_wait3A_272 : memref<1x125xi32, #tpu.memory_space<vmem>> -> memref<125xi32, #tpu.memory_space<vmem>>
    %dma_wait3A_274 = arith.constant 0 : i32
    %dma_wait3A_275 = arith.constant 0 : i32
    %dma_wait3A_276 = tpu.memref_slice %arg12[%dma_wait3A_274, %dma_wait3A_275] : memref<10240x40xf32, #tpu.memory_space<vmem_shared>> -> memref<10240x40xf32, #tpu.memory_space<vmem_shared>>
    tpu.wait_indirect_dma semaphore(%arg11 : memref<!tpu.dma_semaphore, #tpu.memory_space<semaphore_mem>>) src(%dma_wait3A_270 : memref<125x40xf32, #tpu.memory_space<vmem>>) dst(%dma_wait3A_276 : memref<10240x40xf32, #tpu.memory_space<vmem_shared>>)
    %dma_wait3A_277 = arith.constant 5 : i32
    %dma_wait3A_278 = arith.constant 77 : i32
    %dma_wait3A_279 = arith.constant 0 : i32
    %dma_wait3A_280 = arith.constant 0 : i32
    %dma_wait3A_281 = tpu.memref_slice %arg9[%rem3A_216, %dma_wait3A_277, %dma_wait3A_279, %dma_wait3A_280] : memref<2x8x125x40xf32, #tpu.memory_space<vmem>> -> memref<1x1x125x40xf32, #tpu.memory_space<vmem>>
    %dma_wait3A_282 = tpu.memref_squeeze %dma_wait3A_281 : memref<1x1x125x40xf32, #tpu.memory_space<vmem>> -> memref<125x40xf32, #tpu.memory_space<vmem>>
    %dma_wait3A_283 = arith.constant 0 : i32
    %dma_wait3A_284 = tpu.memref_slice %arg8[%dma_wait3A_278, %dma_wait3A_283] : memref<80x125xi32, #tpu.memory_space<vmem>> -> memref<1x125xi32, #tpu.memory_space<vmem>>
    %dma_wait3A_285 = tpu.memref_squeeze %dma_wait3A_284 : memref<1x125xi32, #tpu.memory_space<vmem>> -> memref<125xi32, #tpu.memory_space<vmem>>
    %dma_wait3A_286 = arith.constant 0 : i32
    %dma_wait3A_287 = arith.constant 0 : i32
    %dma_wait3A_288 = tpu.memref_slice %arg12[%dma_wait3A_286, %dma_wait3A_287] : memref<10240x40xf32, #tpu.memory_space<vmem_shared>> -> memref<10240x40xf32, #tpu.memory_space<vmem_shared>>
    tpu.wait_indirect_dma semaphore(%arg11 : memref<!tpu.dma_semaphore, #tpu.memory_space<semaphore_mem>>) src(%dma_wait3A_282 : memref<125x40xf32, #tpu.memory_space<vmem>>) dst(%dma_wait3A_288 : memref<10240x40xf32, #tpu.memory_space<vmem_shared>>)
    %dma_wait3A_289 = arith.constant 6 : i32
    %dma_wait3A_290 = arith.constant 78 : i32
    %dma_wait3A_291 = arith.constant 0 : i32
    %dma_wait3A_292 = arith.constant 0 : i32
    %dma_wait3A_293 = tpu.memref_slice %arg9[%rem3A_216, %dma_wait3A_289, %dma_wait3A_291, %dma_wait3A_292] : memref<2x8x125x40xf32, #tpu.memory_space<vmem>> -> memref<1x1x125x40xf32, #tpu.memory_space<vmem>>
    %dma_wait3A_294 = tpu.memref_squeeze %dma_wait3A_293 : memref<1x1x125x40xf32, #tpu.memory_space<vmem>> -> memref<125x40xf32, #tpu.memory_space<vmem>>
    %dma_wait3A_295 = arith.constant 0 : i32
    %dma_wait3A_296 = tpu.memref_slice %arg8[%dma_wait3A_290, %dma_wait3A_295] : memref<80x125xi32, #tpu.memory_space<vmem>> -> memref<1x125xi32, #tpu.memory_space<vmem>>
    %dma_wait3A_297 = tpu.memref_squeeze %dma_wait3A_296 : memref<1x125xi32, #tpu.memory_space<vmem>> -> memref<125xi32, #tpu.memory_space<vmem>>
    %dma_wait3A_298 = arith.constant 0 : i32
    %dma_wait3A_299 = arith.constant 0 : i32
    %dma_wait3A_300 = tpu.memref_slice %arg12[%dma_wait3A_298, %dma_wait3A_299] : memref<10240x40xf32, #tpu.memory_space<vmem_shared>> -> memref<10240x40xf32, #tpu.memory_space<vmem_shared>>
    tpu.wait_indirect_dma semaphore(%arg11 : memref<!tpu.dma_semaphore, #tpu.memory_space<semaphore_mem>>) src(%dma_wait3A_294 : memref<125x40xf32, #tpu.memory_space<vmem>>) dst(%dma_wait3A_300 : memref<10240x40xf32, #tpu.memory_space<vmem_shared>>)
    %dma_wait3A_301 = arith.constant 7 : i32
    %dma_wait3A_302 = arith.constant 79 : i32
    %dma_wait3A_303 = arith.constant 0 : i32
    %dma_wait3A_304 = arith.constant 0 : i32
    %dma_wait3A_305 = tpu.memref_slice %arg9[%rem3A_216, %dma_wait3A_301, %dma_wait3A_303, %dma_wait3A_304] : memref<2x8x125x40xf32, #tpu.memory_space<vmem>> -> memref<1x1x125x40xf32, #tpu.memory_space<vmem>>
    %dma_wait3A_306 = tpu.memref_squeeze %dma_wait3A_305 : memref<1x1x125x40xf32, #tpu.memory_space<vmem>> -> memref<125x40xf32, #tpu.memory_space<vmem>>
    %dma_wait3A_307 = arith.constant 0 : i32
    %dma_wait3A_308 = tpu.memref_slice %arg8[%dma_wait3A_302, %dma_wait3A_307] : memref<80x125xi32, #tpu.memory_space<vmem>> -> memref<1x125xi32, #tpu.memory_space<vmem>>
    %dma_wait3A_309 = tpu.memref_squeeze %dma_wait3A_308 : memref<1x125xi32, #tpu.memory_space<vmem>> -> memref<125xi32, #tpu.memory_space<vmem>>
    %dma_wait3A_310 = arith.constant 0 : i32
    %dma_wait3A_311 = arith.constant 0 : i32
    %dma_wait3A_312 = tpu.memref_slice %arg12[%dma_wait3A_310, %dma_wait3A_311] : memref<10240x40xf32, #tpu.memory_space<vmem_shared>> -> memref<10240x40xf32, #tpu.memory_space<vmem_shared>>
    tpu.wait_indirect_dma semaphore(%arg11 : memref<!tpu.dma_semaphore, #tpu.memory_space<semaphore_mem>>) src(%dma_wait3A_306 : memref<125x40xf32, #tpu.memory_space<vmem>>) dst(%dma_wait3A_312 : memref<10240x40xf32, #tpu.memory_space<vmem_shared>>)
    %barrier3A_313 = arith.constant 0 : index
    tpu.barrier barrier_id(%barrier3A_313)
    %eq3A = arith.constant 0 : i32
    %eq3A_314 = arith.cmpi eq, %arg0, %eq3A : i32
    %convert_element_type3A = arith.extui %eq3A_314 : i1 to i32
    %cond3A = arith.constant 0 : i32
    %cond3A_315 = arith.cmpi ne, %convert_element_type3A, %cond3A : i32
    scf.if %cond3A_315 {
      "tpu.region"() ({
        %run_scoped3A_321 = tpu.sem_alloc : memref<!tpu.dma_semaphore, #tpu.memory_space<semaphore_mem>>
        %dma_start3A_322 = arith.constant 0 : i32
        %dma_start3A_323 = tpu.memref_slice %arg5[%mul3A_2, %dma_start3A_322] : memref<10240x40xf32, #tpu.memory_space<hbm>> -> memref<640x40xf32, #tpu.memory_space<hbm>>
        %dma_start3A_324 = arith.constant 0 : i32
        %dma_start3A_325 = tpu.memref_slice %arg12[%mul3A_2, %dma_start3A_324] : memref<10240x40xf32, #tpu.memory_space<vmem_shared>> -> memref<640x40xf32, #tpu.memory_space<vmem_shared>>
        tpu.enqueue_dma source(%dma_start3A_325 : memref<640x40xf32, #tpu.memory_space<vmem_shared>>) target(%dma_start3A_323 : memref<640x40xf32, #tpu.memory_space<hbm>>) target_semaphore(%run_scoped3A_321 : memref<!tpu.dma_semaphore, #tpu.memory_space<semaphore_mem>>)
        %dma_wait3A_326 = arith.constant 0 : i32
        %dma_wait3A_327 = tpu.memref_slice %arg5[%mul3A_2, %dma_wait3A_326] : memref<10240x40xf32, #tpu.memory_space<hbm>> -> memref<640x40xf32, #tpu.memory_space<hbm>>
        %dma_wait3A_328 = arith.constant 0 : i32
        %dma_wait3A_329 = tpu.memref_slice %arg12[%mul3A_2, %dma_wait3A_328] : memref<10240x40xf32, #tpu.memory_space<vmem_shared>> -> memref<640x40xf32, #tpu.memory_space<vmem_shared>>
        tpu.wait_dma2 semaphore(%run_scoped3A_321 : memref<!tpu.dma_semaphore, #tpu.memory_space<semaphore_mem>>) src(%dma_wait3A_329 : memref<640x40xf32, #tpu.memory_space<vmem_shared>>) dst(%dma_wait3A_327 : memref<640x40xf32, #tpu.memory_space<hbm>>)
        tpu.yield
      }) : () -> ()
    } else {
    }
    %eq3A_316 = arith.constant 1 : i32
    %eq3A_317 = arith.cmpi eq, %arg0, %eq3A_316 : i32
    %convert_element_type3A_318 = arith.extui %eq3A_317 : i1 to i32
    %cond3A_319 = arith.constant 0 : i32
    %cond3A_320 = arith.cmpi ne, %convert_element_type3A_318, %cond3A_319 : i32
    scf.if %cond3A_320 {
      "tpu.region"() ({
        %run_scoped3A_321 = tpu.sem_alloc : memref<!tpu.dma_semaphore, #tpu.memory_space<semaphore_mem>>
        %dma_start3A_322 = arith.constant 0 : i32
        %dma_start3A_323 = tpu.memref_slice %arg6[%mul3A_2, %dma_start3A_322] : memref<10240x40xf32, #tpu.memory_space<hbm>> -> memref<640x40xf32, #tpu.memory_space<hbm>>
        %dma_start3A_324 = arith.constant 0 : i32
        %dma_start3A_325 = tpu.memref_slice %arg12[%mul3A_2, %dma_start3A_324] : memref<10240x40xf32, #tpu.memory_space<vmem_shared>> -> memref<640x40xf32, #tpu.memory_space<vmem_shared>>
        tpu.enqueue_dma source(%dma_start3A_325 : memref<640x40xf32, #tpu.memory_space<vmem_shared>>) target(%dma_start3A_323 : memref<640x40xf32, #tpu.memory_space<hbm>>) target_semaphore(%run_scoped3A_321 : memref<!tpu.dma_semaphore, #tpu.memory_space<semaphore_mem>>)
        %dma_wait3A_326 = arith.constant 0 : i32
        %dma_wait3A_327 = tpu.memref_slice %arg6[%mul3A_2, %dma_wait3A_326] : memref<10240x40xf32, #tpu.memory_space<hbm>> -> memref<640x40xf32, #tpu.memory_space<hbm>>
        %dma_wait3A_328 = arith.constant 0 : i32
        %dma_wait3A_329 = tpu.memref_slice %arg12[%mul3A_2, %dma_wait3A_328] : memref<10240x40xf32, #tpu.memory_space<vmem_shared>> -> memref<640x40xf32, #tpu.memory_space<vmem_shared>>
        tpu.wait_dma2 semaphore(%run_scoped3A_321 : memref<!tpu.dma_semaphore, #tpu.memory_space<semaphore_mem>>) src(%dma_wait3A_329 : memref<640x40xf32, #tpu.memory_space<vmem_shared>>) dst(%dma_wait3A_327 : memref<640x40xf32, #tpu.memory_space<hbm>>)
        tpu.yield
      }) : () -> ()
    } else {
    }
    return
  }
}

#map = affine_map<(d0, d1) -> (0, 0)>
#map1 = affine_map<(d0, d1) -> (0, 0, 0, 0)>
module attributes {stable_mosaic.version = 14 : i64} {
  func.func @body(%arg0: i32, %arg1: i32, %arg2: memref<10240x16xf32, #tpu.memory_space<hbm>>, %arg3: memref<2x32x80x125xi32, #tpu.memory_space<hbm>>, %arg4: memref<640x16xf32, #tpu.memory_space<hbm>>, %arg5: memref<10240x16xf32, #tpu.memory_space<hbm>>, %arg6: memref<10240x16xf32, #tpu.memory_space<hbm>>, %arg7: memref<80x125xi32, #tpu.memory_space<vmem>>, %arg8: memref<80x125xi32, #tpu.memory_space<vmem>>, %arg9: memref<2x8x125x16xf32, #tpu.memory_space<vmem>>, %arg10: memref<!tpu.dma_semaphore, #tpu.memory_space<semaphore_mem>>, %arg11: memref<!tpu.dma_semaphore, #tpu.memory_space<semaphore_mem>>, %arg12: memref<10240x16xf32, #tpu.memory_space<vmem_shared>>, %arg13: memref<10240x16xf32, #tpu.memory_space<vmem_shared>>) attributes {dimension_semantics = [#tpu.dimension_semantics<core_parallel>, #tpu.dimension_semantics<subcore_parallel>], iteration_bounds = array<i64: 2, 16>, scalar_prefetch = 0 : i64, scratch_operands = 7 : i64, tpu.core_type = #tpu.core_type<sc_vector_subcore>, window_params = [{transform_indices = #map}, {transform_indices = #map1}, {transform_indices = #map}, {transform_indices = #map}, {transform_indices = #map}]} {
    %mul3A = arith.constant 16 : i32
    %mul3A_0 = arith.muli %arg0, %mul3A : i32
    %add3A = arith.addi %mul3A_0, %arg1 : i32
    %mul3A_1 = arith.constant 640 : i32
    %mul3A_2 = arith.muli %arg1, %mul3A_1 : i32
    "tpu.region"() ({
      %run_scoped3A_321 = tpu.sem_alloc : memref<!tpu.dma_semaphore, #tpu.memory_space<semaphore_mem>>
      %dma_start3A_322 = arith.constant 0 : i32
      %dma_start3A_323 = tpu.memref_slice %arg12[%mul3A_2, %dma_start3A_322] : memref<10240x16xf32, #tpu.memory_space<vmem_shared>> -> memref<640x16xf32, #tpu.memory_space<vmem_shared>>
      tpu.enqueue_dma source(%arg4 : memref<640x16xf32, #tpu.memory_space<hbm>>) target(%dma_start3A_323 : memref<640x16xf32, #tpu.memory_space<vmem_shared>>) target_semaphore(%run_scoped3A_321 : memref<!tpu.dma_semaphore, #tpu.memory_space<semaphore_mem>>)
      %dma_wait3A_324 = arith.constant 0 : i32
      %dma_wait3A_325 = tpu.memref_slice %arg12[%mul3A_2, %dma_wait3A_324] : memref<10240x16xf32, #tpu.memory_space<vmem_shared>> -> memref<640x16xf32, #tpu.memory_space<vmem_shared>>
      tpu.wait_dma2 semaphore(%run_scoped3A_321 : memref<!tpu.dma_semaphore, #tpu.memory_space<semaphore_mem>>) src(%arg4 : memref<640x16xf32, #tpu.memory_space<hbm>>) dst(%dma_wait3A_325 : memref<640x16xf32, #tpu.memory_space<vmem_shared>>)
      tpu.yield
    }) : () -> ()
    "tpu.region"() ({
      %run_scoped3A_321 = tpu.sem_alloc : memref<!tpu.dma_semaphore, #tpu.memory_space<semaphore_mem>>
      %dma_start3A_322 = arith.constant 0 : i32
      %dma_start3A_323 = tpu.memref_slice %arg13[%mul3A_2, %dma_start3A_322] : memref<10240x16xf32, #tpu.memory_space<vmem_shared>> -> memref<640x16xf32, #tpu.memory_space<vmem_shared>>
      %dma_start3A_324 = arith.constant 0 : i32
      %dma_start3A_325 = tpu.memref_slice %arg2[%mul3A_2, %dma_start3A_324] : memref<10240x16xf32, #tpu.memory_space<hbm>> -> memref<640x16xf32, #tpu.memory_space<hbm>>
      tpu.enqueue_dma source(%dma_start3A_325 : memref<640x16xf32, #tpu.memory_space<hbm>>) target(%dma_start3A_323 : memref<640x16xf32, #tpu.memory_space<vmem_shared>>) target_semaphore(%run_scoped3A_321 : memref<!tpu.dma_semaphore, #tpu.memory_space<semaphore_mem>>)
      %dma_wait3A_326 = arith.constant 0 : i32
      %dma_wait3A_327 = tpu.memref_slice %arg13[%mul3A_2, %dma_wait3A_326] : memref<10240x16xf32, #tpu.memory_space<vmem_shared>> -> memref<640x16xf32, #tpu.memory_space<vmem_shared>>
      %dma_wait3A_328 = arith.constant 0 : i32
      %dma_wait3A_329 = tpu.memref_slice %arg2[%mul3A_2, %dma_wait3A_328] : memref<10240x16xf32, #tpu.memory_space<hbm>> -> memref<640x16xf32, #tpu.memory_space<hbm>>
      tpu.wait_dma2 semaphore(%run_scoped3A_321 : memref<!tpu.dma_semaphore, #tpu.memory_space<semaphore_mem>>) src(%dma_wait3A_329 : memref<640x16xf32, #tpu.memory_space<hbm>>) dst(%dma_wait3A_327 : memref<640x16xf32, #tpu.memory_space<vmem_shared>>)
      tpu.yield
    }) : () -> ()
    %run_scoped3A = arith.constant 0 : i32
    "tpu.region"() ({
      %run_scoped3A_321 = tpu.sem_alloc : memref<!tpu.dma_semaphore, #tpu.memory_space<semaphore_mem>>
      %dma_start3A_322 = arith.constant 0 : i32
      %dma_start3A_323 = arith.constant 0 : i32
      %dma_start3A_324 = tpu.memref_slice %arg3[%run_scoped3A, %add3A, %dma_start3A_322, %dma_start3A_323] : memref<2x32x80x125xi32, #tpu.memory_space<hbm>> -> memref<1x1x80x125xi32, #tpu.memory_space<hbm>>
      %dma_start3A_325 = tpu.memref_squeeze %dma_start3A_324 : memref<1x1x80x125xi32, #tpu.memory_space<hbm>> -> memref<80x125xi32, #tpu.memory_space<hbm>>
      %dma_start3A_326 = arith.constant 0 : i32
      %dma_start3A_327 = arith.constant 0 : i32
      %dma_start3A_328 = tpu.memref_slice %arg3[%run_scoped3A, %add3A, %dma_start3A_326, %dma_start3A_327] : memref<2x32x80x125xi32, #tpu.memory_space<hbm>> -> memref<1x1x80x125xi32, #tpu.memory_space<hbm>>
      %dma_start3A_329 = tpu.memref_squeeze %dma_start3A_328 : memref<1x1x80x125xi32, #tpu.memory_space<hbm>> -> memref<80x125xi32, #tpu.memory_space<hbm>>
      tpu.enqueue_dma source(%dma_start3A_329 : memref<80x125xi32, #tpu.memory_space<hbm>>) target(%arg7 : memref<80x125xi32, #tpu.memory_space<vmem>>) target_semaphore(%run_scoped3A_321 : memref<!tpu.dma_semaphore, #tpu.memory_space<semaphore_mem>>)
      %dma_wait3A_330 = arith.constant 0 : i32
      %dma_wait3A_331 = arith.constant 0 : i32
      %dma_wait3A_332 = tpu.memref_slice %arg3[%run_scoped3A, %add3A, %dma_wait3A_330, %dma_wait3A_331] : memref<2x32x80x125xi32, #tpu.memory_space<hbm>> -> memref<1x1x80x125xi32, #tpu.memory_space<hbm>>
      %dma_wait3A_333 = tpu.memref_squeeze %dma_wait3A_332 : memref<1x1x80x125xi32, #tpu.memory_space<hbm>> -> memref<80x125xi32, #tpu.memory_space<hbm>>
      %dma_wait3A_334 = arith.constant 0 : i32
      %dma_wait3A_335 = arith.constant 0 : i32
      %dma_wait3A_336 = tpu.memref_slice %arg3[%run_scoped3A, %add3A, %dma_wait3A_334, %dma_wait3A_335] : memref<2x32x80x125xi32, #tpu.memory_space<hbm>> -> memref<1x1x80x125xi32, #tpu.memory_space<hbm>>
      %dma_wait3A_337 = tpu.memref_squeeze %dma_wait3A_336 : memref<1x1x80x125xi32, #tpu.memory_space<hbm>> -> memref<80x125xi32, #tpu.memory_space<hbm>>
      tpu.wait_dma2 semaphore(%run_scoped3A_321 : memref<!tpu.dma_semaphore, #tpu.memory_space<semaphore_mem>>) src(%dma_wait3A_337 : memref<80x125xi32, #tpu.memory_space<hbm>>) dst(%arg7 : memref<80x125xi32, #tpu.memory_space<vmem>>)
      tpu.yield
    }) : () -> ()
    %run_scoped3A_3 = arith.constant 1 : i32
    "tpu.region"() ({
      %run_scoped3A_321 = tpu.sem_alloc : memref<!tpu.dma_semaphore, #tpu.memory_space<semaphore_mem>>
      %dma_start3A_322 = arith.constant 0 : i32
      %dma_start3A_323 = arith.constant 0 : i32
      %dma_start3A_324 = tpu.memref_slice %arg3[%run_scoped3A_3, %add3A, %dma_start3A_322, %dma_start3A_323] : memref<2x32x80x125xi32, #tpu.memory_space<hbm>> -> memref<1x1x80x125xi32, #tpu.memory_space<hbm>>
      %dma_start3A_325 = tpu.memref_squeeze %dma_start3A_324 : memref<1x1x80x125xi32, #tpu.memory_space<hbm>> -> memref<80x125xi32, #tpu.memory_space<hbm>>
      %dma_start3A_326 = arith.constant 0 : i32
      %dma_start3A_327 = arith.constant 0 : i32
      %dma_start3A_328 = tpu.memref_slice %arg3[%run_scoped3A_3, %add3A, %dma_start3A_326, %dma_start3A_327] : memref<2x32x80x125xi32, #tpu.memory_space<hbm>> -> memref<1x1x80x125xi32, #tpu.memory_space<hbm>>
      %dma_start3A_329 = tpu.memref_squeeze %dma_start3A_328 : memref<1x1x80x125xi32, #tpu.memory_space<hbm>> -> memref<80x125xi32, #tpu.memory_space<hbm>>
      tpu.enqueue_dma source(%dma_start3A_329 : memref<80x125xi32, #tpu.memory_space<hbm>>) target(%arg8 : memref<80x125xi32, #tpu.memory_space<vmem>>) target_semaphore(%run_scoped3A_321 : memref<!tpu.dma_semaphore, #tpu.memory_space<semaphore_mem>>)
      %dma_wait3A_330 = arith.constant 0 : i32
      %dma_wait3A_331 = arith.constant 0 : i32
      %dma_wait3A_332 = tpu.memref_slice %arg3[%run_scoped3A_3, %add3A, %dma_wait3A_330, %dma_wait3A_331] : memref<2x32x80x125xi32, #tpu.memory_space<hbm>> -> memref<1x1x80x125xi32, #tpu.memory_space<hbm>>
      %dma_wait3A_333 = tpu.memref_squeeze %dma_wait3A_332 : memref<1x1x80x125xi32, #tpu.memory_space<hbm>> -> memref<80x125xi32, #tpu.memory_space<hbm>>
      %dma_wait3A_334 = arith.constant 0 : i32
      %dma_wait3A_335 = arith.constant 0 : i32
      %dma_wait3A_336 = tpu.memref_slice %arg3[%run_scoped3A_3, %add3A, %dma_wait3A_334, %dma_wait3A_335] : memref<2x32x80x125xi32, #tpu.memory_space<hbm>> -> memref<1x1x80x125xi32, #tpu.memory_space<hbm>>
      %dma_wait3A_337 = tpu.memref_squeeze %dma_wait3A_336 : memref<1x1x80x125xi32, #tpu.memory_space<hbm>> -> memref<80x125xi32, #tpu.memory_space<hbm>>
      tpu.wait_dma2 semaphore(%run_scoped3A_321 : memref<!tpu.dma_semaphore, #tpu.memory_space<semaphore_mem>>) src(%dma_wait3A_337 : memref<80x125xi32, #tpu.memory_space<hbm>>) dst(%arg8 : memref<80x125xi32, #tpu.memory_space<vmem>>)
      tpu.yield
    }) : () -> ()
    %barrier3A = arith.constant 0 : index
    tpu.barrier barrier_id(%barrier3A)
    %dma_start3A = arith.constant 0 : i32
    %dma_start3A_4 = arith.constant 0 : i32
    %dma_start3A_5 = arith.constant 0 : i32
    %dma_start3A_6 = arith.constant 0 : i32
    %dma_start3A_7 = arith.constant 0 : i32
    %dma_start3A_8 = tpu.memref_slice %arg9[%dma_start3A_4, %dma_start3A_5, %dma_start3A_6, %dma_start3A_7] : memref<2x8x125x16xf32, #tpu.memory_space<vmem>> -> memref<1x1x125x16xf32, #tpu.memory_space<vmem>>
    %dma_start3A_9 = tpu.memref_squeeze %dma_start3A_8 : memref<1x1x125x16xf32, #tpu.memory_space<vmem>> -> memref<125x16xf32, #tpu.memory_space<vmem>>
    %dma_start3A_10 = arith.constant 0 : i32
    %dma_start3A_11 = tpu.memref_slice %arg7[%dma_start3A, %dma_start3A_10] : memref<80x125xi32, #tpu.memory_space<vmem>> -> memref<1x125xi32, #tpu.memory_space<vmem>>
    %dma_start3A_12 = tpu.memref_squeeze %dma_start3A_11 : memref<1x125xi32, #tpu.memory_space<vmem>> -> memref<125xi32, #tpu.memory_space<vmem>>
    %dma_start3A_13 = arith.constant 0 : i32
    %dma_start3A_14 = arith.constant 0 : i32
    %dma_start3A_15 = tpu.memref_slice %arg13[%dma_start3A_13, %dma_start3A_14] : memref<10240x16xf32, #tpu.memory_space<vmem_shared>> -> memref<10240x16xf32, #tpu.memory_space<vmem_shared>>
    tpu.enqueue_indirect_dma source(%dma_start3A_15 : memref<10240x16xf32, #tpu.memory_space<vmem_shared>>) target(%dma_start3A_9 : memref<125x16xf32, #tpu.memory_space<vmem>>) offsets(%dma_start3A_12 : memref<125xi32, #tpu.memory_space<vmem>>) semaphore(%arg10 : memref<!tpu.dma_semaphore, #tpu.memory_space<semaphore_mem>>)
    %dma_start3A_16 = arith.constant 1 : i32
    %dma_start3A_17 = arith.constant 0 : i32
    %dma_start3A_18 = arith.constant 1 : i32
    %dma_start3A_19 = arith.constant 0 : i32
    %dma_start3A_20 = arith.constant 0 : i32
    %dma_start3A_21 = tpu.memref_slice %arg9[%dma_start3A_17, %dma_start3A_18, %dma_start3A_19, %dma_start3A_20] : memref<2x8x125x16xf32, #tpu.memory_space<vmem>> -> memref<1x1x125x16xf32, #tpu.memory_space<vmem>>
    %dma_start3A_22 = tpu.memref_squeeze %dma_start3A_21 : memref<1x1x125x16xf32, #tpu.memory_space<vmem>> -> memref<125x16xf32, #tpu.memory_space<vmem>>
    %dma_start3A_23 = arith.constant 0 : i32
    %dma_start3A_24 = tpu.memref_slice %arg7[%dma_start3A_16, %dma_start3A_23] : memref<80x125xi32, #tpu.memory_space<vmem>> -> memref<1x125xi32, #tpu.memory_space<vmem>>
    %dma_start3A_25 = tpu.memref_squeeze %dma_start3A_24 : memref<1x125xi32, #tpu.memory_space<vmem>> -> memref<125xi32, #tpu.memory_space<vmem>>
    %dma_start3A_26 = arith.constant 0 : i32
    %dma_start3A_27 = arith.constant 0 : i32
    %dma_start3A_28 = tpu.memref_slice %arg13[%dma_start3A_26, %dma_start3A_27] : memref<10240x16xf32, #tpu.memory_space<vmem_shared>> -> memref<10240x16xf32, #tpu.memory_space<vmem_shared>>
    tpu.enqueue_indirect_dma source(%dma_start3A_28 : memref<10240x16xf32, #tpu.memory_space<vmem_shared>>) target(%dma_start3A_22 : memref<125x16xf32, #tpu.memory_space<vmem>>) offsets(%dma_start3A_25 : memref<125xi32, #tpu.memory_space<vmem>>) semaphore(%arg10 : memref<!tpu.dma_semaphore, #tpu.memory_space<semaphore_mem>>)
    %dma_start3A_29 = arith.constant 2 : i32
    %dma_start3A_30 = arith.constant 0 : i32
    %dma_start3A_31 = arith.constant 2 : i32
    %dma_start3A_32 = arith.constant 0 : i32
    %dma_start3A_33 = arith.constant 0 : i32
    %dma_start3A_34 = tpu.memref_slice %arg9[%dma_start3A_30, %dma_start3A_31, %dma_start3A_32, %dma_start3A_33] : memref<2x8x125x16xf32, #tpu.memory_space<vmem>> -> memref<1x1x125x16xf32, #tpu.memory_space<vmem>>
    %dma_start3A_35 = tpu.memref_squeeze %dma_start3A_34 : memref<1x1x125x16xf32, #tpu.memory_space<vmem>> -> memref<125x16xf32, #tpu.memory_space<vmem>>
    %dma_start3A_36 = arith.constant 0 : i32
    %dma_start3A_37 = tpu.memref_slice %arg7[%dma_start3A_29, %dma_start3A_36] : memref<80x125xi32, #tpu.memory_space<vmem>> -> memref<1x125xi32, #tpu.memory_space<vmem>>
    %dma_start3A_38 = tpu.memref_squeeze %dma_start3A_37 : memref<1x125xi32, #tpu.memory_space<vmem>> -> memref<125xi32, #tpu.memory_space<vmem>>
    %dma_start3A_39 = arith.constant 0 : i32
    %dma_start3A_40 = arith.constant 0 : i32
    %dma_start3A_41 = tpu.memref_slice %arg13[%dma_start3A_39, %dma_start3A_40] : memref<10240x16xf32, #tpu.memory_space<vmem_shared>> -> memref<10240x16xf32, #tpu.memory_space<vmem_shared>>
    tpu.enqueue_indirect_dma source(%dma_start3A_41 : memref<10240x16xf32, #tpu.memory_space<vmem_shared>>) target(%dma_start3A_35 : memref<125x16xf32, #tpu.memory_space<vmem>>) offsets(%dma_start3A_38 : memref<125xi32, #tpu.memory_space<vmem>>) semaphore(%arg10 : memref<!tpu.dma_semaphore, #tpu.memory_space<semaphore_mem>>)
    %dma_start3A_42 = arith.constant 3 : i32
    %dma_start3A_43 = arith.constant 0 : i32
    %dma_start3A_44 = arith.constant 3 : i32
    %dma_start3A_45 = arith.constant 0 : i32
    %dma_start3A_46 = arith.constant 0 : i32
    %dma_start3A_47 = tpu.memref_slice %arg9[%dma_start3A_43, %dma_start3A_44, %dma_start3A_45, %dma_start3A_46] : memref<2x8x125x16xf32, #tpu.memory_space<vmem>> -> memref<1x1x125x16xf32, #tpu.memory_space<vmem>>
    %dma_start3A_48 = tpu.memref_squeeze %dma_start3A_47 : memref<1x1x125x16xf32, #tpu.memory_space<vmem>> -> memref<125x16xf32, #tpu.memory_space<vmem>>
    %dma_start3A_49 = arith.constant 0 : i32
    %dma_start3A_50 = tpu.memref_slice %arg7[%dma_start3A_42, %dma_start3A_49] : memref<80x125xi32, #tpu.memory_space<vmem>> -> memref<1x125xi32, #tpu.memory_space<vmem>>
    %dma_start3A_51 = tpu.memref_squeeze %dma_start3A_50 : memref<1x125xi32, #tpu.memory_space<vmem>> -> memref<125xi32, #tpu.memory_space<vmem>>
    %dma_start3A_52 = arith.constant 0 : i32
    %dma_start3A_53 = arith.constant 0 : i32
    %dma_start3A_54 = tpu.memref_slice %arg13[%dma_start3A_52, %dma_start3A_53] : memref<10240x16xf32, #tpu.memory_space<vmem_shared>> -> memref<10240x16xf32, #tpu.memory_space<vmem_shared>>
    tpu.enqueue_indirect_dma source(%dma_start3A_54 : memref<10240x16xf32, #tpu.memory_space<vmem_shared>>) target(%dma_start3A_48 : memref<125x16xf32, #tpu.memory_space<vmem>>) offsets(%dma_start3A_51 : memref<125xi32, #tpu.memory_space<vmem>>) semaphore(%arg10 : memref<!tpu.dma_semaphore, #tpu.memory_space<semaphore_mem>>)
    %dma_start3A_55 = arith.constant 4 : i32
    %dma_start3A_56 = arith.constant 0 : i32
    %dma_start3A_57 = arith.constant 4 : i32
    %dma_start3A_58 = arith.constant 0 : i32
    %dma_start3A_59 = arith.constant 0 : i32
    %dma_start3A_60 = tpu.memref_slice %arg9[%dma_start3A_56, %dma_start3A_57, %dma_start3A_58, %dma_start3A_59] : memref<2x8x125x16xf32, #tpu.memory_space<vmem>> -> memref<1x1x125x16xf32, #tpu.memory_space<vmem>>
    %dma_start3A_61 = tpu.memref_squeeze %dma_start3A_60 : memref<1x1x125x16xf32, #tpu.memory_space<vmem>> -> memref<125x16xf32, #tpu.memory_space<vmem>>
    %dma_start3A_62 = arith.constant 0 : i32
    %dma_start3A_63 = tpu.memref_slice %arg7[%dma_start3A_55, %dma_start3A_62] : memref<80x125xi32, #tpu.memory_space<vmem>> -> memref<1x125xi32, #tpu.memory_space<vmem>>
    %dma_start3A_64 = tpu.memref_squeeze %dma_start3A_63 : memref<1x125xi32, #tpu.memory_space<vmem>> -> memref<125xi32, #tpu.memory_space<vmem>>
    %dma_start3A_65 = arith.constant 0 : i32
    %dma_start3A_66 = arith.constant 0 : i32
    %dma_start3A_67 = tpu.memref_slice %arg13[%dma_start3A_65, %dma_start3A_66] : memref<10240x16xf32, #tpu.memory_space<vmem_shared>> -> memref<10240x16xf32, #tpu.memory_space<vmem_shared>>
    tpu.enqueue_indirect_dma source(%dma_start3A_67 : memref<10240x16xf32, #tpu.memory_space<vmem_shared>>) target(%dma_start3A_61 : memref<125x16xf32, #tpu.memory_space<vmem>>) offsets(%dma_start3A_64 : memref<125xi32, #tpu.memory_space<vmem>>) semaphore(%arg10 : memref<!tpu.dma_semaphore, #tpu.memory_space<semaphore_mem>>)
    %dma_start3A_68 = arith.constant 5 : i32
    %dma_start3A_69 = arith.constant 0 : i32
    %dma_start3A_70 = arith.constant 5 : i32
    %dma_start3A_71 = arith.constant 0 : i32
    %dma_start3A_72 = arith.constant 0 : i32
    %dma_start3A_73 = tpu.memref_slice %arg9[%dma_start3A_69, %dma_start3A_70, %dma_start3A_71, %dma_start3A_72] : memref<2x8x125x16xf32, #tpu.memory_space<vmem>> -> memref<1x1x125x16xf32, #tpu.memory_space<vmem>>
    %dma_start3A_74 = tpu.memref_squeeze %dma_start3A_73 : memref<1x1x125x16xf32, #tpu.memory_space<vmem>> -> memref<125x16xf32, #tpu.memory_space<vmem>>
    %dma_start3A_75 = arith.constant 0 : i32
    %dma_start3A_76 = tpu.memref_slice %arg7[%dma_start3A_68, %dma_start3A_75] : memref<80x125xi32, #tpu.memory_space<vmem>> -> memref<1x125xi32, #tpu.memory_space<vmem>>
    %dma_start3A_77 = tpu.memref_squeeze %dma_start3A_76 : memref<1x125xi32, #tpu.memory_space<vmem>> -> memref<125xi32, #tpu.memory_space<vmem>>
    %dma_start3A_78 = arith.constant 0 : i32
    %dma_start3A_79 = arith.constant 0 : i32
    %dma_start3A_80 = tpu.memref_slice %arg13[%dma_start3A_78, %dma_start3A_79] : memref<10240x16xf32, #tpu.memory_space<vmem_shared>> -> memref<10240x16xf32, #tpu.memory_space<vmem_shared>>
    tpu.enqueue_indirect_dma source(%dma_start3A_80 : memref<10240x16xf32, #tpu.memory_space<vmem_shared>>) target(%dma_start3A_74 : memref<125x16xf32, #tpu.memory_space<vmem>>) offsets(%dma_start3A_77 : memref<125xi32, #tpu.memory_space<vmem>>) semaphore(%arg10 : memref<!tpu.dma_semaphore, #tpu.memory_space<semaphore_mem>>)
    %dma_start3A_81 = arith.constant 6 : i32
    %dma_start3A_82 = arith.constant 0 : i32
    %dma_start3A_83 = arith.constant 6 : i32
    %dma_start3A_84 = arith.constant 0 : i32
    %dma_start3A_85 = arith.constant 0 : i32
    %dma_start3A_86 = tpu.memref_slice %arg9[%dma_start3A_82, %dma_start3A_83, %dma_start3A_84, %dma_start3A_85] : memref<2x8x125x16xf32, #tpu.memory_space<vmem>> -> memref<1x1x125x16xf32, #tpu.memory_space<vmem>>
    %dma_start3A_87 = tpu.memref_squeeze %dma_start3A_86 : memref<1x1x125x16xf32, #tpu.memory_space<vmem>> -> memref<125x16xf32, #tpu.memory_space<vmem>>
    %dma_start3A_88 = arith.constant 0 : i32
    %dma_start3A_89 = tpu.memref_slice %arg7[%dma_start3A_81, %dma_start3A_88] : memref<80x125xi32, #tpu.memory_space<vmem>> -> memref<1x125xi32, #tpu.memory_space<vmem>>
    %dma_start3A_90 = tpu.memref_squeeze %dma_start3A_89 : memref<1x125xi32, #tpu.memory_space<vmem>> -> memref<125xi32, #tpu.memory_space<vmem>>
    %dma_start3A_91 = arith.constant 0 : i32
    %dma_start3A_92 = arith.constant 0 : i32
    %dma_start3A_93 = tpu.memref_slice %arg13[%dma_start3A_91, %dma_start3A_92] : memref<10240x16xf32, #tpu.memory_space<vmem_shared>> -> memref<10240x16xf32, #tpu.memory_space<vmem_shared>>
    tpu.enqueue_indirect_dma source(%dma_start3A_93 : memref<10240x16xf32, #tpu.memory_space<vmem_shared>>) target(%dma_start3A_87 : memref<125x16xf32, #tpu.memory_space<vmem>>) offsets(%dma_start3A_90 : memref<125xi32, #tpu.memory_space<vmem>>) semaphore(%arg10 : memref<!tpu.dma_semaphore, #tpu.memory_space<semaphore_mem>>)
    %dma_start3A_94 = arith.constant 7 : i32
    %dma_start3A_95 = arith.constant 0 : i32
    %dma_start3A_96 = arith.constant 7 : i32
    %dma_start3A_97 = arith.constant 0 : i32
    %dma_start3A_98 = arith.constant 0 : i32
    %dma_start3A_99 = tpu.memref_slice %arg9[%dma_start3A_95, %dma_start3A_96, %dma_start3A_97, %dma_start3A_98] : memref<2x8x125x16xf32, #tpu.memory_space<vmem>> -> memref<1x1x125x16xf32, #tpu.memory_space<vmem>>
    %dma_start3A_100 = tpu.memref_squeeze %dma_start3A_99 : memref<1x1x125x16xf32, #tpu.memory_space<vmem>> -> memref<125x16xf32, #tpu.memory_space<vmem>>
    %dma_start3A_101 = arith.constant 0 : i32
    %dma_start3A_102 = tpu.memref_slice %arg7[%dma_start3A_94, %dma_start3A_101] : memref<80x125xi32, #tpu.memory_space<vmem>> -> memref<1x125xi32, #tpu.memory_space<vmem>>
    %dma_start3A_103 = tpu.memref_squeeze %dma_start3A_102 : memref<1x125xi32, #tpu.memory_space<vmem>> -> memref<125xi32, #tpu.memory_space<vmem>>
    %dma_start3A_104 = arith.constant 0 : i32
    %dma_start3A_105 = arith.constant 0 : i32
    %dma_start3A_106 = tpu.memref_slice %arg13[%dma_start3A_104, %dma_start3A_105] : memref<10240x16xf32, #tpu.memory_space<vmem_shared>> -> memref<10240x16xf32, #tpu.memory_space<vmem_shared>>
    tpu.enqueue_indirect_dma source(%dma_start3A_106 : memref<10240x16xf32, #tpu.memory_space<vmem_shared>>) target(%dma_start3A_100 : memref<125x16xf32, #tpu.memory_space<vmem>>) offsets(%dma_start3A_103 : memref<125xi32, #tpu.memory_space<vmem>>) semaphore(%arg10 : memref<!tpu.dma_semaphore, #tpu.memory_space<semaphore_mem>>)
    %dma_wait3A = arith.constant 0 : i32
    %dma_wait3A_107 = arith.constant 0 : i32
    %dma_wait3A_108 = arith.constant 0 : i32
    %dma_wait3A_109 = arith.constant 0 : i32
    %dma_wait3A_110 = arith.constant 0 : i32
    %dma_wait3A_111 = tpu.memref_slice %arg9[%dma_wait3A_107, %dma_wait3A_108, %dma_wait3A_109, %dma_wait3A_110] : memref<2x8x125x16xf32, #tpu.memory_space<vmem>> -> memref<1x1x125x16xf32, #tpu.memory_space<vmem>>
    %dma_wait3A_112 = tpu.memref_squeeze %dma_wait3A_111 : memref<1x1x125x16xf32, #tpu.memory_space<vmem>> -> memref<125x16xf32, #tpu.memory_space<vmem>>
    %dma_wait3A_113 = arith.constant 0 : i32
    %dma_wait3A_114 = tpu.memref_slice %arg7[%dma_wait3A, %dma_wait3A_113] : memref<80x125xi32, #tpu.memory_space<vmem>> -> memref<1x125xi32, #tpu.memory_space<vmem>>
    %dma_wait3A_115 = tpu.memref_squeeze %dma_wait3A_114 : memref<1x125xi32, #tpu.memory_space<vmem>> -> memref<125xi32, #tpu.memory_space<vmem>>
    %dma_wait3A_116 = arith.constant 0 : i32
    %dma_wait3A_117 = arith.constant 0 : i32
    %dma_wait3A_118 = tpu.memref_slice %arg13[%dma_wait3A_116, %dma_wait3A_117] : memref<10240x16xf32, #tpu.memory_space<vmem_shared>> -> memref<10240x16xf32, #tpu.memory_space<vmem_shared>>
    tpu.wait_indirect_dma semaphore(%arg10 : memref<!tpu.dma_semaphore, #tpu.memory_space<semaphore_mem>>) src(%dma_wait3A_118 : memref<10240x16xf32, #tpu.memory_space<vmem_shared>>) dst(%dma_wait3A_112 : memref<125x16xf32, #tpu.memory_space<vmem>>)
    %dma_wait3A_119 = arith.constant 1 : i32
    %dma_wait3A_120 = arith.constant 0 : i32
    %dma_wait3A_121 = arith.constant 1 : i32
    %dma_wait3A_122 = arith.constant 0 : i32
    %dma_wait3A_123 = arith.constant 0 : i32
    %dma_wait3A_124 = tpu.memref_slice %arg9[%dma_wait3A_120, %dma_wait3A_121, %dma_wait3A_122, %dma_wait3A_123] : memref<2x8x125x16xf32, #tpu.memory_space<vmem>> -> memref<1x1x125x16xf32, #tpu.memory_space<vmem>>
    %dma_wait3A_125 = tpu.memref_squeeze %dma_wait3A_124 : memref<1x1x125x16xf32, #tpu.memory_space<vmem>> -> memref<125x16xf32, #tpu.memory_space<vmem>>
    %dma_wait3A_126 = arith.constant 0 : i32
    %dma_wait3A_127 = tpu.memref_slice %arg7[%dma_wait3A_119, %dma_wait3A_126] : memref<80x125xi32, #tpu.memory_space<vmem>> -> memref<1x125xi32, #tpu.memory_space<vmem>>
    %dma_wait3A_128 = tpu.memref_squeeze %dma_wait3A_127 : memref<1x125xi32, #tpu.memory_space<vmem>> -> memref<125xi32, #tpu.memory_space<vmem>>
    %dma_wait3A_129 = arith.constant 0 : i32
    %dma_wait3A_130 = arith.constant 0 : i32
    %dma_wait3A_131 = tpu.memref_slice %arg13[%dma_wait3A_129, %dma_wait3A_130] : memref<10240x16xf32, #tpu.memory_space<vmem_shared>> -> memref<10240x16xf32, #tpu.memory_space<vmem_shared>>
    tpu.wait_indirect_dma semaphore(%arg10 : memref<!tpu.dma_semaphore, #tpu.memory_space<semaphore_mem>>) src(%dma_wait3A_131 : memref<10240x16xf32, #tpu.memory_space<vmem_shared>>) dst(%dma_wait3A_125 : memref<125x16xf32, #tpu.memory_space<vmem>>)
    %dma_wait3A_132 = arith.constant 2 : i32
    %dma_wait3A_133 = arith.constant 0 : i32
    %dma_wait3A_134 = arith.constant 2 : i32
    %dma_wait3A_135 = arith.constant 0 : i32
    %dma_wait3A_136 = arith.constant 0 : i32
    %dma_wait3A_137 = tpu.memref_slice %arg9[%dma_wait3A_133, %dma_wait3A_134, %dma_wait3A_135, %dma_wait3A_136] : memref<2x8x125x16xf32, #tpu.memory_space<vmem>> -> memref<1x1x125x16xf32, #tpu.memory_space<vmem>>
    %dma_wait3A_138 = tpu.memref_squeeze %dma_wait3A_137 : memref<1x1x125x16xf32, #tpu.memory_space<vmem>> -> memref<125x16xf32, #tpu.memory_space<vmem>>
    %dma_wait3A_139 = arith.constant 0 : i32
    %dma_wait3A_140 = tpu.memref_slice %arg7[%dma_wait3A_132, %dma_wait3A_139] : memref<80x125xi32, #tpu.memory_space<vmem>> -> memref<1x125xi32, #tpu.memory_space<vmem>>
    %dma_wait3A_141 = tpu.memref_squeeze %dma_wait3A_140 : memref<1x125xi32, #tpu.memory_space<vmem>> -> memref<125xi32, #tpu.memory_space<vmem>>
    %dma_wait3A_142 = arith.constant 0 : i32
    %dma_wait3A_143 = arith.constant 0 : i32
    %dma_wait3A_144 = tpu.memref_slice %arg13[%dma_wait3A_142, %dma_wait3A_143] : memref<10240x16xf32, #tpu.memory_space<vmem_shared>> -> memref<10240x16xf32, #tpu.memory_space<vmem_shared>>
    tpu.wait_indirect_dma semaphore(%arg10 : memref<!tpu.dma_semaphore, #tpu.memory_space<semaphore_mem>>) src(%dma_wait3A_144 : memref<10240x16xf32, #tpu.memory_space<vmem_shared>>) dst(%dma_wait3A_138 : memref<125x16xf32, #tpu.memory_space<vmem>>)
    %dma_wait3A_145 = arith.constant 3 : i32
    %dma_wait3A_146 = arith.constant 0 : i32
    %dma_wait3A_147 = arith.constant 3 : i32
    %dma_wait3A_148 = arith.constant 0 : i32
    %dma_wait3A_149 = arith.constant 0 : i32
    %dma_wait3A_150 = tpu.memref_slice %arg9[%dma_wait3A_146, %dma_wait3A_147, %dma_wait3A_148, %dma_wait3A_149] : memref<2x8x125x16xf32, #tpu.memory_space<vmem>> -> memref<1x1x125x16xf32, #tpu.memory_space<vmem>>
    %dma_wait3A_151 = tpu.memref_squeeze %dma_wait3A_150 : memref<1x1x125x16xf32, #tpu.memory_space<vmem>> -> memref<125x16xf32, #tpu.memory_space<vmem>>
    %dma_wait3A_152 = arith.constant 0 : i32
    %dma_wait3A_153 = tpu.memref_slice %arg7[%dma_wait3A_145, %dma_wait3A_152] : memref<80x125xi32, #tpu.memory_space<vmem>> -> memref<1x125xi32, #tpu.memory_space<vmem>>
    %dma_wait3A_154 = tpu.memref_squeeze %dma_wait3A_153 : memref<1x125xi32, #tpu.memory_space<vmem>> -> memref<125xi32, #tpu.memory_space<vmem>>
    %dma_wait3A_155 = arith.constant 0 : i32
    %dma_wait3A_156 = arith.constant 0 : i32
    %dma_wait3A_157 = tpu.memref_slice %arg13[%dma_wait3A_155, %dma_wait3A_156] : memref<10240x16xf32, #tpu.memory_space<vmem_shared>> -> memref<10240x16xf32, #tpu.memory_space<vmem_shared>>
    tpu.wait_indirect_dma semaphore(%arg10 : memref<!tpu.dma_semaphore, #tpu.memory_space<semaphore_mem>>) src(%dma_wait3A_157 : memref<10240x16xf32, #tpu.memory_space<vmem_shared>>) dst(%dma_wait3A_151 : memref<125x16xf32, #tpu.memory_space<vmem>>)
    %dma_wait3A_158 = arith.constant 4 : i32
    %dma_wait3A_159 = arith.constant 0 : i32
    %dma_wait3A_160 = arith.constant 4 : i32
    %dma_wait3A_161 = arith.constant 0 : i32
    %dma_wait3A_162 = arith.constant 0 : i32
    %dma_wait3A_163 = tpu.memref_slice %arg9[%dma_wait3A_159, %dma_wait3A_160, %dma_wait3A_161, %dma_wait3A_162] : memref<2x8x125x16xf32, #tpu.memory_space<vmem>> -> memref<1x1x125x16xf32, #tpu.memory_space<vmem>>
    %dma_wait3A_164 = tpu.memref_squeeze %dma_wait3A_163 : memref<1x1x125x16xf32, #tpu.memory_space<vmem>> -> memref<125x16xf32, #tpu.memory_space<vmem>>
    %dma_wait3A_165 = arith.constant 0 : i32
    %dma_wait3A_166 = tpu.memref_slice %arg7[%dma_wait3A_158, %dma_wait3A_165] : memref<80x125xi32, #tpu.memory_space<vmem>> -> memref<1x125xi32, #tpu.memory_space<vmem>>
    %dma_wait3A_167 = tpu.memref_squeeze %dma_wait3A_166 : memref<1x125xi32, #tpu.memory_space<vmem>> -> memref<125xi32, #tpu.memory_space<vmem>>
    %dma_wait3A_168 = arith.constant 0 : i32
    %dma_wait3A_169 = arith.constant 0 : i32
    %dma_wait3A_170 = tpu.memref_slice %arg13[%dma_wait3A_168, %dma_wait3A_169] : memref<10240x16xf32, #tpu.memory_space<vmem_shared>> -> memref<10240x16xf32, #tpu.memory_space<vmem_shared>>
    tpu.wait_indirect_dma semaphore(%arg10 : memref<!tpu.dma_semaphore, #tpu.memory_space<semaphore_mem>>) src(%dma_wait3A_170 : memref<10240x16xf32, #tpu.memory_space<vmem_shared>>) dst(%dma_wait3A_164 : memref<125x16xf32, #tpu.memory_space<vmem>>)
    %dma_wait3A_171 = arith.constant 5 : i32
    %dma_wait3A_172 = arith.constant 0 : i32
    %dma_wait3A_173 = arith.constant 5 : i32
    %dma_wait3A_174 = arith.constant 0 : i32
    %dma_wait3A_175 = arith.constant 0 : i32
    %dma_wait3A_176 = tpu.memref_slice %arg9[%dma_wait3A_172, %dma_wait3A_173, %dma_wait3A_174, %dma_wait3A_175] : memref<2x8x125x16xf32, #tpu.memory_space<vmem>> -> memref<1x1x125x16xf32, #tpu.memory_space<vmem>>
    %dma_wait3A_177 = tpu.memref_squeeze %dma_wait3A_176 : memref<1x1x125x16xf32, #tpu.memory_space<vmem>> -> memref<125x16xf32, #tpu.memory_space<vmem>>
    %dma_wait3A_178 = arith.constant 0 : i32
    %dma_wait3A_179 = tpu.memref_slice %arg7[%dma_wait3A_171, %dma_wait3A_178] : memref<80x125xi32, #tpu.memory_space<vmem>> -> memref<1x125xi32, #tpu.memory_space<vmem>>
    %dma_wait3A_180 = tpu.memref_squeeze %dma_wait3A_179 : memref<1x125xi32, #tpu.memory_space<vmem>> -> memref<125xi32, #tpu.memory_space<vmem>>
    %dma_wait3A_181 = arith.constant 0 : i32
    %dma_wait3A_182 = arith.constant 0 : i32
    %dma_wait3A_183 = tpu.memref_slice %arg13[%dma_wait3A_181, %dma_wait3A_182] : memref<10240x16xf32, #tpu.memory_space<vmem_shared>> -> memref<10240x16xf32, #tpu.memory_space<vmem_shared>>
    tpu.wait_indirect_dma semaphore(%arg10 : memref<!tpu.dma_semaphore, #tpu.memory_space<semaphore_mem>>) src(%dma_wait3A_183 : memref<10240x16xf32, #tpu.memory_space<vmem_shared>>) dst(%dma_wait3A_177 : memref<125x16xf32, #tpu.memory_space<vmem>>)
    %dma_wait3A_184 = arith.constant 6 : i32
    %dma_wait3A_185 = arith.constant 0 : i32
    %dma_wait3A_186 = arith.constant 6 : i32
    %dma_wait3A_187 = arith.constant 0 : i32
    %dma_wait3A_188 = arith.constant 0 : i32
    %dma_wait3A_189 = tpu.memref_slice %arg9[%dma_wait3A_185, %dma_wait3A_186, %dma_wait3A_187, %dma_wait3A_188] : memref<2x8x125x16xf32, #tpu.memory_space<vmem>> -> memref<1x1x125x16xf32, #tpu.memory_space<vmem>>
    %dma_wait3A_190 = tpu.memref_squeeze %dma_wait3A_189 : memref<1x1x125x16xf32, #tpu.memory_space<vmem>> -> memref<125x16xf32, #tpu.memory_space<vmem>>
    %dma_wait3A_191 = arith.constant 0 : i32
    %dma_wait3A_192 = tpu.memref_slice %arg7[%dma_wait3A_184, %dma_wait3A_191] : memref<80x125xi32, #tpu.memory_space<vmem>> -> memref<1x125xi32, #tpu.memory_space<vmem>>
    %dma_wait3A_193 = tpu.memref_squeeze %dma_wait3A_192 : memref<1x125xi32, #tpu.memory_space<vmem>> -> memref<125xi32, #tpu.memory_space<vmem>>
    %dma_wait3A_194 = arith.constant 0 : i32
    %dma_wait3A_195 = arith.constant 0 : i32
    %dma_wait3A_196 = tpu.memref_slice %arg13[%dma_wait3A_194, %dma_wait3A_195] : memref<10240x16xf32, #tpu.memory_space<vmem_shared>> -> memref<10240x16xf32, #tpu.memory_space<vmem_shared>>
    tpu.wait_indirect_dma semaphore(%arg10 : memref<!tpu.dma_semaphore, #tpu.memory_space<semaphore_mem>>) src(%dma_wait3A_196 : memref<10240x16xf32, #tpu.memory_space<vmem_shared>>) dst(%dma_wait3A_190 : memref<125x16xf32, #tpu.memory_space<vmem>>)
    %dma_wait3A_197 = arith.constant 7 : i32
    %dma_wait3A_198 = arith.constant 0 : i32
    %dma_wait3A_199 = arith.constant 7 : i32
    %dma_wait3A_200 = arith.constant 0 : i32
    %dma_wait3A_201 = arith.constant 0 : i32
    %dma_wait3A_202 = tpu.memref_slice %arg9[%dma_wait3A_198, %dma_wait3A_199, %dma_wait3A_200, %dma_wait3A_201] : memref<2x8x125x16xf32, #tpu.memory_space<vmem>> -> memref<1x1x125x16xf32, #tpu.memory_space<vmem>>
    %dma_wait3A_203 = tpu.memref_squeeze %dma_wait3A_202 : memref<1x1x125x16xf32, #tpu.memory_space<vmem>> -> memref<125x16xf32, #tpu.memory_space<vmem>>
    %dma_wait3A_204 = arith.constant 0 : i32
    %dma_wait3A_205 = tpu.memref_slice %arg7[%dma_wait3A_197, %dma_wait3A_204] : memref<80x125xi32, #tpu.memory_space<vmem>> -> memref<1x125xi32, #tpu.memory_space<vmem>>
    %dma_wait3A_206 = tpu.memref_squeeze %dma_wait3A_205 : memref<1x125xi32, #tpu.memory_space<vmem>> -> memref<125xi32, #tpu.memory_space<vmem>>
    %dma_wait3A_207 = arith.constant 0 : i32
    %dma_wait3A_208 = arith.constant 0 : i32
    %dma_wait3A_209 = tpu.memref_slice %arg13[%dma_wait3A_207, %dma_wait3A_208] : memref<10240x16xf32, #tpu.memory_space<vmem_shared>> -> memref<10240x16xf32, #tpu.memory_space<vmem_shared>>
    tpu.wait_indirect_dma semaphore(%arg10 : memref<!tpu.dma_semaphore, #tpu.memory_space<semaphore_mem>>) src(%dma_wait3A_209 : memref<10240x16xf32, #tpu.memory_space<vmem_shared>>) dst(%dma_wait3A_203 : memref<125x16xf32, #tpu.memory_space<vmem>>)
    %scan3A = arith.constant 0 : i32
    %scan3A_210 = arith.constant 0 : i32
    %scan3A_211 = arith.constant 10 : i32
    %scan3A_212 = arith.addi %scan3A_210, %scan3A_211 : i32
    %scan3A_213 = arith.constant 1 : i32
    scf.for %scan3A_321 = %scan3A_210 to %scan3A_212 step %scan3A_213  : i32 {
      %rem3A_322 = arith.constant 2 : i32
      %rem3A_323 = arith.remsi %scan3A_321, %rem3A_322 : i32
      %gt3A = arith.constant 0 : i32
      %gt3A_324 = arith.cmpi sgt, %scan3A_321, %gt3A : i32
      %convert_element_type3A_325 = arith.extui %gt3A_324 : i1 to i32
      %cond3A_326 = arith.constant 0 : i32
      %cond3A_327 = arith.cmpi ne, %convert_element_type3A_325, %cond3A_326 : i32
      scf.if %cond3A_327 {
        %sub3A = arith.constant 1 : i32
        %sub3A_452 = arith.subi %sub3A, %rem3A_323 : i32
        %mul3A_453 = arith.constant 8 : i32
        %mul3A_454 = arith.muli %scan3A_321, %mul3A_453 : i32
        %add3A_455 = arith.constant 0 : i32
        %add3A_456 = arith.addi %mul3A_454, %add3A_455 : i32
        %dma_wait3A_457 = arith.constant 0 : i32
        %dma_wait3A_458 = arith.constant 0 : i32
        %dma_wait3A_459 = arith.constant 0 : i32
        %dma_wait3A_460 = tpu.memref_slice %arg9[%sub3A_452, %dma_wait3A_457, %dma_wait3A_458, %dma_wait3A_459] : memref<2x8x125x16xf32, #tpu.memory_space<vmem>> -> memref<1x1x125x16xf32, #tpu.memory_space<vmem>>
        %dma_wait3A_461 = tpu.memref_squeeze %dma_wait3A_460 : memref<1x1x125x16xf32, #tpu.memory_space<vmem>> -> memref<125x16xf32, #tpu.memory_space<vmem>>
        %dma_wait3A_462 = arith.constant 0 : i32
        %dma_wait3A_463 = tpu.memref_slice %arg8[%add3A_456, %dma_wait3A_462] : memref<80x125xi32, #tpu.memory_space<vmem>> -> memref<1x125xi32, #tpu.memory_space<vmem>>
        %dma_wait3A_464 = tpu.memref_squeeze %dma_wait3A_463 : memref<1x125xi32, #tpu.memory_space<vmem>> -> memref<125xi32, #tpu.memory_space<vmem>>
        %dma_wait3A_465 = arith.constant 0 : i32
        %dma_wait3A_466 = arith.constant 0 : i32
        %dma_wait3A_467 = tpu.memref_slice %arg12[%dma_wait3A_465, %dma_wait3A_466] : memref<10240x16xf32, #tpu.memory_space<vmem_shared>> -> memref<10240x16xf32, #tpu.memory_space<vmem_shared>>
        tpu.wait_indirect_dma semaphore(%arg11 : memref<!tpu.dma_semaphore, #tpu.memory_space<semaphore_mem>>) src(%dma_wait3A_461 : memref<125x16xf32, #tpu.memory_space<vmem>>) dst(%dma_wait3A_467 : memref<10240x16xf32, #tpu.memory_space<vmem_shared>>)
        %mul3A_468 = arith.constant 8 : i32
        %mul3A_469 = arith.muli %scan3A_321, %mul3A_468 : i32
        %add3A_470 = arith.constant 1 : i32
        %add3A_471 = arith.addi %mul3A_469, %add3A_470 : i32
        %dma_wait3A_472 = arith.constant 1 : i32
        %dma_wait3A_473 = arith.constant 0 : i32
        %dma_wait3A_474 = arith.constant 0 : i32
        %dma_wait3A_475 = tpu.memref_slice %arg9[%sub3A_452, %dma_wait3A_472, %dma_wait3A_473, %dma_wait3A_474] : memref<2x8x125x16xf32, #tpu.memory_space<vmem>> -> memref<1x1x125x16xf32, #tpu.memory_space<vmem>>
        %dma_wait3A_476 = tpu.memref_squeeze %dma_wait3A_475 : memref<1x1x125x16xf32, #tpu.memory_space<vmem>> -> memref<125x16xf32, #tpu.memory_space<vmem>>
        %dma_wait3A_477 = arith.constant 0 : i32
        %dma_wait3A_478 = tpu.memref_slice %arg8[%add3A_471, %dma_wait3A_477] : memref<80x125xi32, #tpu.memory_space<vmem>> -> memref<1x125xi32, #tpu.memory_space<vmem>>
        %dma_wait3A_479 = tpu.memref_squeeze %dma_wait3A_478 : memref<1x125xi32, #tpu.memory_space<vmem>> -> memref<125xi32, #tpu.memory_space<vmem>>
        %dma_wait3A_480 = arith.constant 0 : i32
        %dma_wait3A_481 = arith.constant 0 : i32
        %dma_wait3A_482 = tpu.memref_slice %arg12[%dma_wait3A_480, %dma_wait3A_481] : memref<10240x16xf32, #tpu.memory_space<vmem_shared>> -> memref<10240x16xf32, #tpu.memory_space<vmem_shared>>
        tpu.wait_indirect_dma semaphore(%arg11 : memref<!tpu.dma_semaphore, #tpu.memory_space<semaphore_mem>>) src(%dma_wait3A_476 : memref<125x16xf32, #tpu.memory_space<vmem>>) dst(%dma_wait3A_482 : memref<10240x16xf32, #tpu.memory_space<vmem_shared>>)
        %mul3A_483 = arith.constant 8 : i32
        %mul3A_484 = arith.muli %scan3A_321, %mul3A_483 : i32
        %add3A_485 = arith.constant 2 : i32
        %add3A_486 = arith.addi %mul3A_484, %add3A_485 : i32
        %dma_wait3A_487 = arith.constant 2 : i32
        %dma_wait3A_488 = arith.constant 0 : i32
        %dma_wait3A_489 = arith.constant 0 : i32
        %dma_wait3A_490 = tpu.memref_slice %arg9[%sub3A_452, %dma_wait3A_487, %dma_wait3A_488, %dma_wait3A_489] : memref<2x8x125x16xf32, #tpu.memory_space<vmem>> -> memref<1x1x125x16xf32, #tpu.memory_space<vmem>>
        %dma_wait3A_491 = tpu.memref_squeeze %dma_wait3A_490 : memref<1x1x125x16xf32, #tpu.memory_space<vmem>> -> memref<125x16xf32, #tpu.memory_space<vmem>>
        %dma_wait3A_492 = arith.constant 0 : i32
        %dma_wait3A_493 = tpu.memref_slice %arg8[%add3A_486, %dma_wait3A_492] : memref<80x125xi32, #tpu.memory_space<vmem>> -> memref<1x125xi32, #tpu.memory_space<vmem>>
        %dma_wait3A_494 = tpu.memref_squeeze %dma_wait3A_493 : memref<1x125xi32, #tpu.memory_space<vmem>> -> memref<125xi32, #tpu.memory_space<vmem>>
        %dma_wait3A_495 = arith.constant 0 : i32
        %dma_wait3A_496 = arith.constant 0 : i32
        %dma_wait3A_497 = tpu.memref_slice %arg12[%dma_wait3A_495, %dma_wait3A_496] : memref<10240x16xf32, #tpu.memory_space<vmem_shared>> -> memref<10240x16xf32, #tpu.memory_space<vmem_shared>>
        tpu.wait_indirect_dma semaphore(%arg11 : memref<!tpu.dma_semaphore, #tpu.memory_space<semaphore_mem>>) src(%dma_wait3A_491 : memref<125x16xf32, #tpu.memory_space<vmem>>) dst(%dma_wait3A_497 : memref<10240x16xf32, #tpu.memory_space<vmem_shared>>)
        %mul3A_498 = arith.constant 8 : i32
        %mul3A_499 = arith.muli %scan3A_321, %mul3A_498 : i32
        %add3A_500 = arith.constant 3 : i32
        %add3A_501 = arith.addi %mul3A_499, %add3A_500 : i32
        %dma_wait3A_502 = arith.constant 3 : i32
        %dma_wait3A_503 = arith.constant 0 : i32
        %dma_wait3A_504 = arith.constant 0 : i32
        %dma_wait3A_505 = tpu.memref_slice %arg9[%sub3A_452, %dma_wait3A_502, %dma_wait3A_503, %dma_wait3A_504] : memref<2x8x125x16xf32, #tpu.memory_space<vmem>> -> memref<1x1x125x16xf32, #tpu.memory_space<vmem>>
        %dma_wait3A_506 = tpu.memref_squeeze %dma_wait3A_505 : memref<1x1x125x16xf32, #tpu.memory_space<vmem>> -> memref<125x16xf32, #tpu.memory_space<vmem>>
        %dma_wait3A_507 = arith.constant 0 : i32
        %dma_wait3A_508 = tpu.memref_slice %arg8[%add3A_501, %dma_wait3A_507] : memref<80x125xi32, #tpu.memory_space<vmem>> -> memref<1x125xi32, #tpu.memory_space<vmem>>
        %dma_wait3A_509 = tpu.memref_squeeze %dma_wait3A_508 : memref<1x125xi32, #tpu.memory_space<vmem>> -> memref<125xi32, #tpu.memory_space<vmem>>
        %dma_wait3A_510 = arith.constant 0 : i32
        %dma_wait3A_511 = arith.constant 0 : i32
        %dma_wait3A_512 = tpu.memref_slice %arg12[%dma_wait3A_510, %dma_wait3A_511] : memref<10240x16xf32, #tpu.memory_space<vmem_shared>> -> memref<10240x16xf32, #tpu.memory_space<vmem_shared>>
        tpu.wait_indirect_dma semaphore(%arg11 : memref<!tpu.dma_semaphore, #tpu.memory_space<semaphore_mem>>) src(%dma_wait3A_506 : memref<125x16xf32, #tpu.memory_space<vmem>>) dst(%dma_wait3A_512 : memref<10240x16xf32, #tpu.memory_space<vmem_shared>>)
        %mul3A_513 = arith.constant 8 : i32
        %mul3A_514 = arith.muli %scan3A_321, %mul3A_513 : i32
        %add3A_515 = arith.constant 4 : i32
        %add3A_516 = arith.addi %mul3A_514, %add3A_515 : i32
        %dma_wait3A_517 = arith.constant 4 : i32
        %dma_wait3A_518 = arith.constant 0 : i32
        %dma_wait3A_519 = arith.constant 0 : i32
        %dma_wait3A_520 = tpu.memref_slice %arg9[%sub3A_452, %dma_wait3A_517, %dma_wait3A_518, %dma_wait3A_519] : memref<2x8x125x16xf32, #tpu.memory_space<vmem>> -> memref<1x1x125x16xf32, #tpu.memory_space<vmem>>
        %dma_wait3A_521 = tpu.memref_squeeze %dma_wait3A_520 : memref<1x1x125x16xf32, #tpu.memory_space<vmem>> -> memref<125x16xf32, #tpu.memory_space<vmem>>
        %dma_wait3A_522 = arith.constant 0 : i32
        %dma_wait3A_523 = tpu.memref_slice %arg8[%add3A_516, %dma_wait3A_522] : memref<80x125xi32, #tpu.memory_space<vmem>> -> memref<1x125xi32, #tpu.memory_space<vmem>>
        %dma_wait3A_524 = tpu.memref_squeeze %dma_wait3A_523 : memref<1x125xi32, #tpu.memory_space<vmem>> -> memref<125xi32, #tpu.memory_space<vmem>>
        %dma_wait3A_525 = arith.constant 0 : i32
        %dma_wait3A_526 = arith.constant 0 : i32
        %dma_wait3A_527 = tpu.memref_slice %arg12[%dma_wait3A_525, %dma_wait3A_526] : memref<10240x16xf32, #tpu.memory_space<vmem_shared>> -> memref<10240x16xf32, #tpu.memory_space<vmem_shared>>
        tpu.wait_indirect_dma semaphore(%arg11 : memref<!tpu.dma_semaphore, #tpu.memory_space<semaphore_mem>>) src(%dma_wait3A_521 : memref<125x16xf32, #tpu.memory_space<vmem>>) dst(%dma_wait3A_527 : memref<10240x16xf32, #tpu.memory_space<vmem_shared>>)
        %mul3A_528 = arith.constant 8 : i32
        %mul3A_529 = arith.muli %scan3A_321, %mul3A_528 : i32
        %add3A_530 = arith.constant 5 : i32
        %add3A_531 = arith.addi %mul3A_529, %add3A_530 : i32
        %dma_wait3A_532 = arith.constant 5 : i32
        %dma_wait3A_533 = arith.constant 0 : i32
        %dma_wait3A_534 = arith.constant 0 : i32
        %dma_wait3A_535 = tpu.memref_slice %arg9[%sub3A_452, %dma_wait3A_532, %dma_wait3A_533, %dma_wait3A_534] : memref<2x8x125x16xf32, #tpu.memory_space<vmem>> -> memref<1x1x125x16xf32, #tpu.memory_space<vmem>>
        %dma_wait3A_536 = tpu.memref_squeeze %dma_wait3A_535 : memref<1x1x125x16xf32, #tpu.memory_space<vmem>> -> memref<125x16xf32, #tpu.memory_space<vmem>>
        %dma_wait3A_537 = arith.constant 0 : i32
        %dma_wait3A_538 = tpu.memref_slice %arg8[%add3A_531, %dma_wait3A_537] : memref<80x125xi32, #tpu.memory_space<vmem>> -> memref<1x125xi32, #tpu.memory_space<vmem>>
        %dma_wait3A_539 = tpu.memref_squeeze %dma_wait3A_538 : memref<1x125xi32, #tpu.memory_space<vmem>> -> memref<125xi32, #tpu.memory_space<vmem>>
        %dma_wait3A_540 = arith.constant 0 : i32
        %dma_wait3A_541 = arith.constant 0 : i32
        %dma_wait3A_542 = tpu.memref_slice %arg12[%dma_wait3A_540, %dma_wait3A_541] : memref<10240x16xf32, #tpu.memory_space<vmem_shared>> -> memref<10240x16xf32, #tpu.memory_space<vmem_shared>>
        tpu.wait_indirect_dma semaphore(%arg11 : memref<!tpu.dma_semaphore, #tpu.memory_space<semaphore_mem>>) src(%dma_wait3A_536 : memref<125x16xf32, #tpu.memory_space<vmem>>) dst(%dma_wait3A_542 : memref<10240x16xf32, #tpu.memory_space<vmem_shared>>)
        %mul3A_543 = arith.constant 8 : i32
        %mul3A_544 = arith.muli %scan3A_321, %mul3A_543 : i32
        %add3A_545 = arith.constant 6 : i32
        %add3A_546 = arith.addi %mul3A_544, %add3A_545 : i32
        %dma_wait3A_547 = arith.constant 6 : i32
        %dma_wait3A_548 = arith.constant 0 : i32
        %dma_wait3A_549 = arith.constant 0 : i32
        %dma_wait3A_550 = tpu.memref_slice %arg9[%sub3A_452, %dma_wait3A_547, %dma_wait3A_548, %dma_wait3A_549] : memref<2x8x125x16xf32, #tpu.memory_space<vmem>> -> memref<1x1x125x16xf32, #tpu.memory_space<vmem>>
        %dma_wait3A_551 = tpu.memref_squeeze %dma_wait3A_550 : memref<1x1x125x16xf32, #tpu.memory_space<vmem>> -> memref<125x16xf32, #tpu.memory_space<vmem>>
        %dma_wait3A_552 = arith.constant 0 : i32
        %dma_wait3A_553 = tpu.memref_slice %arg8[%add3A_546, %dma_wait3A_552] : memref<80x125xi32, #tpu.memory_space<vmem>> -> memref<1x125xi32, #tpu.memory_space<vmem>>
        %dma_wait3A_554 = tpu.memref_squeeze %dma_wait3A_553 : memref<1x125xi32, #tpu.memory_space<vmem>> -> memref<125xi32, #tpu.memory_space<vmem>>
        %dma_wait3A_555 = arith.constant 0 : i32
        %dma_wait3A_556 = arith.constant 0 : i32
        %dma_wait3A_557 = tpu.memref_slice %arg12[%dma_wait3A_555, %dma_wait3A_556] : memref<10240x16xf32, #tpu.memory_space<vmem_shared>> -> memref<10240x16xf32, #tpu.memory_space<vmem_shared>>
        tpu.wait_indirect_dma semaphore(%arg11 : memref<!tpu.dma_semaphore, #tpu.memory_space<semaphore_mem>>) src(%dma_wait3A_551 : memref<125x16xf32, #tpu.memory_space<vmem>>) dst(%dma_wait3A_557 : memref<10240x16xf32, #tpu.memory_space<vmem_shared>>)
        %mul3A_558 = arith.constant 8 : i32
        %mul3A_559 = arith.muli %scan3A_321, %mul3A_558 : i32
        %add3A_560 = arith.constant 7 : i32
        %add3A_561 = arith.addi %mul3A_559, %add3A_560 : i32
        %dma_wait3A_562 = arith.constant 7 : i32
        %dma_wait3A_563 = arith.constant 0 : i32
        %dma_wait3A_564 = arith.constant 0 : i32
        %dma_wait3A_565 = tpu.memref_slice %arg9[%sub3A_452, %dma_wait3A_562, %dma_wait3A_563, %dma_wait3A_564] : memref<2x8x125x16xf32, #tpu.memory_space<vmem>> -> memref<1x1x125x16xf32, #tpu.memory_space<vmem>>
        %dma_wait3A_566 = tpu.memref_squeeze %dma_wait3A_565 : memref<1x1x125x16xf32, #tpu.memory_space<vmem>> -> memref<125x16xf32, #tpu.memory_space<vmem>>
        %dma_wait3A_567 = arith.constant 0 : i32
        %dma_wait3A_568 = tpu.memref_slice %arg8[%add3A_561, %dma_wait3A_567] : memref<80x125xi32, #tpu.memory_space<vmem>> -> memref<1x125xi32, #tpu.memory_space<vmem>>
        %dma_wait3A_569 = tpu.memref_squeeze %dma_wait3A_568 : memref<1x125xi32, #tpu.memory_space<vmem>> -> memref<125xi32, #tpu.memory_space<vmem>>
        %dma_wait3A_570 = arith.constant 0 : i32
        %dma_wait3A_571 = arith.constant 0 : i32
        %dma_wait3A_572 = tpu.memref_slice %arg12[%dma_wait3A_570, %dma_wait3A_571] : memref<10240x16xf32, #tpu.memory_space<vmem_shared>> -> memref<10240x16xf32, #tpu.memory_space<vmem_shared>>
        tpu.wait_indirect_dma semaphore(%arg11 : memref<!tpu.dma_semaphore, #tpu.memory_space<semaphore_mem>>) src(%dma_wait3A_566 : memref<125x16xf32, #tpu.memory_space<vmem>>) dst(%dma_wait3A_572 : memref<10240x16xf32, #tpu.memory_space<vmem_shared>>)
      } else {
      }
      %mul3A_328 = arith.constant 8 : i32
      %mul3A_329 = arith.muli %scan3A_321, %mul3A_328 : i32
      %add3A_330 = arith.constant 0 : i32
      %add3A_331 = arith.addi %mul3A_329, %add3A_330 : i32
      %dma_start3A_332 = arith.constant 0 : i32
      %dma_start3A_333 = arith.constant 0 : i32
      %dma_start3A_334 = arith.constant 0 : i32
      %dma_start3A_335 = tpu.memref_slice %arg9[%rem3A_323, %dma_start3A_332, %dma_start3A_333, %dma_start3A_334] : memref<2x8x125x16xf32, #tpu.memory_space<vmem>> -> memref<1x1x125x16xf32, #tpu.memory_space<vmem>>
      %dma_start3A_336 = tpu.memref_squeeze %dma_start3A_335 : memref<1x1x125x16xf32, #tpu.memory_space<vmem>> -> memref<125x16xf32, #tpu.memory_space<vmem>>
      %dma_start3A_337 = arith.constant 0 : i32
      %dma_start3A_338 = tpu.memref_slice %arg8[%add3A_331, %dma_start3A_337] : memref<80x125xi32, #tpu.memory_space<vmem>> -> memref<1x125xi32, #tpu.memory_space<vmem>>
      %dma_start3A_339 = tpu.memref_squeeze %dma_start3A_338 : memref<1x125xi32, #tpu.memory_space<vmem>> -> memref<125xi32, #tpu.memory_space<vmem>>
      %dma_start3A_340 = arith.constant 0 : i32
      %dma_start3A_341 = arith.constant 0 : i32
      %dma_start3A_342 = tpu.memref_slice %arg12[%dma_start3A_340, %dma_start3A_341] : memref<10240x16xf32, #tpu.memory_space<vmem_shared>> -> memref<10240x16xf32, #tpu.memory_space<vmem_shared>>
      tpu.enqueue_indirect_dma source(%dma_start3A_336 : memref<125x16xf32, #tpu.memory_space<vmem>>) target(%dma_start3A_342 : memref<10240x16xf32, #tpu.memory_space<vmem_shared>>) offsets(%dma_start3A_339 : memref<125xi32, #tpu.memory_space<vmem>>) semaphore(%arg11 : memref<!tpu.dma_semaphore, #tpu.memory_space<semaphore_mem>>) {add = true}
      %mul3A_343 = arith.constant 8 : i32
      %mul3A_344 = arith.muli %scan3A_321, %mul3A_343 : i32
      %add3A_345 = arith.constant 1 : i32
      %add3A_346 = arith.addi %mul3A_344, %add3A_345 : i32
      %dma_start3A_347 = arith.constant 1 : i32
      %dma_start3A_348 = arith.constant 0 : i32
      %dma_start3A_349 = arith.constant 0 : i32
      %dma_start3A_350 = tpu.memref_slice %arg9[%rem3A_323, %dma_start3A_347, %dma_start3A_348, %dma_start3A_349] : memref<2x8x125x16xf32, #tpu.memory_space<vmem>> -> memref<1x1x125x16xf32, #tpu.memory_space<vmem>>
      %dma_start3A_351 = tpu.memref_squeeze %dma_start3A_350 : memref<1x1x125x16xf32, #tpu.memory_space<vmem>> -> memref<125x16xf32, #tpu.memory_space<vmem>>
      %dma_start3A_352 = arith.constant 0 : i32
      %dma_start3A_353 = tpu.memref_slice %arg8[%add3A_346, %dma_start3A_352] : memref<80x125xi32, #tpu.memory_space<vmem>> -> memref<1x125xi32, #tpu.memory_space<vmem>>
      %dma_start3A_354 = tpu.memref_squeeze %dma_start3A_353 : memref<1x125xi32, #tpu.memory_space<vmem>> -> memref<125xi32, #tpu.memory_space<vmem>>
      %dma_start3A_355 = arith.constant 0 : i32
      %dma_start3A_356 = arith.constant 0 : i32
      %dma_start3A_357 = tpu.memref_slice %arg12[%dma_start3A_355, %dma_start3A_356] : memref<10240x16xf32, #tpu.memory_space<vmem_shared>> -> memref<10240x16xf32, #tpu.memory_space<vmem_shared>>
      tpu.enqueue_indirect_dma source(%dma_start3A_351 : memref<125x16xf32, #tpu.memory_space<vmem>>) target(%dma_start3A_357 : memref<10240x16xf32, #tpu.memory_space<vmem_shared>>) offsets(%dma_start3A_354 : memref<125xi32, #tpu.memory_space<vmem>>) semaphore(%arg11 : memref<!tpu.dma_semaphore, #tpu.memory_space<semaphore_mem>>) {add = true}
      %mul3A_358 = arith.constant 8 : i32
      %mul3A_359 = arith.muli %scan3A_321, %mul3A_358 : i32
      %add3A_360 = arith.constant 2 : i32
      %add3A_361 = arith.addi %mul3A_359, %add3A_360 : i32
      %dma_start3A_362 = arith.constant 2 : i32
      %dma_start3A_363 = arith.constant 0 : i32
      %dma_start3A_364 = arith.constant 0 : i32
      %dma_start3A_365 = tpu.memref_slice %arg9[%rem3A_323, %dma_start3A_362, %dma_start3A_363, %dma_start3A_364] : memref<2x8x125x16xf32, #tpu.memory_space<vmem>> -> memref<1x1x125x16xf32, #tpu.memory_space<vmem>>
      %dma_start3A_366 = tpu.memref_squeeze %dma_start3A_365 : memref<1x1x125x16xf32, #tpu.memory_space<vmem>> -> memref<125x16xf32, #tpu.memory_space<vmem>>
      %dma_start3A_367 = arith.constant 0 : i32
      %dma_start3A_368 = tpu.memref_slice %arg8[%add3A_361, %dma_start3A_367] : memref<80x125xi32, #tpu.memory_space<vmem>> -> memref<1x125xi32, #tpu.memory_space<vmem>>
      %dma_start3A_369 = tpu.memref_squeeze %dma_start3A_368 : memref<1x125xi32, #tpu.memory_space<vmem>> -> memref<125xi32, #tpu.memory_space<vmem>>
      %dma_start3A_370 = arith.constant 0 : i32
      %dma_start3A_371 = arith.constant 0 : i32
      %dma_start3A_372 = tpu.memref_slice %arg12[%dma_start3A_370, %dma_start3A_371] : memref<10240x16xf32, #tpu.memory_space<vmem_shared>> -> memref<10240x16xf32, #tpu.memory_space<vmem_shared>>
      tpu.enqueue_indirect_dma source(%dma_start3A_366 : memref<125x16xf32, #tpu.memory_space<vmem>>) target(%dma_start3A_372 : memref<10240x16xf32, #tpu.memory_space<vmem_shared>>) offsets(%dma_start3A_369 : memref<125xi32, #tpu.memory_space<vmem>>) semaphore(%arg11 : memref<!tpu.dma_semaphore, #tpu.memory_space<semaphore_mem>>) {add = true}
      %mul3A_373 = arith.constant 8 : i32
      %mul3A_374 = arith.muli %scan3A_321, %mul3A_373 : i32
      %add3A_375 = arith.constant 3 : i32
      %add3A_376 = arith.addi %mul3A_374, %add3A_375 : i32
      %dma_start3A_377 = arith.constant 3 : i32
      %dma_start3A_378 = arith.constant 0 : i32
      %dma_start3A_379 = arith.constant 0 : i32
      %dma_start3A_380 = tpu.memref_slice %arg9[%rem3A_323, %dma_start3A_377, %dma_start3A_378, %dma_start3A_379] : memref<2x8x125x16xf32, #tpu.memory_space<vmem>> -> memref<1x1x125x16xf32, #tpu.memory_space<vmem>>
      %dma_start3A_381 = tpu.memref_squeeze %dma_start3A_380 : memref<1x1x125x16xf32, #tpu.memory_space<vmem>> -> memref<125x16xf32, #tpu.memory_space<vmem>>
      %dma_start3A_382 = arith.constant 0 : i32
      %dma_start3A_383 = tpu.memref_slice %arg8[%add3A_376, %dma_start3A_382] : memref<80x125xi32, #tpu.memory_space<vmem>> -> memref<1x125xi32, #tpu.memory_space<vmem>>
      %dma_start3A_384 = tpu.memref_squeeze %dma_start3A_383 : memref<1x125xi32, #tpu.memory_space<vmem>> -> memref<125xi32, #tpu.memory_space<vmem>>
      %dma_start3A_385 = arith.constant 0 : i32
      %dma_start3A_386 = arith.constant 0 : i32
      %dma_start3A_387 = tpu.memref_slice %arg12[%dma_start3A_385, %dma_start3A_386] : memref<10240x16xf32, #tpu.memory_space<vmem_shared>> -> memref<10240x16xf32, #tpu.memory_space<vmem_shared>>
      tpu.enqueue_indirect_dma source(%dma_start3A_381 : memref<125x16xf32, #tpu.memory_space<vmem>>) target(%dma_start3A_387 : memref<10240x16xf32, #tpu.memory_space<vmem_shared>>) offsets(%dma_start3A_384 : memref<125xi32, #tpu.memory_space<vmem>>) semaphore(%arg11 : memref<!tpu.dma_semaphore, #tpu.memory_space<semaphore_mem>>) {add = true}
      %mul3A_388 = arith.constant 8 : i32
      %mul3A_389 = arith.muli %scan3A_321, %mul3A_388 : i32
      %add3A_390 = arith.constant 4 : i32
      %add3A_391 = arith.addi %mul3A_389, %add3A_390 : i32
      %dma_start3A_392 = arith.constant 4 : i32
      %dma_start3A_393 = arith.constant 0 : i32
      %dma_start3A_394 = arith.constant 0 : i32
      %dma_start3A_395 = tpu.memref_slice %arg9[%rem3A_323, %dma_start3A_392, %dma_start3A_393, %dma_start3A_394] : memref<2x8x125x16xf32, #tpu.memory_space<vmem>> -> memref<1x1x125x16xf32, #tpu.memory_space<vmem>>
      %dma_start3A_396 = tpu.memref_squeeze %dma_start3A_395 : memref<1x1x125x16xf32, #tpu.memory_space<vmem>> -> memref<125x16xf32, #tpu.memory_space<vmem>>
      %dma_start3A_397 = arith.constant 0 : i32
      %dma_start3A_398 = tpu.memref_slice %arg8[%add3A_391, %dma_start3A_397] : memref<80x125xi32, #tpu.memory_space<vmem>> -> memref<1x125xi32, #tpu.memory_space<vmem>>
      %dma_start3A_399 = tpu.memref_squeeze %dma_start3A_398 : memref<1x125xi32, #tpu.memory_space<vmem>> -> memref<125xi32, #tpu.memory_space<vmem>>
      %dma_start3A_400 = arith.constant 0 : i32
      %dma_start3A_401 = arith.constant 0 : i32
      %dma_start3A_402 = tpu.memref_slice %arg12[%dma_start3A_400, %dma_start3A_401] : memref<10240x16xf32, #tpu.memory_space<vmem_shared>> -> memref<10240x16xf32, #tpu.memory_space<vmem_shared>>
      tpu.enqueue_indirect_dma source(%dma_start3A_396 : memref<125x16xf32, #tpu.memory_space<vmem>>) target(%dma_start3A_402 : memref<10240x16xf32, #tpu.memory_space<vmem_shared>>) offsets(%dma_start3A_399 : memref<125xi32, #tpu.memory_space<vmem>>) semaphore(%arg11 : memref<!tpu.dma_semaphore, #tpu.memory_space<semaphore_mem>>) {add = true}
      %mul3A_403 = arith.constant 8 : i32
      %mul3A_404 = arith.muli %scan3A_321, %mul3A_403 : i32
      %add3A_405 = arith.constant 5 : i32
      %add3A_406 = arith.addi %mul3A_404, %add3A_405 : i32
      %dma_start3A_407 = arith.constant 5 : i32
      %dma_start3A_408 = arith.constant 0 : i32
      %dma_start3A_409 = arith.constant 0 : i32
      %dma_start3A_410 = tpu.memref_slice %arg9[%rem3A_323, %dma_start3A_407, %dma_start3A_408, %dma_start3A_409] : memref<2x8x125x16xf32, #tpu.memory_space<vmem>> -> memref<1x1x125x16xf32, #tpu.memory_space<vmem>>
      %dma_start3A_411 = tpu.memref_squeeze %dma_start3A_410 : memref<1x1x125x16xf32, #tpu.memory_space<vmem>> -> memref<125x16xf32, #tpu.memory_space<vmem>>
      %dma_start3A_412 = arith.constant 0 : i32
      %dma_start3A_413 = tpu.memref_slice %arg8[%add3A_406, %dma_start3A_412] : memref<80x125xi32, #tpu.memory_space<vmem>> -> memref<1x125xi32, #tpu.memory_space<vmem>>
      %dma_start3A_414 = tpu.memref_squeeze %dma_start3A_413 : memref<1x125xi32, #tpu.memory_space<vmem>> -> memref<125xi32, #tpu.memory_space<vmem>>
      %dma_start3A_415 = arith.constant 0 : i32
      %dma_start3A_416 = arith.constant 0 : i32
      %dma_start3A_417 = tpu.memref_slice %arg12[%dma_start3A_415, %dma_start3A_416] : memref<10240x16xf32, #tpu.memory_space<vmem_shared>> -> memref<10240x16xf32, #tpu.memory_space<vmem_shared>>
      tpu.enqueue_indirect_dma source(%dma_start3A_411 : memref<125x16xf32, #tpu.memory_space<vmem>>) target(%dma_start3A_417 : memref<10240x16xf32, #tpu.memory_space<vmem_shared>>) offsets(%dma_start3A_414 : memref<125xi32, #tpu.memory_space<vmem>>) semaphore(%arg11 : memref<!tpu.dma_semaphore, #tpu.memory_space<semaphore_mem>>) {add = true}
      %mul3A_418 = arith.constant 8 : i32
      %mul3A_419 = arith.muli %scan3A_321, %mul3A_418 : i32
      %add3A_420 = arith.constant 6 : i32
      %add3A_421 = arith.addi %mul3A_419, %add3A_420 : i32
      %dma_start3A_422 = arith.constant 6 : i32
      %dma_start3A_423 = arith.constant 0 : i32
      %dma_start3A_424 = arith.constant 0 : i32
      %dma_start3A_425 = tpu.memref_slice %arg9[%rem3A_323, %dma_start3A_422, %dma_start3A_423, %dma_start3A_424] : memref<2x8x125x16xf32, #tpu.memory_space<vmem>> -> memref<1x1x125x16xf32, #tpu.memory_space<vmem>>
      %dma_start3A_426 = tpu.memref_squeeze %dma_start3A_425 : memref<1x1x125x16xf32, #tpu.memory_space<vmem>> -> memref<125x16xf32, #tpu.memory_space<vmem>>
      %dma_start3A_427 = arith.constant 0 : i32
      %dma_start3A_428 = tpu.memref_slice %arg8[%add3A_421, %dma_start3A_427] : memref<80x125xi32, #tpu.memory_space<vmem>> -> memref<1x125xi32, #tpu.memory_space<vmem>>
      %dma_start3A_429 = tpu.memref_squeeze %dma_start3A_428 : memref<1x125xi32, #tpu.memory_space<vmem>> -> memref<125xi32, #tpu.memory_space<vmem>>
      %dma_start3A_430 = arith.constant 0 : i32
      %dma_start3A_431 = arith.constant 0 : i32
      %dma_start3A_432 = tpu.memref_slice %arg12[%dma_start3A_430, %dma_start3A_431] : memref<10240x16xf32, #tpu.memory_space<vmem_shared>> -> memref<10240x16xf32, #tpu.memory_space<vmem_shared>>
      tpu.enqueue_indirect_dma source(%dma_start3A_426 : memref<125x16xf32, #tpu.memory_space<vmem>>) target(%dma_start3A_432 : memref<10240x16xf32, #tpu.memory_space<vmem_shared>>) offsets(%dma_start3A_429 : memref<125xi32, #tpu.memory_space<vmem>>) semaphore(%arg11 : memref<!tpu.dma_semaphore, #tpu.memory_space<semaphore_mem>>) {add = true}
      %mul3A_433 = arith.constant 8 : i32
      %mul3A_434 = arith.muli %scan3A_321, %mul3A_433 : i32
      %add3A_435 = arith.constant 7 : i32
      %add3A_436 = arith.addi %mul3A_434, %add3A_435 : i32
      %dma_start3A_437 = arith.constant 7 : i32
      %dma_start3A_438 = arith.constant 0 : i32
      %dma_start3A_439 = arith.constant 0 : i32
      %dma_start3A_440 = tpu.memref_slice %arg9[%rem3A_323, %dma_start3A_437, %dma_start3A_438, %dma_start3A_439] : memref<2x8x125x16xf32, #tpu.memory_space<vmem>> -> memref<1x1x125x16xf32, #tpu.memory_space<vmem>>
      %dma_start3A_441 = tpu.memref_squeeze %dma_start3A_440 : memref<1x1x125x16xf32, #tpu.memory_space<vmem>> -> memref<125x16xf32, #tpu.memory_space<vmem>>
      %dma_start3A_442 = arith.constant 0 : i32
      %dma_start3A_443 = tpu.memref_slice %arg8[%add3A_436, %dma_start3A_442] : memref<80x125xi32, #tpu.memory_space<vmem>> -> memref<1x125xi32, #tpu.memory_space<vmem>>
      %dma_start3A_444 = tpu.memref_squeeze %dma_start3A_443 : memref<1x125xi32, #tpu.memory_space<vmem>> -> memref<125xi32, #tpu.memory_space<vmem>>
      %dma_start3A_445 = arith.constant 0 : i32
      %dma_start3A_446 = arith.constant 0 : i32
      %dma_start3A_447 = tpu.memref_slice %arg12[%dma_start3A_445, %dma_start3A_446] : memref<10240x16xf32, #tpu.memory_space<vmem_shared>> -> memref<10240x16xf32, #tpu.memory_space<vmem_shared>>
      tpu.enqueue_indirect_dma source(%dma_start3A_441 : memref<125x16xf32, #tpu.memory_space<vmem>>) target(%dma_start3A_447 : memref<10240x16xf32, #tpu.memory_space<vmem_shared>>) offsets(%dma_start3A_444 : memref<125xi32, #tpu.memory_space<vmem>>) semaphore(%arg11 : memref<!tpu.dma_semaphore, #tpu.memory_space<semaphore_mem>>) {add = true}
      %lt3A = arith.constant 9 : i32
      %lt3A_448 = arith.cmpi slt, %scan3A_321, %lt3A : i32
      %convert_element_type3A_449 = arith.extui %lt3A_448 : i1 to i32
      %cond3A_450 = arith.constant 0 : i32
      %cond3A_451 = arith.cmpi ne, %convert_element_type3A_449, %cond3A_450 : i32
      scf.if %cond3A_451 {
        %add3A_452 = arith.constant 1 : i32
        %add3A_453 = arith.addi %scan3A_321, %add3A_452 : i32
        %sub3A = arith.constant 1 : i32
        %sub3A_454 = arith.subi %sub3A, %rem3A_323 : i32
        %mul3A_455 = arith.constant 8 : i32
        %mul3A_456 = arith.muli %add3A_453, %mul3A_455 : i32
        %add3A_457 = arith.constant 0 : i32
        %add3A_458 = arith.addi %mul3A_456, %add3A_457 : i32
        %dma_start3A_459 = arith.constant 0 : i32
        %dma_start3A_460 = arith.constant 0 : i32
        %dma_start3A_461 = arith.constant 0 : i32
        %dma_start3A_462 = tpu.memref_slice %arg9[%sub3A_454, %dma_start3A_459, %dma_start3A_460, %dma_start3A_461] : memref<2x8x125x16xf32, #tpu.memory_space<vmem>> -> memref<1x1x125x16xf32, #tpu.memory_space<vmem>>
        %dma_start3A_463 = tpu.memref_squeeze %dma_start3A_462 : memref<1x1x125x16xf32, #tpu.memory_space<vmem>> -> memref<125x16xf32, #tpu.memory_space<vmem>>
        %dma_start3A_464 = arith.constant 0 : i32
        %dma_start3A_465 = tpu.memref_slice %arg7[%add3A_458, %dma_start3A_464] : memref<80x125xi32, #tpu.memory_space<vmem>> -> memref<1x125xi32, #tpu.memory_space<vmem>>
        %dma_start3A_466 = tpu.memref_squeeze %dma_start3A_465 : memref<1x125xi32, #tpu.memory_space<vmem>> -> memref<125xi32, #tpu.memory_space<vmem>>
        %dma_start3A_467 = arith.constant 0 : i32
        %dma_start3A_468 = arith.constant 0 : i32
        %dma_start3A_469 = tpu.memref_slice %arg13[%dma_start3A_467, %dma_start3A_468] : memref<10240x16xf32, #tpu.memory_space<vmem_shared>> -> memref<10240x16xf32, #tpu.memory_space<vmem_shared>>
        tpu.enqueue_indirect_dma source(%dma_start3A_469 : memref<10240x16xf32, #tpu.memory_space<vmem_shared>>) target(%dma_start3A_463 : memref<125x16xf32, #tpu.memory_space<vmem>>) offsets(%dma_start3A_466 : memref<125xi32, #tpu.memory_space<vmem>>) semaphore(%arg10 : memref<!tpu.dma_semaphore, #tpu.memory_space<semaphore_mem>>)
        %mul3A_470 = arith.constant 8 : i32
        %mul3A_471 = arith.muli %add3A_453, %mul3A_470 : i32
        %add3A_472 = arith.constant 1 : i32
        %add3A_473 = arith.addi %mul3A_471, %add3A_472 : i32
        %dma_start3A_474 = arith.constant 1 : i32
        %dma_start3A_475 = arith.constant 0 : i32
        %dma_start3A_476 = arith.constant 0 : i32
        %dma_start3A_477 = tpu.memref_slice %arg9[%sub3A_454, %dma_start3A_474, %dma_start3A_475, %dma_start3A_476] : memref<2x8x125x16xf32, #tpu.memory_space<vmem>> -> memref<1x1x125x16xf32, #tpu.memory_space<vmem>>
        %dma_start3A_478 = tpu.memref_squeeze %dma_start3A_477 : memref<1x1x125x16xf32, #tpu.memory_space<vmem>> -> memref<125x16xf32, #tpu.memory_space<vmem>>
        %dma_start3A_479 = arith.constant 0 : i32
        %dma_start3A_480 = tpu.memref_slice %arg7[%add3A_473, %dma_start3A_479] : memref<80x125xi32, #tpu.memory_space<vmem>> -> memref<1x125xi32, #tpu.memory_space<vmem>>
        %dma_start3A_481 = tpu.memref_squeeze %dma_start3A_480 : memref<1x125xi32, #tpu.memory_space<vmem>> -> memref<125xi32, #tpu.memory_space<vmem>>
        %dma_start3A_482 = arith.constant 0 : i32
        %dma_start3A_483 = arith.constant 0 : i32
        %dma_start3A_484 = tpu.memref_slice %arg13[%dma_start3A_482, %dma_start3A_483] : memref<10240x16xf32, #tpu.memory_space<vmem_shared>> -> memref<10240x16xf32, #tpu.memory_space<vmem_shared>>
        tpu.enqueue_indirect_dma source(%dma_start3A_484 : memref<10240x16xf32, #tpu.memory_space<vmem_shared>>) target(%dma_start3A_478 : memref<125x16xf32, #tpu.memory_space<vmem>>) offsets(%dma_start3A_481 : memref<125xi32, #tpu.memory_space<vmem>>) semaphore(%arg10 : memref<!tpu.dma_semaphore, #tpu.memory_space<semaphore_mem>>)
        %mul3A_485 = arith.constant 8 : i32
        %mul3A_486 = arith.muli %add3A_453, %mul3A_485 : i32
        %add3A_487 = arith.constant 2 : i32
        %add3A_488 = arith.addi %mul3A_486, %add3A_487 : i32
        %dma_start3A_489 = arith.constant 2 : i32
        %dma_start3A_490 = arith.constant 0 : i32
        %dma_start3A_491 = arith.constant 0 : i32
        %dma_start3A_492 = tpu.memref_slice %arg9[%sub3A_454, %dma_start3A_489, %dma_start3A_490, %dma_start3A_491] : memref<2x8x125x16xf32, #tpu.memory_space<vmem>> -> memref<1x1x125x16xf32, #tpu.memory_space<vmem>>
        %dma_start3A_493 = tpu.memref_squeeze %dma_start3A_492 : memref<1x1x125x16xf32, #tpu.memory_space<vmem>> -> memref<125x16xf32, #tpu.memory_space<vmem>>
        %dma_start3A_494 = arith.constant 0 : i32
        %dma_start3A_495 = tpu.memref_slice %arg7[%add3A_488, %dma_start3A_494] : memref<80x125xi32, #tpu.memory_space<vmem>> -> memref<1x125xi32, #tpu.memory_space<vmem>>
        %dma_start3A_496 = tpu.memref_squeeze %dma_start3A_495 : memref<1x125xi32, #tpu.memory_space<vmem>> -> memref<125xi32, #tpu.memory_space<vmem>>
        %dma_start3A_497 = arith.constant 0 : i32
        %dma_start3A_498 = arith.constant 0 : i32
        %dma_start3A_499 = tpu.memref_slice %arg13[%dma_start3A_497, %dma_start3A_498] : memref<10240x16xf32, #tpu.memory_space<vmem_shared>> -> memref<10240x16xf32, #tpu.memory_space<vmem_shared>>
        tpu.enqueue_indirect_dma source(%dma_start3A_499 : memref<10240x16xf32, #tpu.memory_space<vmem_shared>>) target(%dma_start3A_493 : memref<125x16xf32, #tpu.memory_space<vmem>>) offsets(%dma_start3A_496 : memref<125xi32, #tpu.memory_space<vmem>>) semaphore(%arg10 : memref<!tpu.dma_semaphore, #tpu.memory_space<semaphore_mem>>)
        %mul3A_500 = arith.constant 8 : i32
        %mul3A_501 = arith.muli %add3A_453, %mul3A_500 : i32
        %add3A_502 = arith.constant 3 : i32
        %add3A_503 = arith.addi %mul3A_501, %add3A_502 : i32
        %dma_start3A_504 = arith.constant 3 : i32
        %dma_start3A_505 = arith.constant 0 : i32
        %dma_start3A_506 = arith.constant 0 : i32
        %dma_start3A_507 = tpu.memref_slice %arg9[%sub3A_454, %dma_start3A_504, %dma_start3A_505, %dma_start3A_506] : memref<2x8x125x16xf32, #tpu.memory_space<vmem>> -> memref<1x1x125x16xf32, #tpu.memory_space<vmem>>
        %dma_start3A_508 = tpu.memref_squeeze %dma_start3A_507 : memref<1x1x125x16xf32, #tpu.memory_space<vmem>> -> memref<125x16xf32, #tpu.memory_space<vmem>>
        %dma_start3A_509 = arith.constant 0 : i32
        %dma_start3A_510 = tpu.memref_slice %arg7[%add3A_503, %dma_start3A_509] : memref<80x125xi32, #tpu.memory_space<vmem>> -> memref<1x125xi32, #tpu.memory_space<vmem>>
        %dma_start3A_511 = tpu.memref_squeeze %dma_start3A_510 : memref<1x125xi32, #tpu.memory_space<vmem>> -> memref<125xi32, #tpu.memory_space<vmem>>
        %dma_start3A_512 = arith.constant 0 : i32
        %dma_start3A_513 = arith.constant 0 : i32
        %dma_start3A_514 = tpu.memref_slice %arg13[%dma_start3A_512, %dma_start3A_513] : memref<10240x16xf32, #tpu.memory_space<vmem_shared>> -> memref<10240x16xf32, #tpu.memory_space<vmem_shared>>
        tpu.enqueue_indirect_dma source(%dma_start3A_514 : memref<10240x16xf32, #tpu.memory_space<vmem_shared>>) target(%dma_start3A_508 : memref<125x16xf32, #tpu.memory_space<vmem>>) offsets(%dma_start3A_511 : memref<125xi32, #tpu.memory_space<vmem>>) semaphore(%arg10 : memref<!tpu.dma_semaphore, #tpu.memory_space<semaphore_mem>>)
        %mul3A_515 = arith.constant 8 : i32
        %mul3A_516 = arith.muli %add3A_453, %mul3A_515 : i32
        %add3A_517 = arith.constant 4 : i32
        %add3A_518 = arith.addi %mul3A_516, %add3A_517 : i32
        %dma_start3A_519 = arith.constant 4 : i32
        %dma_start3A_520 = arith.constant 0 : i32
        %dma_start3A_521 = arith.constant 0 : i32
        %dma_start3A_522 = tpu.memref_slice %arg9[%sub3A_454, %dma_start3A_519, %dma_start3A_520, %dma_start3A_521] : memref<2x8x125x16xf32, #tpu.memory_space<vmem>> -> memref<1x1x125x16xf32, #tpu.memory_space<vmem>>
        %dma_start3A_523 = tpu.memref_squeeze %dma_start3A_522 : memref<1x1x125x16xf32, #tpu.memory_space<vmem>> -> memref<125x16xf32, #tpu.memory_space<vmem>>
        %dma_start3A_524 = arith.constant 0 : i32
        %dma_start3A_525 = tpu.memref_slice %arg7[%add3A_518, %dma_start3A_524] : memref<80x125xi32, #tpu.memory_space<vmem>> -> memref<1x125xi32, #tpu.memory_space<vmem>>
        %dma_start3A_526 = tpu.memref_squeeze %dma_start3A_525 : memref<1x125xi32, #tpu.memory_space<vmem>> -> memref<125xi32, #tpu.memory_space<vmem>>
        %dma_start3A_527 = arith.constant 0 : i32
        %dma_start3A_528 = arith.constant 0 : i32
        %dma_start3A_529 = tpu.memref_slice %arg13[%dma_start3A_527, %dma_start3A_528] : memref<10240x16xf32, #tpu.memory_space<vmem_shared>> -> memref<10240x16xf32, #tpu.memory_space<vmem_shared>>
        tpu.enqueue_indirect_dma source(%dma_start3A_529 : memref<10240x16xf32, #tpu.memory_space<vmem_shared>>) target(%dma_start3A_523 : memref<125x16xf32, #tpu.memory_space<vmem>>) offsets(%dma_start3A_526 : memref<125xi32, #tpu.memory_space<vmem>>) semaphore(%arg10 : memref<!tpu.dma_semaphore, #tpu.memory_space<semaphore_mem>>)
        %mul3A_530 = arith.constant 8 : i32
        %mul3A_531 = arith.muli %add3A_453, %mul3A_530 : i32
        %add3A_532 = arith.constant 5 : i32
        %add3A_533 = arith.addi %mul3A_531, %add3A_532 : i32
        %dma_start3A_534 = arith.constant 5 : i32
        %dma_start3A_535 = arith.constant 0 : i32
        %dma_start3A_536 = arith.constant 0 : i32
        %dma_start3A_537 = tpu.memref_slice %arg9[%sub3A_454, %dma_start3A_534, %dma_start3A_535, %dma_start3A_536] : memref<2x8x125x16xf32, #tpu.memory_space<vmem>> -> memref<1x1x125x16xf32, #tpu.memory_space<vmem>>
        %dma_start3A_538 = tpu.memref_squeeze %dma_start3A_537 : memref<1x1x125x16xf32, #tpu.memory_space<vmem>> -> memref<125x16xf32, #tpu.memory_space<vmem>>
        %dma_start3A_539 = arith.constant 0 : i32
        %dma_start3A_540 = tpu.memref_slice %arg7[%add3A_533, %dma_start3A_539] : memref<80x125xi32, #tpu.memory_space<vmem>> -> memref<1x125xi32, #tpu.memory_space<vmem>>
        %dma_start3A_541 = tpu.memref_squeeze %dma_start3A_540 : memref<1x125xi32, #tpu.memory_space<vmem>> -> memref<125xi32, #tpu.memory_space<vmem>>
        %dma_start3A_542 = arith.constant 0 : i32
        %dma_start3A_543 = arith.constant 0 : i32
        %dma_start3A_544 = tpu.memref_slice %arg13[%dma_start3A_542, %dma_start3A_543] : memref<10240x16xf32, #tpu.memory_space<vmem_shared>> -> memref<10240x16xf32, #tpu.memory_space<vmem_shared>>
        tpu.enqueue_indirect_dma source(%dma_start3A_544 : memref<10240x16xf32, #tpu.memory_space<vmem_shared>>) target(%dma_start3A_538 : memref<125x16xf32, #tpu.memory_space<vmem>>) offsets(%dma_start3A_541 : memref<125xi32, #tpu.memory_space<vmem>>) semaphore(%arg10 : memref<!tpu.dma_semaphore, #tpu.memory_space<semaphore_mem>>)
        %mul3A_545 = arith.constant 8 : i32
        %mul3A_546 = arith.muli %add3A_453, %mul3A_545 : i32
        %add3A_547 = arith.constant 6 : i32
        %add3A_548 = arith.addi %mul3A_546, %add3A_547 : i32
        %dma_start3A_549 = arith.constant 6 : i32
        %dma_start3A_550 = arith.constant 0 : i32
        %dma_start3A_551 = arith.constant 0 : i32
        %dma_start3A_552 = tpu.memref_slice %arg9[%sub3A_454, %dma_start3A_549, %dma_start3A_550, %dma_start3A_551] : memref<2x8x125x16xf32, #tpu.memory_space<vmem>> -> memref<1x1x125x16xf32, #tpu.memory_space<vmem>>
        %dma_start3A_553 = tpu.memref_squeeze %dma_start3A_552 : memref<1x1x125x16xf32, #tpu.memory_space<vmem>> -> memref<125x16xf32, #tpu.memory_space<vmem>>
        %dma_start3A_554 = arith.constant 0 : i32
        %dma_start3A_555 = tpu.memref_slice %arg7[%add3A_548, %dma_start3A_554] : memref<80x125xi32, #tpu.memory_space<vmem>> -> memref<1x125xi32, #tpu.memory_space<vmem>>
        %dma_start3A_556 = tpu.memref_squeeze %dma_start3A_555 : memref<1x125xi32, #tpu.memory_space<vmem>> -> memref<125xi32, #tpu.memory_space<vmem>>
        %dma_start3A_557 = arith.constant 0 : i32
        %dma_start3A_558 = arith.constant 0 : i32
        %dma_start3A_559 = tpu.memref_slice %arg13[%dma_start3A_557, %dma_start3A_558] : memref<10240x16xf32, #tpu.memory_space<vmem_shared>> -> memref<10240x16xf32, #tpu.memory_space<vmem_shared>>
        tpu.enqueue_indirect_dma source(%dma_start3A_559 : memref<10240x16xf32, #tpu.memory_space<vmem_shared>>) target(%dma_start3A_553 : memref<125x16xf32, #tpu.memory_space<vmem>>) offsets(%dma_start3A_556 : memref<125xi32, #tpu.memory_space<vmem>>) semaphore(%arg10 : memref<!tpu.dma_semaphore, #tpu.memory_space<semaphore_mem>>)
        %mul3A_560 = arith.constant 8 : i32
        %mul3A_561 = arith.muli %add3A_453, %mul3A_560 : i32
        %add3A_562 = arith.constant 7 : i32
        %add3A_563 = arith.addi %mul3A_561, %add3A_562 : i32
        %dma_start3A_564 = arith.constant 7 : i32
        %dma_start3A_565 = arith.constant 0 : i32
        %dma_start3A_566 = arith.constant 0 : i32
        %dma_start3A_567 = tpu.memref_slice %arg9[%sub3A_454, %dma_start3A_564, %dma_start3A_565, %dma_start3A_566] : memref<2x8x125x16xf32, #tpu.memory_space<vmem>> -> memref<1x1x125x16xf32, #tpu.memory_space<vmem>>
        %dma_start3A_568 = tpu.memref_squeeze %dma_start3A_567 : memref<1x1x125x16xf32, #tpu.memory_space<vmem>> -> memref<125x16xf32, #tpu.memory_space<vmem>>
        %dma_start3A_569 = arith.constant 0 : i32
        %dma_start3A_570 = tpu.memref_slice %arg7[%add3A_563, %dma_start3A_569] : memref<80x125xi32, #tpu.memory_space<vmem>> -> memref<1x125xi32, #tpu.memory_space<vmem>>
        %dma_start3A_571 = tpu.memref_squeeze %dma_start3A_570 : memref<1x125xi32, #tpu.memory_space<vmem>> -> memref<125xi32, #tpu.memory_space<vmem>>
        %dma_start3A_572 = arith.constant 0 : i32
        %dma_start3A_573 = arith.constant 0 : i32
        %dma_start3A_574 = tpu.memref_slice %arg13[%dma_start3A_572, %dma_start3A_573] : memref<10240x16xf32, #tpu.memory_space<vmem_shared>> -> memref<10240x16xf32, #tpu.memory_space<vmem_shared>>
        tpu.enqueue_indirect_dma source(%dma_start3A_574 : memref<10240x16xf32, #tpu.memory_space<vmem_shared>>) target(%dma_start3A_568 : memref<125x16xf32, #tpu.memory_space<vmem>>) offsets(%dma_start3A_571 : memref<125xi32, #tpu.memory_space<vmem>>) semaphore(%arg10 : memref<!tpu.dma_semaphore, #tpu.memory_space<semaphore_mem>>)
        %add3A_575 = arith.constant 1 : i32
        %add3A_576 = arith.addi %scan3A_321, %add3A_575 : i32
        %sub3A_577 = arith.constant 1 : i32
        %sub3A_578 = arith.subi %sub3A_577, %rem3A_323 : i32
        %mul3A_579 = arith.constant 8 : i32
        %mul3A_580 = arith.muli %add3A_576, %mul3A_579 : i32
        %add3A_581 = arith.constant 0 : i32
        %add3A_582 = arith.addi %mul3A_580, %add3A_581 : i32
        %dma_wait3A_583 = arith.constant 0 : i32
        %dma_wait3A_584 = arith.constant 0 : i32
        %dma_wait3A_585 = arith.constant 0 : i32
        %dma_wait3A_586 = tpu.memref_slice %arg9[%sub3A_578, %dma_wait3A_583, %dma_wait3A_584, %dma_wait3A_585] : memref<2x8x125x16xf32, #tpu.memory_space<vmem>> -> memref<1x1x125x16xf32, #tpu.memory_space<vmem>>
        %dma_wait3A_587 = tpu.memref_squeeze %dma_wait3A_586 : memref<1x1x125x16xf32, #tpu.memory_space<vmem>> -> memref<125x16xf32, #tpu.memory_space<vmem>>
        %dma_wait3A_588 = arith.constant 0 : i32
        %dma_wait3A_589 = tpu.memref_slice %arg7[%add3A_582, %dma_wait3A_588] : memref<80x125xi32, #tpu.memory_space<vmem>> -> memref<1x125xi32, #tpu.memory_space<vmem>>
        %dma_wait3A_590 = tpu.memref_squeeze %dma_wait3A_589 : memref<1x125xi32, #tpu.memory_space<vmem>> -> memref<125xi32, #tpu.memory_space<vmem>>
        %dma_wait3A_591 = arith.constant 0 : i32
        %dma_wait3A_592 = arith.constant 0 : i32
        %dma_wait3A_593 = tpu.memref_slice %arg13[%dma_wait3A_591, %dma_wait3A_592] : memref<10240x16xf32, #tpu.memory_space<vmem_shared>> -> memref<10240x16xf32, #tpu.memory_space<vmem_shared>>
        tpu.wait_indirect_dma semaphore(%arg10 : memref<!tpu.dma_semaphore, #tpu.memory_space<semaphore_mem>>) src(%dma_wait3A_593 : memref<10240x16xf32, #tpu.memory_space<vmem_shared>>) dst(%dma_wait3A_587 : memref<125x16xf32, #tpu.memory_space<vmem>>)
        %mul3A_594 = arith.constant 8 : i32
        %mul3A_595 = arith.muli %add3A_576, %mul3A_594 : i32
        %add3A_596 = arith.constant 1 : i32
        %add3A_597 = arith.addi %mul3A_595, %add3A_596 : i32
        %dma_wait3A_598 = arith.constant 1 : i32
        %dma_wait3A_599 = arith.constant 0 : i32
        %dma_wait3A_600 = arith.constant 0 : i32
        %dma_wait3A_601 = tpu.memref_slice %arg9[%sub3A_578, %dma_wait3A_598, %dma_wait3A_599, %dma_wait3A_600] : memref<2x8x125x16xf32, #tpu.memory_space<vmem>> -> memref<1x1x125x16xf32, #tpu.memory_space<vmem>>
        %dma_wait3A_602 = tpu.memref_squeeze %dma_wait3A_601 : memref<1x1x125x16xf32, #tpu.memory_space<vmem>> -> memref<125x16xf32, #tpu.memory_space<vmem>>
        %dma_wait3A_603 = arith.constant 0 : i32
        %dma_wait3A_604 = tpu.memref_slice %arg7[%add3A_597, %dma_wait3A_603] : memref<80x125xi32, #tpu.memory_space<vmem>> -> memref<1x125xi32, #tpu.memory_space<vmem>>
        %dma_wait3A_605 = tpu.memref_squeeze %dma_wait3A_604 : memref<1x125xi32, #tpu.memory_space<vmem>> -> memref<125xi32, #tpu.memory_space<vmem>>
        %dma_wait3A_606 = arith.constant 0 : i32
        %dma_wait3A_607 = arith.constant 0 : i32
        %dma_wait3A_608 = tpu.memref_slice %arg13[%dma_wait3A_606, %dma_wait3A_607] : memref<10240x16xf32, #tpu.memory_space<vmem_shared>> -> memref<10240x16xf32, #tpu.memory_space<vmem_shared>>
        tpu.wait_indirect_dma semaphore(%arg10 : memref<!tpu.dma_semaphore, #tpu.memory_space<semaphore_mem>>) src(%dma_wait3A_608 : memref<10240x16xf32, #tpu.memory_space<vmem_shared>>) dst(%dma_wait3A_602 : memref<125x16xf32, #tpu.memory_space<vmem>>)
        %mul3A_609 = arith.constant 8 : i32
        %mul3A_610 = arith.muli %add3A_576, %mul3A_609 : i32
        %add3A_611 = arith.constant 2 : i32
        %add3A_612 = arith.addi %mul3A_610, %add3A_611 : i32
        %dma_wait3A_613 = arith.constant 2 : i32
        %dma_wait3A_614 = arith.constant 0 : i32
        %dma_wait3A_615 = arith.constant 0 : i32
        %dma_wait3A_616 = tpu.memref_slice %arg9[%sub3A_578, %dma_wait3A_613, %dma_wait3A_614, %dma_wait3A_615] : memref<2x8x125x16xf32, #tpu.memory_space<vmem>> -> memref<1x1x125x16xf32, #tpu.memory_space<vmem>>
        %dma_wait3A_617 = tpu.memref_squeeze %dma_wait3A_616 : memref<1x1x125x16xf32, #tpu.memory_space<vmem>> -> memref<125x16xf32, #tpu.memory_space<vmem>>
        %dma_wait3A_618 = arith.constant 0 : i32
        %dma_wait3A_619 = tpu.memref_slice %arg7[%add3A_612, %dma_wait3A_618] : memref<80x125xi32, #tpu.memory_space<vmem>> -> memref<1x125xi32, #tpu.memory_space<vmem>>
        %dma_wait3A_620 = tpu.memref_squeeze %dma_wait3A_619 : memref<1x125xi32, #tpu.memory_space<vmem>> -> memref<125xi32, #tpu.memory_space<vmem>>
        %dma_wait3A_621 = arith.constant 0 : i32
        %dma_wait3A_622 = arith.constant 0 : i32
        %dma_wait3A_623 = tpu.memref_slice %arg13[%dma_wait3A_621, %dma_wait3A_622] : memref<10240x16xf32, #tpu.memory_space<vmem_shared>> -> memref<10240x16xf32, #tpu.memory_space<vmem_shared>>
        tpu.wait_indirect_dma semaphore(%arg10 : memref<!tpu.dma_semaphore, #tpu.memory_space<semaphore_mem>>) src(%dma_wait3A_623 : memref<10240x16xf32, #tpu.memory_space<vmem_shared>>) dst(%dma_wait3A_617 : memref<125x16xf32, #tpu.memory_space<vmem>>)
        %mul3A_624 = arith.constant 8 : i32
        %mul3A_625 = arith.muli %add3A_576, %mul3A_624 : i32
        %add3A_626 = arith.constant 3 : i32
        %add3A_627 = arith.addi %mul3A_625, %add3A_626 : i32
        %dma_wait3A_628 = arith.constant 3 : i32
        %dma_wait3A_629 = arith.constant 0 : i32
        %dma_wait3A_630 = arith.constant 0 : i32
        %dma_wait3A_631 = tpu.memref_slice %arg9[%sub3A_578, %dma_wait3A_628, %dma_wait3A_629, %dma_wait3A_630] : memref<2x8x125x16xf32, #tpu.memory_space<vmem>> -> memref<1x1x125x16xf32, #tpu.memory_space<vmem>>
        %dma_wait3A_632 = tpu.memref_squeeze %dma_wait3A_631 : memref<1x1x125x16xf32, #tpu.memory_space<vmem>> -> memref<125x16xf32, #tpu.memory_space<vmem>>
        %dma_wait3A_633 = arith.constant 0 : i32
        %dma_wait3A_634 = tpu.memref_slice %arg7[%add3A_627, %dma_wait3A_633] : memref<80x125xi32, #tpu.memory_space<vmem>> -> memref<1x125xi32, #tpu.memory_space<vmem>>
        %dma_wait3A_635 = tpu.memref_squeeze %dma_wait3A_634 : memref<1x125xi32, #tpu.memory_space<vmem>> -> memref<125xi32, #tpu.memory_space<vmem>>
        %dma_wait3A_636 = arith.constant 0 : i32
        %dma_wait3A_637 = arith.constant 0 : i32
        %dma_wait3A_638 = tpu.memref_slice %arg13[%dma_wait3A_636, %dma_wait3A_637] : memref<10240x16xf32, #tpu.memory_space<vmem_shared>> -> memref<10240x16xf32, #tpu.memory_space<vmem_shared>>
        tpu.wait_indirect_dma semaphore(%arg10 : memref<!tpu.dma_semaphore, #tpu.memory_space<semaphore_mem>>) src(%dma_wait3A_638 : memref<10240x16xf32, #tpu.memory_space<vmem_shared>>) dst(%dma_wait3A_632 : memref<125x16xf32, #tpu.memory_space<vmem>>)
        %mul3A_639 = arith.constant 8 : i32
        %mul3A_640 = arith.muli %add3A_576, %mul3A_639 : i32
        %add3A_641 = arith.constant 4 : i32
        %add3A_642 = arith.addi %mul3A_640, %add3A_641 : i32
        %dma_wait3A_643 = arith.constant 4 : i32
        %dma_wait3A_644 = arith.constant 0 : i32
        %dma_wait3A_645 = arith.constant 0 : i32
        %dma_wait3A_646 = tpu.memref_slice %arg9[%sub3A_578, %dma_wait3A_643, %dma_wait3A_644, %dma_wait3A_645] : memref<2x8x125x16xf32, #tpu.memory_space<vmem>> -> memref<1x1x125x16xf32, #tpu.memory_space<vmem>>
        %dma_wait3A_647 = tpu.memref_squeeze %dma_wait3A_646 : memref<1x1x125x16xf32, #tpu.memory_space<vmem>> -> memref<125x16xf32, #tpu.memory_space<vmem>>
        %dma_wait3A_648 = arith.constant 0 : i32
        %dma_wait3A_649 = tpu.memref_slice %arg7[%add3A_642, %dma_wait3A_648] : memref<80x125xi32, #tpu.memory_space<vmem>> -> memref<1x125xi32, #tpu.memory_space<vmem>>
        %dma_wait3A_650 = tpu.memref_squeeze %dma_wait3A_649 : memref<1x125xi32, #tpu.memory_space<vmem>> -> memref<125xi32, #tpu.memory_space<vmem>>
        %dma_wait3A_651 = arith.constant 0 : i32
        %dma_wait3A_652 = arith.constant 0 : i32
        %dma_wait3A_653 = tpu.memref_slice %arg13[%dma_wait3A_651, %dma_wait3A_652] : memref<10240x16xf32, #tpu.memory_space<vmem_shared>> -> memref<10240x16xf32, #tpu.memory_space<vmem_shared>>
        tpu.wait_indirect_dma semaphore(%arg10 : memref<!tpu.dma_semaphore, #tpu.memory_space<semaphore_mem>>) src(%dma_wait3A_653 : memref<10240x16xf32, #tpu.memory_space<vmem_shared>>) dst(%dma_wait3A_647 : memref<125x16xf32, #tpu.memory_space<vmem>>)
        %mul3A_654 = arith.constant 8 : i32
        %mul3A_655 = arith.muli %add3A_576, %mul3A_654 : i32
        %add3A_656 = arith.constant 5 : i32
        %add3A_657 = arith.addi %mul3A_655, %add3A_656 : i32
        %dma_wait3A_658 = arith.constant 5 : i32
        %dma_wait3A_659 = arith.constant 0 : i32
        %dma_wait3A_660 = arith.constant 0 : i32
        %dma_wait3A_661 = tpu.memref_slice %arg9[%sub3A_578, %dma_wait3A_658, %dma_wait3A_659, %dma_wait3A_660] : memref<2x8x125x16xf32, #tpu.memory_space<vmem>> -> memref<1x1x125x16xf32, #tpu.memory_space<vmem>>
        %dma_wait3A_662 = tpu.memref_squeeze %dma_wait3A_661 : memref<1x1x125x16xf32, #tpu.memory_space<vmem>> -> memref<125x16xf32, #tpu.memory_space<vmem>>
        %dma_wait3A_663 = arith.constant 0 : i32
        %dma_wait3A_664 = tpu.memref_slice %arg7[%add3A_657, %dma_wait3A_663] : memref<80x125xi32, #tpu.memory_space<vmem>> -> memref<1x125xi32, #tpu.memory_space<vmem>>
        %dma_wait3A_665 = tpu.memref_squeeze %dma_wait3A_664 : memref<1x125xi32, #tpu.memory_space<vmem>> -> memref<125xi32, #tpu.memory_space<vmem>>
        %dma_wait3A_666 = arith.constant 0 : i32
        %dma_wait3A_667 = arith.constant 0 : i32
        %dma_wait3A_668 = tpu.memref_slice %arg13[%dma_wait3A_666, %dma_wait3A_667] : memref<10240x16xf32, #tpu.memory_space<vmem_shared>> -> memref<10240x16xf32, #tpu.memory_space<vmem_shared>>
        tpu.wait_indirect_dma semaphore(%arg10 : memref<!tpu.dma_semaphore, #tpu.memory_space<semaphore_mem>>) src(%dma_wait3A_668 : memref<10240x16xf32, #tpu.memory_space<vmem_shared>>) dst(%dma_wait3A_662 : memref<125x16xf32, #tpu.memory_space<vmem>>)
        %mul3A_669 = arith.constant 8 : i32
        %mul3A_670 = arith.muli %add3A_576, %mul3A_669 : i32
        %add3A_671 = arith.constant 6 : i32
        %add3A_672 = arith.addi %mul3A_670, %add3A_671 : i32
        %dma_wait3A_673 = arith.constant 6 : i32
        %dma_wait3A_674 = arith.constant 0 : i32
        %dma_wait3A_675 = arith.constant 0 : i32
        %dma_wait3A_676 = tpu.memref_slice %arg9[%sub3A_578, %dma_wait3A_673, %dma_wait3A_674, %dma_wait3A_675] : memref<2x8x125x16xf32, #tpu.memory_space<vmem>> -> memref<1x1x125x16xf32, #tpu.memory_space<vmem>>
        %dma_wait3A_677 = tpu.memref_squeeze %dma_wait3A_676 : memref<1x1x125x16xf32, #tpu.memory_space<vmem>> -> memref<125x16xf32, #tpu.memory_space<vmem>>
        %dma_wait3A_678 = arith.constant 0 : i32
        %dma_wait3A_679 = tpu.memref_slice %arg7[%add3A_672, %dma_wait3A_678] : memref<80x125xi32, #tpu.memory_space<vmem>> -> memref<1x125xi32, #tpu.memory_space<vmem>>
        %dma_wait3A_680 = tpu.memref_squeeze %dma_wait3A_679 : memref<1x125xi32, #tpu.memory_space<vmem>> -> memref<125xi32, #tpu.memory_space<vmem>>
        %dma_wait3A_681 = arith.constant 0 : i32
        %dma_wait3A_682 = arith.constant 0 : i32
        %dma_wait3A_683 = tpu.memref_slice %arg13[%dma_wait3A_681, %dma_wait3A_682] : memref<10240x16xf32, #tpu.memory_space<vmem_shared>> -> memref<10240x16xf32, #tpu.memory_space<vmem_shared>>
        tpu.wait_indirect_dma semaphore(%arg10 : memref<!tpu.dma_semaphore, #tpu.memory_space<semaphore_mem>>) src(%dma_wait3A_683 : memref<10240x16xf32, #tpu.memory_space<vmem_shared>>) dst(%dma_wait3A_677 : memref<125x16xf32, #tpu.memory_space<vmem>>)
        %mul3A_684 = arith.constant 8 : i32
        %mul3A_685 = arith.muli %add3A_576, %mul3A_684 : i32
        %add3A_686 = arith.constant 7 : i32
        %add3A_687 = arith.addi %mul3A_685, %add3A_686 : i32
        %dma_wait3A_688 = arith.constant 7 : i32
        %dma_wait3A_689 = arith.constant 0 : i32
        %dma_wait3A_690 = arith.constant 0 : i32
        %dma_wait3A_691 = tpu.memref_slice %arg9[%sub3A_578, %dma_wait3A_688, %dma_wait3A_689, %dma_wait3A_690] : memref<2x8x125x16xf32, #tpu.memory_space<vmem>> -> memref<1x1x125x16xf32, #tpu.memory_space<vmem>>
        %dma_wait3A_692 = tpu.memref_squeeze %dma_wait3A_691 : memref<1x1x125x16xf32, #tpu.memory_space<vmem>> -> memref<125x16xf32, #tpu.memory_space<vmem>>
        %dma_wait3A_693 = arith.constant 0 : i32
        %dma_wait3A_694 = tpu.memref_slice %arg7[%add3A_687, %dma_wait3A_693] : memref<80x125xi32, #tpu.memory_space<vmem>> -> memref<1x125xi32, #tpu.memory_space<vmem>>
        %dma_wait3A_695 = tpu.memref_squeeze %dma_wait3A_694 : memref<1x125xi32, #tpu.memory_space<vmem>> -> memref<125xi32, #tpu.memory_space<vmem>>
        %dma_wait3A_696 = arith.constant 0 : i32
        %dma_wait3A_697 = arith.constant 0 : i32
        %dma_wait3A_698 = tpu.memref_slice %arg13[%dma_wait3A_696, %dma_wait3A_697] : memref<10240x16xf32, #tpu.memory_space<vmem_shared>> -> memref<10240x16xf32, #tpu.memory_space<vmem_shared>>
        tpu.wait_indirect_dma semaphore(%arg10 : memref<!tpu.dma_semaphore, #tpu.memory_space<semaphore_mem>>) src(%dma_wait3A_698 : memref<10240x16xf32, #tpu.memory_space<vmem_shared>>) dst(%dma_wait3A_692 : memref<125x16xf32, #tpu.memory_space<vmem>>)
      } else {
      }
    }
    %scan3A_214 = arith.constant 10 : i32
    %rem3A = arith.constant 9 : i32
    %rem3A_215 = arith.constant 2 : i32
    %rem3A_216 = arith.remsi %rem3A, %rem3A_215 : i32
    %dma_wait3A_217 = arith.constant 0 : i32
    %dma_wait3A_218 = arith.constant 72 : i32
    %dma_wait3A_219 = arith.constant 0 : i32
    %dma_wait3A_220 = arith.constant 0 : i32
    %dma_wait3A_221 = tpu.memref_slice %arg9[%rem3A_216, %dma_wait3A_217, %dma_wait3A_219, %dma_wait3A_220] : memref<2x8x125x16xf32, #tpu.memory_space<vmem>> -> memref<1x1x125x16xf32, #tpu.memory_space<vmem>>
    %dma_wait3A_222 = tpu.memref_squeeze %dma_wait3A_221 : memref<1x1x125x16xf32, #tpu.memory_space<vmem>> -> memref<125x16xf32, #tpu.memory_space<vmem>>
    %dma_wait3A_223 = arith.constant 0 : i32
    %dma_wait3A_224 = tpu.memref_slice %arg8[%dma_wait3A_218, %dma_wait3A_223] : memref<80x125xi32, #tpu.memory_space<vmem>> -> memref<1x125xi32, #tpu.memory_space<vmem>>
    %dma_wait3A_225 = tpu.memref_squeeze %dma_wait3A_224 : memref<1x125xi32, #tpu.memory_space<vmem>> -> memref<125xi32, #tpu.memory_space<vmem>>
    %dma_wait3A_226 = arith.constant 0 : i32
    %dma_wait3A_227 = arith.constant 0 : i32
    %dma_wait3A_228 = tpu.memref_slice %arg12[%dma_wait3A_226, %dma_wait3A_227] : memref<10240x16xf32, #tpu.memory_space<vmem_shared>> -> memref<10240x16xf32, #tpu.memory_space<vmem_shared>>
    tpu.wait_indirect_dma semaphore(%arg11 : memref<!tpu.dma_semaphore, #tpu.memory_space<semaphore_mem>>) src(%dma_wait3A_222 : memref<125x16xf32, #tpu.memory_space<vmem>>) dst(%dma_wait3A_228 : memref<10240x16xf32, #tpu.memory_space<vmem_shared>>)
    %dma_wait3A_229 = arith.constant 1 : i32
    %dma_wait3A_230 = arith.constant 73 : i32
    %dma_wait3A_231 = arith.constant 0 : i32
    %dma_wait3A_232 = arith.constant 0 : i32
    %dma_wait3A_233 = tpu.memref_slice %arg9[%rem3A_216, %dma_wait3A_229, %dma_wait3A_231, %dma_wait3A_232] : memref<2x8x125x16xf32, #tpu.memory_space<vmem>> -> memref<1x1x125x16xf32, #tpu.memory_space<vmem>>
    %dma_wait3A_234 = tpu.memref_squeeze %dma_wait3A_233 : memref<1x1x125x16xf32, #tpu.memory_space<vmem>> -> memref<125x16xf32, #tpu.memory_space<vmem>>
    %dma_wait3A_235 = arith.constant 0 : i32
    %dma_wait3A_236 = tpu.memref_slice %arg8[%dma_wait3A_230, %dma_wait3A_235] : memref<80x125xi32, #tpu.memory_space<vmem>> -> memref<1x125xi32, #tpu.memory_space<vmem>>
    %dma_wait3A_237 = tpu.memref_squeeze %dma_wait3A_236 : memref<1x125xi32, #tpu.memory_space<vmem>> -> memref<125xi32, #tpu.memory_space<vmem>>
    %dma_wait3A_238 = arith.constant 0 : i32
    %dma_wait3A_239 = arith.constant 0 : i32
    %dma_wait3A_240 = tpu.memref_slice %arg12[%dma_wait3A_238, %dma_wait3A_239] : memref<10240x16xf32, #tpu.memory_space<vmem_shared>> -> memref<10240x16xf32, #tpu.memory_space<vmem_shared>>
    tpu.wait_indirect_dma semaphore(%arg11 : memref<!tpu.dma_semaphore, #tpu.memory_space<semaphore_mem>>) src(%dma_wait3A_234 : memref<125x16xf32, #tpu.memory_space<vmem>>) dst(%dma_wait3A_240 : memref<10240x16xf32, #tpu.memory_space<vmem_shared>>)
    %dma_wait3A_241 = arith.constant 2 : i32
    %dma_wait3A_242 = arith.constant 74 : i32
    %dma_wait3A_243 = arith.constant 0 : i32
    %dma_wait3A_244 = arith.constant 0 : i32
    %dma_wait3A_245 = tpu.memref_slice %arg9[%rem3A_216, %dma_wait3A_241, %dma_wait3A_243, %dma_wait3A_244] : memref<2x8x125x16xf32, #tpu.memory_space<vmem>> -> memref<1x1x125x16xf32, #tpu.memory_space<vmem>>
    %dma_wait3A_246 = tpu.memref_squeeze %dma_wait3A_245 : memref<1x1x125x16xf32, #tpu.memory_space<vmem>> -> memref<125x16xf32, #tpu.memory_space<vmem>>
    %dma_wait3A_247 = arith.constant 0 : i32
    %dma_wait3A_248 = tpu.memref_slice %arg8[%dma_wait3A_242, %dma_wait3A_247] : memref<80x125xi32, #tpu.memory_space<vmem>> -> memref<1x125xi32, #tpu.memory_space<vmem>>
    %dma_wait3A_249 = tpu.memref_squeeze %dma_wait3A_248 : memref<1x125xi32, #tpu.memory_space<vmem>> -> memref<125xi32, #tpu.memory_space<vmem>>
    %dma_wait3A_250 = arith.constant 0 : i32
    %dma_wait3A_251 = arith.constant 0 : i32
    %dma_wait3A_252 = tpu.memref_slice %arg12[%dma_wait3A_250, %dma_wait3A_251] : memref<10240x16xf32, #tpu.memory_space<vmem_shared>> -> memref<10240x16xf32, #tpu.memory_space<vmem_shared>>
    tpu.wait_indirect_dma semaphore(%arg11 : memref<!tpu.dma_semaphore, #tpu.memory_space<semaphore_mem>>) src(%dma_wait3A_246 : memref<125x16xf32, #tpu.memory_space<vmem>>) dst(%dma_wait3A_252 : memref<10240x16xf32, #tpu.memory_space<vmem_shared>>)
    %dma_wait3A_253 = arith.constant 3 : i32
    %dma_wait3A_254 = arith.constant 75 : i32
    %dma_wait3A_255 = arith.constant 0 : i32
    %dma_wait3A_256 = arith.constant 0 : i32
    %dma_wait3A_257 = tpu.memref_slice %arg9[%rem3A_216, %dma_wait3A_253, %dma_wait3A_255, %dma_wait3A_256] : memref<2x8x125x16xf32, #tpu.memory_space<vmem>> -> memref<1x1x125x16xf32, #tpu.memory_space<vmem>>
    %dma_wait3A_258 = tpu.memref_squeeze %dma_wait3A_257 : memref<1x1x125x16xf32, #tpu.memory_space<vmem>> -> memref<125x16xf32, #tpu.memory_space<vmem>>
    %dma_wait3A_259 = arith.constant 0 : i32
    %dma_wait3A_260 = tpu.memref_slice %arg8[%dma_wait3A_254, %dma_wait3A_259] : memref<80x125xi32, #tpu.memory_space<vmem>> -> memref<1x125xi32, #tpu.memory_space<vmem>>
    %dma_wait3A_261 = tpu.memref_squeeze %dma_wait3A_260 : memref<1x125xi32, #tpu.memory_space<vmem>> -> memref<125xi32, #tpu.memory_space<vmem>>
    %dma_wait3A_262 = arith.constant 0 : i32
    %dma_wait3A_263 = arith.constant 0 : i32
    %dma_wait3A_264 = tpu.memref_slice %arg12[%dma_wait3A_262, %dma_wait3A_263] : memref<10240x16xf32, #tpu.memory_space<vmem_shared>> -> memref<10240x16xf32, #tpu.memory_space<vmem_shared>>
    tpu.wait_indirect_dma semaphore(%arg11 : memref<!tpu.dma_semaphore, #tpu.memory_space<semaphore_mem>>) src(%dma_wait3A_258 : memref<125x16xf32, #tpu.memory_space<vmem>>) dst(%dma_wait3A_264 : memref<10240x16xf32, #tpu.memory_space<vmem_shared>>)
    %dma_wait3A_265 = arith.constant 4 : i32
    %dma_wait3A_266 = arith.constant 76 : i32
    %dma_wait3A_267 = arith.constant 0 : i32
    %dma_wait3A_268 = arith.constant 0 : i32
    %dma_wait3A_269 = tpu.memref_slice %arg9[%rem3A_216, %dma_wait3A_265, %dma_wait3A_267, %dma_wait3A_268] : memref<2x8x125x16xf32, #tpu.memory_space<vmem>> -> memref<1x1x125x16xf32, #tpu.memory_space<vmem>>
    %dma_wait3A_270 = tpu.memref_squeeze %dma_wait3A_269 : memref<1x1x125x16xf32, #tpu.memory_space<vmem>> -> memref<125x16xf32, #tpu.memory_space<vmem>>
    %dma_wait3A_271 = arith.constant 0 : i32
    %dma_wait3A_272 = tpu.memref_slice %arg8[%dma_wait3A_266, %dma_wait3A_271] : memref<80x125xi32, #tpu.memory_space<vmem>> -> memref<1x125xi32, #tpu.memory_space<vmem>>
    %dma_wait3A_273 = tpu.memref_squeeze %dma_wait3A_272 : memref<1x125xi32, #tpu.memory_space<vmem>> -> memref<125xi32, #tpu.memory_space<vmem>>
    %dma_wait3A_274 = arith.constant 0 : i32
    %dma_wait3A_275 = arith.constant 0 : i32
    %dma_wait3A_276 = tpu.memref_slice %arg12[%dma_wait3A_274, %dma_wait3A_275] : memref<10240x16xf32, #tpu.memory_space<vmem_shared>> -> memref<10240x16xf32, #tpu.memory_space<vmem_shared>>
    tpu.wait_indirect_dma semaphore(%arg11 : memref<!tpu.dma_semaphore, #tpu.memory_space<semaphore_mem>>) src(%dma_wait3A_270 : memref<125x16xf32, #tpu.memory_space<vmem>>) dst(%dma_wait3A_276 : memref<10240x16xf32, #tpu.memory_space<vmem_shared>>)
    %dma_wait3A_277 = arith.constant 5 : i32
    %dma_wait3A_278 = arith.constant 77 : i32
    %dma_wait3A_279 = arith.constant 0 : i32
    %dma_wait3A_280 = arith.constant 0 : i32
    %dma_wait3A_281 = tpu.memref_slice %arg9[%rem3A_216, %dma_wait3A_277, %dma_wait3A_279, %dma_wait3A_280] : memref<2x8x125x16xf32, #tpu.memory_space<vmem>> -> memref<1x1x125x16xf32, #tpu.memory_space<vmem>>
    %dma_wait3A_282 = tpu.memref_squeeze %dma_wait3A_281 : memref<1x1x125x16xf32, #tpu.memory_space<vmem>> -> memref<125x16xf32, #tpu.memory_space<vmem>>
    %dma_wait3A_283 = arith.constant 0 : i32
    %dma_wait3A_284 = tpu.memref_slice %arg8[%dma_wait3A_278, %dma_wait3A_283] : memref<80x125xi32, #tpu.memory_space<vmem>> -> memref<1x125xi32, #tpu.memory_space<vmem>>
    %dma_wait3A_285 = tpu.memref_squeeze %dma_wait3A_284 : memref<1x125xi32, #tpu.memory_space<vmem>> -> memref<125xi32, #tpu.memory_space<vmem>>
    %dma_wait3A_286 = arith.constant 0 : i32
    %dma_wait3A_287 = arith.constant 0 : i32
    %dma_wait3A_288 = tpu.memref_slice %arg12[%dma_wait3A_286, %dma_wait3A_287] : memref<10240x16xf32, #tpu.memory_space<vmem_shared>> -> memref<10240x16xf32, #tpu.memory_space<vmem_shared>>
    tpu.wait_indirect_dma semaphore(%arg11 : memref<!tpu.dma_semaphore, #tpu.memory_space<semaphore_mem>>) src(%dma_wait3A_282 : memref<125x16xf32, #tpu.memory_space<vmem>>) dst(%dma_wait3A_288 : memref<10240x16xf32, #tpu.memory_space<vmem_shared>>)
    %dma_wait3A_289 = arith.constant 6 : i32
    %dma_wait3A_290 = arith.constant 78 : i32
    %dma_wait3A_291 = arith.constant 0 : i32
    %dma_wait3A_292 = arith.constant 0 : i32
    %dma_wait3A_293 = tpu.memref_slice %arg9[%rem3A_216, %dma_wait3A_289, %dma_wait3A_291, %dma_wait3A_292] : memref<2x8x125x16xf32, #tpu.memory_space<vmem>> -> memref<1x1x125x16xf32, #tpu.memory_space<vmem>>
    %dma_wait3A_294 = tpu.memref_squeeze %dma_wait3A_293 : memref<1x1x125x16xf32, #tpu.memory_space<vmem>> -> memref<125x16xf32, #tpu.memory_space<vmem>>
    %dma_wait3A_295 = arith.constant 0 : i32
    %dma_wait3A_296 = tpu.memref_slice %arg8[%dma_wait3A_290, %dma_wait3A_295] : memref<80x125xi32, #tpu.memory_space<vmem>> -> memref<1x125xi32, #tpu.memory_space<vmem>>
    %dma_wait3A_297 = tpu.memref_squeeze %dma_wait3A_296 : memref<1x125xi32, #tpu.memory_space<vmem>> -> memref<125xi32, #tpu.memory_space<vmem>>
    %dma_wait3A_298 = arith.constant 0 : i32
    %dma_wait3A_299 = arith.constant 0 : i32
    %dma_wait3A_300 = tpu.memref_slice %arg12[%dma_wait3A_298, %dma_wait3A_299] : memref<10240x16xf32, #tpu.memory_space<vmem_shared>> -> memref<10240x16xf32, #tpu.memory_space<vmem_shared>>
    tpu.wait_indirect_dma semaphore(%arg11 : memref<!tpu.dma_semaphore, #tpu.memory_space<semaphore_mem>>) src(%dma_wait3A_294 : memref<125x16xf32, #tpu.memory_space<vmem>>) dst(%dma_wait3A_300 : memref<10240x16xf32, #tpu.memory_space<vmem_shared>>)
    %dma_wait3A_301 = arith.constant 7 : i32
    %dma_wait3A_302 = arith.constant 79 : i32
    %dma_wait3A_303 = arith.constant 0 : i32
    %dma_wait3A_304 = arith.constant 0 : i32
    %dma_wait3A_305 = tpu.memref_slice %arg9[%rem3A_216, %dma_wait3A_301, %dma_wait3A_303, %dma_wait3A_304] : memref<2x8x125x16xf32, #tpu.memory_space<vmem>> -> memref<1x1x125x16xf32, #tpu.memory_space<vmem>>
    %dma_wait3A_306 = tpu.memref_squeeze %dma_wait3A_305 : memref<1x1x125x16xf32, #tpu.memory_space<vmem>> -> memref<125x16xf32, #tpu.memory_space<vmem>>
    %dma_wait3A_307 = arith.constant 0 : i32
    %dma_wait3A_308 = tpu.memref_slice %arg8[%dma_wait3A_302, %dma_wait3A_307] : memref<80x125xi32, #tpu.memory_space<vmem>> -> memref<1x125xi32, #tpu.memory_space<vmem>>
    %dma_wait3A_309 = tpu.memref_squeeze %dma_wait3A_308 : memref<1x125xi32, #tpu.memory_space<vmem>> -> memref<125xi32, #tpu.memory_space<vmem>>
    %dma_wait3A_310 = arith.constant 0 : i32
    %dma_wait3A_311 = arith.constant 0 : i32
    %dma_wait3A_312 = tpu.memref_slice %arg12[%dma_wait3A_310, %dma_wait3A_311] : memref<10240x16xf32, #tpu.memory_space<vmem_shared>> -> memref<10240x16xf32, #tpu.memory_space<vmem_shared>>
    tpu.wait_indirect_dma semaphore(%arg11 : memref<!tpu.dma_semaphore, #tpu.memory_space<semaphore_mem>>) src(%dma_wait3A_306 : memref<125x16xf32, #tpu.memory_space<vmem>>) dst(%dma_wait3A_312 : memref<10240x16xf32, #tpu.memory_space<vmem_shared>>)
    %barrier3A_313 = arith.constant 0 : index
    tpu.barrier barrier_id(%barrier3A_313)
    %eq3A = arith.constant 0 : i32
    %eq3A_314 = arith.cmpi eq, %arg0, %eq3A : i32
    %convert_element_type3A = arith.extui %eq3A_314 : i1 to i32
    %cond3A = arith.constant 0 : i32
    %cond3A_315 = arith.cmpi ne, %convert_element_type3A, %cond3A : i32
    scf.if %cond3A_315 {
      "tpu.region"() ({
        %run_scoped3A_321 = tpu.sem_alloc : memref<!tpu.dma_semaphore, #tpu.memory_space<semaphore_mem>>
        %dma_start3A_322 = arith.constant 0 : i32
        %dma_start3A_323 = tpu.memref_slice %arg5[%mul3A_2, %dma_start3A_322] : memref<10240x16xf32, #tpu.memory_space<hbm>> -> memref<640x16xf32, #tpu.memory_space<hbm>>
        %dma_start3A_324 = arith.constant 0 : i32
        %dma_start3A_325 = tpu.memref_slice %arg12[%mul3A_2, %dma_start3A_324] : memref<10240x16xf32, #tpu.memory_space<vmem_shared>> -> memref<640x16xf32, #tpu.memory_space<vmem_shared>>
        tpu.enqueue_dma source(%dma_start3A_325 : memref<640x16xf32, #tpu.memory_space<vmem_shared>>) target(%dma_start3A_323 : memref<640x16xf32, #tpu.memory_space<hbm>>) target_semaphore(%run_scoped3A_321 : memref<!tpu.dma_semaphore, #tpu.memory_space<semaphore_mem>>)
        %dma_wait3A_326 = arith.constant 0 : i32
        %dma_wait3A_327 = tpu.memref_slice %arg5[%mul3A_2, %dma_wait3A_326] : memref<10240x16xf32, #tpu.memory_space<hbm>> -> memref<640x16xf32, #tpu.memory_space<hbm>>
        %dma_wait3A_328 = arith.constant 0 : i32
        %dma_wait3A_329 = tpu.memref_slice %arg12[%mul3A_2, %dma_wait3A_328] : memref<10240x16xf32, #tpu.memory_space<vmem_shared>> -> memref<640x16xf32, #tpu.memory_space<vmem_shared>>
        tpu.wait_dma2 semaphore(%run_scoped3A_321 : memref<!tpu.dma_semaphore, #tpu.memory_space<semaphore_mem>>) src(%dma_wait3A_329 : memref<640x16xf32, #tpu.memory_space<vmem_shared>>) dst(%dma_wait3A_327 : memref<640x16xf32, #tpu.memory_space<hbm>>)
        tpu.yield
      }) : () -> ()
    } else {
    }
    %eq3A_316 = arith.constant 1 : i32
    %eq3A_317 = arith.cmpi eq, %arg0, %eq3A_316 : i32
    %convert_element_type3A_318 = arith.extui %eq3A_317 : i1 to i32
    %cond3A_319 = arith.constant 0 : i32
    %cond3A_320 = arith.cmpi ne, %convert_element_type3A_318, %cond3A_319 : i32
    scf.if %cond3A_320 {
      "tpu.region"() ({
        %run_scoped3A_321 = tpu.sem_alloc : memref<!tpu.dma_semaphore, #tpu.memory_space<semaphore_mem>>
        %dma_start3A_322 = arith.constant 0 : i32
        %dma_start3A_323 = tpu.memref_slice %arg6[%mul3A_2, %dma_start3A_322] : memref<10240x16xf32, #tpu.memory_space<hbm>> -> memref<640x16xf32, #tpu.memory_space<hbm>>
        %dma_start3A_324 = arith.constant 0 : i32
        %dma_start3A_325 = tpu.memref_slice %arg12[%mul3A_2, %dma_start3A_324] : memref<10240x16xf32, #tpu.memory_space<vmem_shared>> -> memref<640x16xf32, #tpu.memory_space<vmem_shared>>
        tpu.enqueue_dma source(%dma_start3A_325 : memref<640x16xf32, #tpu.memory_space<vmem_shared>>) target(%dma_start3A_323 : memref<640x16xf32, #tpu.memory_space<hbm>>) target_semaphore(%run_scoped3A_321 : memref<!tpu.dma_semaphore, #tpu.memory_space<semaphore_mem>>)
        %dma_wait3A_326 = arith.constant 0 : i32
        %dma_wait3A_327 = tpu.memref_slice %arg6[%mul3A_2, %dma_wait3A_326] : memref<10240x16xf32, #tpu.memory_space<hbm>> -> memref<640x16xf32, #tpu.memory_space<hbm>>
        %dma_wait3A_328 = arith.constant 0 : i32
        %dma_wait3A_329 = tpu.memref_slice %arg12[%mul3A_2, %dma_wait3A_328] : memref<10240x16xf32, #tpu.memory_space<vmem_shared>> -> memref<640x16xf32, #tpu.memory_space<vmem_shared>>
        tpu.wait_dma2 semaphore(%run_scoped3A_321 : memref<!tpu.dma_semaphore, #tpu.memory_space<semaphore_mem>>) src(%dma_wait3A_329 : memref<640x16xf32, #tpu.memory_space<vmem_shared>>) dst(%dma_wait3A_327 : memref<640x16xf32, #tpu.memory_space<hbm>>)
        tpu.yield
      }) : () -> ()
    } else {
    }
    return
  }
}

module attributes {stable_mosaic.version = 14 : i64} {
  func.func @body(%arg0: memref<10240xf32, #tpu.memory_space<vmem>>, %arg1: memref<10240xf32, #tpu.memory_space<vmem>>, %arg2: memref<10240xf32, #tpu.memory_space<vmem>>, %arg3: memref<10240xf32, #tpu.memory_space<vmem>>, %arg4: memref<10240xf32, #tpu.memory_space<vmem>>, %arg5: memref<10240xf32, #tpu.memory_space<vmem>>) attributes {dimension_semantics = [], scalar_prefetch = 0 : i64, scratch_operands = 0 : i64, tpu.core_type = #tpu.core_type<tc>} {
    %get3A = arith.constant 0 : index
    %get3A_0 = vector.load %arg0[%get3A] : memref<10240xf32, #tpu.memory_space<vmem>>, vector<10240xf32>
    %get3A_1 = arith.constant 0 : index
    %get3A_2 = vector.load %arg1[%get3A_1] : memref<10240xf32, #tpu.memory_space<vmem>>, vector<10240xf32>
    %add3A = arith.addf %get3A_0, %get3A_2 : vector<10240xf32>
    %get3A_3 = arith.constant 0 : index
    %get3A_4 = vector.load %arg2[%get3A_3] : memref<10240xf32, #tpu.memory_space<vmem>>, vector<10240xf32>
    %get3A_5 = arith.constant 0 : index
    %get3A_6 = vector.load %arg3[%get3A_5] : memref<10240xf32, #tpu.memory_space<vmem>>, vector<10240xf32>
    %add3A_7 = arith.addf %get3A_4, %get3A_6 : vector<10240xf32>
    %gt3A = arith.constant 0.000000e+00 : f32
    %gt3A_8 = vector.broadcast %gt3A : f32 to vector<10240xf32>
    %gt3A_9 = arith.cmpf ogt, %add3A, %gt3A_8 : vector<10240xf32>
    %max3A = arith.constant 1.000000e+00 : f32
    %max3A_10 = vector.broadcast %max3A : f32 to vector<10240xf32>
    %max3A_11 = arith.maximumf %add3A, %max3A_10 : vector<10240xf32>
    %rsqrt3A = math.rsqrt %max3A_11 : vector<10240xf32>
    %jit3A = arith.constant 0.000000e+00 : f32
    %broadcast_in_dim3A = vector.broadcast %jit3A : f32 to vector<10240xf32>
    %select_n3A = arith.select %gt3A_9, %rsqrt3A, %broadcast_in_dim3A : vector<10240xi1>, vector<10240xf32>
    %swap3A = arith.constant 0 : index
    %swap3A_12 = vector.load %arg4[%swap3A] : memref<10240xf32, #tpu.memory_space<vmem>>, vector<10240xf32>
    tpu.vector_store %arg4[%swap3A], %select_n3A {strides = array<i32>} : memref<10240xf32, #tpu.memory_space<vmem>>, vector<10240xf32>,
    %gt3A_13 = arith.constant 0.000000e+00 : f32
    %gt3A_14 = vector.broadcast %gt3A_13 : f32 to vector<10240xf32>
    %gt3A_15 = arith.cmpf ogt, %add3A_7, %gt3A_14 : vector<10240xf32>
    %max3A_16 = arith.constant 1.000000e+00 : f32
    %max3A_17 = vector.broadcast %max3A_16 : f32 to vector<10240xf32>
    %max3A_18 = arith.maximumf %add3A_7, %max3A_17 : vector<10240xf32>
    %rsqrt3A_19 = math.rsqrt %max3A_18 : vector<10240xf32>
    %jit3A_20 = arith.constant 0.000000e+00 : f32
    %broadcast_in_dim3A_21 = vector.broadcast %jit3A_20 : f32 to vector<10240xf32>
    %select_n3A_22 = arith.select %gt3A_15, %rsqrt3A_19, %broadcast_in_dim3A_21 : vector<10240xi1>, vector<10240xf32>
    %swap3A_23 = arith.constant 0 : index
    %swap3A_24 = vector.load %arg5[%swap3A_23] : memref<10240xf32, #tpu.memory_space<vmem>>, vector<10240xf32>
    tpu.vector_store %arg5[%swap3A_23], %select_n3A_22 {strides = array<i32>} : memref<10240xf32, #tpu.memory_space<vmem>>, vector<10240xf32>,
    return
  }
}

module attributes {stable_mosaic.version = 14 : i64} {
  func.func @body(%arg0: i32, %arg1: memref<1024x128xf32, #tpu.memory_space<vmem>>, %arg2: memref<128x16xf32, #tpu.memory_space<vmem>>, %arg3: memref<1024xf32, #tpu.memory_space<vmem>>, %arg4: memref<1024x16xf32, #tpu.memory_space<vmem>>) attributes {dimension_semantics = [#tpu.dimension_semantics<arbitrary>], iteration_bounds = array<i64: 10>, scalar_prefetch = 0 : i64, scratch_operands = 0 : i64, tpu.core_type = #tpu.core_type<tc>, window_params = [{transform_indices = @transform_0, window_bounds = array<i64: 1024, 128>}, {pipeline_mode = #tpu.pipeline_mode<synchronous>, transform_indices = @transform_1, window_bounds = array<i64: 128, 16>}, {transform_indices = @transform_2, window_bounds = array<i64: 1024>}, {transform_indices = @transform_3, window_bounds = array<i64: 1024, 16>}]} {
    %get3A = arith.constant 0 : index
    %get3A_0 = vector.load %arg3[%get3A] : memref<1024xf32, #tpu.memory_space<vmem>>, vector<1024xf32>
    %reshape3A = vector.shape_cast %get3A_0 : vector<1024xf32> to vector<1024x1xf32>
    %get3A_1 = arith.constant 0 : index
    %get3A_2 = arith.constant 0 : index
    %get3A_3 = vector.load %arg1[%get3A_1, %get3A_2] : memref<1024x128xf32, #tpu.memory_space<vmem>>, vector<1024x128xf32>
    %get3A_4 = arith.constant 0 : index
    %get3A_5 = arith.constant 0 : index
    %get3A_6 = vector.load %arg2[%get3A_4, %get3A_5] : memref<128x16xf32, #tpu.memory_space<vmem>>, vector<128x16xf32>
    %dot_general3A = arith.constant dense<0.000000e+00> : vector<1024x16xf32>
    %dot_general3A_7 = tpu.matmul %get3A_3, %get3A_6, %dot_general3A {dimension_numbers = #tpu.dot_dimension_numbers<[1], [0], [0], [1], [0, 0, 1, 1], [], []>, transpose_lhs_hint = false} : vector<1024x128xf32>, vector<128x16xf32>, vector<1024x16xf32> -> vector<1024x16xf32>
    %mul3A = vector.broadcast %reshape3A : vector<1024x1xf32> to vector<1024x16xf32>
    %mul3A_8 = arith.mulf %dot_general3A_7, %mul3A : vector<1024x16xf32>
    %swap3A = arith.constant 0 : index
    %swap3A_9 = arith.constant 0 : index
    %swap3A_10 = vector.load %arg4[%swap3A, %swap3A_9] : memref<1024x16xf32, #tpu.memory_space<vmem>>, vector<1024x16xf32>
    tpu.vector_store %arg4[%swap3A, %swap3A_9], %mul3A_8 {strides = array<i32>} : memref<1024x16xf32, #tpu.memory_space<vmem>>, vector<1024x16xf32>,
    return
  }
  func.func @transform_0(%arg0: i32) -> (i32, i32) {
    %c0_i32 = arith.constant 0 : i32
    %c0_i32_0 = arith.constant 0 : i32
    return %arg0, %c0_i32 : i32, i32
  }
  func.func @transform_1(%arg0: i32) -> (i32, i32) {
    %c0_i32 = arith.constant 0 : i32
    %c0_i32_0 = arith.constant 0 : i32
    %c0_i32_1 = arith.constant 0 : i32
    return %c0_i32, %c0_i32_0 : i32, i32
  }
  func.func @transform_2(%arg0: i32) -> i32 {
    %c0_i32 = arith.constant 0 : i32
    return %arg0 : i32
  }
  func.func @transform_3(%arg0: i32) -> (i32, i32) {
    %c0_i32 = arith.constant 0 : i32
    %c0_i32_0 = arith.constant 0 : i32
    return %arg0, %c0_i32 : i32, i32
  }
}

module attributes {stable_mosaic.version = 14 : i64} {
  func.func @body(%arg0: i32, %arg1: memref<128x128xf32, #tpu.memory_space<vmem>>, %arg2: memref<128x128xf32, #tpu.memory_space<vmem>>, %arg3: memref<1024xf32, #tpu.memory_space<vmem>>, %arg4: memref<1024xf32, #tpu.memory_space<vmem>>, %arg5: memref<1x16xf32, #tpu.memory_space<vmem>>, %arg6: memref<16x40xf32, #tpu.memory_space<vmem>>, %arg7: memref<1024x40xf32, #tpu.memory_space<vmem>>) attributes {dimension_semantics = [#tpu.dimension_semantics<arbitrary>], iteration_bounds = array<i64: 10>, scalar_prefetch = 0 : i64, scratch_operands = 0 : i64, tpu.core_type = #tpu.core_type<tc>, window_params = [{transform_indices = @transform_0, window_bounds = array<i64: 128, 128>}, {transform_indices = @transform_1, window_bounds = array<i64: 128, 128>}, {transform_indices = @transform_2, window_bounds = array<i64: 1024>}, {transform_indices = @transform_3, window_bounds = array<i64: 1024>}, {pipeline_mode = #tpu.pipeline_mode<synchronous>, transform_indices = @transform_4, window_bounds = array<i64: 1, 16>}, {pipeline_mode = #tpu.pipeline_mode<synchronous>, transform_indices = @transform_5, window_bounds = array<i64: 16, 40>}, {transform_indices = @transform_6, window_bounds = array<i64: 1024, 40>}]} {
    %get3A = arith.constant 0 : index
    %get3A_0 = arith.constant 0 : index
    %get3A_1 = vector.load %arg1[%get3A, %get3A_0] : memref<128x128xf32, #tpu.memory_space<vmem>>, vector<128x128xf32>
    %get3A_2 = arith.constant 0 : index
    %get3A_3 = arith.constant 0 : index
    %get3A_4 = vector.load %arg2[%get3A_2, %get3A_3] : memref<128x128xf32, #tpu.memory_space<vmem>>, vector<128x128xf32>
    %add3A = arith.addf %get3A_1, %get3A_4 : vector<128x128xf32>
    %slice3A = vector.extract_strided_slice %add3A {offsets = [0, 0], sizes = [128, 16], strides = [1, 1]} : vector<128x128xf32> to vector<128x16xf32>
    %slice3A_5 = vector.extract_strided_slice %add3A {offsets = [0, 16], sizes = [128, 16], strides = [1, 1]} : vector<128x128xf32> to vector<128x16xf32>
    %slice3A_6 = vector.extract_strided_slice %add3A {offsets = [0, 32], sizes = [128, 16], strides = [1, 1]} : vector<128x128xf32> to vector<128x16xf32>
    %slice3A_7 = vector.extract_strided_slice %add3A {offsets = [0, 48], sizes = [128, 16], strides = [1, 1]} : vector<128x128xf32> to vector<128x16xf32>
    %slice3A_8 = vector.extract_strided_slice %add3A {offsets = [0, 64], sizes = [128, 16], strides = [1, 1]} : vector<128x128xf32> to vector<128x16xf32>
    %slice3A_9 = vector.extract_strided_slice %add3A {offsets = [0, 80], sizes = [128, 16], strides = [1, 1]} : vector<128x128xf32> to vector<128x16xf32>
    %slice3A_10 = vector.extract_strided_slice %add3A {offsets = [0, 96], sizes = [128, 16], strides = [1, 1]} : vector<128x128xf32> to vector<128x16xf32>
    %slice3A_11 = vector.extract_strided_slice %add3A {offsets = [0, 112], sizes = [128, 16], strides = [1, 1]} : vector<128x128xf32> to vector<128x16xf32>
    %stack3A = vector.shape_cast %slice3A : vector<128x16xf32> to vector<128x1x16xf32>
    %stack3A_12 = vector.shape_cast %slice3A_5 : vector<128x16xf32> to vector<128x1x16xf32>
    %stack3A_13 = vector.shape_cast %slice3A_6 : vector<128x16xf32> to vector<128x1x16xf32>
    %stack3A_14 = vector.shape_cast %slice3A_7 : vector<128x16xf32> to vector<128x1x16xf32>
    %stack3A_15 = vector.shape_cast %slice3A_8 : vector<128x16xf32> to vector<128x1x16xf32>
    %stack3A_16 = vector.shape_cast %slice3A_9 : vector<128x16xf32> to vector<128x1x16xf32>
    %stack3A_17 = vector.shape_cast %slice3A_10 : vector<128x16xf32> to vector<128x1x16xf32>
    %stack3A_18 = vector.shape_cast %slice3A_11 : vector<128x16xf32> to vector<128x1x16xf32>
    %stack3A_19 = tpu.concatenate %stack3A, %stack3A_12, %stack3A_13, %stack3A_14, %stack3A_15, %stack3A_16, %stack3A_17, %stack3A_18 in 1 : vector<128x1x16xf32>, vector<128x1x16xf32>, vector<128x1x16xf32>, vector<128x1x16xf32>, vector<128x1x16xf32>, vector<128x1x16xf32>, vector<128x1x16xf32>, vector<128x1x16xf32> -> vector<128x8x16xf32>
    %reshape3A = vector.shape_cast %stack3A_19 : vector<128x8x16xf32> to vector<1024x16xf32>
    %get3A_20 = arith.constant 0 : index
    %get3A_21 = vector.load %arg3[%get3A_20] : memref<1024xf32, #tpu.memory_space<vmem>>, vector<1024xf32>
    %reshape3A_22 = vector.shape_cast %get3A_21 : vector<1024xf32> to vector<1024x1xf32>
    %get3A_23 = arith.constant 0 : index
    %get3A_24 = vector.load %arg4[%get3A_23] : memref<1024xf32, #tpu.memory_space<vmem>>, vector<1024xf32>
    %reshape3A_25 = vector.shape_cast %get3A_24 : vector<1024xf32> to vector<1024x1xf32>
    %mul3A = vector.broadcast %reshape3A_22 : vector<1024x1xf32> to vector<1024x16xf32>
    %mul3A_26 = arith.mulf %reshape3A, %mul3A : vector<1024x16xf32>
    %get3A_27 = arith.constant 0 : index
    %get3A_28 = arith.constant 0 : index
    %get3A_29 = vector.load %arg5[%get3A_27, %get3A_28] : memref<1x16xf32, #tpu.memory_space<vmem>>, vector<1x16xf32>
    %add3A_30 = vector.broadcast %get3A_29 : vector<1x16xf32> to vector<1024x16xf32>
    %add3A_31 = arith.addf %mul3A_26, %add3A_30 : vector<1024x16xf32>
    %max3A = arith.constant 0.000000e+00 : f32
    %max3A_32 = vector.broadcast %max3A : f32 to vector<1024x16xf32>
    %max3A_33 = arith.maximumf %add3A_31, %max3A_32 : vector<1024x16xf32>
    %get3A_34 = arith.constant 0 : index
    %get3A_35 = arith.constant 0 : index
    %get3A_36 = vector.load %arg6[%get3A_34, %get3A_35] : memref<16x40xf32, #tpu.memory_space<vmem>>, vector<16x40xf32>
    %dot_general3A = arith.constant dense<0.000000e+00> : vector<1024x40xf32>
    %dot_general3A_37 = tpu.matmul %max3A_33, %get3A_36, %dot_general3A {dimension_numbers = #tpu.dot_dimension_numbers<[1], [0], [0], [1], [0, 0, 1, 1], [], []>, transpose_lhs_hint = false} : vector<1024x16xf32>, vector<16x40xf32>, vector<1024x40xf32> -> vector<1024x40xf32>
    %mul3A_38 = vector.broadcast %reshape3A_25 : vector<1024x1xf32> to vector<1024x40xf32>
    %mul3A_39 = arith.mulf %dot_general3A_37, %mul3A_38 : vector<1024x40xf32>
    %swap3A = arith.constant 0 : index
    %swap3A_40 = arith.constant 0 : index
    %swap3A_41 = vector.load %arg7[%swap3A, %swap3A_40] : memref<1024x40xf32, #tpu.memory_space<vmem>>, vector<1024x40xf32>
    tpu.vector_store %arg7[%swap3A, %swap3A_40], %mul3A_39 {strides = array<i32>} : memref<1024x40xf32, #tpu.memory_space<vmem>>, vector<1024x40xf32>,
    return
  }
  func.func @transform_0(%arg0: i32) -> (i32, i32) {
    %c0_i32 = arith.constant 0 : i32
    %c0_i32_0 = arith.constant 0 : i32
    return %arg0, %c0_i32 : i32, i32
  }
  func.func @transform_1(%arg0: i32) -> (i32, i32) {
    %c0_i32 = arith.constant 0 : i32
    %c0_i32_0 = arith.constant 0 : i32
    return %arg0, %c0_i32 : i32, i32
  }
  func.func @transform_2(%arg0: i32) -> i32 {
    %c0_i32 = arith.constant 0 : i32
    return %arg0 : i32
  }
  func.func @transform_3(%arg0: i32) -> i32 {
    %c0_i32 = arith.constant 0 : i32
    return %arg0 : i32
  }
  func.func @transform_4(%arg0: i32) -> (i32, i32) {
    %c0_i32 = arith.constant 0 : i32
    %c0_i32_0 = arith.constant 0 : i32
    %c0_i32_1 = arith.constant 0 : i32
    return %c0_i32, %c0_i32_0 : i32, i32
  }
  func.func @transform_5(%arg0: i32) -> (i32, i32) {
    %c0_i32 = arith.constant 0 : i32
    %c0_i32_0 = arith.constant 0 : i32
    %c0_i32_1 = arith.constant 0 : i32
    return %c0_i32, %c0_i32_0 : i32, i32
  }
  func.func @transform_6(%arg0: i32) -> (i32, i32) {
    %c0_i32 = arith.constant 0 : i32
    %c0_i32_0 = arith.constant 0 : i32
    return %arg0, %c0_i32 : i32, i32
  }
}

module attributes {stable_mosaic.version = 14 : i64} {
  func.func @body(%arg0: i32, %arg1: memref<320x128xf32, #tpu.memory_space<vmem>>, %arg2: memref<320x128xf32, #tpu.memory_space<vmem>>, %arg3: memref<320x128xf32, #tpu.memory_space<vmem>>, %arg4: memref<320x128xf32, #tpu.memory_space<vmem>>, %arg5: memref<320x128xf32, #tpu.memory_space<vmem>>) attributes {dimension_semantics = [#tpu.dimension_semantics<arbitrary>], iteration_bounds = array<i64: 10>, scalar_prefetch = 0 : i64, scratch_operands = 0 : i64, tpu.core_type = #tpu.core_type<tc>, window_params = [{transform_indices = @transform_0, window_bounds = array<i64: 320, 128>}, {transform_indices = @transform_1, window_bounds = array<i64: 320, 128>}, {transform_indices = @transform_2, window_bounds = array<i64: 320, 128>}, {pipeline_mode = #tpu.pipeline_mode<synchronous>, transform_indices = @transform_3, window_bounds = array<i64: 320, 128>}, {transform_indices = @transform_4, window_bounds = array<i64: 320, 128>}]} {
    %get3A = arith.constant 0 : index
    %get3A_0 = arith.constant 0 : index
    %get3A_1 = vector.load %arg1[%get3A, %get3A_0] : memref<320x128xf32, #tpu.memory_space<vmem>>, vector<320x128xf32>
    %get3A_2 = arith.constant 0 : index
    %get3A_3 = arith.constant 0 : index
    %get3A_4 = vector.load %arg2[%get3A_2, %get3A_3] : memref<320x128xf32, #tpu.memory_space<vmem>>, vector<320x128xf32>
    %add3A = arith.addf %get3A_1, %get3A_4 : vector<320x128xf32>
    %get3A_5 = arith.constant 0 : index
    %get3A_6 = arith.constant 0 : index
    %get3A_7 = vector.load %arg3[%get3A_5, %get3A_6] : memref<320x128xf32, #tpu.memory_space<vmem>>, vector<320x128xf32>
    %mul3A = arith.mulf %add3A, %get3A_7 : vector<320x128xf32>
    %get3A_8 = arith.constant 0 : index
    %get3A_9 = arith.constant 0 : index
    %get3A_10 = vector.load %arg4[%get3A_8, %get3A_9] : memref<320x128xf32, #tpu.memory_space<vmem>>, vector<320x128xf32>
    %add3A_11 = arith.addf %mul3A, %get3A_10 : vector<320x128xf32>
    %swap3A = arith.constant 0 : index
    %swap3A_12 = arith.constant 0 : index
    %swap3A_13 = vector.load %arg5[%swap3A, %swap3A_12] : memref<320x128xf32, #tpu.memory_space<vmem>>, vector<320x128xf32>
    tpu.vector_store %arg5[%swap3A, %swap3A_12], %add3A_11 {strides = array<i32>} : memref<320x128xf32, #tpu.memory_space<vmem>>, vector<320x128xf32>,
    return
  }
  func.func @transform_0(%arg0: i32) -> (i32, i32) {
    %c0_i32 = arith.constant 0 : i32
    %c0_i32_0 = arith.constant 0 : i32
    return %arg0, %c0_i32 : i32, i32
  }
  func.func @transform_1(%arg0: i32) -> (i32, i32) {
    %c0_i32 = arith.constant 0 : i32
    %c0_i32_0 = arith.constant 0 : i32
    return %arg0, %c0_i32 : i32, i32
  }
  func.func @transform_2(%arg0: i32) -> (i32, i32) {
    %c0_i32 = arith.constant 0 : i32
    %c0_i32_0 = arith.constant 0 : i32
    return %arg0, %c0_i32 : i32, i32
  }
  func.func @transform_3(%arg0: i32) -> (i32, i32) {
    %c0_i32 = arith.constant 0 : i32
    %c0_i32_0 = arith.constant 0 : i32
    %c0_i32_1 = arith.constant 0 : i32
    return %c0_i32, %c0_i32_0 : i32, i32
  }
  func.func @transform_4(%arg0: i32) -> (i32, i32) {
    %c0_i32 = arith.constant 0 : i32
    %c0_i32_0 = arith.constant 0 : i32
    return %arg0, %c0_i32 : i32, i32
  }
}

</mosaic_0001>

<sc_bundles>
// kernel: kernel.12.cloned.1.call-start
scs
__scs_entry_jumppad:
0x0: {  	(pc) =	sbr.rel $0x88, $3  }
0x1: {  	(tag) =	ssettag $0x0;
	lr =	simm.s32 $0x1  }
0x2: {  	[smem:$0x3F9B] =	sst lr;
	_ =	strace $0xD0000000  }
0x3: {  	_ = 	snop  }
0x4: {  	_ = 	snop  }
0x5: {  	_ = 	snop  }
0x6: {  	_ = 	snop  }
0x7: {  	_ = 	snop  }
__scs_overlays_trampoline_lowered:
0x8: {  	[smem:$0x3FAA] =	sst s0  }
0x9: {  	[smem:$0x3FAB] =	sst s1  }
0xa: {  	[smem:$0x3FAC] =	sst s2  }
0xb: {  	[smem:$0x3FAD] =	sst s3  }
0xc: {  	[smem:$0x3FAE] =	sst s4  }
0xd: {  	[smem:$0x3FAF] =	sst s5  }
0xe: {  	[smem:$0x3FB0] =	sst s6  }
0xf: {  	[smem:$0x3FB1] =	sst s7  }
0x10: {  	[smem:$0x3FB2] =	sst s8  }
0x11: {  	[smem:$0x3FB3] =	sst s9;
	s0 =	simm.s32 @!p0 $0x0  }
0x12: {  	s1 =	sld [smem:$0x3F99];
	s0 =	simm.s32 @p0 $0x1  }
0x13: {  	[smem:$0x3FB4] =	sst s0;
	s0 =	simm.s32 @!p1 $0x0  }
0x14: {  	s2 =	sld [smem:$0x3F98];
	s0 =	simm.s32 @p1 $0x1  }
0x15: {  	[smem:$0x3FB5] =	sst s0;
	s0 =	simm.s32 @!p2 $0x0  }
0x16: {  	s3 =	sld [smem:$0x3FDB];
	s0 =	simm.s32 @p2 $0x1  }
0x17: {  	s4 =	simm.s32 $0x1BF5;
	[smem:$0x3FB7] =	sst s0  }
0x18: {  	s0 =	sld [smem:$0x3F9A];
	_ =	swait.ge [sflag:s4], $0x0  }
0x19: {  	s7 =	sld [smem:$0x3F9B]  }
0x1a: {  	s8 =	sadd.s32 $0xFFFFE003, lr  }
0x1b: {  	s9 =	sadd.s32 $0xFFFFFEF7, lr;
	s5 =	simm.s32 $0xFFFFFFFF;
	p2 =	slt.u32 s8, $0xFFFFF086  }
0x1c: {  	p1 =	slt.u32 s9, $0xF7A;
	s5 =	simm.s32 @!p2 $0x0  }
0x1d: {  	s5 =	simm.s32 @p1 $0x1;
	p0 =	seq.s32 s7, s2  }
0x1e: {  	s7 =	smul.u32 @!p0 $0xF7A, s2;
	p2 =	seq.s32 @!p0 s5, $0x0  }
0x1f: {  	s9 =	smul.u32 $0xF7A, s1;
	s8 =	simm.s32 @!p0 $0x1BF5;
	p2 =	por !p2, p0  }
0x20: {  	[sflag:s8] =	ssyncset.s32 @!p0 $0xFFFFF086;
	s6 =	sadd.s32 @!p0 s3, s7;
	s7 =	simm.s32 @!p0 $0x108  }
0x21: {  	s3 =	sadd.s32 s3, s9;
	s6 =	sadd.s32 @!p0 $0x88, s6;
	s7 =	simm.s32 @p2 $0x1082  }
0x22: {  	[simem:s7], [sflag:s8] =	dma.local @!p0 [hbm:s6], $0xF7A  }
0x23: {  	s9 =	sor.u32 $0xD0000000, s2;
	s6 =	simm.s32 $0x108;
	_ =	swait.ge @!p0 [sflag:s8], $0x0  }
0x24: {  	s3 =	sadd.s32 $0x88, s3;
	s6 =	simm.s32 @!p1 $0x1082;
	[sflag:s4] =	ssyncset.s32 $0xFFFFF086  }
0x25: {  	[simem:s6], [sflag:s4] =	dma.local [hbm:s3], $0xF7A  }
0x26: {  	[smem:$0x3F9B] =	sst s1;
	(tag) =	ssettag s2;
	_ =	strace s9  }
0x27: {  	s1 =	sld [smem:$0x3FAB]  }
0x28: {  	s2 =	sld [smem:$0x3FAC]  }
0x29: {  	s4 =	sld [smem:$0x3FAE]  }
0x2a: {  	p0 =	seq.s32 s5, $0x0;
	s5 =	sld [smem:$0x3FAF]  }
0x2b: {  	s6 =	sld [smem:$0x3FB0]  }
0x2c: {  	s7 =	sld [smem:$0x3FB1]  }
0x2d: {  	s3 =	simm.s32 $0x108;
	s8 =	sld [smem:$0x3FB2]  }
0x2e: {  	s3 =	simm.s32 @!p0 $0x1082;
	s9 =	sld [smem:$0x3FB3]  }
0x2f: {  	lr =	sadd.s32 s0, s3;
	s0 =	sld [smem:$0x3FAA]  }
0x30: {  	s3 =	sld [smem:$0x3FAD]  }
0x31: {  	[smem:$0x3FB6] =	sst s10  }
0x32: {  	s10 =	sld [smem:$0x3FB4];
	_ =	sdelay $0x3  }
0x33: {  	p0 =	seq.s32 s10, $0x1;
	s10 =	sld [smem:$0x3FB6];
	_ =	sdelay $0x3  }
0x34: {  	[smem:$0x3FB6] =	sst s10  }
0x35: {  	s10 =	sld [smem:$0x3FB5];
	_ =	sdelay $0x3  }
0x36: {  	p1 =	seq.s32 s10, $0x1;
	s10 =	sld [smem:$0x3FB6];
	_ =	sdelay $0x3  }
0x37: {  	[smem:$0x3FB6] =	sst s10  }
0x38: {  	s10 =	sld [smem:$0x3FB7]  }
0x39: {  	_ = 	snop;
	(pc) =	sbr.ind lr, $3  }
0x3a: {  	_ = 	snop  }
0x3b: {  	_ = 	snop  }
0x3c: {  	p2 =	seq.s32 s10, $0x1;
	s10 =	sld [smem:$0x3FB6]  }
0x3d: {  	_ =	shalt  }
0x3e: {  	_ =	shalt  }
0x3f: {  	_ =	shalt  }
0x40: {  	_ =	shalt  }
0x41: {  	_ =	shalt  }
0x42: {  	_ =	shalt  }
0x43: {  	_ =	shalt  }
0x44: {  	_ =	shalt  }
0x45: {  	_ =	shalt  }
0x46: {  	_ =	shalt  }
0x47: {  	_ =	shalt  }
0x48: {  	_ =	shalt  }
0x49: {  	_ =	shalt  }
0x4a: {  	_ =	shalt  }
0x4b: {  	_ =	shalt  }
0x4c: {  	_ =	shalt  }
0x4d: {  	_ =	shalt  }
0x4e: {  	_ =	shalt  }
0x4f: {  	_ =	shalt  }
0x50: {  	_ =	shalt  }
0x51: {  	_ =	shalt  }
0x52: {  	_ =	shalt  }
0x53: {  	_ =	shalt  }
0x54: {  	_ =	shalt  }
0x55: {  	_ =	shalt  }
0x56: {  	_ =	shalt  }
0x57: {  	_ =	shalt  }
0x58: {  	_ =	shalt  }
0x59: {  	_ =	shalt  }
0x5a: {  	_ =	shalt  }
0x5b: {  	_ =	shalt  }
0x5c: {  	_ =	shalt  }
0x5d: {  	_ =	shalt  }
0x5e: {  	_ =	shalt  }
0x5f: {  	_ =	shalt  }
0x60: {  	_ =	shalt  }
0x61: {  	_ =	shalt  }
0x62: {  	_ =	shalt  }
0x63: {  	_ =	shalt  }
0x64: {  	_ =	shalt  }
0x65: {  	_ =	shalt  }
0x66: {  	_ =	shalt  }
0x67: {  	_ =	shalt  }
0x68: {  	_ =	shalt  }
0x69: {  	_ =	shalt  }
0x6a: {  	_ =	shalt  }
0x6b: {  	_ =	shalt  }
0x6c: {  	_ =	shalt  }
0x6d: {  	_ =	shalt  }
0x6e: {  	_ =	shalt  }
0x6f: {  	_ =	shalt  }
0x70: {  	_ =	shalt  }
0x71: {  	_ =	shalt  }
0x72: {  	_ =	shalt  }
0x73: {  	_ =	shalt  }
0x74: {  	_ =	shalt  }
0x75: {  	_ =	shalt  }
0x76: {  	_ =	shalt  }
0x77: {  	_ =	shalt  }
0x78: {  	_ =	shalt  }
0x79: {  	_ =	shalt  }
0x7a: {  	_ =	shalt  }
0x7b: {  	_ =	shalt  }
0x7c: {  	_ =	shalt  }
0x7d: {  	_ =	shalt  }
0x7e: {  	_ =	shalt  }
0x7f: {  	_ =	shalt  }
0x80: {  	_ =	shalt  }
0x81: {  	_ =	shalt  }
0x82: {  	_ =	shalt  }
0x83: {  	_ =	shalt  }
0x84: {  	_ =	shalt  }
0x85: {  	_ =	shalt  }
0x86: {  	_ =	shalt  }
0x87: {  	_ =	shalt  }
.Lfunc_end0:
.L_simem_size_0:
called_computation.1_lowered:
.L_overlay_start_0:
0x88: {  	s2 =	sld [smem:$0x3FD9]  }
0x89: {  	s3 =	sld [smem:$0x3FFE];
	_ =	sdelay $0x1  }
0x8a: {  	s1 =	srdreg.scid  }
0x8b: {  	s0 =	sand.u32 $0x1, s1  }
0x8c: {  	s17 =	sshll.u32 s0, $0xA;
	s2 =	sadd.s32 s3, s2  }
0x8d: {  	s2 =	sadd.s32 s2, s17  }
0x8e: {  	[smem:$0x3FC2] =	sst s2  }
0x8f: {  	_ = 	snop  }
0x90: {  	s2 =	sld [smem:$0x3FD0];
	(tm) =	ssettm $0x1  }
0x91: {  	s18 =	sld [smem:$0x3FFB];
	_ =	sdelay $0x3  }
0x92: {  	_ =	strace s18  }
0x93: {  	s3 =	sld [smem:$0x3FFC];
	_ =	sdelay $0x3  }
0x94: {  	_ =	strace s3  }
0x95: {  	s3 =	sld [smem:$0x3FFD];
	_ =	sdelay $0x3  }
0x96: {  	_ =	strace s3  }
0x97: {  	_ =	strace $0x8FFFFFFF  }
0x98: {  	s19 =	sld [smem:$0x3FDB];
	_ =	sdelay $0x1  }
0x99: {  	s4 =	simm.s32 $_scs_section_size  }
0x9a: {  	s5 =	simm.s32 $_size__tile_overlayer_lowered;
	s6 =	simm.s32 $_tile_overlayer_lowered  }
0x9b: {  	s22 =	simm.s32 $0x1BFF;
	s21 =	sshll.u32 s6, $0x1;
	s3 =	sadd.s32 s4, s19  }
0x9c: {  	s7 =	simm.s32 $0x0;
	s20 =	sshll.u32 s5, $0x1;
	s5 =	sadd.s32 s21, s3  }
0x9d: {  	[timem:s7], [sflag:s22] =	dma.local [hbm:s5], s20  }
0x9e: {  	_ =	swait.ge [sflag:s22], s20  }
0x9f: {  	s4 =	ssub.s32 $0x0, s20;
	[sflag:s22] =	ssyncset.done $0x0  }
0xa0: {  	[sflag:s22] =	ssyncadd.s32 s4;
	_ =	sdelay $0x1  }
0xa1: {  	s23 =	simm.s32 $0x1B8B  }
0xa2: {  	_ =	swait.ge [sflag:s23], $0x1  }
0xa3: {  	[sflag:s23] =	ssyncset.done $0x0  }
0xa4: {  	s25 =	simm.s32 $0x1B8E;
	s24 =	sld [smem:$0x3FFE];
	[sflag:s23] =	ssyncadd.s32 $0xFFFFFFFF  }
0xa5: {  	s26 =	simm.s32 $execute0_lowered;
	[smem:$0x3FD2] =	sst s25  }
0xa6: {  	s5 =	sshll.u32 s26, $0x1;
	_ =	strace $0x80000049;
	[dreg:$0x1] =	wrdreg $0xFFFFFFFF  }
0xa7: {  	s28 =	simm.s32 $_size_execute0_lowered;
	s3 =	sadd.s32 s3, s5;
	[dreg:$0x0] =	wrdreg $0x0  }
0xa8: {  	s5 =	sshll.u32 s28, $0x1;
	[dreg:$0x2] =	wrdreg s3  }
0xa9: {  	[dreg:$0x3] =	wrdreg s5  }
0xaa: {  	[dreg:$0x4] =	wrdreg $0xC0  }
0xab: {  	_ =	task [dreg:s7], $0x5FFFF  }
0xac: {  	[dreg:$0x1] =	wrdreg $0xFFFFFFFF  }
0xad: {  	[dreg:$0x0] =	wrdreg $0x60  }
0xae: {  	[dreg:$0x2] =	wrdreg s2  }
0xaf: {  	[dreg:$0x3] =	wrdreg s24  }
0xb0: {  	[dreg:$0x4] =	wrdreg $0xCD000  }
0xb1: {  	[dreg:$0x5] =	wrdreg $0xF5000  }
0xb2: {  	[dreg:$0x6] =	wrdreg $0x9  }
0xb3: {  	_ =	task.clear_ibuf [dreg:s7], $0x7FFFF;
	_ =	strace $0x90000049  }
0xb4: {  	s29 =	simm.s32 $0x9;
	_ =	strace $0x8000004B  }
0xb5: {  	_ =	swait.ge [sflag:s29], $0x1  }
0xb6: {  	[sflag:s29] =	ssyncadd.s32 $0xFFFFFFFF  }
0xb7: {  	_ =	strace $0x9000004B  }
0xb8: {  	_ =	sfence  }
0xb9: {  	s30 =	sld [smem:$0x0];
	_ =	sdelay $0x2  }
0xba: {  	s31 =	sshll.u32 s1, $0xD;
	s1 =	sshrl.u32 s1, $0x2  }
0xbb: {  	s3 =	sand.u32 $0x4000, s31;
	s1 =	sadd.s32 s1, s30  }
0xbc: {  	s0 =	sor.u32 s3, s0;
	s1 =	sshll.u32 s1, $0x11  }
0xbd: {  	s0 =	sor.u32 s1, s0  }
0xbe: {  	s0 =	sadd.s32 $0x8F2B, s0  }
0xbf: {  	[sflag:s0] =	ssyncadd.remote.s32 $0x1  }
0xc0: {  	_ =	sfence.sel $0xFFFF  }
0xc1: {  	[dreg:$0x0] =	wrdreg $0xFFFFFFFF;
	(pc) =	sbr.abs _section_cstart, $3  }
0xc2: {  	[dreg:$0x1] =	wrdreg $0xFFFFFFFF  }
0xc3: {  	_ =	task.clear_ibuf [dreg:s7], $0x2FFFF;
	_ =	strace $0x9FFFFFFF  }
0xc4: {  	(tm) =	ssettm $0x7FFFFFFF  }
0xc5: {  	_ =	shalt  }
tec
execute0_lowered:
.L_overlay_start_1:
0x0: {  	(tag) =	ssettag $0x1  }
0x1: {  	s0 =	rddreg [dreg:$0x0]  }
0x2: {  	s11 =	rddreg [dreg:$0x1]  }
0x3: {  	s1 =	srdreg.scid;
	s2 =	rddreg [dreg:$0x2]  }
0x4: {  	s12 =	stileid.u32;
	s3 =	rddreg [dreg:$0x3];
	s16 =	simm.s32 $0x7D  }
0x5: {  	s28 =	simm.s32 $0x7710;
	s29 =	simm.s32 $0x300;
	s30 =	simm.s32 $0x7EE0  }
0x6: {  	s31 =	simm.s32 $0x380;
	s15 =	simm.s32 $0x2;
	s17 =	simm.s32 $0x0  }
0x7: {  	s1 =	sand.u32 $0x1, s1;
	s8 =	smul.u32 $0x2800, s12;
	s24 =	sshll.u32 s12, $0x6  }
0x8: {  	s4 =	sshll.u32 s1, $0x4;
	s6 =	ssub.s32 $0x2, s1;
	p0 =	seq.s32 s1, $0x1  }
0x9: {  	s1 =	simm.s32 $0x1D000;
	s5 =	sor.u32 s12, s4;
	s4 =	simm.s32 $0x0  }
0xa: {  	s7 =	sshrl.u32 s6, $0x1;
	s25 =	sadd.s32 s8, s2;
	s14 =	sadd.s32 s8, s3  }
0xb: {  	s13 =	sshrl.u32 s8, $0x3;
	s1 =	simm.s32 @!p0 $0x18000;
	s5 =	smul.u32 $0x2800, s5  }
0xc: {  	[smem:$0x7FF] =	sst s4;
	s10 =	ssub.s32 s6, s7;
	s6 =	sor.u32 $0x1C03, s24  }
0xd: {  	s7 =	sadd.s32 s0, s13;
	s26 =	sadd.s32 s1, s11;
	s12 =	sshrl.u32 s25, $0x3  }
.Ltmp0:
0xe: {  	s14 =	sshrl.u32 s14, $0x3;
	s25 =	simm.s32 $0x6F40;
	(pc) =	sbr.rel .LBB2_1-.Ltmp0, $4  }
0xf: {  	s1 =	simm.s32 $0x86B0;
	s0 =	simm.s32 $0x1;
	s5 =	sshrl.u32 s5, $0x3  }
0x10: {  	_ =	strace $0x8000004A;
	s10 =	smax.u32 s10, $0x1;
	s9 =	sadd.s32 s5, s11  }
0x11: {  	s5 =	sadd.s32 $0x17A00, s11;
	s11 =	sadd.s32 s26, s13;
	s13 =	simm.s32 $0x3  }
0x12: {  	s26 =	simm.s32 $0x280;
	s8 =	sadd.s32 $0x3A00, s9;
	s9 =	sadd.s32 $0xDA00, s9  }
.LBB2_4:
0x13: {  	_ =	swait.ge [sflag:s15], $0x7D0  }
0x14: {  	[sflag:s15] =	ssyncset.done $0x0  }
0x15: {  	[sflag:s15] =	ssyncadd.s32 $0xFFFFF830  }
0x16: {  	_ =	swait.ge [sflag:s15], $0x7D0  }
0x17: {  	[sflag:s15] =	ssyncset.done $0x0  }
0x18: {  	[sflag:s15] =	ssyncadd.s32 $0xFFFFF830  }
0x19: {  	_ =	swait.ge [sflag:s15], $0x7D0  }
0x1a: {  	[sflag:s15] =	ssyncset.done $0x0  }
0x1b: {  	[sflag:s15] =	ssyncadd.s32 $0xFFFFF830  }
0x1c: {  	_ =	swait.ge [sflag:s15], $0x7D0  }
0x1d: {  	[sflag:s15] =	ssyncset.done $0x0  }
0x1e: {  	[sflag:s15] =	ssyncadd.s32 $0xFFFFF830  }
0x1f: {  	_ =	swait.ge [sflag:s15], $0x7D0  }
0x20: {  	[sflag:s15] =	ssyncset.done $0x0  }
0x21: {  	[sflag:s15] =	ssyncadd.s32 $0xFFFFF830  }
0x22: {  	_ =	swait.ge [sflag:s15], $0x7D0  }
0x23: {  	[sflag:s15] =	ssyncset.done $0x0  }
0x24: {  	[sflag:s15] =	ssyncadd.s32 $0xFFFFF830  }
0x25: {  	_ =	swait.ge [sflag:s15], $0x7D0  }
0x26: {  	[sflag:s15] =	ssyncset.done $0x0  }
0x27: {  	[sflag:s15] =	ssyncadd.s32 $0xFFFFF830  }
0x28: {  	_ =	swait.ge [sflag:s15], $0x7D0  }
0x29: {  	s17 =	sadd.s32 $0x1, s17;
	[sflag:s15] =	ssyncset.done $0x0  }
0x2a: {  	p0 =	sne.s32 s17, s10;
	[sflag:s15] =	ssyncadd.s32 $0xFFFFF830  }
.Ltmp1:
0x2b: {  	[bflag:$0x0] =	sbarrier.arrive $0xFFFF;
	(pc) =	sbr.rel @!p0 .LBB2_5-.Ltmp1, $4  }
0x2c: {  	[hbm:s11], [sflag:s6] =	dma.local [spmem:s12], $0x500  }
0x2d: {  	_ =	swait.ge [sflag:s13], $0x500  }
0x2e: {  	[sflag:s13] =	ssyncset.done $0x0  }
0x2f: {  	[sflag:s13] =	ssyncadd.s32 $0xFFFFFB00  }
.LBB2_1:
0x30: {  	[spmem:s12], [sflag:s6] =	dma.local [hbm:s5], $0x500  }
0x31: {  	_ =	swait.ge [sflag:s13], $0x500  }
0x32: {  	[sflag:s13] =	ssyncset.done $0x0  }
0x33: {  	[sflag:s13] =	ssyncadd.s32 $0xFFFFFB00  }
0x34: {  	[spmem:s14], [sflag:s6] =	dma.local [hbm:s7], $0x500  }
0x35: {  	_ =	swait.ge [sflag:s13], $0x500  }
0x36: {  	[sflag:s13] =	ssyncset.done $0x0  }
0x37: {  	[sflag:s13] =	ssyncadd.s32 $0xFFFFFB00  }
0x38: {  	[tilespmem:s4], [sflag:$0x3] =	stream.linear.gather [hbm4b:s8+s4], $0x2800, $0x38;
	[tilespmem:$0x11D00] =	vst v63  }
0x39: {  	_ =	swait.ge [sflag:s13], $0x2800  }
0x3a: {  	[sflag:s13] =	ssyncset.done $0x0  }
0x3b: {  	s18 =	simm.s32 $0x2800;
	[sflag:s13] =	ssyncadd.s32 $0xFFFFD800  }
0x3c: {  	[tilespmem:s18], [sflag:$0x3] =	stream.linear.gather [hbm4b:s9+s4], $0x2800, $0x38;
	[tilespmem:$0x11D00] =	vst v63  }
0x3d: {  	_ =	swait.ge [sflag:s13], $0x2800  }
0x3e: {  	[sflag:s13] =	ssyncset.done $0x0  }
0x3f: {  	[sflag:s13] =	ssyncadd.s32 $0xFFFFD800  }
0x40: {  	s23 =	simm.s32 $0x5000;
	[bflag:$0x0] =	sbarrier.arrive $0xFFFF  }
0x41: {  	[tilespmem:s23], [sflag:$0x1] =	stream.indirect.gather [spmem:s3], $0x10, s4, s16, $0xb8;
	[tilespmem:$0x11D00] =	vst v63  }
0x42: {  	s24 =	simm.s32 $0x80;
	s19 =	simm.s32 $0x57D0  }
0x43: {  	[tilespmem:s19], [sflag:$0x1] =	stream.indirect.gather [spmem:s3], $0x10, s24, s16, $0xb8;
	[tilespmem:$0x11D00] =	vst v63  }
0x44: {  	s20 =	simm.s32 $0x100;
	s21 =	simm.s32 $0x5FA0  }
0x45: {  	[tilespmem:s21], [sflag:$0x1] =	stream.indirect.gather [spmem:s3], $0x10, s20, s16, $0xb8;
	[tilespmem:$0x11D00] =	vst v63  }
0x46: {  	s22 =	simm.s32 $0x180;
	s23 =	simm.s32 $0x6770  }
0x47: {  	[tilespmem:s23], [sflag:$0x1] =	stream.indirect.gather [spmem:s3], $0x10, s22, s16, $0xb8;
	[tilespmem:$0x11D00] =	vst v63  }
0x48: {  	s24 =	simm.s32 $0x200  }
0x49: {  	[tilespmem:s25], [sflag:$0x1] =	stream.indirect.gather [spmem:s3], $0x10, s24, s16, $0xb8;
	[tilespmem:$0x11D00] =	vst v63  }
0x4a: {  	_ = 	snop  }
0x4b: {  	[tilespmem:s28], [sflag:$0x1] =	stream.indirect.gather [spmem:s3], $0x10, s26, s16, $0xb8;
	[tilespmem:$0x11D00] =	vst v63  }
0x4c: {  	_ = 	snop  }
0x4d: {  	[tilespmem:s30], [sflag:$0x1] =	stream.indirect.gather [spmem:s3], $0x10, s29, s16, $0xb8;
	[tilespmem:$0x11D00] =	vst v63  }
0x4e: {  	_ = 	snop  }
0x4f: {  	[tilespmem:s1], [sflag:$0x1] =	stream.indirect.gather [spmem:s3], $0x10, s31, s16, $0xb8;
	[tilespmem:$0x11D00] =	vst v63  }
0x50: {  	_ =	swait.ge [sflag:s0], $0x7D0  }
0x51: {  	[sflag:s0] =	ssyncset.done $0x0  }
0x52: {  	[sflag:s0] =	ssyncadd.s32 $0xFFFFF830  }
0x53: {  	_ =	swait.ge [sflag:s0], $0x7D0  }
0x54: {  	[sflag:s0] =	ssyncset.done $0x0  }
0x55: {  	[sflag:s0] =	ssyncadd.s32 $0xFFFFF830  }
0x56: {  	_ =	swait.ge [sflag:s0], $0x7D0  }
0x57: {  	[sflag:s0] =	ssyncset.done $0x0  }
0x58: {  	[sflag:s0] =	ssyncadd.s32 $0xFFFFF830  }
0x59: {  	_ =	swait.ge [sflag:s0], $0x7D0  }
0x5a: {  	[sflag:s0] =	ssyncset.done $0x0  }
0x5b: {  	[sflag:s0] =	ssyncadd.s32 $0xFFFFF830  }
0x5c: {  	_ =	swait.ge [sflag:s0], $0x7D0  }
0x5d: {  	[sflag:s0] =	ssyncset.done $0x0  }
0x5e: {  	[sflag:s0] =	ssyncadd.s32 $0xFFFFF830  }
0x5f: {  	_ =	swait.ge [sflag:s0], $0x7D0  }
0x60: {  	[sflag:s0] =	ssyncset.done $0x0  }
0x61: {  	[sflag:s0] =	ssyncadd.s32 $0xFFFFF830  }
0x62: {  	_ =	swait.ge [sflag:s0], $0x7D0  }
0x63: {  	[sflag:s0] =	ssyncset.done $0x0  }
0x64: {  	[sflag:s0] =	ssyncadd.s32 $0xFFFFF830  }
0x65: {  	_ =	swait.ge [sflag:s0], $0x7D0  }
0x66: {  	[sflag:s0] =	ssyncset.done $0x0  }
0x67: {  	s18 =	simm.s32 $0x0;
	s19 =	simm.s32 $0x0;
	[sflag:s0] =	ssyncadd.s32 $0xFFFFF830  }
.LBB2_2:
0x68: {  	p0 =	seq.s32 s18, $0x0  }
0x69: {  	s22 =	simm.s32 @!p0 $0x2  }
0x6a: {  	_ =	swait.ge @!p0 [sflag:s22], $0x7D0  }
0x6b: {  	[sflag:s22] =	ssyncset.done @!p0 $0x0  }
0x6c: {  	[sflag:s22] =	ssyncadd.s32 @!p0 $0xFFFFF830  }
0x6d: {  	_ =	swait.ge @!p0 [sflag:s22], $0x7D0  }
0x6e: {  	[sflag:s22] =	ssyncset.done @!p0 $0x0  }
0x6f: {  	[sflag:s22] =	ssyncadd.s32 @!p0 $0xFFFFF830  }
0x70: {  	_ =	swait.ge @!p0 [sflag:s22], $0x7D0  }
0x71: {  	[sflag:s22] =	ssyncset.done @!p0 $0x0  }
0x72: {  	[sflag:s22] =	ssyncadd.s32 @!p0 $0xFFFFF830  }
0x73: {  	_ =	swait.ge @!p0 [sflag:s22], $0x7D0  }
0x74: {  	[sflag:s22] =	ssyncset.done @!p0 $0x0  }
0x75: {  	[sflag:s22] =	ssyncadd.s32 @!p0 $0xFFFFF830  }
0x76: {  	_ =	swait.ge @!p0 [sflag:s22], $0x7D0  }
0x77: {  	[sflag:s22] =	ssyncset.done @!p0 $0x0  }
0x78: {  	[sflag:s22] =	ssyncadd.s32 @!p0 $0xFFFFF830  }
0x79: {  	_ =	swait.ge @!p0 [sflag:s22], $0x7D0  }
0x7a: {  	[sflag:s22] =	ssyncset.done @!p0 $0x0  }
0x7b: {  	[sflag:s22] =	ssyncadd.s32 @!p0 $0xFFFFF830  }
0x7c: {  	_ =	swait.ge @!p0 [sflag:s22], $0x7D0  }
0x7d: {  	s21 =	sand.u32 $0x1, s19;
	[sflag:s22] =	ssyncset.done @!p0 $0x0  }
0x7e: {  	s20 =	smul.u32 $0xFA00, s21;
	[sflag:s22] =	ssyncadd.s32 @!p0 $0xFFFFF830  }
0x7f: {  	_ =	swait.ge @!p0 [sflag:s22], $0x7D0  }
0x80: {  	s23 =	sshrl.u32 s20, $0x2;
	s20 =	sshra.s32 s18, $0x2;
	[sflag:s22] =	ssyncset.done @!p0 $0x0  }
0x81: {  	s24 =	sadd.s32 $0x2800, s20;
	[sflag:s22] =	ssyncadd.s32 @!p0 $0xFFFFF830;
	s22 =	sadd.s32 $0x5000, s23  }
0x82: {  	[spmem:s2] =	stream.indirect.scatter.add.f32 [tilespmem:s22], [sflag:$0x2], $0x10, s24, s16, $0xb8;
	[tilespmem:$0x11D00] =	vst v63  }
0x83: {  	s22 =	sadd.s32 $0x57D0, s23;
	s24 =	sadd.s32 $0x2880, s20  }
0x84: {  	[spmem:s2] =	stream.indirect.scatter.add.f32 [tilespmem:s22], [sflag:$0x2], $0x10, s24, s16, $0xb8;
	[tilespmem:$0x11D00] =	vst v63  }
0x85: {  	s22 =	sadd.s32 $0x5FA0, s23;
	s24 =	sadd.s32 $0x2900, s20  }
0x86: {  	[spmem:s2] =	stream.indirect.scatter.add.f32 [tilespmem:s22], [sflag:$0x2], $0x10, s24, s16, $0xb8;
	[tilespmem:$0x11D00] =	vst v63  }
0x87: {  	s22 =	sadd.s32 $0x6770, s23;
	s24 =	sadd.s32 $0x2980, s20  }
0x88: {  	[spmem:s2] =	stream.indirect.scatter.add.f32 [tilespmem:s22], [sflag:$0x2], $0x10, s24, s16, $0xb8;
	[tilespmem:$0x11D00] =	vst v63  }
0x89: {  	s22 =	sadd.s32 $0x6F40, s23;
	s24 =	sadd.s32 $0x2A00, s20  }
0x8a: {  	[spmem:s2] =	stream.indirect.scatter.add.f32 [tilespmem:s22], [sflag:$0x2], $0x10, s24, s16, $0xb8;
	[tilespmem:$0x11D00] =	vst v63  }
0x8b: {  	p0 =	seq.s32 s18, $0x9000;
	s22 =	sadd.s32 $0x7710, s23;
	s24 =	sadd.s32 $0x2A80, s20  }
0x8c: {  	[spmem:s2] =	stream.indirect.scatter.add.f32 [tilespmem:s22], [sflag:$0x2], $0x10, s24, s16, $0xb8;
	[tilespmem:$0x11D00] =	vst v63  }
.Ltmp2:
0x8d: {  	_ = 	snop;
	(pc) =	sbr.rel @p0 .LBB2_4-.Ltmp2, $4  }
0x8e: {  	s22 =	sadd.s32 $0x7EE0, s23;
	s24 =	sadd.s32 $0x2B00, s20  }
0x8f: {  	[spmem:s2] =	stream.indirect.scatter.add.f32 [tilespmem:s22], [sflag:$0x2], $0x10, s24, s16, $0xb8;
	[tilespmem:$0x11D00] =	vst v63  }
0x90: {  	s23 =	sadd.s32 $0x86B0, s23;
	s24 =	sadd.s32 $0x2B80, s20  }
0x91: {  	[spmem:s2] =	stream.indirect.scatter.add.f32 [tilespmem:s23], [sflag:$0x2], $0x10, s24, s16, $0xb8;
	[tilespmem:$0x11D00] =	vst v63  }
0x92: {  	s21 =	sxor.u32 $0x1, s21  }
0x93: {  	s21 =	smul.u32 $0xFA00, s21;
	_ =	sdelay $0x1  }
0x94: {  	s21 =	sshrl.u32 s21, $0x2  }
0x95: {  	s23 =	sadd.s32 $0x400, s20;
	s22 =	sadd.s32 $0x5000, s21  }
0x96: {  	[tilespmem:s22], [sflag:$0x1] =	stream.indirect.gather [spmem:s3], $0x10, s23, s16, $0xb8;
	[tilespmem:$0x11D00] =	vst v63  }
0x97: {  	s24 =	sadd.s32 $0x480, s20;
	s23 =	sadd.s32 $0x57D0, s21  }
0x98: {  	[tilespmem:s23], [sflag:$0x1] =	stream.indirect.gather [spmem:s3], $0x10, s24, s16, $0xb8;
	[tilespmem:$0x11D00] =	vst v63  }
0x99: {  	s23 =	sadd.s32 $0x5FA0, s21;
	s24 =	sadd.s32 $0x500, s20  }
0x9a: {  	[tilespmem:s23], [sflag:$0x1] =	stream.indirect.gather [spmem:s3], $0x10, s24, s16, $0xb8;
	[tilespmem:$0x11D00] =	vst v63  }
0x9b: {  	s23 =	sadd.s32 $0x6770, s21;
	s24 =	sadd.s32 $0x580, s20  }
0x9c: {  	[tilespmem:s23], [sflag:$0x1] =	stream.indirect.gather [spmem:s3], $0x10, s24, s16, $0xb8;
	[tilespmem:$0x11D00] =	vst v63  }
0x9d: {  	s23 =	sadd.s32 $0x6F40, s21;
	s24 =	sadd.s32 $0x600, s20  }
0x9e: {  	[tilespmem:s23], [sflag:$0x1] =	stream.indirect.gather [spmem:s3], $0x10, s24, s16, $0xb8;
	[tilespmem:$0x11D00] =	vst v63  }
0x9f: {  	s23 =	sadd.s32 $0x7710, s21;
	s24 =	sadd.s32 $0x680, s20  }
0xa0: {  	[tilespmem:s23], [sflag:$0x1] =	stream.indirect.gather [spmem:s3], $0x10, s24, s16, $0xb8;
	[tilespmem:$0x11D00] =	vst v63  }
0xa1: {  	s23 =	sadd.s32 $0x7EE0, s21;
	s24 =	sadd.s32 $0x700, s20  }
0xa2: {  	[tilespmem:s23], [sflag:$0x1] =	stream.indirect.gather [spmem:s3], $0x10, s24, s16, $0xb8;
	[tilespmem:$0x11D00] =	vst v63  }
0xa3: {  	s21 =	sadd.s32 $0x86B0, s21;
	s24 =	sadd.s32 $0x780, s20  }
0xa4: {  	[tilespmem:s21], [sflag:$0x1] =	stream.indirect.gather [spmem:s3], $0x10, s24, s16, $0xb8;
	[tilespmem:$0x11D00] =	vst v63  }
0xa5: {  	_ =	swait.ge [sflag:s0], $0x7D0  }
0xa6: {  	[sflag:s0] =	ssyncset.done $0x0  }
0xa7: {  	[sflag:s0] =	ssyncadd.s32 $0xFFFFF830  }
0xa8: {  	_ =	swait.ge [sflag:s0], $0x7D0  }
0xa9: {  	[sflag:s0] =	ssyncset.done $0x0  }
0xaa: {  	[sflag:s0] =	ssyncadd.s32 $0xFFFFF830  }
0xab: {  	_ =	swait.ge [sflag:s0], $0x7D0  }
0xac: {  	[sflag:s0] =	ssyncset.done $0x0  }
0xad: {  	[sflag:s0] =	ssyncadd.s32 $0xFFFFF830  }
0xae: {  	_ =	swait.ge [sflag:s0], $0x7D0  }
0xaf: {  	[sflag:s0] =	ssyncset.done $0x0  }
0xb0: {  	[sflag:s0] =	ssyncadd.s32 $0xFFFFF830  }
0xb1: {  	_ =	swait.ge [sflag:s0], $0x7D0  }
0xb2: {  	[sflag:s0] =	ssyncset.done $0x0  }
0xb3: {  	[sflag:s0] =	ssyncadd.s32 $0xFFFFF830  }
0xb4: {  	_ =	swait.ge [sflag:s0], $0x7D0  }
0xb5: {  	[sflag:s0] =	ssyncset.done $0x0  }
0xb6: {  	[sflag:s0] =	ssyncadd.s32 $0xFFFFF830  }
0xb7: {  	_ =	swait.ge [sflag:s0], $0x7D0  }
.Ltmp3:
0xb8: {  	[sflag:s0] =	ssyncset.done $0x0;
	(pc) =	sbr.rel .LBB2_2-.Ltmp3, $4  }
0xb9: {  	[sflag:s0] =	ssyncadd.s32 $0xFFFFF830  }
0xba: {  	_ =	swait.ge [sflag:s0], $0x7D0  }
0xbb: {  	[sflag:s0] =	ssyncset.done $0x0  }
0xbc: {  	s19 =	sadd.s32 $0x1, s19;
	s18 =	sadd.s32 $0x1000, s18;
	[sflag:s0] =	ssyncadd.s32 $0xFFFFF830  }
.LBB2_5:
0xbd: {  	_ =	sfence.sel $0x180000  }
0xbe: {  	[bflag:$0x0] =	sbarrier.arrive $0xFFFF  }
0xbf: {  	_ =	strace $0x9000004A  }
0xc0: {  	s0 =	stileid.u32;
	[bflag:$0x2] =	sbarrier.arrive $0xFFFF  }
0xc1: {  	p0 =	sne.s32 s0, $0x0;
	s0 =	rddreg [dreg:$0x4]  }
0xc2: {  	s0 =	sadd.s32 @!p0 $0x100000, s0  }
0xc3: {  	[sflag:s0] =	ssyncadd.tile.s32 @!p0 $0x1;
	_ =	shalt  }
.Lfunc_end2:
_tile_overlayer_lowered:
.L_overlay_start_2:
0xc4: {  	(tag) =	ssettag $0x2  }
0xc5: {  	s0 =	rddreg [dreg:$0x0];
	s2 =	stileid.u32  }
0xc6: {  	s1 =	rddreg [dreg:$0x1];
	p0 =	sne.s32 s2, $0x0  }
0xc7: {  	s3 =	rddreg [dreg:$0x2];
	[bflag:$0x3] =	sbarrier.arrive $0xFFFF;
	s2 =	simm.s32 @!p0 $0x1C03  }
0xc8: {  	[timem:s3], [sflag:s2] =	dma.local @!p0 [hbm:s0], s1  }
0xc9: {  	s0 =	simm.s32 @!p0 $0x3  }
0xca: {  	_ =	swait.ge @!p0 [sflag:s0], s1  }
0xcb: {  	s1 =	ssub.s32 @!p0 $0x0, s1;
	[sflag:s0] =	ssyncset.done @!p0 $0x0  }
0xcc: {  	[sflag:s0] =	ssyncadd.s32 @!p0 s1  }
0xcd: {  	[bflag:$0x3] =	sbarrier.arrive $0xFFFF  }
0xce: {  	_ =	shalt  }

// kernel: kernel.15.cloned.1.call-start
scs
__scs_entry_jumppad:
0x0: {  	(pc) =	sbr.rel $0x88, $3  }
0x1: {  	(tag) =	ssettag $0x0;
	lr =	simm.s32 $0x1  }
0x2: {  	[smem:$0x3F9B] =	sst lr;
	_ =	strace $0xD0000000  }
0x3: {  	_ = 	snop  }
0x4: {  	_ = 	snop  }
0x5: {  	_ = 	snop  }
0x6: {  	_ = 	snop  }
0x7: {  	_ = 	snop  }
__scs_overlays_trampoline_lowered:
0x8: {  	[smem:$0x3FAA] =	sst s0  }
0x9: {  	[smem:$0x3FAB] =	sst s1  }
0xa: {  	[smem:$0x3FAC] =	sst s2  }
0xb: {  	[smem:$0x3FAD] =	sst s3  }
0xc: {  	[smem:$0x3FAE] =	sst s4  }
0xd: {  	[smem:$0x3FAF] =	sst s5  }
0xe: {  	[smem:$0x3FB0] =	sst s6  }
0xf: {  	[smem:$0x3FB1] =	sst s7  }
0x10: {  	[smem:$0x3FB2] =	sst s8  }
0x11: {  	[smem:$0x3FB3] =	sst s9;
	s0 =	simm.s32 @!p0 $0x0  }
0x12: {  	s1 =	sld [smem:$0x3F99];
	s0 =	simm.s32 @p0 $0x1  }
0x13: {  	[smem:$0x3FB4] =	sst s0;
	s0 =	simm.s32 @!p1 $0x0  }
0x14: {  	s2 =	sld [smem:$0x3F98];
	s0 =	simm.s32 @p1 $0x1  }
0x15: {  	[smem:$0x3FB5] =	sst s0;
	s0 =	simm.s32 @!p2 $0x0  }
0x16: {  	s3 =	sld [smem:$0x3FDB];
	s0 =	simm.s32 @p2 $0x1  }
0x17: {  	s4 =	simm.s32 $0x1BF5;
	[smem:$0x3FB7] =	sst s0  }
0x18: {  	s0 =	sld [smem:$0x3F9A];
	_ =	swait.ge [sflag:s4], $0x0  }
0x19: {  	s7 =	sld [smem:$0x3F9B]  }
0x1a: {  	s8 =	sadd.s32 $0xFFFFE003, lr  }
0x1b: {  	s9 =	sadd.s32 $0xFFFFFEF7, lr;
	s5 =	simm.s32 $0xFFFFFFFF;
	p2 =	slt.u32 s8, $0xFFFFF086  }
0x1c: {  	p1 =	slt.u32 s9, $0xF7A;
	s5 =	simm.s32 @!p2 $0x0  }
0x1d: {  	s5 =	simm.s32 @p1 $0x1;
	p0 =	seq.s32 s7, s2  }
0x1e: {  	s7 =	smul.u32 @!p0 $0xF7A, s2;
	p2 =	seq.s32 @!p0 s5, $0x0  }
0x1f: {  	s9 =	smul.u32 $0xF7A, s1;
	s8 =	simm.s32 @!p0 $0x1BF5;
	p2 =	por !p2, p0  }
0x20: {  	[sflag:s8] =	ssyncset.s32 @!p0 $0xFFFFF086;
	s6 =	sadd.s32 @!p0 s3, s7;
	s7 =	simm.s32 @!p0 $0x108  }
0x21: {  	s3 =	sadd.s32 s3, s9;
	s6 =	sadd.s32 @!p0 $0x88, s6;
	s7 =	simm.s32 @p2 $0x1082  }
0x22: {  	[simem:s7], [sflag:s8] =	dma.local @!p0 [hbm:s6], $0xF7A  }
0x23: {  	s9 =	sor.u32 $0xD0000000, s2;
	s6 =	simm.s32 $0x108;
	_ =	swait.ge @!p0 [sflag:s8], $0x0  }
0x24: {  	s3 =	sadd.s32 $0x88, s3;
	s6 =	simm.s32 @!p1 $0x1082;
	[sflag:s4] =	ssyncset.s32 $0xFFFFF086  }
0x25: {  	[simem:s6], [sflag:s4] =	dma.local [hbm:s3], $0xF7A  }
0x26: {  	[smem:$0x3F9B] =	sst s1;
	(tag) =	ssettag s2;
	_ =	strace s9  }
0x27: {  	s1 =	sld [smem:$0x3FAB]  }
0x28: {  	s2 =	sld [smem:$0x3FAC]  }
0x29: {  	s4 =	sld [smem:$0x3FAE]  }
0x2a: {  	p0 =	seq.s32 s5, $0x0;
	s5 =	sld [smem:$0x3FAF]  }
0x2b: {  	s6 =	sld [smem:$0x3FB0]  }
0x2c: {  	s7 =	sld [smem:$0x3FB1]  }
0x2d: {  	s3 =	simm.s32 $0x108;
	s8 =	sld [smem:$0x3FB2]  }
0x2e: {  	s3 =	simm.s32 @!p0 $0x1082;
	s9 =	sld [smem:$0x3FB3]  }
0x2f: {  	lr =	sadd.s32 s0, s3;
	s0 =	sld [smem:$0x3FAA]  }
0x30: {  	s3 =	sld [smem:$0x3FAD]  }
0x31: {  	[smem:$0x3FB6] =	sst s10  }
0x32: {  	s10 =	sld [smem:$0x3FB4];
	_ =	sdelay $0x3  }
0x33: {  	p0 =	seq.s32 s10, $0x1;
	s10 =	sld [smem:$0x3FB6];
	_ =	sdelay $0x3  }
0x34: {  	[smem:$0x3FB6] =	sst s10  }
0x35: {  	s10 =	sld [smem:$0x3FB5];
	_ =	sdelay $0x3  }
0x36: {  	p1 =	seq.s32 s10, $0x1;
	s10 =	sld [smem:$0x3FB6];
	_ =	sdelay $0x3  }
0x37: {  	[smem:$0x3FB6] =	sst s10  }
0x38: {  	s10 =	sld [smem:$0x3FB7]  }
0x39: {  	_ = 	snop;
	(pc) =	sbr.ind lr, $3  }
0x3a: {  	_ = 	snop  }
0x3b: {  	_ = 	snop  }
0x3c: {  	p2 =	seq.s32 s10, $0x1;
	s10 =	sld [smem:$0x3FB6]  }
0x3d: {  	_ =	shalt  }
0x3e: {  	_ =	shalt  }
0x3f: {  	_ =	shalt  }
0x40: {  	_ =	shalt  }
0x41: {  	_ =	shalt  }
0x42: {  	_ =	shalt  }
0x43: {  	_ =	shalt  }
0x44: {  	_ =	shalt  }
0x45: {  	_ =	shalt  }
0x46: {  	_ =	shalt  }
0x47: {  	_ =	shalt  }
0x48: {  	_ =	shalt  }
0x49: {  	_ =	shalt  }
0x4a: {  	_ =	shalt  }
0x4b: {  	_ =	shalt  }
0x4c: {  	_ =	shalt  }
0x4d: {  	_ =	shalt  }
0x4e: {  	_ =	shalt  }
0x4f: {  	_ =	shalt  }
0x50: {  	_ =	shalt  }
0x51: {  	_ =	shalt  }
0x52: {  	_ =	shalt  }
0x53: {  	_ =	shalt  }
0x54: {  	_ =	shalt  }
0x55: {  	_ =	shalt  }
0x56: {  	_ =	shalt  }
0x57: {  	_ =	shalt  }
0x58: {  	_ =	shalt  }
0x59: {  	_ =	shalt  }
0x5a: {  	_ =	shalt  }
0x5b: {  	_ =	shalt  }
0x5c: {  	_ =	shalt  }
0x5d: {  	_ =	shalt  }
0x5e: {  	_ =	shalt  }
0x5f: {  	_ =	shalt  }
0x60: {  	_ =	shalt  }
0x61: {  	_ =	shalt  }
0x62: {  	_ =	shalt  }
0x63: {  	_ =	shalt  }
0x64: {  	_ =	shalt  }
0x65: {  	_ =	shalt  }
0x66: {  	_ =	shalt  }
0x67: {  	_ =	shalt  }
0x68: {  	_ =	shalt  }
0x69: {  	_ =	shalt  }
0x6a: {  	_ =	shalt  }
0x6b: {  	_ =	shalt  }
0x6c: {  	_ =	shalt  }
0x6d: {  	_ =	shalt  }
0x6e: {  	_ =	shalt  }
0x6f: {  	_ =	shalt  }
0x70: {  	_ =	shalt  }
0x71: {  	_ =	shalt  }
0x72: {  	_ =	shalt  }
0x73: {  	_ =	shalt  }
0x74: {  	_ =	shalt  }
0x75: {  	_ =	shalt  }
0x76: {  	_ =	shalt  }
0x77: {  	_ =	shalt  }
0x78: {  	_ =	shalt  }
0x79: {  	_ =	shalt  }
0x7a: {  	_ =	shalt  }
0x7b: {  	_ =	shalt  }
0x7c: {  	_ =	shalt  }
0x7d: {  	_ =	shalt  }
0x7e: {  	_ =	shalt  }
0x7f: {  	_ =	shalt  }
0x80: {  	_ =	shalt  }
0x81: {  	_ =	shalt  }
0x82: {  	_ =	shalt  }
0x83: {  	_ =	shalt  }
0x84: {  	_ =	shalt  }
0x85: {  	_ =	shalt  }
0x86: {  	_ =	shalt  }
0x87: {  	_ =	shalt  }
.Lfunc_end0:
.L_simem_size_0:
called_computation.2_lowered:
.L_overlay_start_0:
0x88: {  	s2 =	sld [smem:$0x3FD9]  }
0x89: {  	s3 =	sld [smem:$0x3FFE];
	_ =	sdelay $0x1  }
0x8a: {  	s1 =	srdreg.scid  }
0x8b: {  	s0 =	sand.u32 $0x1, s1  }
0x8c: {  	s17 =	sshll.u32 s0, $0xA;
	s2 =	sadd.s32 s3, s2  }
0x8d: {  	s2 =	sadd.s32 s2, s17  }
0x8e: {  	[smem:$0x3FC2] =	sst s2  }
0x8f: {  	_ = 	snop  }
0x90: {  	s2 =	sld [smem:$0x3FD0];
	(tm) =	ssettm $0x1  }
0x91: {  	s18 =	sld [smem:$0x3FFB];
	_ =	sdelay $0x3  }
0x92: {  	_ =	strace s18  }
0x93: {  	s3 =	sld [smem:$0x3FFC];
	_ =	sdelay $0x3  }
0x94: {  	_ =	strace s3  }
0x95: {  	s3 =	sld [smem:$0x3FFD];
	_ =	sdelay $0x3  }
0x96: {  	_ =	strace s3  }
0x97: {  	_ =	strace $0x8FFFFFFF  }
0x98: {  	s19 =	sld [smem:$0x3FDB];
	_ =	sdelay $0x1  }
0x99: {  	s4 =	simm.s32 $_scs_section_size  }
0x9a: {  	s5 =	simm.s32 $_size__tile_overlayer_lowered;
	s6 =	simm.s32 $_tile_overlayer_lowered  }
0x9b: {  	s22 =	simm.s32 $0x1BFF;
	s21 =	sshll.u32 s6, $0x1;
	s3 =	sadd.s32 s4, s19  }
0x9c: {  	s7 =	simm.s32 $0x0;
	s20 =	sshll.u32 s5, $0x1;
	s5 =	sadd.s32 s21, s3  }
0x9d: {  	[timem:s7], [sflag:s22] =	dma.local [hbm:s5], s20  }
0x9e: {  	_ =	swait.ge [sflag:s22], s20  }
0x9f: {  	s4 =	ssub.s32 $0x0, s20;
	[sflag:s22] =	ssyncset.done $0x0  }
0xa0: {  	[sflag:s22] =	ssyncadd.s32 s4;
	_ =	sdelay $0x1  }
0xa1: {  	s23 =	simm.s32 $0x1B8B  }
0xa2: {  	_ =	swait.ge [sflag:s23], $0x1  }
0xa3: {  	[sflag:s23] =	ssyncset.done $0x0  }
0xa4: {  	s25 =	simm.s32 $0x1B8E;
	s24 =	sld [smem:$0x3FFE];
	[sflag:s23] =	ssyncadd.s32 $0xFFFFFFFF  }
0xa5: {  	s26 =	simm.s32 $execute0_lowered;
	[smem:$0x3FD2] =	sst s25  }
0xa6: {  	s5 =	sshll.u32 s26, $0x1;
	_ =	strace $0x8000004C;
	[dreg:$0x1] =	wrdreg $0xFFFFFFFF  }
0xa7: {  	s28 =	simm.s32 $_size_execute0_lowered;
	s3 =	sadd.s32 s3, s5;
	[dreg:$0x0] =	wrdreg $0x0  }
0xa8: {  	s5 =	sshll.u32 s28, $0x1;
	[dreg:$0x2] =	wrdreg s3  }
0xa9: {  	[dreg:$0x3] =	wrdreg s5  }
0xaa: {  	[dreg:$0x4] =	wrdreg $0xC0  }
0xab: {  	_ =	task [dreg:s7], $0x5FFFF  }
0xac: {  	[dreg:$0x1] =	wrdreg $0xFFFFFFFF  }
0xad: {  	[dreg:$0x0] =	wrdreg $0x60  }
0xae: {  	[dreg:$0x2] =	wrdreg s24  }
0xaf: {  	[dreg:$0x3] =	wrdreg s2  }
0xb0: {  	[dreg:$0x4] =	wrdreg $0x188800  }
0xb1: {  	[dreg:$0x5] =	wrdreg $0x9  }
0xb2: {  	_ =	task.clear_ibuf [dreg:s7], $0x6FFFF;
	_ =	strace $0x9000004C  }
0xb3: {  	s29 =	simm.s32 $0x9;
	_ =	strace $0x8000004E  }
0xb4: {  	_ =	swait.ge [sflag:s29], $0x1  }
0xb5: {  	[sflag:s29] =	ssyncadd.s32 $0xFFFFFFFF  }
0xb6: {  	_ =	strace $0x9000004E  }
0xb7: {  	_ =	sfence  }
0xb8: {  	s30 =	sld [smem:$0x0];
	_ =	sdelay $0x2  }
0xb9: {  	s31 =	sshll.u32 s1, $0xD;
	s1 =	sshrl.u32 s1, $0x2  }
0xba: {  	s3 =	sand.u32 $0x4000, s31;
	s1 =	sadd.s32 s1, s30  }
0xbb: {  	s0 =	sor.u32 s3, s0;
	s1 =	sshll.u32 s1, $0x11  }
0xbc: {  	s0 =	sor.u32 s1, s0  }
0xbd: {  	s0 =	sadd.s32 $0x8F2B, s0  }
0xbe: {  	[sflag:s0] =	ssyncadd.remote.s32 $0x1  }
0xbf: {  	_ =	sfence.sel $0xFFFF  }
0xc0: {  	[dreg:$0x0] =	wrdreg $0xFFFFFFFF;
	(pc) =	sbr.abs _section_cstart, $3  }
0xc1: {  	[dreg:$0x1] =	wrdreg $0xFFFFFFFF  }
0xc2: {  	_ =	task.clear_ibuf [dreg:s7], $0x2FFFF;
	_ =	strace $0x9FFFFFFF  }
0xc3: {  	(tm) =	ssettm $0x7FFFFFFF  }
tec
execute0_lowered:
.L_overlay_start_1:
0x0: {  	(tag) =	ssettag $0x1  }
0x1: {  	s0 =	rddreg [dreg:$0x0];
	s1 =	srdreg.scid  }
0x2: {  	s3 =	rddreg [dreg:$0x2];
	s8 =	stileid.u32;
	s4 =	simm.s32 $0x0  }
0x3: {  	s12 =	simm.s32 $0x3;
	s14 =	simm.s32 $0x7D;
	s20 =	simm.s32 $0x180  }
0x4: {  	s21 =	simm.s32 $0x8A98;
	s22 =	simm.s32 $0x200;
	s23 =	simm.s32 $0x9E20  }
0x5: {  	s24 =	simm.s32 $0x280;
	s28 =	simm.s32 $0xC530;
	s29 =	simm.s32 $0x380  }
0x6: {  	s30 =	simm.s32 $0xD8B8;
	s31 =	simm.s32 $0x1;
	s1 =	sand.u32 $0x1, s1  }
0x7: {  	[smem:$0x7FF] =	sst s4;
	s9 =	smul.u32 $0x6400, s8;
	s5 =	sadd.s32 $0x17A00, s0  }
0x8: {  	s25 =	sshll.u32 s8, $0x6;
	s2 =	sshll.u32 s1, $0x4;
	_ =	strace $0x8000004D  }
0x9: {  	s6 =	ssub.s32 $0x2, s1;
	p0 =	seq.s32 s1, $0x1;
	s1 =	simm.s32 $0x30A00  }
0xa: {  	s2 =	sor.u32 s8, s2;
	s7 =	sshrl.u32 s6, $0x1;
	s11 =	sadd.s32 s9, s3  }
0xb: {  	s1 =	simm.s32 @!p0 $0x24200;
	s26 =	sshrl.u32 s9, $0x3;
	s2 =	smul.u32 $0x2800, s2  }
.Ltmp0:
0xc: {  	s10 =	ssub.s32 s6, s7;
	s6 =	sor.u32 $0x1C03, s25;
	(pc) =	sbr.rel .LBB2_1-.Ltmp0, $4  }
0xd: {  	s11 =	sshrl.u32 s11, $0x3;
	s25 =	simm.s32 $0xB1A8;
	s2 =	sshrl.u32 s2, $0x3  }
0xe: {  	s9 =	smax.u32 s10, $0x1;
	s2 =	sadd.s32 s2, s0;
	s0 =	sadd.s32 s1, s0  }
0xf: {  	s1 =	simm.s32 $0x0;
	s7 =	sadd.s32 $0x3A00, s2;
	s8 =	sadd.s32 $0xDA00, s2  }
0x10: {  	s10 =	sadd.s32 s0, s26;
	s26 =	simm.s32 $0x300;
	s0 =	simm.s32 $0x2  }
.LBB2_4:
0x11: {  	_ =	swait.ge [sflag:s0], $0x1388  }
0x12: {  	[sflag:s0] =	ssyncset.done $0x0  }
0x13: {  	[sflag:s0] =	ssyncadd.s32 $0xFFFFEC78  }
0x14: {  	_ =	swait.ge [sflag:s0], $0x1388  }
0x15: {  	[sflag:s0] =	ssyncset.done $0x0  }
0x16: {  	[sflag:s0] =	ssyncadd.s32 $0xFFFFEC78  }
0x17: {  	_ =	swait.ge [sflag:s0], $0x1388  }
0x18: {  	[sflag:s0] =	ssyncset.done $0x0  }
0x19: {  	[sflag:s0] =	ssyncadd.s32 $0xFFFFEC78  }
0x1a: {  	_ =	swait.ge [sflag:s0], $0x1388  }
0x1b: {  	[sflag:s0] =	ssyncset.done $0x0  }
0x1c: {  	[sflag:s0] =	ssyncadd.s32 $0xFFFFEC78  }
0x1d: {  	_ =	swait.ge [sflag:s0], $0x1388  }
0x1e: {  	[sflag:s0] =	ssyncset.done $0x0  }
0x1f: {  	[sflag:s0] =	ssyncadd.s32 $0xFFFFEC78  }
0x20: {  	_ =	swait.ge [sflag:s0], $0x1388  }
0x21: {  	[sflag:s0] =	ssyncset.done $0x0  }
0x22: {  	[sflag:s0] =	ssyncadd.s32 $0xFFFFEC78  }
0x23: {  	_ =	swait.ge [sflag:s0], $0x1388  }
0x24: {  	[sflag:s0] =	ssyncset.done $0x0  }
0x25: {  	[sflag:s0] =	ssyncadd.s32 $0xFFFFEC78  }
0x26: {  	_ =	swait.ge [sflag:s0], $0x1388  }
0x27: {  	s1 =	sadd.s32 $0x1, s1;
	[sflag:s0] =	ssyncset.done $0x0  }
0x28: {  	p0 =	sne.s32 s1, s9;
	[sflag:s0] =	ssyncadd.s32 $0xFFFFEC78  }
.Ltmp1:
0x29: {  	[bflag:$0x0] =	sbarrier.arrive $0xFFFF;
	(pc) =	sbr.rel @!p0 .LBB2_5-.Ltmp1, $4  }
0x2a: {  	[hbm:s10], [sflag:s6] =	dma.local [spmem:s11], $0xC80  }
0x2b: {  	_ =	swait.ge [sflag:s12], $0xC80  }
0x2c: {  	[sflag:s12] =	ssyncset.done $0x0  }
0x2d: {  	[sflag:s12] =	ssyncadd.s32 $0xFFFFF380  }
.LBB2_1:
0x2e: {  	s2 =	rddreg [dreg:$0x1]  }
0x2f: {  	[spmem:s11], [sflag:s6] =	dma.local [hbm:s2], $0xC80  }
0x30: {  	_ =	swait.ge [sflag:s12], $0xC80  }
0x31: {  	[sflag:s12] =	ssyncset.done $0x0  }
0x32: {  	[sflag:s12] =	ssyncadd.s32 $0xFFFFF380  }
0x33: {  	[tilespmem:s4], [sflag:$0x3] =	stream.linear.gather [hbm4b:s7+s4], $0x2800, $0x38;
	[tilespmem:$0x1EC80] =	vst v63  }
0x34: {  	_ =	swait.ge [sflag:s12], $0x2800  }
0x35: {  	[sflag:s12] =	ssyncset.done $0x0  }
0x36: {  	s15 =	simm.s32 $0x2800;
	[sflag:s12] =	ssyncadd.s32 $0xFFFFD800  }
0x37: {  	[tilespmem:s15], [sflag:$0x3] =	stream.linear.gather [hbm4b:s8+s4], $0x2800, $0x38;
	[tilespmem:$0x1EC80] =	vst v63  }
0x38: {  	_ =	swait.ge [sflag:s12], $0x2800  }
0x39: {  	[sflag:s12] =	ssyncset.done $0x0  }
0x3a: {  	[sflag:s12] =	ssyncadd.s32 $0xFFFFD800  }
0x3b: {  	s16 =	simm.s32 $0x5000;
	[bflag:$0x0] =	sbarrier.arrive $0xFFFF  }
0x3c: {  	[tilespmem:s16], [sflag:$0x1] =	stream.indirect.gather [hbm4b:s5+s14], $0x28, s4, s14, $0xb8;
	[tilespmem:$0x1EC80] =	vst v63  }
0x3d: {  	s17 =	simm.s32 $0x80;
	s13 =	simm.s32 $0x6388  }
0x3e: {  	[tilespmem:s13], [sflag:$0x1] =	stream.indirect.gather [hbm4b:s5+s14], $0x28, s17, s14, $0xb8;
	[tilespmem:$0x1EC80] =	vst v63  }
0x3f: {  	s18 =	simm.s32 $0x100;
	s19 =	simm.s32 $0x7710  }
0x40: {  	[tilespmem:s19], [sflag:$0x1] =	stream.indirect.gather [hbm4b:s5+s14], $0x28, s18, s14, $0xb8;
	[tilespmem:$0x1EC80] =	vst v63  }
0x41: {  	_ = 	snop  }
0x42: {  	[tilespmem:s21], [sflag:$0x1] =	stream.indirect.gather [hbm4b:s5+s14], $0x28, s20, s14, $0xb8;
	[tilespmem:$0x1EC80] =	vst v63  }
0x43: {  	_ = 	snop  }
0x44: {  	[tilespmem:s23], [sflag:$0x1] =	stream.indirect.gather [hbm4b:s5+s14], $0x28, s22, s14, $0xb8;
	[tilespmem:$0x1EC80] =	vst v63  }
0x45: {  	_ = 	snop  }
0x46: {  	[tilespmem:s25], [sflag:$0x1] =	stream.indirect.gather [hbm4b:s5+s14], $0x28, s24, s14, $0xb8;
	[tilespmem:$0x1EC80] =	vst v63  }
0x47: {  	_ = 	snop  }
0x48: {  	[tilespmem:s28], [sflag:$0x1] =	stream.indirect.gather [hbm4b:s5+s14], $0x28, s26, s14, $0xb8;
	[tilespmem:$0x1EC80] =	vst v63  }
0x49: {  	_ = 	snop  }
0x4a: {  	[tilespmem:s30], [sflag:$0x1] =	stream.indirect.gather [hbm4b:s5+s14], $0x28, s29, s14, $0xb8;
	[tilespmem:$0x1EC80] =	vst v63  }
0x4b: {  	_ =	swait.ge [sflag:s31], $0x1388  }
0x4c: {  	[sflag:s31] =	ssyncset.done $0x0  }
0x4d: {  	[sflag:s31] =	ssyncadd.s32 $0xFFFFEC78  }
0x4e: {  	_ =	swait.ge [sflag:s31], $0x1388  }
0x4f: {  	[sflag:s31] =	ssyncset.done $0x0  }
0x50: {  	[sflag:s31] =	ssyncadd.s32 $0xFFFFEC78  }
0x51: {  	_ =	swait.ge [sflag:s31], $0x1388  }
0x52: {  	[sflag:s31] =	ssyncset.done $0x0  }
0x53: {  	[sflag:s31] =	ssyncadd.s32 $0xFFFFEC78  }
0x54: {  	_ =	swait.ge [sflag:s31], $0x1388  }
0x55: {  	[sflag:s31] =	ssyncset.done $0x0  }
0x56: {  	[sflag:s31] =	ssyncadd.s32 $0xFFFFEC78  }
0x57: {  	_ =	swait.ge [sflag:s31], $0x1388  }
0x58: {  	[sflag:s31] =	ssyncset.done $0x0  }
0x59: {  	[sflag:s31] =	ssyncadd.s32 $0xFFFFEC78  }
0x5a: {  	_ =	swait.ge [sflag:s31], $0x1388  }
0x5b: {  	[sflag:s31] =	ssyncset.done $0x0  }
0x5c: {  	[sflag:s31] =	ssyncadd.s32 $0xFFFFEC78  }
0x5d: {  	_ =	swait.ge [sflag:s31], $0x1388  }
0x5e: {  	[sflag:s31] =	ssyncset.done $0x0  }
0x5f: {  	[sflag:s31] =	ssyncadd.s32 $0xFFFFEC78  }
0x60: {  	_ =	swait.ge [sflag:s31], $0x1388  }
0x61: {  	[sflag:s31] =	ssyncset.done $0x0  }
0x62: {  	s2 =	simm.s32 $0x0;
	s13 =	simm.s32 $0x0;
	[sflag:s31] =	ssyncadd.s32 $0xFFFFEC78  }
.LBB2_2:
0x63: {  	p0 =	seq.s32 s2, $0x0  }
0x64: {  	s17 =	simm.s32 @!p0 $0x2  }
0x65: {  	_ =	swait.ge @!p0 [sflag:s17], $0x1388  }
0x66: {  	[sflag:s17] =	ssyncset.done @!p0 $0x0  }
0x67: {  	[sflag:s17] =	ssyncadd.s32 @!p0 $0xFFFFEC78  }
0x68: {  	_ =	swait.ge @!p0 [sflag:s17], $0x1388  }
0x69: {  	[sflag:s17] =	ssyncset.done @!p0 $0x0  }
0x6a: {  	[sflag:s17] =	ssyncadd.s32 @!p0 $0xFFFFEC78  }
0x6b: {  	_ =	swait.ge @!p0 [sflag:s17], $0x1388  }
0x6c: {  	[sflag:s17] =	ssyncset.done @!p0 $0x0  }
0x6d: {  	[sflag:s17] =	ssyncadd.s32 @!p0 $0xFFFFEC78  }
0x6e: {  	_ =	swait.ge @!p0 [sflag:s17], $0x1388  }
0x6f: {  	[sflag:s17] =	ssyncset.done @!p0 $0x0  }
0x70: {  	[sflag:s17] =	ssyncadd.s32 @!p0 $0xFFFFEC78  }
0x71: {  	_ =	swait.ge @!p0 [sflag:s17], $0x1388  }
0x72: {  	[sflag:s17] =	ssyncset.done @!p0 $0x0  }
0x73: {  	[sflag:s17] =	ssyncadd.s32 @!p0 $0xFFFFEC78  }
0x74: {  	_ =	swait.ge @!p0 [sflag:s17], $0x1388  }
0x75: {  	[sflag:s17] =	ssyncset.done @!p0 $0x0  }
0x76: {  	[sflag:s17] =	ssyncadd.s32 @!p0 $0xFFFFEC78  }
0x77: {  	_ =	swait.ge @!p0 [sflag:s17], $0x1388  }
0x78: {  	s16 =	sand.u32 $0x1, s13;
	[sflag:s17] =	ssyncset.done @!p0 $0x0  }
0x79: {  	s15 =	smul.u32 $0x27100, s16;
	[sflag:s17] =	ssyncadd.s32 @!p0 $0xFFFFEC78  }
0x7a: {  	_ =	swait.ge @!p0 [sflag:s17], $0x1388  }
0x7b: {  	s18 =	sshrl.u32 s15, $0x2;
	s15 =	sshra.s32 s2, $0x2;
	[sflag:s17] =	ssyncset.done @!p0 $0x0  }
0x7c: {  	s19 =	sadd.s32 $0x2800, s15;
	[sflag:s17] =	ssyncadd.s32 @!p0 $0xFFFFEC78;
	s17 =	sadd.s32 $0x5000, s18  }
0x7d: {  	[spmem:s3] =	stream.indirect.scatter.add.f32 [tilespmem:s17], [sflag:$0x2], $0x28, s19, s14, $0xb8;
	[tilespmem:$0x1EC80] =	vst v63  }
0x7e: {  	s17 =	sadd.s32 $0x6388, s18;
	s19 =	sadd.s32 $0x2880, s15  }
0x7f: {  	[spmem:s3] =	stream.indirect.scatter.add.f32 [tilespmem:s17], [sflag:$0x2], $0x28, s19, s14, $0xb8;
	[tilespmem:$0x1EC80] =	vst v63  }
0x80: {  	s17 =	sadd.s32 $0x7710, s18;
	s19 =	sadd.s32 $0x2900, s15  }
0x81: {  	[spmem:s3] =	stream.indirect.scatter.add.f32 [tilespmem:s17], [sflag:$0x2], $0x28, s19, s14, $0xb8;
	[tilespmem:$0x1EC80] =	vst v63  }
0x82: {  	s17 =	sadd.s32 $0x8A98, s18;
	s19 =	sadd.s32 $0x2980, s15  }
0x83: {  	[spmem:s3] =	stream.indirect.scatter.add.f32 [tilespmem:s17], [sflag:$0x2], $0x28, s19, s14, $0xb8;
	[tilespmem:$0x1EC80] =	vst v63  }
0x84: {  	s17 =	sadd.s32 $0x9E20, s18;
	s19 =	sadd.s32 $0x2A00, s15  }
0x85: {  	[spmem:s3] =	stream.indirect.scatter.add.f32 [tilespmem:s17], [sflag:$0x2], $0x28, s19, s14, $0xb8;
	[tilespmem:$0x1EC80] =	vst v63  }
0x86: {  	p0 =	seq.s32 s2, $0x9000;
	s17 =	sadd.s32 $0xB1A8, s18;
	s19 =	sadd.s32 $0x2A80, s15  }
0x87: {  	[spmem:s3] =	stream.indirect.scatter.add.f32 [tilespmem:s17], [sflag:$0x2], $0x28, s19, s14, $0xb8;
	[tilespmem:$0x1EC80] =	vst v63  }
.Ltmp2:
0x88: {  	_ = 	snop;
	(pc) =	sbr.rel @p0 .LBB2_4-.Ltmp2, $4  }
0x89: {  	s17 =	sadd.s32 $0xC530, s18;
	s19 =	sadd.s32 $0x2B00, s15  }
0x8a: {  	[spmem:s3] =	stream.indirect.scatter.add.f32 [tilespmem:s17], [sflag:$0x2], $0x28, s19, s14, $0xb8;
	[tilespmem:$0x1EC80] =	vst v63  }
0x8b: {  	s18 =	sadd.s32 $0xD8B8, s18;
	s19 =	sadd.s32 $0x2B80, s15  }
0x8c: {  	[spmem:s3] =	stream.indirect.scatter.add.f32 [tilespmem:s18], [sflag:$0x2], $0x28, s19, s14, $0xb8;
	[tilespmem:$0x1EC80] =	vst v63  }
0x8d: {  	s16 =	sxor.u32 $0x1, s16  }
0x8e: {  	s16 =	smul.u32 $0x27100, s16;
	_ =	sdelay $0x1  }
0x8f: {  	s16 =	sshrl.u32 s16, $0x2  }
0x90: {  	s18 =	sadd.s32 $0x400, s15;
	s17 =	sadd.s32 $0x5000, s16  }
0x91: {  	[tilespmem:s17], [sflag:$0x1] =	stream.indirect.gather [hbm4b:s5+s14], $0x28, s18, s14, $0xb8;
	[tilespmem:$0x1EC80] =	vst v63  }
0x92: {  	s19 =	sadd.s32 $0x480, s15;
	s18 =	sadd.s32 $0x6388, s16  }
0x93: {  	[tilespmem:s18], [sflag:$0x1] =	stream.indirect.gather [hbm4b:s5+s14], $0x28, s19, s14, $0xb8;
	[tilespmem:$0x1EC80] =	vst v63  }
0x94: {  	s18 =	sadd.s32 $0x7710, s16;
	s19 =	sadd.s32 $0x500, s15  }
0x95: {  	[tilespmem:s18], [sflag:$0x1] =	stream.indirect.gather [hbm4b:s5+s14], $0x28, s19, s14, $0xb8;
	[tilespmem:$0x1EC80] =	vst v63  }
0x96: {  	s18 =	sadd.s32 $0x8A98, s16;
	s19 =	sadd.s32 $0x580, s15  }
0x97: {  	[tilespmem:s18], [sflag:$0x1] =	stream.indirect.gather [hbm4b:s5+s14], $0x28, s19, s14, $0xb8;
	[tilespmem:$0x1EC80] =	vst v63  }
0x98: {  	s18 =	sadd.s32 $0x9E20, s16;
	s19 =	sadd.s32 $0x600, s15  }
0x99: {  	[tilespmem:s18], [sflag:$0x1] =	stream.indirect.gather [hbm4b:s5+s14], $0x28, s19, s14, $0xb8;
	[tilespmem:$0x1EC80] =	vst v63  }
0x9a: {  	s18 =	sadd.s32 $0xB1A8, s16;
	s19 =	sadd.s32 $0x680, s15  }
0x9b: {  	[tilespmem:s18], [sflag:$0x1] =	stream.indirect.gather [hbm4b:s5+s14], $0x28, s19, s14, $0xb8;
	[tilespmem:$0x1EC80] =	vst v63  }
0x9c: {  	s18 =	sadd.s32 $0xC530, s16;
	s19 =	sadd.s32 $0x700, s15  }
0x9d: {  	[tilespmem:s18], [sflag:$0x1] =	stream.indirect.gather [hbm4b:s5+s14], $0x28, s19, s14, $0xb8;
	[tilespmem:$0x1EC80] =	vst v63  }
0x9e: {  	s16 =	sadd.s32 $0xD8B8, s16;
	s19 =	sadd.s32 $0x780, s15  }
0x9f: {  	[tilespmem:s16], [sflag:$0x1] =	stream.indirect.gather [hbm4b:s5+s14], $0x28, s19, s14, $0xb8;
	[tilespmem:$0x1EC80] =	vst v63  }
0xa0: {  	_ =	swait.ge [sflag:s31], $0x1388  }
0xa1: {  	[sflag:s31] =	ssyncset.done $0x0  }
0xa2: {  	[sflag:s31] =	ssyncadd.s32 $0xFFFFEC78  }
0xa3: {  	_ =	swait.ge [sflag:s31], $0x1388  }
0xa4: {  	[sflag:s31] =	ssyncset.done $0x0  }
0xa5: {  	[sflag:s31] =	ssyncadd.s32 $0xFFFFEC78  }
0xa6: {  	_ =	swait.ge [sflag:s31], $0x1388  }
0xa7: {  	[sflag:s31] =	ssyncset.done $0x0  }
0xa8: {  	[sflag:s31] =	ssyncadd.s32 $0xFFFFEC78  }
0xa9: {  	_ =	swait.ge [sflag:s31], $0x1388  }
0xaa: {  	[sflag:s31] =	ssyncset.done $0x0  }
0xab: {  	[sflag:s31] =	ssyncadd.s32 $0xFFFFEC78  }
0xac: {  	_ =	swait.ge [sflag:s31], $0x1388  }
0xad: {  	[sflag:s31] =	ssyncset.done $0x0  }
0xae: {  	[sflag:s31] =	ssyncadd.s32 $0xFFFFEC78  }
0xaf: {  	_ =	swait.ge [sflag:s31], $0x1388  }
0xb0: {  	[sflag:s31] =	ssyncset.done $0x0  }
0xb1: {  	[sflag:s31] =	ssyncadd.s32 $0xFFFFEC78  }
0xb2: {  	_ =	swait.ge [sflag:s31], $0x1388  }
.Ltmp3:
0xb3: {  	[sflag:s31] =	ssyncset.done $0x0;
	(pc) =	sbr.rel .LBB2_2-.Ltmp3, $4  }
0xb4: {  	[sflag:s31] =	ssyncadd.s32 $0xFFFFEC78  }
0xb5: {  	_ =	swait.ge [sflag:s31], $0x1388  }
0xb6: {  	[sflag:s31] =	ssyncset.done $0x0  }
0xb7: {  	s13 =	sadd.s32 $0x1, s13;
	s2 =	sadd.s32 $0x1000, s2;
	[sflag:s31] =	ssyncadd.s32 $0xFFFFEC78  }
.LBB2_5:
0xb8: {  	_ =	sfence.sel $0x180000  }
0xb9: {  	[bflag:$0x0] =	sbarrier.arrive $0xFFFF  }
0xba: {  	_ =	strace $0x9000004D  }
0xbb: {  	s0 =	stileid.u32;
	[bflag:$0x2] =	sbarrier.arrive $0xFFFF  }
0xbc: {  	p0 =	sne.s32 s0, $0x0;
	s0 =	rddreg [dreg:$0x3]  }
0xbd: {  	s0 =	sadd.s32 @!p0 $0x100000, s0  }
0xbe: {  	[sflag:s0] =	ssyncadd.tile.s32 @!p0 $0x1;
	_ =	shalt  }
.Lfunc_end2:
_tile_overlayer_lowered:
.L_overlay_start_2:
0xbf: {  	(tag) =	ssettag $0x2  }
0xc0: {  	s0 =	rddreg [dreg:$0x0];
	s2 =	stileid.u32  }
0xc1: {  	s1 =	rddreg [dreg:$0x1];
	p0 =	sne.s32 s2, $0x0  }
0xc2: {  	s3 =	rddreg [dreg:$0x2];
	[bflag:$0x3] =	sbarrier.arrive $0xFFFF;
	s2 =	simm.s32 @!p0 $0x1C03  }
0xc3: {  	[timem:s3], [sflag:s2] =	dma.local @!p0 [hbm:s0], s1  }
0xc4: {  	s0 =	simm.s32 @!p0 $0x3  }
0xc5: {  	_ =	swait.ge @!p0 [sflag:s0], s1  }
0xc6: {  	s1 =	ssub.s32 @!p0 $0x0, s1;
	[sflag:s0] =	ssyncset.done @!p0 $0x0  }
0xc7: {  	[sflag:s0] =	ssyncadd.s32 @!p0 s1  }
0xc8: {  	[bflag:$0x3] =	sbarrier.arrive $0xFFFF  }
0xc9: {  	_ =	shalt  }

// kernel: kernel.9.cloned.1.call-start
scs
__scs_entry_jumppad:
0x0: {  	(pc) =	sbr.rel $0x88, $3  }
0x1: {  	(tag) =	ssettag $0x0;
	lr =	simm.s32 $0x1  }
0x2: {  	[smem:$0x3F9B] =	sst lr;
	_ =	strace $0xD0000000  }
0x3: {  	_ = 	snop  }
0x4: {  	_ = 	snop  }
0x5: {  	_ = 	snop  }
0x6: {  	_ = 	snop  }
0x7: {  	_ = 	snop  }
__scs_overlays_trampoline_lowered:
0x8: {  	[smem:$0x3FAA] =	sst s0  }
0x9: {  	[smem:$0x3FAB] =	sst s1  }
0xa: {  	[smem:$0x3FAC] =	sst s2  }
0xb: {  	[smem:$0x3FAD] =	sst s3  }
0xc: {  	[smem:$0x3FAE] =	sst s4  }
0xd: {  	[smem:$0x3FAF] =	sst s5  }
0xe: {  	[smem:$0x3FB0] =	sst s6  }
0xf: {  	[smem:$0x3FB1] =	sst s7  }
0x10: {  	[smem:$0x3FB2] =	sst s8  }
0x11: {  	[smem:$0x3FB3] =	sst s9;
	s0 =	simm.s32 @!p0 $0x0  }
0x12: {  	s1 =	sld [smem:$0x3F99];
	s0 =	simm.s32 @p0 $0x1  }
0x13: {  	[smem:$0x3FB4] =	sst s0;
	s0 =	simm.s32 @!p1 $0x0  }
0x14: {  	s2 =	sld [smem:$0x3F98];
	s0 =	simm.s32 @p1 $0x1  }
0x15: {  	[smem:$0x3FB5] =	sst s0;
	s0 =	simm.s32 @!p2 $0x0  }
0x16: {  	s3 =	sld [smem:$0x3FDB];
	s0 =	simm.s32 @p2 $0x1  }
0x17: {  	s4 =	simm.s32 $0x1BF5;
	[smem:$0x3FB7] =	sst s0  }
0x18: {  	s0 =	sld [smem:$0x3F9A];
	_ =	swait.ge [sflag:s4], $0x0  }
0x19: {  	s7 =	sld [smem:$0x3F9B]  }
0x1a: {  	s8 =	sadd.s32 $0xFFFFE003, lr  }
0x1b: {  	s9 =	sadd.s32 $0xFFFFFEF7, lr;
	s5 =	simm.s32 $0xFFFFFFFF;
	p2 =	slt.u32 s8, $0xFFFFF086  }
0x1c: {  	p1 =	slt.u32 s9, $0xF7A;
	s5 =	simm.s32 @!p2 $0x0  }
0x1d: {  	s5 =	simm.s32 @p1 $0x1;
	p0 =	seq.s32 s7, s2  }
0x1e: {  	s7 =	smul.u32 @!p0 $0xF7A, s2;
	p2 =	seq.s32 @!p0 s5, $0x0  }
0x1f: {  	s9 =	smul.u32 $0xF7A, s1;
	s8 =	simm.s32 @!p0 $0x1BF5;
	p2 =	por !p2, p0  }
0x20: {  	[sflag:s8] =	ssyncset.s32 @!p0 $0xFFFFF086;
	s6 =	sadd.s32 @!p0 s3, s7;
	s7 =	simm.s32 @!p0 $0x108  }
0x21: {  	s3 =	sadd.s32 s3, s9;
	s6 =	sadd.s32 @!p0 $0x88, s6;
	s7 =	simm.s32 @p2 $0x1082  }
0x22: {  	[simem:s7], [sflag:s8] =	dma.local @!p0 [hbm:s6], $0xF7A  }
0x23: {  	s9 =	sor.u32 $0xD0000000, s2;
	s6 =	simm.s32 $0x108;
	_ =	swait.ge @!p0 [sflag:s8], $0x0  }
0x24: {  	s3 =	sadd.s32 $0x88, s3;
	s6 =	simm.s32 @!p1 $0x1082;
	[sflag:s4] =	ssyncset.s32 $0xFFFFF086  }
0x25: {  	[simem:s6], [sflag:s4] =	dma.local [hbm:s3], $0xF7A  }
0x26: {  	[smem:$0x3F9B] =	sst s1;
	(tag) =	ssettag s2;
	_ =	strace s9  }
0x27: {  	s1 =	sld [smem:$0x3FAB]  }
0x28: {  	s2 =	sld [smem:$0x3FAC]  }
0x29: {  	s4 =	sld [smem:$0x3FAE]  }
0x2a: {  	p0 =	seq.s32 s5, $0x0;
	s5 =	sld [smem:$0x3FAF]  }
0x2b: {  	s6 =	sld [smem:$0x3FB0]  }
0x2c: {  	s7 =	sld [smem:$0x3FB1]  }
0x2d: {  	s3 =	simm.s32 $0x108;
	s8 =	sld [smem:$0x3FB2]  }
0x2e: {  	s3 =	simm.s32 @!p0 $0x1082;
	s9 =	sld [smem:$0x3FB3]  }
0x2f: {  	lr =	sadd.s32 s0, s3;
	s0 =	sld [smem:$0x3FAA]  }
0x30: {  	s3 =	sld [smem:$0x3FAD]  }
0x31: {  	[smem:$0x3FB6] =	sst s10  }
0x32: {  	s10 =	sld [smem:$0x3FB4];
	_ =	sdelay $0x3  }
0x33: {  	p0 =	seq.s32 s10, $0x1;
	s10 =	sld [smem:$0x3FB6];
	_ =	sdelay $0x3  }
0x34: {  	[smem:$0x3FB6] =	sst s10  }
0x35: {  	s10 =	sld [smem:$0x3FB5];
	_ =	sdelay $0x3  }
0x36: {  	p1 =	seq.s32 s10, $0x1;
	s10 =	sld [smem:$0x3FB6];
	_ =	sdelay $0x3  }
0x37: {  	[smem:$0x3FB6] =	sst s10  }
0x38: {  	s10 =	sld [smem:$0x3FB7]  }
0x39: {  	_ = 	snop;
	(pc) =	sbr.ind lr, $3  }
0x3a: {  	_ = 	snop  }
0x3b: {  	_ = 	snop  }
0x3c: {  	p2 =	seq.s32 s10, $0x1;
	s10 =	sld [smem:$0x3FB6]  }
0x3d: {  	_ =	shalt  }
0x3e: {  	_ =	shalt  }
0x3f: {  	_ =	shalt  }
0x40: {  	_ =	shalt  }
0x41: {  	_ =	shalt  }
0x42: {  	_ =	shalt  }
0x43: {  	_ =	shalt  }
0x44: {  	_ =	shalt  }
0x45: {  	_ =	shalt  }
0x46: {  	_ =	shalt  }
0x47: {  	_ =	shalt  }
0x48: {  	_ =	shalt  }
0x49: {  	_ =	shalt  }
0x4a: {  	_ =	shalt  }
0x4b: {  	_ =	shalt  }
0x4c: {  	_ =	shalt  }
0x4d: {  	_ =	shalt  }
0x4e: {  	_ =	shalt  }
0x4f: {  	_ =	shalt  }
0x50: {  	_ =	shalt  }
0x51: {  	_ =	shalt  }
0x52: {  	_ =	shalt  }
0x53: {  	_ =	shalt  }
0x54: {  	_ =	shalt  }
0x55: {  	_ =	shalt  }
0x56: {  	_ =	shalt  }
0x57: {  	_ =	shalt  }
0x58: {  	_ =	shalt  }
0x59: {  	_ =	shalt  }
0x5a: {  	_ =	shalt  }
0x5b: {  	_ =	shalt  }
0x5c: {  	_ =	shalt  }
0x5d: {  	_ =	shalt  }
0x5e: {  	_ =	shalt  }
0x5f: {  	_ =	shalt  }
0x60: {  	_ =	shalt  }
0x61: {  	_ =	shalt  }
0x62: {  	_ =	shalt  }
0x63: {  	_ =	shalt  }
0x64: {  	_ =	shalt  }
0x65: {  	_ =	shalt  }
0x66: {  	_ =	shalt  }
0x67: {  	_ =	shalt  }
0x68: {  	_ =	shalt  }
0x69: {  	_ =	shalt  }
0x6a: {  	_ =	shalt  }
0x6b: {  	_ =	shalt  }
0x6c: {  	_ =	shalt  }
0x6d: {  	_ =	shalt  }
0x6e: {  	_ =	shalt  }
0x6f: {  	_ =	shalt  }
0x70: {  	_ =	shalt  }
0x71: {  	_ =	shalt  }
0x72: {  	_ =	shalt  }
0x73: {  	_ =	shalt  }
0x74: {  	_ =	shalt  }
0x75: {  	_ =	shalt  }
0x76: {  	_ =	shalt  }
0x77: {  	_ =	shalt  }
0x78: {  	_ =	shalt  }
0x79: {  	_ =	shalt  }
0x7a: {  	_ =	shalt  }
0x7b: {  	_ =	shalt  }
0x7c: {  	_ =	shalt  }
0x7d: {  	_ =	shalt  }
0x7e: {  	_ =	shalt  }
0x7f: {  	_ =	shalt  }
0x80: {  	_ =	shalt  }
0x81: {  	_ =	shalt  }
0x82: {  	_ =	shalt  }
0x83: {  	_ =	shalt  }
0x84: {  	_ =	shalt  }
0x85: {  	_ =	shalt  }
0x86: {  	_ =	shalt  }
0x87: {  	_ =	shalt  }
.Lfunc_end0:
.L_simem_size_0:
called_computation_lowered:
.L_overlay_start_0:
0x88: {  	s2 =	sld [smem:$0x3FD9]  }
0x89: {  	s3 =	sld [smem:$0x3FFE];
	_ =	sdelay $0x1  }
0x8a: {  	s1 =	srdreg.scid  }
0x8b: {  	s0 =	sand.u32 $0x1, s1  }
0x8c: {  	s17 =	sshll.u32 s0, $0xA;
	s2 =	sadd.s32 s3, s2  }
0x8d: {  	s2 =	sadd.s32 s2, s17  }
0x8e: {  	[smem:$0x3FC2] =	sst s2  }
0x8f: {  	_ = 	snop  }
0x90: {  	s2 =	sld [smem:$0x3FD0];
	(tm) =	ssettm $0x1  }
0x91: {  	s18 =	sld [smem:$0x3FFB];
	_ =	sdelay $0x3  }
0x92: {  	_ =	strace s18  }
0x93: {  	s3 =	sld [smem:$0x3FFC];
	_ =	sdelay $0x3  }
0x94: {  	_ =	strace s3  }
0x95: {  	s3 =	sld [smem:$0x3FFD];
	_ =	sdelay $0x3  }
0x96: {  	_ =	strace s3  }
0x97: {  	_ =	strace $0x8FFFFFFF  }
0x98: {  	s19 =	sld [smem:$0x3FDB];
	_ =	sdelay $0x1  }
0x99: {  	s4 =	simm.s32 $_scs_section_size  }
0x9a: {  	s5 =	simm.s32 $_size__tile_overlayer_lowered;
	s6 =	simm.s32 $_tile_overlayer_lowered  }
0x9b: {  	s22 =	simm.s32 $0x1BFF;
	s21 =	sshll.u32 s6, $0x1;
	s3 =	sadd.s32 s4, s19  }
0x9c: {  	s7 =	simm.s32 $0x0;
	s20 =	sshll.u32 s5, $0x1;
	s5 =	sadd.s32 s21, s3  }
0x9d: {  	[timem:s7], [sflag:s22] =	dma.local [hbm:s5], s20  }
0x9e: {  	_ =	swait.ge [sflag:s22], s20  }
0x9f: {  	s4 =	ssub.s32 $0x0, s20;
	[sflag:s22] =	ssyncset.done $0x0  }
0xa0: {  	[sflag:s22] =	ssyncadd.s32 s4;
	_ =	sdelay $0x1  }
0xa1: {  	s23 =	simm.s32 $0x1B8B  }
0xa2: {  	_ =	swait.ge [sflag:s23], $0x1  }
0xa3: {  	[sflag:s23] =	ssyncset.done $0x0  }
0xa4: {  	s25 =	simm.s32 $0x1B8E;
	s24 =	sld [smem:$0x3FFE];
	[sflag:s23] =	ssyncadd.s32 $0xFFFFFFFF  }
0xa5: {  	s26 =	simm.s32 $execute0_lowered;
	[smem:$0x3FD2] =	sst s25  }
0xa6: {  	s5 =	sshll.u32 s26, $0x1;
	_ =	strace $0x80000046;
	[dreg:$0x1] =	wrdreg $0xFFFFFFFF  }
0xa7: {  	s28 =	simm.s32 $_size_execute0_lowered;
	s3 =	sadd.s32 s3, s5;
	[dreg:$0x0] =	wrdreg $0x0  }
0xa8: {  	s5 =	sshll.u32 s28, $0x1;
	[dreg:$0x2] =	wrdreg s3  }
0xa9: {  	[dreg:$0x3] =	wrdreg s5  }
0xaa: {  	[dreg:$0x4] =	wrdreg $0xC0  }
0xab: {  	_ =	task [dreg:s7], $0x5FFFF  }
0xac: {  	[dreg:$0x1] =	wrdreg $0xFFFFFFFF  }
0xad: {  	[dreg:$0x0] =	wrdreg $0x60  }
0xae: {  	[dreg:$0x2] =	wrdreg s24  }
0xaf: {  	[dreg:$0x3] =	wrdreg s2  }
0xb0: {  	[dreg:$0x4] =	wrdreg $0x50800  }
0xb1: {  	[dreg:$0x5] =	wrdreg $0x53000  }
0xb2: {  	[dreg:$0x6] =	wrdreg $0x9  }
0xb3: {  	_ =	task.clear_ibuf [dreg:s7], $0x7FFFF;
	_ =	strace $0x90000046  }
0xb4: {  	s29 =	simm.s32 $0x9;
	_ =	strace $0x80000048  }
0xb5: {  	_ =	swait.ge [sflag:s29], $0x1  }
0xb6: {  	[sflag:s29] =	ssyncadd.s32 $0xFFFFFFFF  }
0xb7: {  	_ =	strace $0x90000048  }
0xb8: {  	_ =	sfence  }
0xb9: {  	s30 =	sld [smem:$0x0];
	_ =	sdelay $0x2  }
0xba: {  	s31 =	sshll.u32 s1, $0xD;
	s1 =	sshrl.u32 s1, $0x2  }
0xbb: {  	s3 =	sand.u32 $0x4000, s31;
	s1 =	sadd.s32 s1, s30  }
0xbc: {  	s0 =	sor.u32 s3, s0;
	s1 =	sshll.u32 s1, $0x11  }
0xbd: {  	s0 =	sor.u32 s1, s0  }
0xbe: {  	s0 =	sadd.s32 $0x8F2B, s0  }
0xbf: {  	[sflag:s0] =	ssyncadd.remote.s32 $0x1  }
0xc0: {  	_ =	sfence.sel $0xFFFF  }
0xc1: {  	[dreg:$0x0] =	wrdreg $0xFFFFFFFF;
	(pc) =	sbr.abs _section_cstart, $3  }
0xc2: {  	[dreg:$0x1] =	wrdreg $0xFFFFFFFF  }
0xc3: {  	_ =	task.clear_ibuf [dreg:s7], $0x2FFFF;
	_ =	strace $0x9FFFFFFF  }
0xc4: {  	(tm) =	ssettm $0x7FFFFFFF  }
0xc5: {  	_ =	shalt  }
tec
execute0_lowered:
.L_overlay_start_1:
0x0: {  	(tag) =	ssettag $0x1  }
0x1: {  	s6 =	rddreg [dreg:$0x0]  }
0x2: {  	s10 =	rddreg [dreg:$0x1]  }
0x3: {  	s2 =	rddreg [dreg:$0x2]  }
0x4: {  	s0 =	srdreg.scid;
	s3 =	rddreg [dreg:$0x3];
	s4 =	simm.s32 $0x0  }
0x5: {  	s18 =	simm.s32 $0x80;
	s19 =	simm.s32 $0x2880;
	s20 =	simm.s32 $0x100  }
0x6: {  	s21 =	simm.s32 $0x2900;
	s22 =	simm.s32 $0x180;
	s23 =	simm.s32 $0x2980  }
0x7: {  	s24 =	simm.s32 $0x1;
	s25 =	simm.s32 $0x0;
	s8 =	sand.u32 $0x1, s0  }
0x8: {  	s0 =	stileid.u32;
	[smem:$0x7FF] =	sst s4;
	s11 =	sadd.s32 $0x17C00, s6  }
0x9: {  	s12 =	sadd.s32 $0x18200, s6;
	s14 =	sadd.s32 $0x18800, s6;
	s1 =	sshll.u32 s8, $0x4  }
0xa: {  	s7 =	ssub.s32 $0x2, s8;
	s13 =	smul.u32 $0x280, s0;
	s15 =	sshll.u32 s0, $0x6  }
0xb: {  	p0 =	seq.s32 s8, $0x1;
	s5 =	sor.u32 s0, s1;
	s1 =	rddreg [dreg:$0x4]  }
0xc: {  	_ =	strace $0x80000047;
	s30 =	sshrl.u32 s7, $0x1;
	s10 =	smov.u32 @p0 s11  }
0xd: {  	s12 =	smov.u32 @p0 s14;
	s5 =	smul.u32 $0x2800, s5;
	s16 =	ssub.s32 s7, s30  }
0xe: {  	s17 =	sadd.s32 s13, s2;
	s31 =	sadd.s32 s13, s3;
	s13 =	sshrl.u32 s13, $0x3  }
0xf: {  	s10 =	sadd.s32 s10, s13;
	s11 =	sadd.s32 s12, s13;
	s12 =	sshrl.u32 s17, $0x3  }
0x10: {  	s13 =	simm.s32 $0x2;
	s14 =	sshrl.u32 s31, $0x3;
	s5 =	sshrl.u32 s5, $0x3  }
0x11: {  	s17 =	simm.s32 $0x5000;
	s9 =	sadd.s32 s5, s6;
	s5 =	sadd.s32 $0x17A00, s6  }
0x12: {  	s6 =	sor.u32 $0x1C02, s15;
	s15 =	simm.s32 $0x2800;
	s7 =	sadd.s32 $0x3A00, s9  }
0x13: {  	v0 =	vimm.f32 $1.000000000e+00;
	s8 =	sadd.s32 $0xDA00, s9;
	s9 =	smax.u32 s16, $0x1;
	s16 =	simm.s32 $0x7D  }
.LBB2_1:
0x14: {  	[spmem:s12], [sflag:s6] =	dma.local [hbm:s5], $0x50  }
0x15: {  	_ =	swait.ge [sflag:s13], $0x50  }
0x16: {  	[sflag:s13] =	ssyncset.done $0x0  }
0x17: {  	[sflag:s13] =	ssyncadd.s32 $0xFFFFFFB0  }
0x18: {  	[spmem:s14], [sflag:s6] =	dma.local [hbm:s5], $0x50  }
0x19: {  	_ =	swait.ge [sflag:s13], $0x50  }
0x1a: {  	[sflag:s13] =	ssyncset.done $0x0  }
0x1b: {  	[sflag:s13] =	ssyncadd.s32 $0xFFFFFFB0  }
0x1c: {  	[tilespmem:s4], [sflag:$0x2] =	stream.linear.gather [hbm4b:s7+s4], $0x2800, $0x38;
	[tilespmem:$0x5580] =	vst v63  }
0x1d: {  	_ =	swait.ge [sflag:s13], $0x2800  }
0x1e: {  	[sflag:s13] =	ssyncset.done $0x0  }
0x1f: {  	[sflag:s13] =	ssyncadd.s32 $0xFFFFD800  }
0x20: {  	[tilespmem:s15], [sflag:$0x2] =	stream.linear.gather [hbm4b:s8+s4], $0x2800, $0x38;
	[tilespmem:$0x5580] =	vst v63  }
0x21: {  	_ =	swait.ge [sflag:s13], $0x2800  }
0x22: {  	[sflag:s13] =	ssyncset.done $0x0  }
0x23: {  	[sflag:s13] =	ssyncadd.s32 $0xFFFFD800  }
0x24: {  	[tilespmem:$0x5000] =	vst v0  }
0x25: {  	[tilespmem:$0x5010] =	vst v0  }
0x26: {  	[tilespmem:$0x5020] =	vst v0  }
0x27: {  	[tilespmem:$0x5030] =	vst v0  }
0x28: {  	[tilespmem:$0x5040] =	vst v0  }
0x29: {  	[tilespmem:$0x5050] =	vst v0  }
0x2a: {  	[tilespmem:$0x5060] =	vst v0  }
0x2b: {  	[tilespmem:$0x506D] =	vst v0  }
0x2c: {  	[bflag:$0x0] =	sbarrier.arrive $0xFFFF  }
0x2d: {  	[spmem:s2] =	stream.indirect.scatter.add.f32 [tilespmem:s17], [sflag:$0x1], $0x1, s4, s16, $0xb8;
	[tilespmem:$0x5580] =	vst v63  }
0x2e: {  	_ = 	snop  }
0x2f: {  	[spmem:s3] =	stream.indirect.scatter.add.f32 [tilespmem:s17], [sflag:$0x1], $0x1, s15, s16, $0xb8;
	[tilespmem:$0x5580] =	vst v63  }
0x30: {  	_ = 	snop  }
0x31: {  	[spmem:s2] =	stream.indirect.scatter.add.f32 [tilespmem:s17], [sflag:$0x1], $0x1, s18, s16, $0xb8;
	[tilespmem:$0x5580] =	vst v63  }
0x32: {  	_ = 	snop  }
0x33: {  	[spmem:s3] =	stream.indirect.scatter.add.f32 [tilespmem:s17], [sflag:$0x1], $0x1, s19, s16, $0xb8;
	[tilespmem:$0x5580] =	vst v63  }
0x34: {  	_ = 	snop  }
0x35: {  	[spmem:s2] =	stream.indirect.scatter.add.f32 [tilespmem:s17], [sflag:$0x1], $0x1, s20, s16, $0xb8;
	[tilespmem:$0x5580] =	vst v63  }
0x36: {  	_ = 	snop  }
0x37: {  	[spmem:s3] =	stream.indirect.scatter.add.f32 [tilespmem:s17], [sflag:$0x1], $0x1, s21, s16, $0xb8;
	[tilespmem:$0x5580] =	vst v63  }
0x38: {  	_ = 	snop  }
0x39: {  	[spmem:s2] =	stream.indirect.scatter.add.f32 [tilespmem:s17], [sflag:$0x1], $0x1, s22, s16, $0xb8;
	[tilespmem:$0x5580] =	vst v63  }
0x3a: {  	_ = 	snop  }
0x3b: {  	[spmem:s3] =	stream.indirect.scatter.add.f32 [tilespmem:s17], [sflag:$0x1], $0x1, s23, s16, $0xb8;
	[tilespmem:$0x5580] =	vst v63  }
0x3c: {  	s26 =	simm.s32 $0x200  }
0x3d: {  	[spmem:s2] =	stream.indirect.scatter.add.f32 [tilespmem:s17], [sflag:$0x1], $0x1, s26, s16, $0xb8;
	[tilespmem:$0x5580] =	vst v63  }
0x3e: {  	s31 =	simm.s32 $0x2A00  }
0x3f: {  	[spmem:s3] =	stream.indirect.scatter.add.f32 [tilespmem:s17], [sflag:$0x1], $0x1, s31, s16, $0xb8;
	[tilespmem:$0x5580] =	vst v63  }
0x40: {  	s28 =	simm.s32 $0x280  }
0x41: {  	[spmem:s2] =	stream.indirect.scatter.add.f32 [tilespmem:s17], [sflag:$0x1], $0x1, s28, s16, $0xb8;
	[tilespmem:$0x5580] =	vst v63  }
0x42: {  	s31 =	simm.s32 $0x2A80  }
0x43: {  	[spmem:s3] =	stream.indirect.scatter.add.f32 [tilespmem:s17], [sflag:$0x1], $0x1, s31, s16, $0xb8;
	[tilespmem:$0x5580] =	vst v63  }
0x44: {  	s28 =	simm.s32 $0x300  }
0x45: {  	[spmem:s2] =	stream.indirect.scatter.add.f32 [tilespmem:s17], [sflag:$0x1], $0x1, s28, s16, $0xb8;
	[tilespmem:$0x5580] =	vst v63  }
0x46: {  	s31 =	simm.s32 $0x2B00  }
0x47: {  	[spmem:s3] =	stream.indirect.scatter.add.f32 [tilespmem:s17], [sflag:$0x1], $0x1, s31, s16, $0xb8;
	[tilespmem:$0x5580] =	vst v63  }
0x48: {  	s28 =	simm.s32 $0x380  }
0x49: {  	[spmem:s2] =	stream.indirect.scatter.add.f32 [tilespmem:s17], [sflag:$0x1], $0x1, s28, s16, $0xb8;
	[tilespmem:$0x5580] =	vst v63  }
0x4a: {  	s31 =	simm.s32 $0x2B80  }
0x4b: {  	[spmem:s3] =	stream.indirect.scatter.add.f32 [tilespmem:s17], [sflag:$0x1], $0x1, s31, s16, $0xb8;
	[tilespmem:$0x5580] =	vst v63  }
0x4c: {  	_ =	swait.ge [sflag:s24], $0x7D  }
0x4d: {  	[sflag:s24] =	ssyncset.done $0x0  }
0x4e: {  	[sflag:s24] =	ssyncadd.s32 $0xFFFFFF83  }
0x4f: {  	_ =	swait.ge [sflag:s24], $0x7D  }
0x50: {  	[sflag:s24] =	ssyncset.done $0x0  }
0x51: {  	[sflag:s24] =	ssyncadd.s32 $0xFFFFFF83  }
0x52: {  	_ =	swait.ge [sflag:s24], $0x7D  }
0x53: {  	[sflag:s24] =	ssyncset.done $0x0  }
0x54: {  	[sflag:s24] =	ssyncadd.s32 $0xFFFFFF83  }
0x55: {  	_ =	swait.ge [sflag:s24], $0x7D  }
0x56: {  	[sflag:s24] =	ssyncset.done $0x0  }
0x57: {  	[sflag:s24] =	ssyncadd.s32 $0xFFFFFF83  }
0x58: {  	_ =	swait.ge [sflag:s24], $0x7D  }
0x59: {  	[sflag:s24] =	ssyncset.done $0x0  }
0x5a: {  	[sflag:s24] =	ssyncadd.s32 $0xFFFFFF83  }
0x5b: {  	_ =	swait.ge [sflag:s24], $0x7D  }
0x5c: {  	[sflag:s24] =	ssyncset.done $0x0  }
0x5d: {  	[sflag:s24] =	ssyncadd.s32 $0xFFFFFF83  }
0x5e: {  	_ =	swait.ge [sflag:s24], $0x7D  }
0x5f: {  	[sflag:s24] =	ssyncset.done $0x0  }
0x60: {  	[sflag:s24] =	ssyncadd.s32 $0xFFFFFF83  }
0x61: {  	_ =	swait.ge [sflag:s24], $0x7D  }
0x62: {  	s30 =	simm.s32 $0x1000;
	s29 =	simm.s32 $0x200;
	[sflag:s24] =	ssyncset.done $0x0  }
.LBB2_2:
0x63: {  	s31 =	sadd.s32 $0x200, s29  }
0x64: {  	[sflag:s24] =	ssyncadd.s32 $0xFFFFFF83;
	s28 =	smov.u32 s30;
	s26 =	sadd.s32 $0x800, s30  }
0x65: {  	[spmem:s2] =	stream.indirect.scatter.add.f32 [tilespmem:s17], [sflag:$0x1], $0x1, s31, s16, $0xb8;
	[tilespmem:$0x5580] =	vst v63  }
0x66: {  	p0 =	sne.s32 s30, $0x9000;
	s30 =	sadd.s32 $0x2A00, s29  }
0x67: {  	[spmem:s3] =	stream.indirect.scatter.add.f32 [tilespmem:s17], [sflag:$0x1], $0x1, s30, s16, $0xb8;
	[tilespmem:$0x5580] =	vst v63  }
0x68: {  	s30 =	sadd.s32 $0x280, s29  }
0x69: {  	[spmem:s2] =	stream.indirect.scatter.add.f32 [tilespmem:s17], [sflag:$0x1], $0x1, s30, s16, $0xb8;
	[tilespmem:$0x5580] =	vst v63  }
0x6a: {  	s30 =	sadd.s32 $0x2A80, s29  }
0x6b: {  	[spmem:s3] =	stream.indirect.scatter.add.f32 [tilespmem:s17], [sflag:$0x1], $0x1, s30, s16, $0xb8;
	[tilespmem:$0x5580] =	vst v63  }
0x6c: {  	s30 =	sadd.s32 $0x300, s29  }
0x6d: {  	[spmem:s2] =	stream.indirect.scatter.add.f32 [tilespmem:s17], [sflag:$0x1], $0x1, s30, s16, $0xb8;
	[tilespmem:$0x5580] =	vst v63  }
0x6e: {  	s30 =	sadd.s32 $0x2B00, s29  }
0x6f: {  	[spmem:s3] =	stream.indirect.scatter.add.f32 [tilespmem:s17], [sflag:$0x1], $0x1, s30, s16, $0xb8;
	[tilespmem:$0x5580] =	vst v63  }
0x70: {  	s30 =	sadd.s32 $0x380, s29  }
0x71: {  	[spmem:s2] =	stream.indirect.scatter.add.f32 [tilespmem:s17], [sflag:$0x1], $0x1, s30, s16, $0xb8;
	[tilespmem:$0x5580] =	vst v63  }
0x72: {  	s29 =	sadd.s32 $0x2B80, s29  }
0x73: {  	[spmem:s3] =	stream.indirect.scatter.add.f32 [tilespmem:s17], [sflag:$0x1], $0x1, s29, s16, $0xb8;
	[tilespmem:$0x5580] =	vst v63  }
0x74: {  	_ =	swait.ge [sflag:s24], $0x7D  }
0x75: {  	[sflag:s24] =	ssyncset.done $0x0  }
0x76: {  	[sflag:s24] =	ssyncadd.s32 $0xFFFFFF83  }
0x77: {  	_ =	swait.ge [sflag:s24], $0x7D  }
0x78: {  	[sflag:s24] =	ssyncset.done $0x0  }
0x79: {  	[sflag:s24] =	ssyncadd.s32 $0xFFFFFF83  }
0x7a: {  	_ =	swait.ge [sflag:s24], $0x7D  }
0x7b: {  	[sflag:s24] =	ssyncset.done $0x0  }
0x7c: {  	[sflag:s24] =	ssyncadd.s32 $0xFFFFFF83  }
0x7d: {  	_ =	swait.ge [sflag:s24], $0x7D  }
0x7e: {  	[sflag:s24] =	ssyncset.done $0x0  }
0x7f: {  	[sflag:s24] =	ssyncadd.s32 $0xFFFFFF83  }
0x80: {  	_ =	swait.ge [sflag:s24], $0x7D  }
0x81: {  	[sflag:s24] =	ssyncset.done $0x0  }
0x82: {  	[sflag:s24] =	ssyncadd.s32 $0xFFFFFF83  }
0x83: {  	_ =	swait.ge [sflag:s24], $0x7D  }
0x84: {  	[sflag:s24] =	ssyncset.done $0x0  }
0x85: {  	[sflag:s24] =	ssyncadd.s32 $0xFFFFFF83  }
.Ltmp0:
0x86: {  	_ =	swait.ge [sflag:s24], $0x7D;
	(pc) =	sbr.rel @p0 .LBB2_2-.Ltmp0, $4  }
0x87: {  	[sflag:s24] =	ssyncset.done $0x0  }
0x88: {  	[sflag:s24] =	ssyncadd.s32 $0xFFFFFF83  }
0x89: {  	_ =	swait.ge [sflag:s24], $0x7D  }
0x8a: {  	s30 =	smov.u32 s26;
	s29 =	sshra.s32 s28, $0x2;
	[sflag:s24] =	ssyncset.done $0x0  }
0x8b: {  	s26 =	sadd.s32 $0x200, s29;
	[sflag:s24] =	ssyncadd.s32 $0xFFFFFF83  }
0x8c: {  	[spmem:s2] =	stream.indirect.scatter.add.f32 [tilespmem:s17], [sflag:$0x1], $0x1, s26, s16, $0xb8;
	[tilespmem:$0x5580] =	vst v63  }
0x8d: {  	s31 =	sadd.s32 $0x2A00, s29  }
0x8e: {  	[spmem:s3] =	stream.indirect.scatter.add.f32 [tilespmem:s17], [sflag:$0x1], $0x1, s31, s16, $0xb8;
	[tilespmem:$0x5580] =	vst v63  }
0x8f: {  	s28 =	sadd.s32 $0x280, s29  }
0x90: {  	[spmem:s2] =	stream.indirect.scatter.add.f32 [tilespmem:s17], [sflag:$0x1], $0x1, s28, s16, $0xb8;
	[tilespmem:$0x5580] =	vst v63  }
0x91: {  	s30 =	sadd.s32 $0x2A80, s29  }
0x92: {  	[spmem:s3] =	stream.indirect.scatter.add.f32 [tilespmem:s17], [sflag:$0x1], $0x1, s30, s16, $0xb8;
	[tilespmem:$0x5580] =	vst v63  }
0x93: {  	s31 =	sadd.s32 $0x300, s29  }
0x94: {  	[spmem:s2] =	stream.indirect.scatter.add.f32 [tilespmem:s17], [sflag:$0x1], $0x1, s31, s16, $0xb8;
	[tilespmem:$0x5580] =	vst v63  }
0x95: {  	s28 =	sadd.s32 $0x2B00, s29  }
0x96: {  	[spmem:s3] =	stream.indirect.scatter.add.f32 [tilespmem:s17], [sflag:$0x1], $0x1, s28, s16, $0xb8;
	[tilespmem:$0x5580] =	vst v63  }
0x97: {  	s30 =	sadd.s32 $0x380, s29  }
0x98: {  	[spmem:s2] =	stream.indirect.scatter.add.f32 [tilespmem:s17], [sflag:$0x1], $0x1, s30, s16, $0xb8;
	[tilespmem:$0x5580] =	vst v63  }
0x99: {  	s31 =	sadd.s32 $0x2B80, s29  }
0x9a: {  	[spmem:s3] =	stream.indirect.scatter.add.f32 [tilespmem:s17], [sflag:$0x1], $0x1, s31, s16, $0xb8;
	[tilespmem:$0x5580] =	vst v63  }
0x9b: {  	_ =	swait.ge [sflag:s24], $0x7D  }
0x9c: {  	[sflag:s24] =	ssyncset.done $0x0  }
0x9d: {  	[sflag:s24] =	ssyncadd.s32 $0xFFFFFF83  }
0x9e: {  	_ =	swait.ge [sflag:s24], $0x7D  }
0x9f: {  	[sflag:s24] =	ssyncset.done $0x0  }
0xa0: {  	[sflag:s24] =	ssyncadd.s32 $0xFFFFFF83  }
0xa1: {  	_ =	swait.ge [sflag:s24], $0x7D  }
0xa2: {  	[sflag:s24] =	ssyncset.done $0x0  }
0xa3: {  	[sflag:s24] =	ssyncadd.s32 $0xFFFFFF83  }
0xa4: {  	_ =	swait.ge [sflag:s24], $0x7D  }
0xa5: {  	[sflag:s24] =	ssyncset.done $0x0  }
0xa6: {  	[sflag:s24] =	ssyncadd.s32 $0xFFFFFF83  }
0xa7: {  	_ =	swait.ge [sflag:s24], $0x7D  }
0xa8: {  	[sflag:s24] =	ssyncset.done $0x0  }
0xa9: {  	[sflag:s24] =	ssyncadd.s32 $0xFFFFFF83  }
0xaa: {  	_ =	swait.ge [sflag:s24], $0x7D  }
0xab: {  	[sflag:s24] =	ssyncset.done $0x0  }
0xac: {  	[sflag:s24] =	ssyncadd.s32 $0xFFFFFF83  }
0xad: {  	_ =	swait.ge [sflag:s24], $0x7D  }
0xae: {  	[sflag:s24] =	ssyncset.done $0x0  }
0xaf: {  	[sflag:s24] =	ssyncadd.s32 $0xFFFFFF83  }
0xb0: {  	_ =	swait.ge [sflag:s24], $0x7D  }
0xb1: {  	[sflag:s24] =	ssyncset.done $0x0  }
0xb2: {  	[sflag:s24] =	ssyncadd.s32 $0xFFFFFF83  }
0xb3: {  	_ =	swait.ge [sflag:s24], $0x7D  }
0xb4: {  	[sflag:s24] =	ssyncset.done $0x0  }
0xb5: {  	[sflag:s24] =	ssyncadd.s32 $0xFFFFFF83  }
0xb6: {  	_ =	swait.ge [sflag:s24], $0x7D  }
0xb7: {  	[sflag:s24] =	ssyncset.done $0x0  }
0xb8: {  	[sflag:s24] =	ssyncadd.s32 $0xFFFFFF83  }
0xb9: {  	_ =	swait.ge [sflag:s24], $0x7D  }
0xba: {  	[sflag:s24] =	ssyncset.done $0x0  }
0xbb: {  	[sflag:s24] =	ssyncadd.s32 $0xFFFFFF83  }
0xbc: {  	_ =	swait.ge [sflag:s24], $0x7D  }
0xbd: {  	[sflag:s24] =	ssyncset.done $0x0  }
0xbe: {  	[sflag:s24] =	ssyncadd.s32 $0xFFFFFF83  }
0xbf: {  	_ =	swait.ge [sflag:s24], $0x7D  }
0xc0: {  	[sflag:s24] =	ssyncset.done $0x0  }
0xc1: {  	[sflag:s24] =	ssyncadd.s32 $0xFFFFFF83  }
0xc2: {  	_ =	swait.ge [sflag:s24], $0x7D  }
0xc3: {  	[sflag:s24] =	ssyncset.done $0x0  }
0xc4: {  	[sflag:s24] =	ssyncadd.s32 $0xFFFFFF83  }
0xc5: {  	_ =	swait.ge [sflag:s24], $0x7D  }
0xc6: {  	[sflag:s24] =	ssyncset.done $0x0  }
0xc7: {  	[sflag:s24] =	ssyncadd.s32 $0xFFFFFF83  }
0xc8: {  	_ =	swait.ge [sflag:s24], $0x7D  }
0xc9: {  	[sflag:s24] =	ssyncset.done $0x0  }
0xca: {  	[sflag:s24] =	ssyncadd.s32 $0xFFFFFF83  }
0xcb: {  	[bflag:$0x0] =	sbarrier.arrive $0xFFFF  }
0xcc: {  	[hbm:s10], [sflag:s6] =	dma.local [spmem:s12], $0x50  }
0xcd: {  	s25 =	sadd.s32 $0x1, s25;
	_ =	swait.ge [sflag:s13], $0x50  }
0xce: {  	p0 =	sne.s32 s25, s9;
	[sflag:s13] =	ssyncset.done $0x0  }
.Ltmp1:
0xcf: {  	[sflag:s13] =	ssyncadd.s32 $0xFFFFFFB0;
	(pc) =	sbr.rel @p0 .LBB2_1-.Ltmp1, $4  }
0xd0: {  	[hbm:s11], [sflag:s6] =	dma.local [spmem:s14], $0x50  }
0xd1: {  	_ =	swait.ge [sflag:s13], $0x50  }
0xd2: {  	[sflag:s13] =	ssyncset.done $0x0  }
0xd3: {  	[sflag:s13] =	ssyncadd.s32 $0xFFFFFFB0  }
0xd4: {  	_ =	sfence.sel $0x180000  }
0xd5: {  	[bflag:$0x0] =	sbarrier.arrive $0xFFFF  }
0xd6: {  	p0 =	sne.s32 s0, $0x0;
	_ =	strace $0x90000047  }
0xd7: {  	s0 =	sadd.s32 @!p0 $0x100000, s1;
	[bflag:$0x2] =	sbarrier.arrive $0xFFFF  }
0xd8: {  	[sflag:s0] =	ssyncadd.tile.s32 @!p0 $0x1;
	_ =	shalt  }
.Lfunc_end2:
_tile_overlayer_lowered:
.L_overlay_start_2:
0xd9: {  	(tag) =	ssettag $0x2  }
0xda: {  	s0 =	rddreg [dreg:$0x0];
	s2 =	stileid.u32  }
0xdb: {  	s1 =	rddreg [dreg:$0x1];
	p0 =	sne.s32 s2, $0x0  }
0xdc: {  	s3 =	rddreg [dreg:$0x2];
	[bflag:$0x3] =	sbarrier.arrive $0xFFFF;
	s2 =	simm.s32 @!p0 $0x1C02  }
0xdd: {  	[timem:s3], [sflag:s2] =	dma.local @!p0 [hbm:s0], s1  }
0xde: {  	s0 =	simm.s32 @!p0 $0x2  }
0xdf: {  	_ =	swait.ge @!p0 [sflag:s0], s1  }
0xe0: {  	s1 =	ssub.s32 @!p0 $0x0, s1;
	[sflag:s0] =	ssyncset.done @!p0 $0x0  }
0xe1: {  	[sflag:s0] =	ssyncadd.s32 @!p0 s1  }
0xe2: {  	[bflag:$0x3] =	sbarrier.arrive $0xFFFF  }
0xe3: {  	_ =	shalt  }

</sc_bundles>
